<compile_context>
chip_gen: v7x
topology: tpu7x:2x2x1
jax: 0.10.2.dev20260603
libtpu: 0.0.44.dev20260713+nightly
codegen_flags: <defaults>
</compile_context>

<pallas_src>
import functools

import jax
import jax.numpy as jnp
import numpy as np
from jax import lax
from jax.experimental import pallas as pl
from jax.experimental.pallas import tpu as pltpu
from jax.experimental.pallas import tpu_sc as plsc

D_MODEL, N_HEADS, N_LEVELS, N_POINTS, HEAD_DIM = 256, 8, 4, 4, 32
_SPATIAL = [(64, 64), (32, 32), (16, 16), (8, 8)]
_SIZES = [h * w for h, w in _SPATIAL]
_STARTS = np.cumsum([0] + _SIZES)
_B, _LQ = 2, int(sum(_SIZES))
_NROW = _B * _LQ
_NP_L = [(h + 2) * (w + 2) for h, w in _SPATIAL]
_PSTART = np.cumsum([0] + _NP_L)
_PTOT = int(_PSTART[-1])

_lane = np.arange(128)
_L_OF = (_lane // 4) % 4
_W_LANE = np.array([_SPATIAL[l][1] for l in _L_OF], np.float32)
_H_LANE = np.array([_SPATIAL[l][0] for l in _L_OF], np.float32)
_WI_LANE = _W_LANE.astype(np.int32)
_HI_LANE = _H_LANE.astype(np.int32)
_S_LANE = np.array([_PSTART[l] for l in _L_OF], np.int32)
_PWR_LANE = np.array([_SPATIAL[l][1] + 2 for l in _L_OF], np.int32)

_RBLK = 680
_NSTEP = _NROW // _RBLK



def _proj_body(q_ref, x_ref, wval_ref, bval_ref, wox_ref, box_ref, woy_ref,
               boy_ref, wat_ref, bat_ref, rx_ref, ry_ref,
               wl_ref, hl_ref, wi_ref, hi_ref, s_ref, pwr_ref,
               val_ref, idx_ref, w4_ref):
    f32 = jnp.float32
    bf16 = jnp.bfloat16
    q = q_ref[...].astype(bf16)
    val_ref[...] = (jnp.dot(x_ref[...].astype(bf16), wval_ref[...],
                            preferred_element_type=f32) + bval_ref[...])
    offx = jnp.dot(q, wox_ref[...], preferred_element_type=f32) + box_ref[...]
    offy = jnp.dot(q, woy_ref[...], preferred_element_type=f32) + boy_ref[...]
    logits = jnp.dot(q, wat_ref[...], preferred_element_type=f32) + bat_ref[...]
    m = jnp.max(logits, axis=-1, keepdims=True)
    e = jnp.exp(logits - m)
    li = lax.broadcasted_iota(jnp.int32, (128, 128), 0) // 16
    lj = lax.broadcasted_iota(jnp.int32, (128, 128), 1) // 16
    gmask = (li == lj).astype(bf16)
    aw = e / jnp.dot(e.astype(bf16), gmask, preferred_element_type=f32)

    wl = wl_ref[...]
    hl = hl_ref[...]
    wi = wi_ref[...]
    hi = hi_ref[...]
    gx = rx_ref[...] * wl + offx - 0.5
    gy = ry_ref[...] * hl + offy - 0.5
    x0 = jnp.floor(gx)
    y0 = jnp.floor(gy)
    x0i = x0.astype(jnp.int32)
    y0i = y0.astype(jnp.int32)
    wx1 = gx - x0
    wx0 = 1.0 - wx1
    wy1 = gy - y0
    wy0 = 1.0 - wy1
    okx = ((x0i >= -1) & (x0i <= wi - 1)).astype(f32)
    oky = ((y0i >= -1) & (y0i <= hi - 1)).astype(f32)
    cx = jnp.clip(x0i + 1, 0, wi)
    cy = jnp.clip(y0i + 1, 0, hi)
    p = cy * pwr_ref[...] + cx + s_ref[...]
    rows = (pl.program_id(0) * _RBLK
            + lax.broadcasted_iota(jnp.int32, (_RBLK, 128), 0))
    bsel = jnp.where(rows >= _LQ, 1, 0)
    hlane = lax.broadcasted_iota(jnp.int32, (_RBLK, 128), 1) // 16
    idx_ref[...] = (bsel * _PTOT + p) * 8 + hlane
    a = aw * okx * oky
    def _pack(lo, hi):
        lo16 = lax.bitcast_convert_type(lo.astype(bf16), jnp.uint16)
        hi16 = lax.bitcast_convert_type(hi.astype(bf16), jnp.uint16)
        word = lo16.astype(jnp.uint32) | (hi16.astype(jnp.uint32) << 16)
        return lax.bitcast_convert_type(word, jnp.int32)
    w4_ref[:, 0:128] = _pack(a * wx0 * wy0, a * wx1 * wy0)
    w4_ref[:, 128:256] = _pack(a * wx0 * wy1, a * wx1 * wy1)


def _run_proj(q2, x2, wvalT, bval, woxT, box, woyT, boy, watT, bat, rx, ry):
    f32 = jnp.float32
    blk = lambda c: pl.BlockSpec((_RBLK, c), lambda i: (i, 0))
    full = lambda r, c: pl.BlockSpec((r, c), lambda i: (0, 0))
    return pl.pallas_call(
        _proj_body,
        grid=(_NSTEP,),
        in_specs=[blk(256), blk(256), full(256, 256), full(1, 256),
                  full(256, 128), full(1, 128), full(256, 128), full(1, 128),
                  full(256, 128), full(1, 128), blk(128), blk(128)]
                 + [full(1, 128)] * 6,
        out_specs=[blk(256), blk(128), blk(256)],
        out_shape=[jax.ShapeDtypeStruct((_NROW, 256), f32),
                   jax.ShapeDtypeStruct((_NROW, 128), jnp.int32),
                   jax.ShapeDtypeStruct((_NROW, 256), jnp.int32)],
    )(q2, x2, wvalT, bval, woxT, box, woyT, boy, watT, bat, rx, ry,
      jnp.asarray(_W_LANE[None, :]), jnp.asarray(_H_LANE[None, :]),
      jnp.asarray(_WI_LANE[None, :]), jnp.asarray(_HI_LANE[None, :]),
      jnp.asarray(_S_LANE[None, :]), jnp.asarray(_PWR_LANE[None, :]))


def _matmul_body(x_ref, w_ref, b_ref, o_ref):
    o_ref[...] = (jnp.dot(x_ref[...].astype(jnp.bfloat16), w_ref[...],
                          preferred_element_type=jnp.float32) + b_ref[...])


def _run_matmul(x2, wT, b):
    return pl.pallas_call(
        _matmul_body,
        grid=(_NSTEP,),
        in_specs=[pl.BlockSpec((_RBLK, 256), lambda i: (i, 0)),
                  pl.BlockSpec((256, 256), lambda i: (0, 0)),
                  pl.BlockSpec((1, 256), lambda i: (0, 0))],
        out_specs=pl.BlockSpec((_RBLK, 256), lambda i: (i, 0)),
        out_shape=jax.ShapeDtypeStruct((_NROW, 256), jnp.float32),
    )(x2, wT, b)




_TROW = _B * _PTOT * 8
_TBLK = _TROW // 32


def _interleave_body(a_ref, b_ref, c_ref, d_ref, o_ref):
    o_ref[...] = jnp.concatenate(
        [a_ref[...], b_ref[...], c_ref[...], d_ref[...]], axis=-1)


def _run_interleave(a, b, c, d):
    blk = pl.BlockSpec((_TBLK, 32), lambda i: (i, 0))
    return pl.pallas_call(
        _interleave_body,
        grid=(32,),
        in_specs=[blk, blk, blk, blk],
        out_specs=pl.BlockSpec((_TBLK, 128), lambda i: (i, 0)),
        out_shape=jax.ShapeDtypeStruct((_TROW, 128), jnp.float32),
    )(a, b, c, d)


def _build_table(value):
    v = value.reshape(_B, _LQ, 8, 32)
    taps = [[], [], [], []]
    for lid, (h, w) in enumerate(_SPATIAL):
        s = int(_STARTS[lid])
        f = v[:, s:s + h * w].reshape(_B, h, w, 8, 32)
        f = jnp.pad(f, ((0, 0), (1, 1), (1, 1), (0, 0), (0, 0)))
        f = f.reshape(_B, _NP_L[lid], 8, 32)
        pw = w + 2
        for t, sh in enumerate([0, 1, pw, pw + 1]):
            taps[t].append(f if sh == 0 else jnp.roll(f, -sh, axis=1))
    flat = [jnp.concatenate(ts, axis=1).reshape(_TROW, 32) for ts in taps]
    return _run_interleave(*flat)



_NW = 32
_ROWS_W = _NROW // _NW
_NS = 4
_NJ = _ROWS_W // _NS
_FLJ = 5
_FLROWS = _FLJ * _NS


def _sc_sample(table, idx_flat, w_flat):
    mesh = plsc.VectorSubcoreMesh(core_axis_name="c", subcore_axis_name="s")
    f32 = jnp.float32

    @functools.partial(
        pl.kernel, mesh=mesh,
        compiler_params=pltpu.CompilerParams(needs_layout_passes=False),
        out_type=jax.ShapeDtypeStruct((_NROW * 256,), f32),
        scratch_types=(
            [pltpu.VMEM((128,), jnp.int32)] * _NS
            + [pltpu.VMEM((256,), jnp.int32)] * _NS
            + [pltpu.VMEM((128, 128), f32)] * _NS
            + [pltpu.VMEM((_FLROWS * 256,), f32)]
            + [pltpu.SemaphoreType.DMA] * (2 * _NS)
        ),
    )
    def k(table_hbm, idx_hbm, w_hbm, out_hbm, *scr):
        idx_vs = scr[0:_NS]
        w_vs = scr[_NS:2 * _NS]
        rows_vs = scr[2 * _NS:3 * _NS]
        out_v = scr[3 * _NS]
        sem_iw = scr[3 * _NS + 1:3 * _NS + 1 + _NS]
        sem_g = scr[3 * _NS + 1 + _NS:]
        wid = lax.axis_index("s") * 2 + lax.axis_index("c")
        base = wid * _ROWS_W

        def iw_issue(blk, s):
            roff = base + blk
            pltpu.async_copy(idx_hbm.at[pl.ds(roff * 128, 128)], idx_vs[s],
                             sem_iw[s])
            pltpu.async_copy(w_hbm.at[pl.ds(roff * 256, 256)], w_vs[s],
                             sem_iw[s])

        def iw_wait(blk, s):
            roff = base + blk
            pltpu.make_async_copy(idx_hbm.at[pl.ds(roff * 128, 128)],
                                  idx_vs[s], sem_iw[s]).wait()
            pltpu.make_async_copy(w_hbm.at[pl.ds(roff * 256, 256)],
                                  w_vs[s], sem_iw[s]).wait()

        def g_issue(s):
            pltpu.async_copy(table_hbm.at[idx_vs[s]], rows_vs[s], sem_g[s])

        def g_wait(s):
            pltpu.make_async_copy(table_hbm.at[idx_vs[s]], rows_vs[s],
                                  sem_g[s]).wait()

        def compute(s, oloc):
            r = rows_vs[s]
            wv = w_vs[s]

            @pl.loop(0, 8)
            def _(h):
                acc0 = jnp.zeros((16,), f32)
                acc1 = jnp.zeros((16,), f32)
                for pt in range(16):
                    li = h * 16 + pt
                    s0 = jnp.full((16,), li, jnp.int32)
                    wab = plsc.bitcast(plsc.load_gather(wv, [s0]),
                                       jnp.bfloat16)
                    wcd = plsc.bitcast(plsc.load_gather(wv, [s0 + 128]),
                                       jnp.bfloat16)
                    v00, v01 = plsc.unpack(wab,
                                           format=plsc.PackFormat.INTERLEAVED)
                    v10, v11 = plsc.unpack(wcd,
                                           format=plsc.PackFormat.INTERLEAVED)
                    acc0 = (acc0 + v00 * r[li, pl.ds(0, 16)]
                            + v01 * r[li, pl.ds(32, 16)]
                            + v10 * r[li, pl.ds(64, 16)]
                            + v11 * r[li, pl.ds(96, 16)])
                    acc1 = (acc1 + v00 * r[li, pl.ds(16, 16)]
                            + v01 * r[li, pl.ds(48, 16)]
                            + v10 * r[li, pl.ds(80, 16)]
                            + v11 * r[li, pl.ds(112, 16)])
                out_v[pl.ds(oloc + h * 32, 16)] = acc0
                out_v[pl.ds(oloc + h * 32 + 16, 16)] = acc1

        for s in range(_NS):
            iw_issue(s, s)
        for s in range(2):
            iw_wait(s, s)
            g_issue(s)

        @pl.loop(0, _NJ)
        def _(j):
            local = j - (j // _FLJ) * _FLJ
            oloc = local * (_NS * 256)
            for s in range(_NS):
                blk = _NS * j + s
                g_wait(s)
                compute(s, oloc + s * 256)

                @pl.when(blk + _NS < _ROWS_W)
                def _():
                    iw_issue(blk + _NS, s)

                nblk = _NS * j + s + 2
                ns = (s + 2) % _NS

                @pl.when(nblk < _ROWS_W)
                def _():
                    iw_wait(nblk, ns)
                    g_issue(ns)

            @pl.when(local == _FLJ - 1)
            def _():
                fl = j // _FLJ
                pltpu.sync_copy(
                    out_v,
                    out_hbm.at[pl.ds(base * 256 + fl * (_FLROWS * 256),
                                     _FLROWS * 256)])

    return k(table, idx_flat, w_flat)




def kernel(query, reference_points, input_flatten, input_spatial_shapes,
           input_level_start_index, W_off, b_off, W_attn, b_attn, W_val,
           b_val, W_out, b_out):
    f32 = jnp.float32
    q2 = query.reshape(_NROW, 256)
    x2 = input_flatten.reshape(_NROW, 256)
    rp = reference_points.reshape(_NROW, 4, 2)
    rx = rp[:, _L_OF, 0]
    ry = rp[:, _L_OF, 1]
    bf16 = jnp.bfloat16
    val, idx, w4 = _run_proj(
        q2, x2,
        W_val.T.astype(bf16), b_val.reshape(1, 256),
        W_off[0::2].T.astype(bf16), b_off[0::2].reshape(1, 128),
        W_off[1::2].T.astype(bf16), b_off[1::2].reshape(1, 128),
        W_attn.T.astype(bf16), b_attn.reshape(1, 128),
        rx, ry)
    table = _build_table(val)
    acc = _sc_sample(table, idx.reshape(-1), w4.reshape(-1))
    out = _run_matmul(acc.reshape(_NROW, 256), W_out.T.astype(bf16),
                      b_out.reshape(1, 256))
    return out.reshape(_B, _LQ, 256)

# --- scband reference (transcript-rebuilt; emitter-appended) ---
"""Pipeline reference for scband-msdeform-attn-69879117905969 (READ-ONLY COPY).

The authoritative reference and input builder live on the scoring server;
editing this copy changes nothing except your own understanding.
"""

import jax, jax.numpy as jnp
import numpy as np

D_MODEL = 256
N_HEADS = 8
N_LEVELS = 4
N_POINTS = 4
HEAD_DIM = D_MODEL // N_HEADS
SPATIAL = [(64, 64), (32, 32), (16, 16), (8, 8)]
SIZES = [h * w for h, w in SPATIAL]
STARTS = np.cumsum([0] + SIZES)
LEN_IN = int(sum(SIZES))
B = 2
LEN_Q = LEN_IN


def _linear_params(key, out_d, in_d, scale):
    kw, kb = jax.random.split(key)
    W = jax.random.normal(kw, (out_d, in_d), dtype=jnp.float32) * scale
    b = jax.random.normal(kb, (out_d,), dtype=jnp.float32) * scale
    return W, b


def setup_inputs(seed: int = 0) -> dict:
    key = jax.random.key(seed)
    ks = jax.random.split(key, 8)
    inp = {}
    inp["query"] = jax.random.normal(ks[0], (B, LEN_Q, D_MODEL), dtype=jnp.float32)
    inp["reference_points"] = jax.random.uniform(ks[1], (B, LEN_Q, N_LEVELS, 2), dtype=jnp.float32)
    inp["input_flatten"] = jax.random.normal(ks[2], (B, LEN_IN, D_MODEL), dtype=jnp.float32)
    inp["input_spatial_shapes"] = jnp.array(SPATIAL, dtype=jnp.int32)
    inp["input_level_start_index"] = jnp.array(STARTS[:-1], dtype=jnp.int32)
    inp["W_off"], inp["b_off"] = _linear_params(ks[3], N_HEADS * N_LEVELS * N_POINTS * 2, D_MODEL, 0.01)
    inp["W_attn"], inp["b_attn"] = _linear_params(ks[4], N_HEADS * N_LEVELS * N_POINTS, D_MODEL, 0.02)
    inp["W_val"], inp["b_val"] = _linear_params(ks[5], D_MODEL, D_MODEL, 0.06)
    inp["W_out"], inp["b_out"] = _linear_params(ks[6], D_MODEL, D_MODEL, 0.06)
    return inp


def _bilinear_sample(img, gx, gy):
    # img: (BH, C, H, W); gx, gy: (BH, Lq, P) pixel coords (align_corners=False convention)
    BH, C, H, W = img.shape
    x0 = jnp.floor(gx)
    y0 = jnp.floor(gy)
    x0i = x0.astype(jnp.int32)
    y0i = y0.astype(jnp.int32)
    x1i = x0i + 1
    y1i = y0i + 1
    wx1 = gx - x0
    wx0 = 1.0 - wx1
    wy1 = gy - y0
    wy0 = 1.0 - wy1
    flat = img.reshape(BH, C, H * W)
    Lq, P = gx.shape[1], gx.shape[2]

    def gather(ix, iy):
        valid = ((ix >= 0) & (ix < W) & (iy >= 0) & (iy < H)).astype(img.dtype)
        idx = jnp.clip(iy, 0, H - 1) * W + jnp.clip(ix, 0, W - 1)
        vals = jax.vmap(lambda f, i: f[:, i])(flat, idx.reshape(BH, Lq * P))
        return vals.reshape(BH, C, Lq, P) * valid[:, None, :, :]

    v00 = gather(x0i, y0i)
    v01 = gather(x1i, y0i)
    v10 = gather(x0i, y1i)
    v11 = gather(x1i, y1i)
    return (v00 * (wx0 * wy0)[:, None] + v01 * (wx1 * wy0)[:, None]
            + v10 * (wx0 * wy1)[:, None] + v11 * (wx1 * wy1)[:, None])


def _forward(query, reference_points, input_flatten, W_off, b_off, W_attn, b_attn, W_val, b_val, W_out, b_out, spatial_shapes):
    Bsz, Lq, _ = query.shape
    Len_in = input_flatten.shape[1]
    value = input_flatten @ W_val.T + b_val
    off = (query @ W_off.T + b_off).reshape(Bsz, Lq, N_HEADS, N_LEVELS, N_POINTS, 2)
    aw = (query @ W_attn.T + b_attn).reshape(Bsz, Lq, N_HEADS, N_LEVELS * N_POINTS)
    aw = jax.nn.softmax(aw, axis=-1)
    norm = jnp.stack([spatial_shapes[:, 1], spatial_shapes[:, 0]], axis=-1).astype(jnp.float32)
    loc = reference_points[:, :, None, :, None, :] + off / norm[None, None, None, :, None, :]
    value = value.reshape(Bsz, Len_in, N_HEADS, HEAD_DIM).transpose(0, 2, 3, 1)
    sampled = []
    for lid, (H, W) in enumerate(SPATIAL):
        s = int(STARTS[lid])
        vlev = value[..., s:s + H * W].reshape(Bsz * N_HEADS, HEAD_DIM, H, W)
        grid = loc[:, :, :, lid].transpose(0, 2, 1, 3, 4).reshape(Bsz * N_HEADS, Lq, N_POINTS, 2)
        gx = grid[..., 0] * W - 0.5
        gy = grid[..., 1] * H - 0.5
        sampled.append(_bilinear_sample(vlev, gx, gy))
    samp = jnp.stack(sampled, axis=-2).reshape(Bsz * N_HEADS, HEAD_DIM, Lq, N_LEVELS * N_POINTS)
    aw_r = aw.transpose(0, 2, 1, 3).reshape(Bsz * N_HEADS, 1, Lq, N_LEVELS * N_POINTS)
    out = (samp * aw_r).sum(-1).reshape(Bsz, N_HEADS * HEAD_DIM, Lq).transpose(0, 2, 1)
    return out @ W_out.T + b_out


def reference(query, reference_points, input_flatten, input_spatial_shapes, input_level_start_index, W_off, b_off, W_attn, b_attn, W_val, b_val, W_out, b_out):
    return _forward(query, reference_points, input_flatten, W_off, b_off, W_attn, b_attn, W_val, b_val, W_out, b_out, input_spatial_shapes)

if __name__ == "__main__":
    import jax
    _d = setup_inputs()
    print(jax.jit(kernel)(*tuple(_d.values())))

</pallas_src>

<mosaic_0001>
#map = affine_map<(d0, d1) -> (0, 0)>
#map1 = affine_map<(d0, d1) -> (0)>
module attributes {stable_mosaic.version = 14 : i64} {
  func.func @k(%arg0: i32, %arg1: i32, %arg2: memref<94976x128xf32, #tpu.memory_space<hbm>>, %arg3: memref<1392640xi32, #tpu.memory_space<hbm>>, %arg4: memref<2785280xi32, #tpu.memory_space<hbm>>, %arg5: memref<2785280xf32, #tpu.memory_space<hbm>>, %arg6: memref<128xi32, #tpu.memory_space<vmem>>, %arg7: memref<128xi32, #tpu.memory_space<vmem>>, %arg8: memref<128xi32, #tpu.memory_space<vmem>>, %arg9: memref<128xi32, #tpu.memory_space<vmem>>, %arg10: memref<256xi32, #tpu.memory_space<vmem>>, %arg11: memref<256xi32, #tpu.memory_space<vmem>>, %arg12: memref<256xi32, #tpu.memory_space<vmem>>, %arg13: memref<256xi32, #tpu.memory_space<vmem>>, %arg14: memref<128x128xf32, #tpu.memory_space<vmem>>, %arg15: memref<128x128xf32, #tpu.memory_space<vmem>>, %arg16: memref<128x128xf32, #tpu.memory_space<vmem>>, %arg17: memref<128x128xf32, #tpu.memory_space<vmem>>, %arg18: memref<5120xf32, #tpu.memory_space<vmem>>, %arg19: memref<!tpu.dma_semaphore, #tpu.memory_space<semaphore_mem>>, %arg20: memref<!tpu.dma_semaphore, #tpu.memory_space<semaphore_mem>>, %arg21: memref<!tpu.dma_semaphore, #tpu.memory_space<semaphore_mem>>, %arg22: memref<!tpu.dma_semaphore, #tpu.memory_space<semaphore_mem>>, %arg23: memref<!tpu.dma_semaphore, #tpu.memory_space<semaphore_mem>>, %arg24: memref<!tpu.dma_semaphore, #tpu.memory_space<semaphore_mem>>, %arg25: memref<!tpu.dma_semaphore, #tpu.memory_space<semaphore_mem>>, %arg26: memref<!tpu.dma_semaphore, #tpu.memory_space<semaphore_mem>>) attributes {dimension_semantics = [#tpu.dimension_semantics<core_parallel>, #tpu.dimension_semantics<subcore_parallel>], iteration_bounds = array<i64: 2, 16>, scalar_prefetch = 0 : i64, scratch_operands = 21 : i64, tpu.core_type = #tpu.core_type<sc_vector_subcore>, window_params = [{transform_indices = #map}, {transform_indices = #map1}, {transform_indices = #map1}, {transform_indices = #map1}]} {
    %mul3A = arith.constant 2 : i32
    %mul3A_0 = arith.muli %arg1, %mul3A : i32
    %add3A = arith.addi %mul3A_0, %arg0 : i32
    %mul3A_1 = arith.constant 340 : i32
    %mul3A_2 = arith.muli %add3A, %mul3A_1 : i32
    %add3A_3 = arith.constant 0 : i32
    %add3A_4 = arith.addi %mul3A_2, %add3A_3 : i32
    %mul3A_5 = arith.constant 128 : i32
    %mul3A_6 = arith.muli %add3A_4, %mul3A_5 : i32
    %dma_start3A = tpu.memref_slice %arg3[%mul3A_6] : memref<1392640xi32, #tpu.memory_space<hbm>> -> memref<128xi32, #tpu.memory_space<hbm>>
    %dma_start3A_7 = tpu.memref_slice %arg3[%mul3A_6] : memref<1392640xi32, #tpu.memory_space<hbm>> -> memref<128xi32, #tpu.memory_space<hbm>>
    tpu.enqueue_dma source(%dma_start3A_7 : memref<128xi32, #tpu.memory_space<hbm>>) target(%arg6 : memref<128xi32, #tpu.memory_space<vmem>>) target_semaphore(%arg19 : memref<!tpu.dma_semaphore, #tpu.memory_space<semaphore_mem>>)
    %mul3A_8 = arith.constant 256 : i32
    %mul3A_9 = arith.muli %add3A_4, %mul3A_8 : i32
    %dma_start3A_10 = tpu.memref_slice %arg4[%mul3A_9] : memref<2785280xi32, #tpu.memory_space<hbm>> -> memref<256xi32, #tpu.memory_space<hbm>>
    %dma_start3A_11 = tpu.memref_slice %arg4[%mul3A_9] : memref<2785280xi32, #tpu.memory_space<hbm>> -> memref<256xi32, #tpu.memory_space<hbm>>
    tpu.enqueue_dma source(%dma_start3A_11 : memref<256xi32, #tpu.memory_space<hbm>>) target(%arg10 : memref<256xi32, #tpu.memory_space<vmem>>) target_semaphore(%arg19 : memref<!tpu.dma_semaphore, #tpu.memory_space<semaphore_mem>>)
    %add3A_12 = arith.constant 1 : i32
    %add3A_13 = arith.addi %mul3A_2, %add3A_12 : i32
    %mul3A_14 = arith.constant 128 : i32
    %mul3A_15 = arith.muli %add3A_13, %mul3A_14 : i32
    %dma_start3A_16 = tpu.memref_slice %arg3[%mul3A_15] : memref<1392640xi32, #tpu.memory_space<hbm>> -> memref<128xi32, #tpu.memory_space<hbm>>
    %dma_start3A_17 = tpu.memref_slice %arg3[%mul3A_15] : memref<1392640xi32, #tpu.memory_space<hbm>> -> memref<128xi32, #tpu.memory_space<hbm>>
    tpu.enqueue_dma source(%dma_start3A_17 : memref<128xi32, #tpu.memory_space<hbm>>) target(%arg7 : memref<128xi32, #tpu.memory_space<vmem>>) target_semaphore(%arg20 : memref<!tpu.dma_semaphore, #tpu.memory_space<semaphore_mem>>)
    %mul3A_18 = arith.constant 256 : i32
    %mul3A_19 = arith.muli %add3A_13, %mul3A_18 : i32
    %dma_start3A_20 = tpu.memref_slice %arg4[%mul3A_19] : memref<2785280xi32, #tpu.memory_space<hbm>> -> memref<256xi32, #tpu.memory_space<hbm>>
    %dma_start3A_21 = tpu.memref_slice %arg4[%mul3A_19] : memref<2785280xi32, #tpu.memory_space<hbm>> -> memref<256xi32, #tpu.memory_space<hbm>>
    tpu.enqueue_dma source(%dma_start3A_21 : memref<256xi32, #tpu.memory_space<hbm>>) target(%arg11 : memref<256xi32, #tpu.memory_space<vmem>>) target_semaphore(%arg20 : memref<!tpu.dma_semaphore, #tpu.memory_space<semaphore_mem>>)
    %add3A_22 = arith.constant 2 : i32
    %add3A_23 = arith.addi %mul3A_2, %add3A_22 : i32
    %mul3A_24 = arith.constant 128 : i32
    %mul3A_25 = arith.muli %add3A_23, %mul3A_24 : i32
    %dma_start3A_26 = tpu.memref_slice %arg3[%mul3A_25] : memref<1392640xi32, #tpu.memory_space<hbm>> -> memref<128xi32, #tpu.memory_space<hbm>>
    %dma_start3A_27 = tpu.memref_slice %arg3[%mul3A_25] : memref<1392640xi32, #tpu.memory_space<hbm>> -> memref<128xi32, #tpu.memory_space<hbm>>
    tpu.enqueue_dma source(%dma_start3A_27 : memref<128xi32, #tpu.memory_space<hbm>>) target(%arg8 : memref<128xi32, #tpu.memory_space<vmem>>) target_semaphore(%arg21 : memref<!tpu.dma_semaphore, #tpu.memory_space<semaphore_mem>>)
    %mul3A_28 = arith.constant 256 : i32
    %mul3A_29 = arith.muli %add3A_23, %mul3A_28 : i32
    %dma_start3A_30 = tpu.memref_slice %arg4[%mul3A_29] : memref<2785280xi32, #tpu.memory_space<hbm>> -> memref<256xi32, #tpu.memory_space<hbm>>
    %dma_start3A_31 = tpu.memref_slice %arg4[%mul3A_29] : memref<2785280xi32, #tpu.memory_space<hbm>> -> memref<256xi32, #tpu.memory_space<hbm>>
    tpu.enqueue_dma source(%dma_start3A_31 : memref<256xi32, #tpu.memory_space<hbm>>) target(%arg12 : memref<256xi32, #tpu.memory_space<vmem>>) target_semaphore(%arg21 : memref<!tpu.dma_semaphore, #tpu.memory_space<semaphore_mem>>)
    %add3A_32 = arith.constant 3 : i32
    %add3A_33 = arith.addi %mul3A_2, %add3A_32 : i32
    %mul3A_34 = arith.constant 128 : i32
    %mul3A_35 = arith.muli %add3A_33, %mul3A_34 : i32
    %dma_start3A_36 = tpu.memref_slice %arg3[%mul3A_35] : memref<1392640xi32, #tpu.memory_space<hbm>> -> memref<128xi32, #tpu.memory_space<hbm>>
    %dma_start3A_37 = tpu.memref_slice %arg3[%mul3A_35] : memref<1392640xi32, #tpu.memory_space<hbm>> -> memref<128xi32, #tpu.memory_space<hbm>>
    tpu.enqueue_dma source(%dma_start3A_37 : memref<128xi32, #tpu.memory_space<hbm>>) target(%arg9 : memref<128xi32, #tpu.memory_space<vmem>>) target_semaphore(%arg22 : memref<!tpu.dma_semaphore, #tpu.memory_space<semaphore_mem>>)
    %mul3A_38 = arith.constant 256 : i32
    %mul3A_39 = arith.muli %add3A_33, %mul3A_38 : i32
    %dma_start3A_40 = tpu.memref_slice %arg4[%mul3A_39] : memref<2785280xi32, #tpu.memory_space<hbm>> -> memref<256xi32, #tpu.memory_space<hbm>>
    %dma_start3A_41 = tpu.memref_slice %arg4[%mul3A_39] : memref<2785280xi32, #tpu.memory_space<hbm>> -> memref<256xi32, #tpu.memory_space<hbm>>
    tpu.enqueue_dma source(%dma_start3A_41 : memref<256xi32, #tpu.memory_space<hbm>>) target(%arg13 : memref<256xi32, #tpu.memory_space<vmem>>) target_semaphore(%arg22 : memref<!tpu.dma_semaphore, #tpu.memory_space<semaphore_mem>>)
    %add3A_42 = arith.constant 0 : i32
    %add3A_43 = arith.addi %mul3A_2, %add3A_42 : i32
    %mul3A_44 = arith.constant 128 : i32
    %mul3A_45 = arith.muli %add3A_43, %mul3A_44 : i32
    %dma_wait3A = tpu.memref_slice %arg3[%mul3A_45] : memref<1392640xi32, #tpu.memory_space<hbm>> -> memref<128xi32, #tpu.memory_space<hbm>>
    %dma_wait3A_46 = tpu.memref_slice %arg3[%mul3A_45] : memref<1392640xi32, #tpu.memory_space<hbm>> -> memref<128xi32, #tpu.memory_space<hbm>>
    tpu.wait_dma2 semaphore(%arg19 : memref<!tpu.dma_semaphore, #tpu.memory_space<semaphore_mem>>) src(%dma_wait3A_46 : memref<128xi32, #tpu.memory_space<hbm>>) dst(%arg6 : memref<128xi32, #tpu.memory_space<vmem>>)
    %mul3A_47 = arith.constant 256 : i32
    %mul3A_48 = arith.muli %add3A_43, %mul3A_47 : i32
    %dma_wait3A_49 = tpu.memref_slice %arg4[%mul3A_48] : memref<2785280xi32, #tpu.memory_space<hbm>> -> memref<256xi32, #tpu.memory_space<hbm>>
    %dma_wait3A_50 = tpu.memref_slice %arg4[%mul3A_48] : memref<2785280xi32, #tpu.memory_space<hbm>> -> memref<256xi32, #tpu.memory_space<hbm>>
    tpu.wait_dma2 semaphore(%arg19 : memref<!tpu.dma_semaphore, #tpu.memory_space<semaphore_mem>>) src(%dma_wait3A_50 : memref<256xi32, #tpu.memory_space<hbm>>) dst(%arg10 : memref<256xi32, #tpu.memory_space<vmem>>)
    %dma_start3A_51 = arith.constant 0 : i32
    %dma_start3A_52 = arith.constant 0 : i32
    %dma_start3A_53 = tpu.memref_slice %arg2[%dma_start3A_51, %dma_start3A_52] : memref<94976x128xf32, #tpu.memory_space<hbm>> -> memref<94976x128xf32, #tpu.memory_space<hbm>>
    tpu.enqueue_indirect_dma source(%dma_start3A_53 : memref<94976x128xf32, #tpu.memory_space<hbm>>) target(%arg14 : memref<128x128xf32, #tpu.memory_space<vmem>>) offsets(%arg6 : memref<128xi32, #tpu.memory_space<vmem>>) semaphore(%arg23 : memref<!tpu.dma_semaphore, #tpu.memory_space<semaphore_mem>>)
    %add3A_54 = arith.constant 1 : i32
    %add3A_55 = arith.addi %mul3A_2, %add3A_54 : i32
    %mul3A_56 = arith.constant 128 : i32
    %mul3A_57 = arith.muli %add3A_55, %mul3A_56 : i32
    %dma_wait3A_58 = tpu.memref_slice %arg3[%mul3A_57] : memref<1392640xi32, #tpu.memory_space<hbm>> -> memref<128xi32, #tpu.memory_space<hbm>>
    %dma_wait3A_59 = tpu.memref_slice %arg3[%mul3A_57] : memref<1392640xi32, #tpu.memory_space<hbm>> -> memref<128xi32, #tpu.memory_space<hbm>>
    tpu.wait_dma2 semaphore(%arg20 : memref<!tpu.dma_semaphore, #tpu.memory_space<semaphore_mem>>) src(%dma_wait3A_59 : memref<128xi32, #tpu.memory_space<hbm>>) dst(%arg7 : memref<128xi32, #tpu.memory_space<vmem>>)
    %mul3A_60 = arith.constant 256 : i32
    %mul3A_61 = arith.muli %add3A_55, %mul3A_60 : i32
    %dma_wait3A_62 = tpu.memref_slice %arg4[%mul3A_61] : memref<2785280xi32, #tpu.memory_space<hbm>> -> memref<256xi32, #tpu.memory_space<hbm>>
    %dma_wait3A_63 = tpu.memref_slice %arg4[%mul3A_61] : memref<2785280xi32, #tpu.memory_space<hbm>> -> memref<256xi32, #tpu.memory_space<hbm>>
    tpu.wait_dma2 semaphore(%arg20 : memref<!tpu.dma_semaphore, #tpu.memory_space<semaphore_mem>>) src(%dma_wait3A_63 : memref<256xi32, #tpu.memory_space<hbm>>) dst(%arg11 : memref<256xi32, #tpu.memory_space<vmem>>)
    %dma_start3A_64 = arith.constant 0 : i32
    %dma_start3A_65 = arith.constant 0 : i32
    %dma_start3A_66 = tpu.memref_slice %arg2[%dma_start3A_64, %dma_start3A_65] : memref<94976x128xf32, #tpu.memory_space<hbm>> -> memref<94976x128xf32, #tpu.memory_space<hbm>>
    tpu.enqueue_indirect_dma source(%dma_start3A_66 : memref<94976x128xf32, #tpu.memory_space<hbm>>) target(%arg15 : memref<128x128xf32, #tpu.memory_space<vmem>>) offsets(%arg7 : memref<128xi32, #tpu.memory_space<vmem>>) semaphore(%arg24 : memref<!tpu.dma_semaphore, #tpu.memory_space<semaphore_mem>>)
    %scan3A = arith.constant 0 : i32
    %scan3A_67 = arith.constant 85 : i32
    %scan3A_68 = arith.addi %scan3A, %scan3A_67 : i32
    %scan3A_69 = arith.constant 1 : i32
    scf.for %scan3A_71 = %scan3A to %scan3A_68 step %scan3A_69  : i32 {
      %mul3A_72 = arith.constant 1 : i32
      %mul3A_73 = arith.muli %scan3A_71, %mul3A_72 : i32
      %add3A_74 = arith.constant 0 : i32
      %add3A_75 = arith.addi %add3A_74, %mul3A_73 : i32
      %jit3A = arith.constant 5 : i32
      %div3A = arith.divsi %add3A_75, %jit3A : i32
      %sign3A = arith.constant 0 : i32
      %sign3A_76 = arith.cmpi sgt, %add3A_75, %sign3A : i32
      %sign3A_77 = arith.extui %sign3A_76 : i1 to i32
      %sign3A_78 = arith.constant 0 : i32
      %sign3A_79 = arith.cmpi slt, %add3A_75, %sign3A_78 : i32
      %sign3A_80 = arith.extui %sign3A_79 : i1 to i32
      %sign3A_81 = arith.subi %sign3A_77, %sign3A_80 : i32
      %sign3A_82 = arith.constant 0 : i32
      %sign3A_83 = arith.cmpi sgt, %jit3A, %sign3A_82 : i32
      %sign3A_84 = arith.extui %sign3A_83 : i1 to i32
      %sign3A_85 = arith.constant 0 : i32
      %sign3A_86 = arith.cmpi slt, %jit3A, %sign3A_85 : i32
      %sign3A_87 = arith.extui %sign3A_86 : i1 to i32
      %sign3A_88 = arith.subi %sign3A_84, %sign3A_87 : i32
      %ne3A = arith.cmpi ne, %sign3A_81, %sign3A_88 : i32
      %rem3A = arith.remsi %add3A_75, %jit3A : i32
      %ne3A_89 = arith.constant 0 : i32
      %ne3A_90 = arith.cmpi ne, %rem3A, %ne3A_89 : i32
      %and3A = arith.andi %ne3A, %ne3A_90 : i1
      %sub3A = arith.constant 1 : i32
      %sub3A_91 = arith.subi %div3A, %sub3A : i32
      %select_n3A = arith.select %and3A, %sub3A_91, %div3A : i32
      %mul3A_92 = arith.constant 5 : i32
      %mul3A_93 = arith.muli %select_n3A, %mul3A_92 : i32
      %sub3A_94 = arith.subi %add3A_75, %mul3A_93 : i32
      %mul3A_95 = arith.constant 1024 : i32
      %mul3A_96 = arith.muli %sub3A_94, %mul3A_95 : i32
      %mul3A_97 = arith.constant 4 : i32
      %mul3A_98 = arith.muli %mul3A_97, %add3A_75 : i32
      %add3A_99 = arith.constant 0 : i32
      %add3A_100 = arith.addi %mul3A_98, %add3A_99 : i32
      %dma_wait3A_101 = arith.constant 0 : i32
      %dma_wait3A_102 = arith.constant 0 : i32
      %dma_wait3A_103 = tpu.memref_slice %arg2[%dma_wait3A_101, %dma_wait3A_102] : memref<94976x128xf32, #tpu.memory_space<hbm>> -> memref<94976x128xf32, #tpu.memory_space<hbm>>
      tpu.wait_indirect_dma semaphore(%arg23 : memref<!tpu.dma_semaphore, #tpu.memory_space<semaphore_mem>>) src(%dma_wait3A_103 : memref<94976x128xf32, #tpu.memory_space<hbm>>) dst(%arg14 : memref<128x128xf32, #tpu.memory_space<vmem>>)
      %add3A_104 = arith.constant 0 : i32
      %add3A_105 = arith.addi %mul3A_96, %add3A_104 : i32
      %scan3A_106 = arith.constant 0 : i32
      %scan3A_107 = arith.constant 8 : i32
      %scan3A_108 = arith.addi %scan3A_106, %scan3A_107 : i32
      %scan3A_109 = arith.constant 1 : i32
      scf.for %scan3A_226 = %scan3A_106 to %scan3A_108 step %scan3A_109  : i32 {
        %mul3A_227 = arith.constant 1 : i32
        %mul3A_228 = arith.muli %scan3A_226, %mul3A_227 : i32
        %add3A_229 = arith.constant 0 : i32
        %add3A_230 = arith.addi %add3A_229, %mul3A_228 : i32
        %broadcast_in_dim3A = arith.constant 0.000000e+00 : f32
        %broadcast_in_dim3A_231 = vector.broadcast %broadcast_in_dim3A : f32 to vector<16xf32>
        %broadcast_in_dim3A_232 = arith.constant 0.000000e+00 : f32
        %broadcast_in_dim3A_233 = vector.broadcast %broadcast_in_dim3A_232 : f32 to vector<16xf32>
        %mul3A_234 = arith.constant 16 : i32
        %mul3A_235 = arith.muli %add3A_230, %mul3A_234 : i32
        %add3A_236 = arith.constant 0 : i32
        %add3A_237 = arith.addi %mul3A_235, %add3A_236 : i32
        %broadcast_in_dim3A_238 = vector.broadcast %add3A_237 : i32 to vector<16xi32>
        %gather3A = tpu.vector_load_idx %arg10[%broadcast_in_dim3A_238] : memref<256xi32, #tpu.memory_space<vmem>>[vector<16xi32>], vector<16xi32>,
        %bitcast3A = vector.bitcast %gather3A : vector<16xi32> to vector<32xbf16>
        %add3A_239 = arith.constant 128 : i32
        %add3A_240 = vector.broadcast %add3A_239 : i32 to vector<16xi32>
        %add3A_241 = arith.addi %broadcast_in_dim3A_238, %add3A_240 : vector<16xi32>
        %gather3A_242 = tpu.vector_load_idx %arg10[%add3A_241] : memref<256xi32, #tpu.memory_space<vmem>>[vector<16xi32>], vector<16xi32>,
        %bitcast3A_243 = vector.bitcast %gather3A_242 : vector<16xi32> to vector<32xbf16>
        %unpack3A = tpu.unpack_subelements %bitcast3A, 0 {pack_format = #tpu.pack_format<interleaved>} : vector<32xbf16> -> vector<16xf32>
        %unpack3A_244 = tpu.unpack_subelements %bitcast3A, 1 {pack_format = #tpu.pack_format<interleaved>} : vector<32xbf16> -> vector<16xf32>
        %unpack3A_245 = tpu.unpack_subelements %bitcast3A_243, 0 {pack_format = #tpu.pack_format<interleaved>} : vector<32xbf16> -> vector<16xf32>
        %unpack3A_246 = tpu.unpack_subelements %bitcast3A_243, 1 {pack_format = #tpu.pack_format<interleaved>} : vector<32xbf16> -> vector<16xf32>
        %get3A = arith.index_cast %add3A_237 : i32 to index
        %get3A_247 = arith.constant 0 : index
        %get3A_248 = tpu.vector_load %arg14[%get3A, %get3A_247] {strides = array<i32>} : memref<128x128xf32, #tpu.memory_space<vmem>>, vector<16xf32>,
        %mul3A_249 = arith.mulf %unpack3A, %get3A_248 : vector<16xf32>
        %add3A_250 = arith.addf %broadcast_in_dim3A_231, %mul3A_249 : vector<16xf32>
        %get3A_251 = arith.index_cast %add3A_237 : i32 to index
        %get3A_252 = arith.constant 32 : index
        %get3A_253 = tpu.vector_load %arg14[%get3A_251, %get3A_252] {strides = array<i32>} : memref<128x128xf32, #tpu.memory_space<vmem>>, vector<16xf32>,
        %mul3A_254 = arith.mulf %unpack3A_244, %get3A_253 : vector<16xf32>
        %add3A_255 = arith.addf %add3A_250, %mul3A_254 : vector<16xf32>
        %get3A_256 = arith.index_cast %add3A_237 : i32 to index
        %get3A_257 = arith.constant 64 : index
        %get3A_258 = tpu.vector_load %arg14[%get3A_256, %get3A_257] {strides = array<i32>} : memref<128x128xf32, #tpu.memory_space<vmem>>, vector<16xf32>,
        %mul3A_259 = arith.mulf %unpack3A_245, %get3A_258 : vector<16xf32>
        %add3A_260 = arith.addf %add3A_255, %mul3A_259 : vector<16xf32>
        %get3A_261 = arith.index_cast %add3A_237 : i32 to index
        %get3A_262 = arith.constant 96 : index
        %get3A_263 = tpu.vector_load %arg14[%get3A_261, %get3A_262] {strides = array<i32>} : memref<128x128xf32, #tpu.memory_space<vmem>>, vector<16xf32>,
        %mul3A_264 = arith.mulf %unpack3A_246, %get3A_263 : vector<16xf32>
        %add3A_265 = arith.addf %add3A_260, %mul3A_264 : vector<16xf32>
        %get3A_266 = arith.index_cast %add3A_237 : i32 to index
        %get3A_267 = arith.constant 16 : index
        %get3A_268 = tpu.vector_load %arg14[%get3A_266, %get3A_267] {strides = array<i32>} : memref<128x128xf32, #tpu.memory_space<vmem>>, vector<16xf32>,
        %mul3A_269 = arith.mulf %unpack3A, %get3A_268 : vector<16xf32>
        %add3A_270 = arith.addf %broadcast_in_dim3A_233, %mul3A_269 : vector<16xf32>
        %get3A_271 = arith.index_cast %add3A_237 : i32 to index
        %get3A_272 = arith.constant 48 : index
        %get3A_273 = tpu.vector_load %arg14[%get3A_271, %get3A_272] {strides = array<i32>} : memref<128x128xf32, #tpu.memory_space<vmem>>, vector<16xf32>,
        %mul3A_274 = arith.mulf %unpack3A_244, %get3A_273 : vector<16xf32>
        %add3A_275 = arith.addf %add3A_270, %mul3A_274 : vector<16xf32>
        %get3A_276 = arith.index_cast %add3A_237 : i32 to index
        %get3A_277 = arith.constant 80 : index
        %get3A_278 = tpu.vector_load %arg14[%get3A_276, %get3A_277] {strides = array<i32>} : memref<128x128xf32, #tpu.memory_space<vmem>>, vector<16xf32>,
        %mul3A_279 = arith.mulf %unpack3A_245, %get3A_278 : vector<16xf32>
        %add3A_280 = arith.addf %add3A_275, %mul3A_279 : vector<16xf32>
        %get3A_281 = arith.index_cast %add3A_237 : i32 to index
        %get3A_282 = arith.constant 112 : index
        %get3A_283 = tpu.vector_load %arg14[%get3A_281, %get3A_282] {strides = array<i32>} : memref<128x128xf32, #tpu.memory_space<vmem>>, vector<16xf32>,
        %mul3A_284 = arith.mulf %unpack3A_246, %get3A_283 : vector<16xf32>
        %add3A_285 = arith.addf %add3A_280, %mul3A_284 : vector<16xf32>
        %mul3A_286 = arith.constant 16 : i32
        %mul3A_287 = arith.muli %add3A_230, %mul3A_286 : i32
        %add3A_288 = arith.constant 1 : i32
        %add3A_289 = arith.addi %mul3A_287, %add3A_288 : i32
        %broadcast_in_dim3A_290 = vector.broadcast %add3A_289 : i32 to vector<16xi32>
        %gather3A_291 = tpu.vector_load_idx %arg10[%broadcast_in_dim3A_290] : memref<256xi32, #tpu.memory_space<vmem>>[vector<16xi32>], vector<16xi32>,
        %bitcast3A_292 = vector.bitcast %gather3A_291 : vector<16xi32> to vector<32xbf16>
        %add3A_293 = arith.constant 128 : i32
        %add3A_294 = vector.broadcast %add3A_293 : i32 to vector<16xi32>
        %add3A_295 = arith.addi %broadcast_in_dim3A_290, %add3A_294 : vector<16xi32>
        %gather3A_296 = tpu.vector_load_idx %arg10[%add3A_295] : memref<256xi32, #tpu.memory_space<vmem>>[vector<16xi32>], vector<16xi32>,
        %bitcast3A_297 = vector.bitcast %gather3A_296 : vector<16xi32> to vector<32xbf16>
        %unpack3A_298 = tpu.unpack_subelements %bitcast3A_292, 0 {pack_format = #tpu.pack_format<interleaved>} : vector<32xbf16> -> vector<16xf32>
        %unpack3A_299 = tpu.unpack_subelements %bitcast3A_292, 1 {pack_format = #tpu.pack_format<interleaved>} : vector<32xbf16> -> vector<16xf32>
        %unpack3A_300 = tpu.unpack_subelements %bitcast3A_297, 0 {pack_format = #tpu.pack_format<interleaved>} : vector<32xbf16> -> vector<16xf32>
        %unpack3A_301 = tpu.unpack_subelements %bitcast3A_297, 1 {pack_format = #tpu.pack_format<interleaved>} : vector<32xbf16> -> vector<16xf32>
        %get3A_302 = arith.index_cast %add3A_289 : i32 to index
        %get3A_303 = arith.constant 0 : index
        %get3A_304 = tpu.vector_load %arg14[%get3A_302, %get3A_303] {strides = array<i32>} : memref<128x128xf32, #tpu.memory_space<vmem>>, vector<16xf32>,
        %mul3A_305 = arith.mulf %unpack3A_298, %get3A_304 : vector<16xf32>
        %add3A_306 = arith.addf %add3A_265, %mul3A_305 : vector<16xf32>
        %get3A_307 = arith.index_cast %add3A_289 : i32 to index
        %get3A_308 = arith.constant 32 : index
        %get3A_309 = tpu.vector_load %arg14[%get3A_307, %get3A_308] {strides = array<i32>} : memref<128x128xf32, #tpu.memory_space<vmem>>, vector<16xf32>,
        %mul3A_310 = arith.mulf %unpack3A_299, %get3A_309 : vector<16xf32>
        %add3A_311 = arith.addf %add3A_306, %mul3A_310 : vector<16xf32>
        %get3A_312 = arith.index_cast %add3A_289 : i32 to index
        %get3A_313 = arith.constant 64 : index
        %get3A_314 = tpu.vector_load %arg14[%get3A_312, %get3A_313] {strides = array<i32>} : memref<128x128xf32, #tpu.memory_space<vmem>>, vector<16xf32>,
        %mul3A_315 = arith.mulf %unpack3A_300, %get3A_314 : vector<16xf32>
        %add3A_316 = arith.addf %add3A_311, %mul3A_315 : vector<16xf32>
        %get3A_317 = arith.index_cast %add3A_289 : i32 to index
        %get3A_318 = arith.constant 96 : index
        %get3A_319 = tpu.vector_load %arg14[%get3A_317, %get3A_318] {strides = array<i32>} : memref<128x128xf32, #tpu.memory_space<vmem>>, vector<16xf32>,
        %mul3A_320 = arith.mulf %unpack3A_301, %get3A_319 : vector<16xf32>
        %add3A_321 = arith.addf %add3A_316, %mul3A_320 : vector<16xf32>
        %get3A_322 = arith.index_cast %add3A_289 : i32 to index
        %get3A_323 = arith.constant 16 : index
        %get3A_324 = tpu.vector_load %arg14[%get3A_322, %get3A_323] {strides = array<i32>} : memref<128x128xf32, #tpu.memory_space<vmem>>, vector<16xf32>,
        %mul3A_325 = arith.mulf %unpack3A_298, %get3A_324 : vector<16xf32>
        %add3A_326 = arith.addf %add3A_285, %mul3A_325 : vector<16xf32>
        %get3A_327 = arith.index_cast %add3A_289 : i32 to index
        %get3A_328 = arith.constant 48 : index
        %get3A_329 = tpu.vector_load %arg14[%get3A_327, %get3A_328] {strides = array<i32>} : memref<128x128xf32, #tpu.memory_space<vmem>>, vector<16xf32>,
        %mul3A_330 = arith.mulf %unpack3A_299, %get3A_329 : vector<16xf32>
        %add3A_331 = arith.addf %add3A_326, %mul3A_330 : vector<16xf32>
        %get3A_332 = arith.index_cast %add3A_289 : i32 to index
        %get3A_333 = arith.constant 80 : index
        %get3A_334 = tpu.vector_load %arg14[%get3A_332, %get3A_333] {strides = array<i32>} : memref<128x128xf32, #tpu.memory_space<vmem>>, vector<16xf32>,
        %mul3A_335 = arith.mulf %unpack3A_300, %get3A_334 : vector<16xf32>
        %add3A_336 = arith.addf %add3A_331, %mul3A_335 : vector<16xf32>
        %get3A_337 = arith.index_cast %add3A_289 : i32 to index
        %get3A_338 = arith.constant 112 : index
        %get3A_339 = tpu.vector_load %arg14[%get3A_337, %get3A_338] {strides = array<i32>} : memref<128x128xf32, #tpu.memory_space<vmem>>, vector<16xf32>,
        %mul3A_340 = arith.mulf %unpack3A_301, %get3A_339 : vector<16xf32>
        %add3A_341 = arith.addf %add3A_336, %mul3A_340 : vector<16xf32>
        %mul3A_342 = arith.constant 16 : i32
        %mul3A_343 = arith.muli %add3A_230, %mul3A_342 : i32
        %add3A_344 = arith.constant 2 : i32
        %add3A_345 = arith.addi %mul3A_343, %add3A_344 : i32
        %broadcast_in_dim3A_346 = vector.broadcast %add3A_345 : i32 to vector<16xi32>
        %gather3A_347 = tpu.vector_load_idx %arg10[%broadcast_in_dim3A_346] : memref<256xi32, #tpu.memory_space<vmem>>[vector<16xi32>], vector<16xi32>,
        %bitcast3A_348 = vector.bitcast %gather3A_347 : vector<16xi32> to vector<32xbf16>
        %add3A_349 = arith.constant 128 : i32
        %add3A_350 = vector.broadcast %add3A_349 : i32 to vector<16xi32>
        %add3A_351 = arith.addi %broadcast_in_dim3A_346, %add3A_350 : vector<16xi32>
        %gather3A_352 = tpu.vector_load_idx %arg10[%add3A_351] : memref<256xi32, #tpu.memory_space<vmem>>[vector<16xi32>], vector<16xi32>,
        %bitcast3A_353 = vector.bitcast %gather3A_352 : vector<16xi32> to vector<32xbf16>
        %unpack3A_354 = tpu.unpack_subelements %bitcast3A_348, 0 {pack_format = #tpu.pack_format<interleaved>} : vector<32xbf16> -> vector<16xf32>
        %unpack3A_355 = tpu.unpack_subelements %bitcast3A_348, 1 {pack_format = #tpu.pack_format<interleaved>} : vector<32xbf16> -> vector<16xf32>
        %unpack3A_356 = tpu.unpack_subelements %bitcast3A_353, 0 {pack_format = #tpu.pack_format<interleaved>} : vector<32xbf16> -> vector<16xf32>
        %unpack3A_357 = tpu.unpack_subelements %bitcast3A_353, 1 {pack_format = #tpu.pack_format<interleaved>} : vector<32xbf16> -> vector<16xf32>
        %get3A_358 = arith.index_cast %add3A_345 : i32 to index
        %get3A_359 = arith.constant 0 : index
        %get3A_360 = tpu.vector_load %arg14[%get3A_358, %get3A_359] {strides = array<i32>} : memref<128x128xf32, #tpu.memory_space<vmem>>, vector<16xf32>,
        %mul3A_361 = arith.mulf %unpack3A_354, %get3A_360 : vector<16xf32>
        %add3A_362 = arith.addf %add3A_321, %mul3A_361 : vector<16xf32>
        %get3A_363 = arith.index_cast %add3A_345 : i32 to index
        %get3A_364 = arith.constant 32 : index
        %get3A_365 = tpu.vector_load %arg14[%get3A_363, %get3A_364] {strides = array<i32>} : memref<128x128xf32, #tpu.memory_space<vmem>>, vector<16xf32>,
        %mul3A_366 = arith.mulf %unpack3A_355, %get3A_365 : vector<16xf32>
        %add3A_367 = arith.addf %add3A_362, %mul3A_366 : vector<16xf32>
        %get3A_368 = arith.index_cast %add3A_345 : i32 to index
        %get3A_369 = arith.constant 64 : index
        %get3A_370 = tpu.vector_load %arg14[%get3A_368, %get3A_369] {strides = array<i32>} : memref<128x128xf32, #tpu.memory_space<vmem>>, vector<16xf32>,
        %mul3A_371 = arith.mulf %unpack3A_356, %get3A_370 : vector<16xf32>
        %add3A_372 = arith.addf %add3A_367, %mul3A_371 : vector<16xf32>
        %get3A_373 = arith.index_cast %add3A_345 : i32 to index
        %get3A_374 = arith.constant 96 : index
        %get3A_375 = tpu.vector_load %arg14[%get3A_373, %get3A_374] {strides = array<i32>} : memref<128x128xf32, #tpu.memory_space<vmem>>, vector<16xf32>,
        %mul3A_376 = arith.mulf %unpack3A_357, %get3A_375 : vector<16xf32>
        %add3A_377 = arith.addf %add3A_372, %mul3A_376 : vector<16xf32>
        %get3A_378 = arith.index_cast %add3A_345 : i32 to index
        %get3A_379 = arith.constant 16 : index
        %get3A_380 = tpu.vector_load %arg14[%get3A_378, %get3A_379] {strides = array<i32>} : memref<128x128xf32, #tpu.memory_space<vmem>>, vector<16xf32>,
        %mul3A_381 = arith.mulf %unpack3A_354, %get3A_380 : vector<16xf32>
        %add3A_382 = arith.addf %add3A_341, %mul3A_381 : vector<16xf32>
        %get3A_383 = arith.index_cast %add3A_345 : i32 to index
        %get3A_384 = arith.constant 48 : index
        %get3A_385 = tpu.vector_load %arg14[%get3A_383, %get3A_384] {strides = array<i32>} : memref<128x128xf32, #tpu.memory_space<vmem>>, vector<16xf32>,
        %mul3A_386 = arith.mulf %unpack3A_355, %get3A_385 : vector<16xf32>
        %add3A_387 = arith.addf %add3A_382, %mul3A_386 : vector<16xf32>
        %get3A_388 = arith.index_cast %add3A_345 : i32 to index
        %get3A_389 = arith.constant 80 : index
        %get3A_390 = tpu.vector_load %arg14[%get3A_388, %get3A_389] {strides = array<i32>} : memref<128x128xf32, #tpu.memory_space<vmem>>, vector<16xf32>,
        %mul3A_391 = arith.mulf %unpack3A_356, %get3A_390 : vector<16xf32>
        %add3A_392 = arith.addf %add3A_387, %mul3A_391 : vector<16xf32>
        %get3A_393 = arith.index_cast %add3A_345 : i32 to index
        %get3A_394 = arith.constant 112 : index
        %get3A_395 = tpu.vector_load %arg14[%get3A_393, %get3A_394] {strides = array<i32>} : memref<128x128xf32, #tpu.memory_space<vmem>>, vector<16xf32>,
        %mul3A_396 = arith.mulf %unpack3A_357, %get3A_395 : vector<16xf32>
        %add3A_397 = arith.addf %add3A_392, %mul3A_396 : vector<16xf32>
        %mul3A_398 = arith.constant 16 : i32
        %mul3A_399 = arith.muli %add3A_230, %mul3A_398 : i32
        %add3A_400 = arith.constant 3 : i32
        %add3A_401 = arith.addi %mul3A_399, %add3A_400 : i32
        %broadcast_in_dim3A_402 = vector.broadcast %add3A_401 : i32 to vector<16xi32>
        %gather3A_403 = tpu.vector_load_idx %arg10[%broadcast_in_dim3A_402] : memref<256xi32, #tpu.memory_space<vmem>>[vector<16xi32>], vector<16xi32>,
        %bitcast3A_404 = vector.bitcast %gather3A_403 : vector<16xi32> to vector<32xbf16>
        %add3A_405 = arith.constant 128 : i32
        %add3A_406 = vector.broadcast %add3A_405 : i32 to vector<16xi32>
        %add3A_407 = arith.addi %broadcast_in_dim3A_402, %add3A_406 : vector<16xi32>
        %gather3A_408 = tpu.vector_load_idx %arg10[%add3A_407] : memref<256xi32, #tpu.memory_space<vmem>>[vector<16xi32>], vector<16xi32>,
        %bitcast3A_409 = vector.bitcast %gather3A_408 : vector<16xi32> to vector<32xbf16>
        %unpack3A_410 = tpu.unpack_subelements %bitcast3A_404, 0 {pack_format = #tpu.pack_format<interleaved>} : vector<32xbf16> -> vector<16xf32>
        %unpack3A_411 = tpu.unpack_subelements %bitcast3A_404, 1 {pack_format = #tpu.pack_format<interleaved>} : vector<32xbf16> -> vector<16xf32>
        %unpack3A_412 = tpu.unpack_subelements %bitcast3A_409, 0 {pack_format = #tpu.pack_format<interleaved>} : vector<32xbf16> -> vector<16xf32>
        %unpack3A_413 = tpu.unpack_subelements %bitcast3A_409, 1 {pack_format = #tpu.pack_format<interleaved>} : vector<32xbf16> -> vector<16xf32>
        %get3A_414 = arith.index_cast %add3A_401 : i32 to index
        %get3A_415 = arith.constant 0 : index
        %get3A_416 = tpu.vector_load %arg14[%get3A_414, %get3A_415] {strides = array<i32>} : memref<128x128xf32, #tpu.memory_space<vmem>>, vector<16xf32>,
        %mul3A_417 = arith.mulf %unpack3A_410, %get3A_416 : vector<16xf32>
        %add3A_418 = arith.addf %add3A_377, %mul3A_417 : vector<16xf32>
        %get3A_419 = arith.index_cast %add3A_401 : i32 to index
        %get3A_420 = arith.constant 32 : index
        %get3A_421 = tpu.vector_load %arg14[%get3A_419, %get3A_420] {strides = array<i32>} : memref<128x128xf32, #tpu.memory_space<vmem>>, vector<16xf32>,
        %mul3A_422 = arith.mulf %unpack3A_411, %get3A_421 : vector<16xf32>
        %add3A_423 = arith.addf %add3A_418, %mul3A_422 : vector<16xf32>
        %get3A_424 = arith.index_cast %add3A_401 : i32 to index
        %get3A_425 = arith.constant 64 : index
        %get3A_426 = tpu.vector_load %arg14[%get3A_424, %get3A_425] {strides = array<i32>} : memref<128x128xf32, #tpu.memory_space<vmem>>, vector<16xf32>,
        %mul3A_427 = arith.mulf %unpack3A_412, %get3A_426 : vector<16xf32>
        %add3A_428 = arith.addf %add3A_423, %mul3A_427 : vector<16xf32>
        %get3A_429 = arith.index_cast %add3A_401 : i32 to index
        %get3A_430 = arith.constant 96 : index
        %get3A_431 = tpu.vector_load %arg14[%get3A_429, %get3A_430] {strides = array<i32>} : memref<128x128xf32, #tpu.memory_space<vmem>>, vector<16xf32>,
        %mul3A_432 = arith.mulf %unpack3A_413, %get3A_431 : vector<16xf32>
        %add3A_433 = arith.addf %add3A_428, %mul3A_432 : vector<16xf32>
        %get3A_434 = arith.index_cast %add3A_401 : i32 to index
        %get3A_435 = arith.constant 16 : index
        %get3A_436 = tpu.vector_load %arg14[%get3A_434, %get3A_435] {strides = array<i32>} : memref<128x128xf32, #tpu.memory_space<vmem>>, vector<16xf32>,
        %mul3A_437 = arith.mulf %unpack3A_410, %get3A_436 : vector<16xf32>
        %add3A_438 = arith.addf %add3A_397, %mul3A_437 : vector<16xf32>
        %get3A_439 = arith.index_cast %add3A_401 : i32 to index
        %get3A_440 = arith.constant 48 : index
        %get3A_441 = tpu.vector_load %arg14[%get3A_439, %get3A_440] {strides = array<i32>} : memref<128x128xf32, #tpu.memory_space<vmem>>, vector<16xf32>,
        %mul3A_442 = arith.mulf %unpack3A_411, %get3A_441 : vector<16xf32>
        %add3A_443 = arith.addf %add3A_438, %mul3A_442 : vector<16xf32>
        %get3A_444 = arith.index_cast %add3A_401 : i32 to index
        %get3A_445 = arith.constant 80 : index
        %get3A_446 = tpu.vector_load %arg14[%get3A_444, %get3A_445] {strides = array<i32>} : memref<128x128xf32, #tpu.memory_space<vmem>>, vector<16xf32>,
        %mul3A_447 = arith.mulf %unpack3A_412, %get3A_446 : vector<16xf32>
        %add3A_448 = arith.addf %add3A_443, %mul3A_447 : vector<16xf32>
        %get3A_449 = arith.index_cast %add3A_401 : i32 to index
        %get3A_450 = arith.constant 112 : index
        %get3A_451 = tpu.vector_load %arg14[%get3A_449, %get3A_450] {strides = array<i32>} : memref<128x128xf32, #tpu.memory_space<vmem>>, vector<16xf32>,
        %mul3A_452 = arith.mulf %unpack3A_413, %get3A_451 : vector<16xf32>
        %add3A_453 = arith.addf %add3A_448, %mul3A_452 : vector<16xf32>
        %mul3A_454 = arith.constant 16 : i32
        %mul3A_455 = arith.muli %add3A_230, %mul3A_454 : i32
        %add3A_456 = arith.constant 4 : i32
        %add3A_457 = arith.addi %mul3A_455, %add3A_456 : i32
        %broadcast_in_dim3A_458 = vector.broadcast %add3A_457 : i32 to vector<16xi32>
        %gather3A_459 = tpu.vector_load_idx %arg10[%broadcast_in_dim3A_458] : memref<256xi32, #tpu.memory_space<vmem>>[vector<16xi32>], vector<16xi32>,
        %bitcast3A_460 = vector.bitcast %gather3A_459 : vector<16xi32> to vector<32xbf16>
        %add3A_461 = arith.constant 128 : i32
        %add3A_462 = vector.broadcast %add3A_461 : i32 to vector<16xi32>
        %add3A_463 = arith.addi %broadcast_in_dim3A_458, %add3A_462 : vector<16xi32>
        %gather3A_464 = tpu.vector_load_idx %arg10[%add3A_463] : memref<256xi32, #tpu.memory_space<vmem>>[vector<16xi32>], vector<16xi32>,
        %bitcast3A_465 = vector.bitcast %gather3A_464 : vector<16xi32> to vector<32xbf16>
        %unpack3A_466 = tpu.unpack_subelements %bitcast3A_460, 0 {pack_format = #tpu.pack_format<interleaved>} : vector<32xbf16> -> vector<16xf32>
        %unpack3A_467 = tpu.unpack_subelements %bitcast3A_460, 1 {pack_format = #tpu.pack_format<interleaved>} : vector<32xbf16> -> vector<16xf32>
        %unpack3A_468 = tpu.unpack_subelements %bitcast3A_465, 0 {pack_format = #tpu.pack_format<interleaved>} : vector<32xbf16> -> vector<16xf32>
        %unpack3A_469 = tpu.unpack_subelements %bitcast3A_465, 1 {pack_format = #tpu.pack_format<interleaved>} : vector<32xbf16> -> vector<16xf32>
        %get3A_470 = arith.index_cast %add3A_457 : i32 to index
        %get3A_471 = arith.constant 0 : index
        %get3A_472 = tpu.vector_load %arg14[%get3A_470, %get3A_471] {strides = array<i32>} : memref<128x128xf32, #tpu.memory_space<vmem>>, vector<16xf32>,
        %mul3A_473 = arith.mulf %unpack3A_466, %get3A_472 : vector<16xf32>
        %add3A_474 = arith.addf %add3A_433, %mul3A_473 : vector<16xf32>
        %get3A_475 = arith.index_cast %add3A_457 : i32 to index
        %get3A_476 = arith.constant 32 : index
        %get3A_477 = tpu.vector_load %arg14[%get3A_475, %get3A_476] {strides = array<i32>} : memref<128x128xf32, #tpu.memory_space<vmem>>, vector<16xf32>,
        %mul3A_478 = arith.mulf %unpack3A_467, %get3A_477 : vector<16xf32>
        %add3A_479 = arith.addf %add3A_474, %mul3A_478 : vector<16xf32>
        %get3A_480 = arith.index_cast %add3A_457 : i32 to index
        %get3A_481 = arith.constant 64 : index
        %get3A_482 = tpu.vector_load %arg14[%get3A_480, %get3A_481] {strides = array<i32>} : memref<128x128xf32, #tpu.memory_space<vmem>>, vector<16xf32>,
        %mul3A_483 = arith.mulf %unpack3A_468, %get3A_482 : vector<16xf32>
        %add3A_484 = arith.addf %add3A_479, %mul3A_483 : vector<16xf32>
        %get3A_485 = arith.index_cast %add3A_457 : i32 to index
        %get3A_486 = arith.constant 96 : index
        %get3A_487 = tpu.vector_load %arg14[%get3A_485, %get3A_486] {strides = array<i32>} : memref<128x128xf32, #tpu.memory_space<vmem>>, vector<16xf32>,
        %mul3A_488 = arith.mulf %unpack3A_469, %get3A_487 : vector<16xf32>
        %add3A_489 = arith.addf %add3A_484, %mul3A_488 : vector<16xf32>
        %get3A_490 = arith.index_cast %add3A_457 : i32 to index
        %get3A_491 = arith.constant 16 : index
        %get3A_492 = tpu.vector_load %arg14[%get3A_490, %get3A_491] {strides = array<i32>} : memref<128x128xf32, #tpu.memory_space<vmem>>, vector<16xf32>,
        %mul3A_493 = arith.mulf %unpack3A_466, %get3A_492 : vector<16xf32>
        %add3A_494 = arith.addf %add3A_453, %mul3A_493 : vector<16xf32>
        %get3A_495 = arith.index_cast %add3A_457 : i32 to index
        %get3A_496 = arith.constant 48 : index
        %get3A_497 = tpu.vector_load %arg14[%get3A_495, %get3A_496] {strides = array<i32>} : memref<128x128xf32, #tpu.memory_space<vmem>>, vector<16xf32>,
        %mul3A_498 = arith.mulf %unpack3A_467, %get3A_497 : vector<16xf32>
        %add3A_499 = arith.addf %add3A_494, %mul3A_498 : vector<16xf32>
        %get3A_500 = arith.index_cast %add3A_457 : i32 to index
        %get3A_501 = arith.constant 80 : index
        %get3A_502 = tpu.vector_load %arg14[%get3A_500, %get3A_501] {strides = array<i32>} : memref<128x128xf32, #tpu.memory_space<vmem>>, vector<16xf32>,
        %mul3A_503 = arith.mulf %unpack3A_468, %get3A_502 : vector<16xf32>
        %add3A_504 = arith.addf %add3A_499, %mul3A_503 : vector<16xf32>
        %get3A_505 = arith.index_cast %add3A_457 : i32 to index
        %get3A_506 = arith.constant 112 : index
        %get3A_507 = tpu.vector_load %arg14[%get3A_505, %get3A_506] {strides = array<i32>} : memref<128x128xf32, #tpu.memory_space<vmem>>, vector<16xf32>,
        %mul3A_508 = arith.mulf %unpack3A_469, %get3A_507 : vector<16xf32>
        %add3A_509 = arith.addf %add3A_504, %mul3A_508 : vector<16xf32>
        %mul3A_510 = arith.constant 16 : i32
        %mul3A_511 = arith.muli %add3A_230, %mul3A_510 : i32
        %add3A_512 = arith.constant 5 : i32
        %add3A_513 = arith.addi %mul3A_511, %add3A_512 : i32
        %broadcast_in_dim3A_514 = vector.broadcast %add3A_513 : i32 to vector<16xi32>
        %gather3A_515 = tpu.vector_load_idx %arg10[%broadcast_in_dim3A_514] : memref<256xi32, #tpu.memory_space<vmem>>[vector<16xi32>], vector<16xi32>,
        %bitcast3A_516 = vector.bitcast %gather3A_515 : vector<16xi32> to vector<32xbf16>
        %add3A_517 = arith.constant 128 : i32
        %add3A_518 = vector.broadcast %add3A_517 : i32 to vector<16xi32>
        %add3A_519 = arith.addi %broadcast_in_dim3A_514, %add3A_518 : vector<16xi32>
        %gather3A_520 = tpu.vector_load_idx %arg10[%add3A_519] : memref<256xi32, #tpu.memory_space<vmem>>[vector<16xi32>], vector<16xi32>,
        %bitcast3A_521 = vector.bitcast %gather3A_520 : vector<16xi32> to vector<32xbf16>
        %unpack3A_522 = tpu.unpack_subelements %bitcast3A_516, 0 {pack_format = #tpu.pack_format<interleaved>} : vector<32xbf16> -> vector<16xf32>
        %unpack3A_523 = tpu.unpack_subelements %bitcast3A_516, 1 {pack_format = #tpu.pack_format<interleaved>} : vector<32xbf16> -> vector<16xf32>
        %unpack3A_524 = tpu.unpack_subelements %bitcast3A_521, 0 {pack_format = #tpu.pack_format<interleaved>} : vector<32xbf16> -> vector<16xf32>
        %unpack3A_525 = tpu.unpack_subelements %bitcast3A_521, 1 {pack_format = #tpu.pack_format<interleaved>} : vector<32xbf16> -> vector<16xf32>
        %get3A_526 = arith.index_cast %add3A_513 : i32 to index
        %get3A_527 = arith.constant 0 : index
        %get3A_528 = tpu.vector_load %arg14[%get3A_526, %get3A_527] {strides = array<i32>} : memref<128x128xf32, #tpu.memory_space<vmem>>, vector<16xf32>,
        %mul3A_529 = arith.mulf %unpack3A_522, %get3A_528 : vector<16xf32>
        %add3A_530 = arith.addf %add3A_489, %mul3A_529 : vector<16xf32>
        %get3A_531 = arith.index_cast %add3A_513 : i32 to index
        %get3A_532 = arith.constant 32 : index
        %get3A_533 = tpu.vector_load %arg14[%get3A_531, %get3A_532] {strides = array<i32>} : memref<128x128xf32, #tpu.memory_space<vmem>>, vector<16xf32>,
        %mul3A_534 = arith.mulf %unpack3A_523, %get3A_533 : vector<16xf32>
        %add3A_535 = arith.addf %add3A_530, %mul3A_534 : vector<16xf32>
        %get3A_536 = arith.index_cast %add3A_513 : i32 to index
        %get3A_537 = arith.constant 64 : index
        %get3A_538 = tpu.vector_load %arg14[%get3A_536, %get3A_537] {strides = array<i32>} : memref<128x128xf32, #tpu.memory_space<vmem>>, vector<16xf32>,
        %mul3A_539 = arith.mulf %unpack3A_524, %get3A_538 : vector<16xf32>
        %add3A_540 = arith.addf %add3A_535, %mul3A_539 : vector<16xf32>
        %get3A_541 = arith.index_cast %add3A_513 : i32 to index
        %get3A_542 = arith.constant 96 : index
        %get3A_543 = tpu.vector_load %arg14[%get3A_541, %get3A_542] {strides = array<i32>} : memref<128x128xf32, #tpu.memory_space<vmem>>, vector<16xf32>,
        %mul3A_544 = arith.mulf %unpack3A_525, %get3A_543 : vector<16xf32>
        %add3A_545 = arith.addf %add3A_540, %mul3A_544 : vector<16xf32>
        %get3A_546 = arith.index_cast %add3A_513 : i32 to index
        %get3A_547 = arith.constant 16 : index
        %get3A_548 = tpu.vector_load %arg14[%get3A_546, %get3A_547] {strides = array<i32>} : memref<128x128xf32, #tpu.memory_space<vmem>>, vector<16xf32>,
        %mul3A_549 = arith.mulf %unpack3A_522, %get3A_548 : vector<16xf32>
        %add3A_550 = arith.addf %add3A_509, %mul3A_549 : vector<16xf32>
        %get3A_551 = arith.index_cast %add3A_513 : i32 to index
        %get3A_552 = arith.constant 48 : index
        %get3A_553 = tpu.vector_load %arg14[%get3A_551, %get3A_552] {strides = array<i32>} : memref<128x128xf32, #tpu.memory_space<vmem>>, vector<16xf32>,
        %mul3A_554 = arith.mulf %unpack3A_523, %get3A_553 : vector<16xf32>
        %add3A_555 = arith.addf %add3A_550, %mul3A_554 : vector<16xf32>
        %get3A_556 = arith.index_cast %add3A_513 : i32 to index
        %get3A_557 = arith.constant 80 : index
        %get3A_558 = tpu.vector_load %arg14[%get3A_556, %get3A_557] {strides = array<i32>} : memref<128x128xf32, #tpu.memory_space<vmem>>, vector<16xf32>,
        %mul3A_559 = arith.mulf %unpack3A_524, %get3A_558 : vector<16xf32>
        %add3A_560 = arith.addf %add3A_555, %mul3A_559 : vector<16xf32>
        %get3A_561 = arith.index_cast %add3A_513 : i32 to index
        %get3A_562 = arith.constant 112 : index
        %get3A_563 = tpu.vector_load %arg14[%get3A_561, %get3A_562] {strides = array<i32>} : memref<128x128xf32, #tpu.memory_space<vmem>>, vector<16xf32>,
        %mul3A_564 = arith.mulf %unpack3A_525, %get3A_563 : vector<16xf32>
        %add3A_565 = arith.addf %add3A_560, %mul3A_564 : vector<16xf32>
        %mul3A_566 = arith.constant 16 : i32
        %mul3A_567 = arith.muli %add3A_230, %mul3A_566 : i32
        %add3A_568 = arith.constant 6 : i32
        %add3A_569 = arith.addi %mul3A_567, %add3A_568 : i32
        %broadcast_in_dim3A_570 = vector.broadcast %add3A_569 : i32 to vector<16xi32>
        %gather3A_571 = tpu.vector_load_idx %arg10[%broadcast_in_dim3A_570] : memref<256xi32, #tpu.memory_space<vmem>>[vector<16xi32>], vector<16xi32>,
        %bitcast3A_572 = vector.bitcast %gather3A_571 : vector<16xi32> to vector<32xbf16>
        %add3A_573 = arith.constant 128 : i32
        %add3A_574 = vector.broadcast %add3A_573 : i32 to vector<16xi32>
        %add3A_575 = arith.addi %broadcast_in_dim3A_570, %add3A_574 : vector<16xi32>
        %gather3A_576 = tpu.vector_load_idx %arg10[%add3A_575] : memref<256xi32, #tpu.memory_space<vmem>>[vector<16xi32>], vector<16xi32>,
        %bitcast3A_577 = vector.bitcast %gather3A_576 : vector<16xi32> to vector<32xbf16>
        %unpack3A_578 = tpu.unpack_subelements %bitcast3A_572, 0 {pack_format = #tpu.pack_format<interleaved>} : vector<32xbf16> -> vector<16xf32>
        %unpack3A_579 = tpu.unpack_subelements %bitcast3A_572, 1 {pack_format = #tpu.pack_format<interleaved>} : vector<32xbf16> -> vector<16xf32>
        %unpack3A_580 = tpu.unpack_subelements %bitcast3A_577, 0 {pack_format = #tpu.pack_format<interleaved>} : vector<32xbf16> -> vector<16xf32>
        %unpack3A_581 = tpu.unpack_subelements %bitcast3A_577, 1 {pack_format = #tpu.pack_format<interleaved>} : vector<32xbf16> -> vector<16xf32>
        %get3A_582 = arith.index_cast %add3A_569 : i32 to index
        %get3A_583 = arith.constant 0 : index
        %get3A_584 = tpu.vector_load %arg14[%get3A_582, %get3A_583] {strides = array<i32>} : memref<128x128xf32, #tpu.memory_space<vmem>>, vector<16xf32>,
        %mul3A_585 = arith.mulf %unpack3A_578, %get3A_584 : vector<16xf32>
        %add3A_586 = arith.addf %add3A_545, %mul3A_585 : vector<16xf32>
        %get3A_587 = arith.index_cast %add3A_569 : i32 to index
        %get3A_588 = arith.constant 32 : index
        %get3A_589 = tpu.vector_load %arg14[%get3A_587, %get3A_588] {strides = array<i32>} : memref<128x128xf32, #tpu.memory_space<vmem>>, vector<16xf32>,
        %mul3A_590 = arith.mulf %unpack3A_579, %get3A_589 : vector<16xf32>
        %add3A_591 = arith.addf %add3A_586, %mul3A_590 : vector<16xf32>
        %get3A_592 = arith.index_cast %add3A_569 : i32 to index
        %get3A_593 = arith.constant 64 : index
        %get3A_594 = tpu.vector_load %arg14[%get3A_592, %get3A_593] {strides = array<i32>} : memref<128x128xf32, #tpu.memory_space<vmem>>, vector<16xf32>,
        %mul3A_595 = arith.mulf %unpack3A_580, %get3A_594 : vector<16xf32>
        %add3A_596 = arith.addf %add3A_591, %mul3A_595 : vector<16xf32>
        %get3A_597 = arith.index_cast %add3A_569 : i32 to index
        %get3A_598 = arith.constant 96 : index
        %get3A_599 = tpu.vector_load %arg14[%get3A_597, %get3A_598] {strides = array<i32>} : memref<128x128xf32, #tpu.memory_space<vmem>>, vector<16xf32>,
        %mul3A_600 = arith.mulf %unpack3A_581, %get3A_599 : vector<16xf32>
        %add3A_601 = arith.addf %add3A_596, %mul3A_600 : vector<16xf32>
        %get3A_602 = arith.index_cast %add3A_569 : i32 to index
        %get3A_603 = arith.constant 16 : index
        %get3A_604 = tpu.vector_load %arg14[%get3A_602, %get3A_603] {strides = array<i32>} : memref<128x128xf32, #tpu.memory_space<vmem>>, vector<16xf32>,
        %mul3A_605 = arith.mulf %unpack3A_578, %get3A_604 : vector<16xf32>
        %add3A_606 = arith.addf %add3A_565, %mul3A_605 : vector<16xf32>
        %get3A_607 = arith.index_cast %add3A_569 : i32 to index
        %get3A_608 = arith.constant 48 : index
        %get3A_609 = tpu.vector_load %arg14[%get3A_607, %get3A_608] {strides = array<i32>} : memref<128x128xf32, #tpu.memory_space<vmem>>, vector<16xf32>,
        %mul3A_610 = arith.mulf %unpack3A_579, %get3A_609 : vector<16xf32>
        %add3A_611 = arith.addf %add3A_606, %mul3A_610 : vector<16xf32>
        %get3A_612 = arith.index_cast %add3A_569 : i32 to index
        %get3A_613 = arith.constant 80 : index
        %get3A_614 = tpu.vector_load %arg14[%get3A_612, %get3A_613] {strides = array<i32>} : memref<128x128xf32, #tpu.memory_space<vmem>>, vector<16xf32>,
        %mul3A_615 = arith.mulf %unpack3A_580, %get3A_614 : vector<16xf32>
        %add3A_616 = arith.addf %add3A_611, %mul3A_615 : vector<16xf32>
        %get3A_617 = arith.index_cast %add3A_569 : i32 to index
        %get3A_618 = arith.constant 112 : index
        %get3A_619 = tpu.vector_load %arg14[%get3A_617, %get3A_618] {strides = array<i32>} : memref<128x128xf32, #tpu.memory_space<vmem>>, vector<16xf32>,
        %mul3A_620 = arith.mulf %unpack3A_581, %get3A_619 : vector<16xf32>
        %add3A_621 = arith.addf %add3A_616, %mul3A_620 : vector<16xf32>
        %mul3A_622 = arith.constant 16 : i32
        %mul3A_623 = arith.muli %add3A_230, %mul3A_622 : i32
        %add3A_624 = arith.constant 7 : i32
        %add3A_625 = arith.addi %mul3A_623, %add3A_624 : i32
        %broadcast_in_dim3A_626 = vector.broadcast %add3A_625 : i32 to vector<16xi32>
        %gather3A_627 = tpu.vector_load_idx %arg10[%broadcast_in_dim3A_626] : memref<256xi32, #tpu.memory_space<vmem>>[vector<16xi32>], vector<16xi32>,
        %bitcast3A_628 = vector.bitcast %gather3A_627 : vector<16xi32> to vector<32xbf16>
        %add3A_629 = arith.constant 128 : i32
        %add3A_630 = vector.broadcast %add3A_629 : i32 to vector<16xi32>
        %add3A_631 = arith.addi %broadcast_in_dim3A_626, %add3A_630 : vector<16xi32>
        %gather3A_632 = tpu.vector_load_idx %arg10[%add3A_631] : memref<256xi32, #tpu.memory_space<vmem>>[vector<16xi32>], vector<16xi32>,
        %bitcast3A_633 = vector.bitcast %gather3A_632 : vector<16xi32> to vector<32xbf16>
        %unpack3A_634 = tpu.unpack_subelements %bitcast3A_628, 0 {pack_format = #tpu.pack_format<interleaved>} : vector<32xbf16> -> vector<16xf32>
        %unpack3A_635 = tpu.unpack_subelements %bitcast3A_628, 1 {pack_format = #tpu.pack_format<interleaved>} : vector<32xbf16> -> vector<16xf32>
        %unpack3A_636 = tpu.unpack_subelements %bitcast3A_633, 0 {pack_format = #tpu.pack_format<interleaved>} : vector<32xbf16> -> vector<16xf32>
        %unpack3A_637 = tpu.unpack_subelements %bitcast3A_633, 1 {pack_format = #tpu.pack_format<interleaved>} : vector<32xbf16> -> vector<16xf32>
        %get3A_638 = arith.index_cast %add3A_625 : i32 to index
        %get3A_639 = arith.constant 0 : index
        %get3A_640 = tpu.vector_load %arg14[%get3A_638, %get3A_639] {strides = array<i32>} : memref<128x128xf32, #tpu.memory_space<vmem>>, vector<16xf32>,
        %mul3A_641 = arith.mulf %unpack3A_634, %get3A_640 : vector<16xf32>
        %add3A_642 = arith.addf %add3A_601, %mul3A_641 : vector<16xf32>
        %get3A_643 = arith.index_cast %add3A_625 : i32 to index
        %get3A_644 = arith.constant 32 : index
        %get3A_645 = tpu.vector_load %arg14[%get3A_643, %get3A_644] {strides = array<i32>} : memref<128x128xf32, #tpu.memory_space<vmem>>, vector<16xf32>,
        %mul3A_646 = arith.mulf %unpack3A_635, %get3A_645 : vector<16xf32>
        %add3A_647 = arith.addf %add3A_642, %mul3A_646 : vector<16xf32>
        %get3A_648 = arith.index_cast %add3A_625 : i32 to index
        %get3A_649 = arith.constant 64 : index
        %get3A_650 = tpu.vector_load %arg14[%get3A_648, %get3A_649] {strides = array<i32>} : memref<128x128xf32, #tpu.memory_space<vmem>>, vector<16xf32>,
        %mul3A_651 = arith.mulf %unpack3A_636, %get3A_650 : vector<16xf32>
        %add3A_652 = arith.addf %add3A_647, %mul3A_651 : vector<16xf32>
        %get3A_653 = arith.index_cast %add3A_625 : i32 to index
        %get3A_654 = arith.constant 96 : index
        %get3A_655 = tpu.vector_load %arg14[%get3A_653, %get3A_654] {strides = array<i32>} : memref<128x128xf32, #tpu.memory_space<vmem>>, vector<16xf32>,
        %mul3A_656 = arith.mulf %unpack3A_637, %get3A_655 : vector<16xf32>
        %add3A_657 = arith.addf %add3A_652, %mul3A_656 : vector<16xf32>
        %get3A_658 = arith.index_cast %add3A_625 : i32 to index
        %get3A_659 = arith.constant 16 : index
        %get3A_660 = tpu.vector_load %arg14[%get3A_658, %get3A_659] {strides = array<i32>} : memref<128x128xf32, #tpu.memory_space<vmem>>, vector<16xf32>,
        %mul3A_661 = arith.mulf %unpack3A_634, %get3A_660 : vector<16xf32>
        %add3A_662 = arith.addf %add3A_621, %mul3A_661 : vector<16xf32>
        %get3A_663 = arith.index_cast %add3A_625 : i32 to index
        %get3A_664 = arith.constant 48 : index
        %get3A_665 = tpu.vector_load %arg14[%get3A_663, %get3A_664] {strides = array<i32>} : memref<128x128xf32, #tpu.memory_space<vmem>>, vector<16xf32>,
        %mul3A_666 = arith.mulf %unpack3A_635, %get3A_665 : vector<16xf32>
        %add3A_667 = arith.addf %add3A_662, %mul3A_666 : vector<16xf32>
        %get3A_668 = arith.index_cast %add3A_625 : i32 to index
        %get3A_669 = arith.constant 80 : index
        %get3A_670 = tpu.vector_load %arg14[%get3A_668, %get3A_669] {strides = array<i32>} : memref<128x128xf32, #tpu.memory_space<vmem>>, vector<16xf32>,
        %mul3A_671 = arith.mulf %unpack3A_636, %get3A_670 : vector<16xf32>
        %add3A_672 = arith.addf %add3A_667, %mul3A_671 : vector<16xf32>
        %get3A_673 = arith.index_cast %add3A_625 : i32 to index
        %get3A_674 = arith.constant 112 : index
        %get3A_675 = tpu.vector_load %arg14[%get3A_673, %get3A_674] {strides = array<i32>} : memref<128x128xf32, #tpu.memory_space<vmem>>, vector<16xf32>,
        %mul3A_676 = arith.mulf %unpack3A_637, %get3A_675 : vector<16xf32>
        %add3A_677 = arith.addf %add3A_672, %mul3A_676 : vector<16xf32>
        %mul3A_678 = arith.constant 16 : i32
        %mul3A_679 = arith.muli %add3A_230, %mul3A_678 : i32
        %add3A_680 = arith.constant 8 : i32
        %add3A_681 = arith.addi %mul3A_679, %add3A_680 : i32
        %broadcast_in_dim3A_682 = vector.broadcast %add3A_681 : i32 to vector<16xi32>
        %gather3A_683 = tpu.vector_load_idx %arg10[%broadcast_in_dim3A_682] : memref<256xi32, #tpu.memory_space<vmem>>[vector<16xi32>], vector<16xi32>,
        %bitcast3A_684 = vector.bitcast %gather3A_683 : vector<16xi32> to vector<32xbf16>
        %add3A_685 = arith.constant 128 : i32
        %add3A_686 = vector.broadcast %add3A_685 : i32 to vector<16xi32>
        %add3A_687 = arith.addi %broadcast_in_dim3A_682, %add3A_686 : vector<16xi32>
        %gather3A_688 = tpu.vector_load_idx %arg10[%add3A_687] : memref<256xi32, #tpu.memory_space<vmem>>[vector<16xi32>], vector<16xi32>,
        %bitcast3A_689 = vector.bitcast %gather3A_688 : vector<16xi32> to vector<32xbf16>
        %unpack3A_690 = tpu.unpack_subelements %bitcast3A_684, 0 {pack_format = #tpu.pack_format<interleaved>} : vector<32xbf16> -> vector<16xf32>
        %unpack3A_691 = tpu.unpack_subelements %bitcast3A_684, 1 {pack_format = #tpu.pack_format<interleaved>} : vector<32xbf16> -> vector<16xf32>
        %unpack3A_692 = tpu.unpack_subelements %bitcast3A_689, 0 {pack_format = #tpu.pack_format<interleaved>} : vector<32xbf16> -> vector<16xf32>
        %unpack3A_693 = tpu.unpack_subelements %bitcast3A_689, 1 {pack_format = #tpu.pack_format<interleaved>} : vector<32xbf16> -> vector<16xf32>
        %get3A_694 = arith.index_cast %add3A_681 : i32 to index
        %get3A_695 = arith.constant 0 : index
        %get3A_696 = tpu.vector_load %arg14[%get3A_694, %get3A_695] {strides = array<i32>} : memref<128x128xf32, #tpu.memory_space<vmem>>, vector<16xf32>,
        %mul3A_697 = arith.mulf %unpack3A_690, %get3A_696 : vector<16xf32>
        %add3A_698 = arith.addf %add3A_657, %mul3A_697 : vector<16xf32>
        %get3A_699 = arith.index_cast %add3A_681 : i32 to index
        %get3A_700 = arith.constant 32 : index
        %get3A_701 = tpu.vector_load %arg14[%get3A_699, %get3A_700] {strides = array<i32>} : memref<128x128xf32, #tpu.memory_space<vmem>>, vector<16xf32>,
        %mul3A_702 = arith.mulf %unpack3A_691, %get3A_701 : vector<16xf32>
        %add3A_703 = arith.addf %add3A_698, %mul3A_702 : vector<16xf32>
        %get3A_704 = arith.index_cast %add3A_681 : i32 to index
        %get3A_705 = arith.constant 64 : index
        %get3A_706 = tpu.vector_load %arg14[%get3A_704, %get3A_705] {strides = array<i32>} : memref<128x128xf32, #tpu.memory_space<vmem>>, vector<16xf32>,
        %mul3A_707 = arith.mulf %unpack3A_692, %get3A_706 : vector<16xf32>
        %add3A_708 = arith.addf %add3A_703, %mul3A_707 : vector<16xf32>
        %get3A_709 = arith.index_cast %add3A_681 : i32 to index
        %get3A_710 = arith.constant 96 : index
        %get3A_711 = tpu.vector_load %arg14[%get3A_709, %get3A_710] {strides = array<i32>} : memref<128x128xf32, #tpu.memory_space<vmem>>, vector<16xf32>,
        %mul3A_712 = arith.mulf %unpack3A_693, %get3A_711 : vector<16xf32>
        %add3A_713 = arith.addf %add3A_708, %mul3A_712 : vector<16xf32>
        %get3A_714 = arith.index_cast %add3A_681 : i32 to index
        %get3A_715 = arith.constant 16 : index
        %get3A_716 = tpu.vector_load %arg14[%get3A_714, %get3A_715] {strides = array<i32>} : memref<128x128xf32, #tpu.memory_space<vmem>>, vector<16xf32>,
        %mul3A_717 = arith.mulf %unpack3A_690, %get3A_716 : vector<16xf32>
        %add3A_718 = arith.addf %add3A_677, %mul3A_717 : vector<16xf32>
        %get3A_719 = arith.index_cast %add3A_681 : i32 to index
        %get3A_720 = arith.constant 48 : index
        %get3A_721 = tpu.vector_load %arg14[%get3A_719, %get3A_720] {strides = array<i32>} : memref<128x128xf32, #tpu.memory_space<vmem>>, vector<16xf32>,
        %mul3A_722 = arith.mulf %unpack3A_691, %get3A_721 : vector<16xf32>
        %add3A_723 = arith.addf %add3A_718, %mul3A_722 : vector<16xf32>
        %get3A_724 = arith.index_cast %add3A_681 : i32 to index
        %get3A_725 = arith.constant 80 : index
        %get3A_726 = tpu.vector_load %arg14[%get3A_724, %get3A_725] {strides = array<i32>} : memref<128x128xf32, #tpu.memory_space<vmem>>, vector<16xf32>,
        %mul3A_727 = arith.mulf %unpack3A_692, %get3A_726 : vector<16xf32>
        %add3A_728 = arith.addf %add3A_723, %mul3A_727 : vector<16xf32>
        %get3A_729 = arith.index_cast %add3A_681 : i32 to index
        %get3A_730 = arith.constant 112 : index
        %get3A_731 = tpu.vector_load %arg14[%get3A_729, %get3A_730] {strides = array<i32>} : memref<128x128xf32, #tpu.memory_space<vmem>>, vector<16xf32>,
        %mul3A_732 = arith.mulf %unpack3A_693, %get3A_731 : vector<16xf32>
        %add3A_733 = arith.addf %add3A_728, %mul3A_732 : vector<16xf32>
        %mul3A_734 = arith.constant 16 : i32
        %mul3A_735 = arith.muli %add3A_230, %mul3A_734 : i32
        %add3A_736 = arith.constant 9 : i32
        %add3A_737 = arith.addi %mul3A_735, %add3A_736 : i32
        %broadcast_in_dim3A_738 = vector.broadcast %add3A_737 : i32 to vector<16xi32>
        %gather3A_739 = tpu.vector_load_idx %arg10[%broadcast_in_dim3A_738] : memref<256xi32, #tpu.memory_space<vmem>>[vector<16xi32>], vector<16xi32>,
        %bitcast3A_740 = vector.bitcast %gather3A_739 : vector<16xi32> to vector<32xbf16>
        %add3A_741 = arith.constant 128 : i32
        %add3A_742 = vector.broadcast %add3A_741 : i32 to vector<16xi32>
        %add3A_743 = arith.addi %broadcast_in_dim3A_738, %add3A_742 : vector<16xi32>
        %gather3A_744 = tpu.vector_load_idx %arg10[%add3A_743] : memref<256xi32, #tpu.memory_space<vmem>>[vector<16xi32>], vector<16xi32>,
        %bitcast3A_745 = vector.bitcast %gather3A_744 : vector<16xi32> to vector<32xbf16>
        %unpack3A_746 = tpu.unpack_subelements %bitcast3A_740, 0 {pack_format = #tpu.pack_format<interleaved>} : vector<32xbf16> -> vector<16xf32>
        %unpack3A_747 = tpu.unpack_subelements %bitcast3A_740, 1 {pack_format = #tpu.pack_format<interleaved>} : vector<32xbf16> -> vector<16xf32>
        %unpack3A_748 = tpu.unpack_subelements %bitcast3A_745, 0 {pack_format = #tpu.pack_format<interleaved>} : vector<32xbf16> -> vector<16xf32>
        %unpack3A_749 = tpu.unpack_subelements %bitcast3A_745, 1 {pack_format = #tpu.pack_format<interleaved>} : vector<32xbf16> -> vector<16xf32>
        %get3A_750 = arith.index_cast %add3A_737 : i32 to index
        %get3A_751 = arith.constant 0 : index
        %get3A_752 = tpu.vector_load %arg14[%get3A_750, %get3A_751] {strides = array<i32>} : memref<128x128xf32, #tpu.memory_space<vmem>>, vector<16xf32>,
        %mul3A_753 = arith.mulf %unpack3A_746, %get3A_752 : vector<16xf32>
        %add3A_754 = arith.addf %add3A_713, %mul3A_753 : vector<16xf32>
        %get3A_755 = arith.index_cast %add3A_737 : i32 to index
        %get3A_756 = arith.constant 32 : index
        %get3A_757 = tpu.vector_load %arg14[%get3A_755, %get3A_756] {strides = array<i32>} : memref<128x128xf32, #tpu.memory_space<vmem>>, vector<16xf32>,
        %mul3A_758 = arith.mulf %unpack3A_747, %get3A_757 : vector<16xf32>
        %add3A_759 = arith.addf %add3A_754, %mul3A_758 : vector<16xf32>
        %get3A_760 = arith.index_cast %add3A_737 : i32 to index
        %get3A_761 = arith.constant 64 : index
        %get3A_762 = tpu.vector_load %arg14[%get3A_760, %get3A_761] {strides = array<i32>} : memref<128x128xf32, #tpu.memory_space<vmem>>, vector<16xf32>,
        %mul3A_763 = arith.mulf %unpack3A_748, %get3A_762 : vector<16xf32>
        %add3A_764 = arith.addf %add3A_759, %mul3A_763 : vector<16xf32>
        %get3A_765 = arith.index_cast %add3A_737 : i32 to index
        %get3A_766 = arith.constant 96 : index
        %get3A_767 = tpu.vector_load %arg14[%get3A_765, %get3A_766] {strides = array<i32>} : memref<128x128xf32, #tpu.memory_space<vmem>>, vector<16xf32>,
        %mul3A_768 = arith.mulf %unpack3A_749, %get3A_767 : vector<16xf32>
        %add3A_769 = arith.addf %add3A_764, %mul3A_768 : vector<16xf32>
        %get3A_770 = arith.index_cast %add3A_737 : i32 to index
        %get3A_771 = arith.constant 16 : index
        %get3A_772 = tpu.vector_load %arg14[%get3A_770, %get3A_771] {strides = array<i32>} : memref<128x128xf32, #tpu.memory_space<vmem>>, vector<16xf32>,
        %mul3A_773 = arith.mulf %unpack3A_746, %get3A_772 : vector<16xf32>
        %add3A_774 = arith.addf %add3A_733, %mul3A_773 : vector<16xf32>
        %get3A_775 = arith.index_cast %add3A_737 : i32 to index
        %get3A_776 = arith.constant 48 : index
        %get3A_777 = tpu.vector_load %arg14[%get3A_775, %get3A_776] {strides = array<i32>} : memref<128x128xf32, #tpu.memory_space<vmem>>, vector<16xf32>,
        %mul3A_778 = arith.mulf %unpack3A_747, %get3A_777 : vector<16xf32>
        %add3A_779 = arith.addf %add3A_774, %mul3A_778 : vector<16xf32>
        %get3A_780 = arith.index_cast %add3A_737 : i32 to index
        %get3A_781 = arith.constant 80 : index
        %get3A_782 = tpu.vector_load %arg14[%get3A_780, %get3A_781] {strides = array<i32>} : memref<128x128xf32, #tpu.memory_space<vmem>>, vector<16xf32>,
        %mul3A_783 = arith.mulf %unpack3A_748, %get3A_782 : vector<16xf32>
        %add3A_784 = arith.addf %add3A_779, %mul3A_783 : vector<16xf32>
        %get3A_785 = arith.index_cast %add3A_737 : i32 to index
        %get3A_786 = arith.constant 112 : index
        %get3A_787 = tpu.vector_load %arg14[%get3A_785, %get3A_786] {strides = array<i32>} : memref<128x128xf32, #tpu.memory_space<vmem>>, vector<16xf32>,
        %mul3A_788 = arith.mulf %unpack3A_749, %get3A_787 : vector<16xf32>
        %add3A_789 = arith.addf %add3A_784, %mul3A_788 : vector<16xf32>
        %mul3A_790 = arith.constant 16 : i32
        %mul3A_791 = arith.muli %add3A_230, %mul3A_790 : i32
        %add3A_792 = arith.constant 10 : i32
        %add3A_793 = arith.addi %mul3A_791, %add3A_792 : i32
        %broadcast_in_dim3A_794 = vector.broadcast %add3A_793 : i32 to vector<16xi32>
        %gather3A_795 = tpu.vector_load_idx %arg10[%broadcast_in_dim3A_794] : memref<256xi32, #tpu.memory_space<vmem>>[vector<16xi32>], vector<16xi32>,
        %bitcast3A_796 = vector.bitcast %gather3A_795 : vector<16xi32> to vector<32xbf16>
        %add3A_797 = arith.constant 128 : i32
        %add3A_798 = vector.broadcast %add3A_797 : i32 to vector<16xi32>
        %add3A_799 = arith.addi %broadcast_in_dim3A_794, %add3A_798 : vector<16xi32>
        %gather3A_800 = tpu.vector_load_idx %arg10[%add3A_799] : memref<256xi32, #tpu.memory_space<vmem>>[vector<16xi32>], vector<16xi32>,
        %bitcast3A_801 = vector.bitcast %gather3A_800 : vector<16xi32> to vector<32xbf16>
        %unpack3A_802 = tpu.unpack_subelements %bitcast3A_796, 0 {pack_format = #tpu.pack_format<interleaved>} : vector<32xbf16> -> vector<16xf32>
        %unpack3A_803 = tpu.unpack_subelements %bitcast3A_796, 1 {pack_format = #tpu.pack_format<interleaved>} : vector<32xbf16> -> vector<16xf32>
        %unpack3A_804 = tpu.unpack_subelements %bitcast3A_801, 0 {pack_format = #tpu.pack_format<interleaved>} : vector<32xbf16> -> vector<16xf32>
        %unpack3A_805 = tpu.unpack_subelements %bitcast3A_801, 1 {pack_format = #tpu.pack_format<interleaved>} : vector<32xbf16> -> vector<16xf32>
        %get3A_806 = arith.index_cast %add3A_793 : i32 to index
        %get3A_807 = arith.constant 0 : index
        %get3A_808 = tpu.vector_load %arg14[%get3A_806, %get3A_807] {strides = array<i32>} : memref<128x128xf32, #tpu.memory_space<vmem>>, vector<16xf32>,
        %mul3A_809 = arith.mulf %unpack3A_802, %get3A_808 : vector<16xf32>
        %add3A_810 = arith.addf %add3A_769, %mul3A_809 : vector<16xf32>
        %get3A_811 = arith.index_cast %add3A_793 : i32 to index
        %get3A_812 = arith.constant 32 : index
        %get3A_813 = tpu.vector_load %arg14[%get3A_811, %get3A_812] {strides = array<i32>} : memref<128x128xf32, #tpu.memory_space<vmem>>, vector<16xf32>,
        %mul3A_814 = arith.mulf %unpack3A_803, %get3A_813 : vector<16xf32>
        %add3A_815 = arith.addf %add3A_810, %mul3A_814 : vector<16xf32>
        %get3A_816 = arith.index_cast %add3A_793 : i32 to index
        %get3A_817 = arith.constant 64 : index
        %get3A_818 = tpu.vector_load %arg14[%get3A_816, %get3A_817] {strides = array<i32>} : memref<128x128xf32, #tpu.memory_space<vmem>>, vector<16xf32>,
        %mul3A_819 = arith.mulf %unpack3A_804, %get3A_818 : vector<16xf32>
        %add3A_820 = arith.addf %add3A_815, %mul3A_819 : vector<16xf32>
        %get3A_821 = arith.index_cast %add3A_793 : i32 to index
        %get3A_822 = arith.constant 96 : index
        %get3A_823 = tpu.vector_load %arg14[%get3A_821, %get3A_822] {strides = array<i32>} : memref<128x128xf32, #tpu.memory_space<vmem>>, vector<16xf32>,
        %mul3A_824 = arith.mulf %unpack3A_805, %get3A_823 : vector<16xf32>
        %add3A_825 = arith.addf %add3A_820, %mul3A_824 : vector<16xf32>
        %get3A_826 = arith.index_cast %add3A_793 : i32 to index
        %get3A_827 = arith.constant 16 : index
        %get3A_828 = tpu.vector_load %arg14[%get3A_826, %get3A_827] {strides = array<i32>} : memref<128x128xf32, #tpu.memory_space<vmem>>, vector<16xf32>,
        %mul3A_829 = arith.mulf %unpack3A_802, %get3A_828 : vector<16xf32>
        %add3A_830 = arith.addf %add3A_789, %mul3A_829 : vector<16xf32>
        %get3A_831 = arith.index_cast %add3A_793 : i32 to index
        %get3A_832 = arith.constant 48 : index
        %get3A_833 = tpu.vector_load %arg14[%get3A_831, %get3A_832] {strides = array<i32>} : memref<128x128xf32, #tpu.memory_space<vmem>>, vector<16xf32>,
        %mul3A_834 = arith.mulf %unpack3A_803, %get3A_833 : vector<16xf32>
        %add3A_835 = arith.addf %add3A_830, %mul3A_834 : vector<16xf32>
        %get3A_836 = arith.index_cast %add3A_793 : i32 to index
        %get3A_837 = arith.constant 80 : index
        %get3A_838 = tpu.vector_load %arg14[%get3A_836, %get3A_837] {strides = array<i32>} : memref<128x128xf32, #tpu.memory_space<vmem>>, vector<16xf32>,
        %mul3A_839 = arith.mulf %unpack3A_804, %get3A_838 : vector<16xf32>
        %add3A_840 = arith.addf %add3A_835, %mul3A_839 : vector<16xf32>
        %get3A_841 = arith.index_cast %add3A_793 : i32 to index
        %get3A_842 = arith.constant 112 : index
        %get3A_843 = tpu.vector_load %arg14[%get3A_841, %get3A_842] {strides = array<i32>} : memref<128x128xf32, #tpu.memory_space<vmem>>, vector<16xf32>,
        %mul3A_844 = arith.mulf %unpack3A_805, %get3A_843 : vector<16xf32>
        %add3A_845 = arith.addf %add3A_840, %mul3A_844 : vector<16xf32>
        %mul3A_846 = arith.constant 16 : i32
        %mul3A_847 = arith.muli %add3A_230, %mul3A_846 : i32
        %add3A_848 = arith.constant 11 : i32
        %add3A_849 = arith.addi %mul3A_847, %add3A_848 : i32
        %broadcast_in_dim3A_850 = vector.broadcast %add3A_849 : i32 to vector<16xi32>
        %gather3A_851 = tpu.vector_load_idx %arg10[%broadcast_in_dim3A_850] : memref<256xi32, #tpu.memory_space<vmem>>[vector<16xi32>], vector<16xi32>,
        %bitcast3A_852 = vector.bitcast %gather3A_851 : vector<16xi32> to vector<32xbf16>
        %add3A_853 = arith.constant 128 : i32
        %add3A_854 = vector.broadcast %add3A_853 : i32 to vector<16xi32>
        %add3A_855 = arith.addi %broadcast_in_dim3A_850, %add3A_854 : vector<16xi32>
        %gather3A_856 = tpu.vector_load_idx %arg10[%add3A_855] : memref<256xi32, #tpu.memory_space<vmem>>[vector<16xi32>], vector<16xi32>,
        %bitcast3A_857 = vector.bitcast %gather3A_856 : vector<16xi32> to vector<32xbf16>
        %unpack3A_858 = tpu.unpack_subelements %bitcast3A_852, 0 {pack_format = #tpu.pack_format<interleaved>} : vector<32xbf16> -> vector<16xf32>
        %unpack3A_859 = tpu.unpack_subelements %bitcast3A_852, 1 {pack_format = #tpu.pack_format<interleaved>} : vector<32xbf16> -> vector<16xf32>
        %unpack3A_860 = tpu.unpack_subelements %bitcast3A_857, 0 {pack_format = #tpu.pack_format<interleaved>} : vector<32xbf16> -> vector<16xf32>
        %unpack3A_861 = tpu.unpack_subelements %bitcast3A_857, 1 {pack_format = #tpu.pack_format<interleaved>} : vector<32xbf16> -> vector<16xf32>
        %get3A_862 = arith.index_cast %add3A_849 : i32 to index
        %get3A_863 = arith.constant 0 : index
        %get3A_864 = tpu.vector_load %arg14[%get3A_862, %get3A_863] {strides = array<i32>} : memref<128x128xf32, #tpu.memory_space<vmem>>, vector<16xf32>,
        %mul3A_865 = arith.mulf %unpack3A_858, %get3A_864 : vector<16xf32>
        %add3A_866 = arith.addf %add3A_825, %mul3A_865 : vector<16xf32>
        %get3A_867 = arith.index_cast %add3A_849 : i32 to index
        %get3A_868 = arith.constant 32 : index
        %get3A_869 = tpu.vector_load %arg14[%get3A_867, %get3A_868] {strides = array<i32>} : memref<128x128xf32, #tpu.memory_space<vmem>>, vector<16xf32>,
        %mul3A_870 = arith.mulf %unpack3A_859, %get3A_869 : vector<16xf32>
        %add3A_871 = arith.addf %add3A_866, %mul3A_870 : vector<16xf32>
        %get3A_872 = arith.index_cast %add3A_849 : i32 to index
        %get3A_873 = arith.constant 64 : index
        %get3A_874 = tpu.vector_load %arg14[%get3A_872, %get3A_873] {strides = array<i32>} : memref<128x128xf32, #tpu.memory_space<vmem>>, vector<16xf32>,
        %mul3A_875 = arith.mulf %unpack3A_860, %get3A_874 : vector<16xf32>
        %add3A_876 = arith.addf %add3A_871, %mul3A_875 : vector<16xf32>
        %get3A_877 = arith.index_cast %add3A_849 : i32 to index
        %get3A_878 = arith.constant 96 : index
        %get3A_879 = tpu.vector_load %arg14[%get3A_877, %get3A_878] {strides = array<i32>} : memref<128x128xf32, #tpu.memory_space<vmem>>, vector<16xf32>,
        %mul3A_880 = arith.mulf %unpack3A_861, %get3A_879 : vector<16xf32>
        %add3A_881 = arith.addf %add3A_876, %mul3A_880 : vector<16xf32>
        %get3A_882 = arith.index_cast %add3A_849 : i32 to index
        %get3A_883 = arith.constant 16 : index
        %get3A_884 = tpu.vector_load %arg14[%get3A_882, %get3A_883] {strides = array<i32>} : memref<128x128xf32, #tpu.memory_space<vmem>>, vector<16xf32>,
        %mul3A_885 = arith.mulf %unpack3A_858, %get3A_884 : vector<16xf32>
        %add3A_886 = arith.addf %add3A_845, %mul3A_885 : vector<16xf32>
        %get3A_887 = arith.index_cast %add3A_849 : i32 to index
        %get3A_888 = arith.constant 48 : index
        %get3A_889 = tpu.vector_load %arg14[%get3A_887, %get3A_888] {strides = array<i32>} : memref<128x128xf32, #tpu.memory_space<vmem>>, vector<16xf32>,
        %mul3A_890 = arith.mulf %unpack3A_859, %get3A_889 : vector<16xf32>
        %add3A_891 = arith.addf %add3A_886, %mul3A_890 : vector<16xf32>
        %get3A_892 = arith.index_cast %add3A_849 : i32 to index
        %get3A_893 = arith.constant 80 : index
        %get3A_894 = tpu.vector_load %arg14[%get3A_892, %get3A_893] {strides = array<i32>} : memref<128x128xf32, #tpu.memory_space<vmem>>, vector<16xf32>,
        %mul3A_895 = arith.mulf %unpack3A_860, %get3A_894 : vector<16xf32>
        %add3A_896 = arith.addf %add3A_891, %mul3A_895 : vector<16xf32>
        %get3A_897 = arith.index_cast %add3A_849 : i32 to index
        %get3A_898 = arith.constant 112 : index
        %get3A_899 = tpu.vector_load %arg14[%get3A_897, %get3A_898] {strides = array<i32>} : memref<128x128xf32, #tpu.memory_space<vmem>>, vector<16xf32>,
        %mul3A_900 = arith.mulf %unpack3A_861, %get3A_899 : vector<16xf32>
        %add3A_901 = arith.addf %add3A_896, %mul3A_900 : vector<16xf32>
        %mul3A_902 = arith.constant 16 : i32
        %mul3A_903 = arith.muli %add3A_230, %mul3A_902 : i32
        %add3A_904 = arith.constant 12 : i32
        %add3A_905 = arith.addi %mul3A_903, %add3A_904 : i32
        %broadcast_in_dim3A_906 = vector.broadcast %add3A_905 : i32 to vector<16xi32>
        %gather3A_907 = tpu.vector_load_idx %arg10[%broadcast_in_dim3A_906] : memref<256xi32, #tpu.memory_space<vmem>>[vector<16xi32>], vector<16xi32>,
        %bitcast3A_908 = vector.bitcast %gather3A_907 : vector<16xi32> to vector<32xbf16>
        %add3A_909 = arith.constant 128 : i32
        %add3A_910 = vector.broadcast %add3A_909 : i32 to vector<16xi32>
        %add3A_911 = arith.addi %broadcast_in_dim3A_906, %add3A_910 : vector<16xi32>
        %gather3A_912 = tpu.vector_load_idx %arg10[%add3A_911] : memref<256xi32, #tpu.memory_space<vmem>>[vector<16xi32>], vector<16xi32>,
        %bitcast3A_913 = vector.bitcast %gather3A_912 : vector<16xi32> to vector<32xbf16>
        %unpack3A_914 = tpu.unpack_subelements %bitcast3A_908, 0 {pack_format = #tpu.pack_format<interleaved>} : vector<32xbf16> -> vector<16xf32>
        %unpack3A_915 = tpu.unpack_subelements %bitcast3A_908, 1 {pack_format = #tpu.pack_format<interleaved>} : vector<32xbf16> -> vector<16xf32>
        %unpack3A_916 = tpu.unpack_subelements %bitcast3A_913, 0 {pack_format = #tpu.pack_format<interleaved>} : vector<32xbf16> -> vector<16xf32>
        %unpack3A_917 = tpu.unpack_subelements %bitcast3A_913, 1 {pack_format = #tpu.pack_format<interleaved>} : vector<32xbf16> -> vector<16xf32>
        %get3A_918 = arith.index_cast %add3A_905 : i32 to index
        %get3A_919 = arith.constant 0 : index
        %get3A_920 = tpu.vector_load %arg14[%get3A_918, %get3A_919] {strides = array<i32>} : memref<128x128xf32, #tpu.memory_space<vmem>>, vector<16xf32>,
        %mul3A_921 = arith.mulf %unpack3A_914, %get3A_920 : vector<16xf32>
        %add3A_922 = arith.addf %add3A_881, %mul3A_921 : vector<16xf32>
        %get3A_923 = arith.index_cast %add3A_905 : i32 to index
        %get3A_924 = arith.constant 32 : index
        %get3A_925 = tpu.vector_load %arg14[%get3A_923, %get3A_924] {strides = array<i32>} : memref<128x128xf32, #tpu.memory_space<vmem>>, vector<16xf32>,
        %mul3A_926 = arith.mulf %unpack3A_915, %get3A_925 : vector<16xf32>
        %add3A_927 = arith.addf %add3A_922, %mul3A_926 : vector<16xf32>
        %get3A_928 = arith.index_cast %add3A_905 : i32 to index
        %get3A_929 = arith.constant 64 : index
        %get3A_930 = tpu.vector_load %arg14[%get3A_928, %get3A_929] {strides = array<i32>} : memref<128x128xf32, #tpu.memory_space<vmem>>, vector<16xf32>,
        %mul3A_931 = arith.mulf %unpack3A_916, %get3A_930 : vector<16xf32>
        %add3A_932 = arith.addf %add3A_927, %mul3A_931 : vector<16xf32>
        %get3A_933 = arith.index_cast %add3A_905 : i32 to index
        %get3A_934 = arith.constant 96 : index
        %get3A_935 = tpu.vector_load %arg14[%get3A_933, %get3A_934] {strides = array<i32>} : memref<128x128xf32, #tpu.memory_space<vmem>>, vector<16xf32>,
        %mul3A_936 = arith.mulf %unpack3A_917, %get3A_935 : vector<16xf32>
        %add3A_937 = arith.addf %add3A_932, %mul3A_936 : vector<16xf32>
        %get3A_938 = arith.index_cast %add3A_905 : i32 to index
        %get3A_939 = arith.constant 16 : index
        %get3A_940 = tpu.vector_load %arg14[%get3A_938, %get3A_939] {strides = array<i32>} : memref<128x128xf32, #tpu.memory_space<vmem>>, vector<16xf32>,
        %mul3A_941 = arith.mulf %unpack3A_914, %get3A_940 : vector<16xf32>
        %add3A_942 = arith.addf %add3A_901, %mul3A_941 : vector<16xf32>
        %get3A_943 = arith.index_cast %add3A_905 : i32 to index
        %get3A_944 = arith.constant 48 : index
        %get3A_945 = tpu.vector_load %arg14[%get3A_943, %get3A_944] {strides = array<i32>} : memref<128x128xf32, #tpu.memory_space<vmem>>, vector<16xf32>,
        %mul3A_946 = arith.mulf %unpack3A_915, %get3A_945 : vector<16xf32>
        %add3A_947 = arith.addf %add3A_942, %mul3A_946 : vector<16xf32>
        %get3A_948 = arith.index_cast %add3A_905 : i32 to index
        %get3A_949 = arith.constant 80 : index
        %get3A_950 = tpu.vector_load %arg14[%get3A_948, %get3A_949] {strides = array<i32>} : memref<128x128xf32, #tpu.memory_space<vmem>>, vector<16xf32>,
        %mul3A_951 = arith.mulf %unpack3A_916, %get3A_950 : vector<16xf32>
        %add3A_952 = arith.addf %add3A_947, %mul3A_951 : vector<16xf32>
        %get3A_953 = arith.index_cast %add3A_905 : i32 to index
        %get3A_954 = arith.constant 112 : index
        %get3A_955 = tpu.vector_load %arg14[%get3A_953, %get3A_954] {strides = array<i32>} : memref<128x128xf32, #tpu.memory_space<vmem>>, vector<16xf32>,
        %mul3A_956 = arith.mulf %unpack3A_917, %get3A_955 : vector<16xf32>
        %add3A_957 = arith.addf %add3A_952, %mul3A_956 : vector<16xf32>
        %mul3A_958 = arith.constant 16 : i32
        %mul3A_959 = arith.muli %add3A_230, %mul3A_958 : i32
        %add3A_960 = arith.constant 13 : i32
        %add3A_961 = arith.addi %mul3A_959, %add3A_960 : i32
        %broadcast_in_dim3A_962 = vector.broadcast %add3A_961 : i32 to vector<16xi32>
        %gather3A_963 = tpu.vector_load_idx %arg10[%broadcast_in_dim3A_962] : memref<256xi32, #tpu.memory_space<vmem>>[vector<16xi32>], vector<16xi32>,
        %bitcast3A_964 = vector.bitcast %gather3A_963 : vector<16xi32> to vector<32xbf16>
        %add3A_965 = arith.constant 128 : i32
        %add3A_966 = vector.broadcast %add3A_965 : i32 to vector<16xi32>
        %add3A_967 = arith.addi %broadcast_in_dim3A_962, %add3A_966 : vector<16xi32>
        %gather3A_968 = tpu.vector_load_idx %arg10[%add3A_967] : memref<256xi32, #tpu.memory_space<vmem>>[vector<16xi32>], vector<16xi32>,
        %bitcast3A_969 = vector.bitcast %gather3A_968 : vector<16xi32> to vector<32xbf16>
        %unpack3A_970 = tpu.unpack_subelements %bitcast3A_964, 0 {pack_format = #tpu.pack_format<interleaved>} : vector<32xbf16> -> vector<16xf32>
        %unpack3A_971 = tpu.unpack_subelements %bitcast3A_964, 1 {pack_format = #tpu.pack_format<interleaved>} : vector<32xbf16> -> vector<16xf32>
        %unpack3A_972 = tpu.unpack_subelements %bitcast3A_969, 0 {pack_format = #tpu.pack_format<interleaved>} : vector<32xbf16> -> vector<16xf32>
        %unpack3A_973 = tpu.unpack_subelements %bitcast3A_969, 1 {pack_format = #tpu.pack_format<interleaved>} : vector<32xbf16> -> vector<16xf32>
        %get3A_974 = arith.index_cast %add3A_961 : i32 to index
        %get3A_975 = arith.constant 0 : index
        %get3A_976 = tpu.vector_load %arg14[%get3A_974, %get3A_975] {strides = array<i32>} : memref<128x128xf32, #tpu.memory_space<vmem>>, vector<16xf32>,
        %mul3A_977 = arith.mulf %unpack3A_970, %get3A_976 : vector<16xf32>
        %add3A_978 = arith.addf %add3A_937, %mul3A_977 : vector<16xf32>
        %get3A_979 = arith.index_cast %add3A_961 : i32 to index
        %get3A_980 = arith.constant 32 : index
        %get3A_981 = tpu.vector_load %arg14[%get3A_979, %get3A_980] {strides = array<i32>} : memref<128x128xf32, #tpu.memory_space<vmem>>, vector<16xf32>,
        %mul3A_982 = arith.mulf %unpack3A_971, %get3A_981 : vector<16xf32>
        %add3A_983 = arith.addf %add3A_978, %mul3A_982 : vector<16xf32>
        %get3A_984 = arith.index_cast %add3A_961 : i32 to index
        %get3A_985 = arith.constant 64 : index
        %get3A_986 = tpu.vector_load %arg14[%get3A_984, %get3A_985] {strides = array<i32>} : memref<128x128xf32, #tpu.memory_space<vmem>>, vector<16xf32>,
        %mul3A_987 = arith.mulf %unpack3A_972, %get3A_986 : vector<16xf32>
        %add3A_988 = arith.addf %add3A_983, %mul3A_987 : vector<16xf32>
        %get3A_989 = arith.index_cast %add3A_961 : i32 to index
        %get3A_990 = arith.constant 96 : index
        %get3A_991 = tpu.vector_load %arg14[%get3A_989, %get3A_990] {strides = array<i32>} : memref<128x128xf32, #tpu.memory_space<vmem>>, vector<16xf32>,
        %mul3A_992 = arith.mulf %unpack3A_973, %get3A_991 : vector<16xf32>
        %add3A_993 = arith.addf %add3A_988, %mul3A_992 : vector<16xf32>
        %get3A_994 = arith.index_cast %add3A_961 : i32 to index
        %get3A_995 = arith.constant 16 : index
        %get3A_996 = tpu.vector_load %arg14[%get3A_994, %get3A_995] {strides = array<i32>} : memref<128x128xf32, #tpu.memory_space<vmem>>, vector<16xf32>,
        %mul3A_997 = arith.mulf %unpack3A_970, %get3A_996 : vector<16xf32>
        %add3A_998 = arith.addf %add3A_957, %mul3A_997 : vector<16xf32>
        %get3A_999 = arith.index_cast %add3A_961 : i32 to index
        %get3A_1000 = arith.constant 48 : index
        %get3A_1001 = tpu.vector_load %arg14[%get3A_999, %get3A_1000] {strides = array<i32>} : memref<128x128xf32, #tpu.memory_space<vmem>>, vector<16xf32>,
        %mul3A_1002 = arith.mulf %unpack3A_971, %get3A_1001 : vector<16xf32>
        %add3A_1003 = arith.addf %add3A_998, %mul3A_1002 : vector<16xf32>
        %get3A_1004 = arith.index_cast %add3A_961 : i32 to index
        %get3A_1005 = arith.constant 80 : index
        %get3A_1006 = tpu.vector_load %arg14[%get3A_1004, %get3A_1005] {strides = array<i32>} : memref<128x128xf32, #tpu.memory_space<vmem>>, vector<16xf32>,
        %mul3A_1007 = arith.mulf %unpack3A_972, %get3A_1006 : vector<16xf32>
        %add3A_1008 = arith.addf %add3A_1003, %mul3A_1007 : vector<16xf32>
        %get3A_1009 = arith.index_cast %add3A_961 : i32 to index
        %get3A_1010 = arith.constant 112 : index
        %get3A_1011 = tpu.vector_load %arg14[%get3A_1009, %get3A_1010] {strides = array<i32>} : memref<128x128xf32, #tpu.memory_space<vmem>>, vector<16xf32>,
        %mul3A_1012 = arith.mulf %unpack3A_973, %get3A_1011 : vector<16xf32>
        %add3A_1013 = arith.addf %add3A_1008, %mul3A_1012 : vector<16xf32>
        %mul3A_1014 = arith.constant 16 : i32
        %mul3A_1015 = arith.muli %add3A_230, %mul3A_1014 : i32
        %add3A_1016 = arith.constant 14 : i32
        %add3A_1017 = arith.addi %mul3A_1015, %add3A_1016 : i32
        %broadcast_in_dim3A_1018 = vector.broadcast %add3A_1017 : i32 to vector<16xi32>
        %gather3A_1019 = tpu.vector_load_idx %arg10[%broadcast_in_dim3A_1018] : memref<256xi32, #tpu.memory_space<vmem>>[vector<16xi32>], vector<16xi32>,
        %bitcast3A_1020 = vector.bitcast %gather3A_1019 : vector<16xi32> to vector<32xbf16>
        %add3A_1021 = arith.constant 128 : i32
        %add3A_1022 = vector.broadcast %add3A_1021 : i32 to vector<16xi32>
        %add3A_1023 = arith.addi %broadcast_in_dim3A_1018, %add3A_1022 : vector<16xi32>
        %gather3A_1024 = tpu.vector_load_idx %arg10[%add3A_1023] : memref<256xi32, #tpu.memory_space<vmem>>[vector<16xi32>], vector<16xi32>,
        %bitcast3A_1025 = vector.bitcast %gather3A_1024 : vector<16xi32> to vector<32xbf16>
        %unpack3A_1026 = tpu.unpack_subelements %bitcast3A_1020, 0 {pack_format = #tpu.pack_format<interleaved>} : vector<32xbf16> -> vector<16xf32>
        %unpack3A_1027 = tpu.unpack_subelements %bitcast3A_1020, 1 {pack_format = #tpu.pack_format<interleaved>} : vector<32xbf16> -> vector<16xf32>
        %unpack3A_1028 = tpu.unpack_subelements %bitcast3A_1025, 0 {pack_format = #tpu.pack_format<interleaved>} : vector<32xbf16> -> vector<16xf32>
        %unpack3A_1029 = tpu.unpack_subelements %bitcast3A_1025, 1 {pack_format = #tpu.pack_format<interleaved>} : vector<32xbf16> -> vector<16xf32>
        %get3A_1030 = arith.index_cast %add3A_1017 : i32 to index
        %get3A_1031 = arith.constant 0 : index
        %get3A_1032 = tpu.vector_load %arg14[%get3A_1030, %get3A_1031] {strides = array<i32>} : memref<128x128xf32, #tpu.memory_space<vmem>>, vector<16xf32>,
        %mul3A_1033 = arith.mulf %unpack3A_1026, %get3A_1032 : vector<16xf32>
        %add3A_1034 = arith.addf %add3A_993, %mul3A_1033 : vector<16xf32>
        %get3A_1035 = arith.index_cast %add3A_1017 : i32 to index
        %get3A_1036 = arith.constant 32 : index
        %get3A_1037 = tpu.vector_load %arg14[%get3A_1035, %get3A_1036] {strides = array<i32>} : memref<128x128xf32, #tpu.memory_space<vmem>>, vector<16xf32>,
        %mul3A_1038 = arith.mulf %unpack3A_1027, %get3A_1037 : vector<16xf32>
        %add3A_1039 = arith.addf %add3A_1034, %mul3A_1038 : vector<16xf32>
        %get3A_1040 = arith.index_cast %add3A_1017 : i32 to index
        %get3A_1041 = arith.constant 64 : index
        %get3A_1042 = tpu.vector_load %arg14[%get3A_1040, %get3A_1041] {strides = array<i32>} : memref<128x128xf32, #tpu.memory_space<vmem>>, vector<16xf32>,
        %mul3A_1043 = arith.mulf %unpack3A_1028, %get3A_1042 : vector<16xf32>
        %add3A_1044 = arith.addf %add3A_1039, %mul3A_1043 : vector<16xf32>
        %get3A_1045 = arith.index_cast %add3A_1017 : i32 to index
        %get3A_1046 = arith.constant 96 : index
        %get3A_1047 = tpu.vector_load %arg14[%get3A_1045, %get3A_1046] {strides = array<i32>} : memref<128x128xf32, #tpu.memory_space<vmem>>, vector<16xf32>,
        %mul3A_1048 = arith.mulf %unpack3A_1029, %get3A_1047 : vector<16xf32>
        %add3A_1049 = arith.addf %add3A_1044, %mul3A_1048 : vector<16xf32>
        %get3A_1050 = arith.index_cast %add3A_1017 : i32 to index
        %get3A_1051 = arith.constant 16 : index
        %get3A_1052 = tpu.vector_load %arg14[%get3A_1050, %get3A_1051] {strides = array<i32>} : memref<128x128xf32, #tpu.memory_space<vmem>>, vector<16xf32>,
        %mul3A_1053 = arith.mulf %unpack3A_1026, %get3A_1052 : vector<16xf32>
        %add3A_1054 = arith.addf %add3A_1013, %mul3A_1053 : vector<16xf32>
        %get3A_1055 = arith.index_cast %add3A_1017 : i32 to index
        %get3A_1056 = arith.constant 48 : index
        %get3A_1057 = tpu.vector_load %arg14[%get3A_1055, %get3A_1056] {strides = array<i32>} : memref<128x128xf32, #tpu.memory_space<vmem>>, vector<16xf32>,
        %mul3A_1058 = arith.mulf %unpack3A_1027, %get3A_1057 : vector<16xf32>
        %add3A_1059 = arith.addf %add3A_1054, %mul3A_1058 : vector<16xf32>
        %get3A_1060 = arith.index_cast %add3A_1017 : i32 to index
        %get3A_1061 = arith.constant 80 : index
        %get3A_1062 = tpu.vector_load %arg14[%get3A_1060, %get3A_1061] {strides = array<i32>} : memref<128x128xf32, #tpu.memory_space<vmem>>, vector<16xf32>,
        %mul3A_1063 = arith.mulf %unpack3A_1028, %get3A_1062 : vector<16xf32>
        %add3A_1064 = arith.addf %add3A_1059, %mul3A_1063 : vector<16xf32>
        %get3A_1065 = arith.index_cast %add3A_1017 : i32 to index
        %get3A_1066 = arith.constant 112 : index
        %get3A_1067 = tpu.vector_load %arg14[%get3A_1065, %get3A_1066] {strides = array<i32>} : memref<128x128xf32, #tpu.memory_space<vmem>>, vector<16xf32>,
        %mul3A_1068 = arith.mulf %unpack3A_1029, %get3A_1067 : vector<16xf32>
        %add3A_1069 = arith.addf %add3A_1064, %mul3A_1068 : vector<16xf32>
        %mul3A_1070 = arith.constant 16 : i32
        %mul3A_1071 = arith.muli %add3A_230, %mul3A_1070 : i32
        %add3A_1072 = arith.constant 15 : i32
        %add3A_1073 = arith.addi %mul3A_1071, %add3A_1072 : i32
        %broadcast_in_dim3A_1074 = vector.broadcast %add3A_1073 : i32 to vector<16xi32>
        %gather3A_1075 = tpu.vector_load_idx %arg10[%broadcast_in_dim3A_1074] : memref<256xi32, #tpu.memory_space<vmem>>[vector<16xi32>], vector<16xi32>,
        %bitcast3A_1076 = vector.bitcast %gather3A_1075 : vector<16xi32> to vector<32xbf16>
        %add3A_1077 = arith.constant 128 : i32
        %add3A_1078 = vector.broadcast %add3A_1077 : i32 to vector<16xi32>
        %add3A_1079 = arith.addi %broadcast_in_dim3A_1074, %add3A_1078 : vector<16xi32>
        %gather3A_1080 = tpu.vector_load_idx %arg10[%add3A_1079] : memref<256xi32, #tpu.memory_space<vmem>>[vector<16xi32>], vector<16xi32>,
        %bitcast3A_1081 = vector.bitcast %gather3A_1080 : vector<16xi32> to vector<32xbf16>
        %unpack3A_1082 = tpu.unpack_subelements %bitcast3A_1076, 0 {pack_format = #tpu.pack_format<interleaved>} : vector<32xbf16> -> vector<16xf32>
        %unpack3A_1083 = tpu.unpack_subelements %bitcast3A_1076, 1 {pack_format = #tpu.pack_format<interleaved>} : vector<32xbf16> -> vector<16xf32>
        %unpack3A_1084 = tpu.unpack_subelements %bitcast3A_1081, 0 {pack_format = #tpu.pack_format<interleaved>} : vector<32xbf16> -> vector<16xf32>
        %unpack3A_1085 = tpu.unpack_subelements %bitcast3A_1081, 1 {pack_format = #tpu.pack_format<interleaved>} : vector<32xbf16> -> vector<16xf32>
        %get3A_1086 = arith.index_cast %add3A_1073 : i32 to index
        %get3A_1087 = arith.constant 0 : index
        %get3A_1088 = tpu.vector_load %arg14[%get3A_1086, %get3A_1087] {strides = array<i32>} : memref<128x128xf32, #tpu.memory_space<vmem>>, vector<16xf32>,
        %mul3A_1089 = arith.mulf %unpack3A_1082, %get3A_1088 : vector<16xf32>
        %add3A_1090 = arith.addf %add3A_1049, %mul3A_1089 : vector<16xf32>
        %get3A_1091 = arith.index_cast %add3A_1073 : i32 to index
        %get3A_1092 = arith.constant 32 : index
        %get3A_1093 = tpu.vector_load %arg14[%get3A_1091, %get3A_1092] {strides = array<i32>} : memref<128x128xf32, #tpu.memory_space<vmem>>, vector<16xf32>,
        %mul3A_1094 = arith.mulf %unpack3A_1083, %get3A_1093 : vector<16xf32>
        %add3A_1095 = arith.addf %add3A_1090, %mul3A_1094 : vector<16xf32>
        %get3A_1096 = arith.index_cast %add3A_1073 : i32 to index
        %get3A_1097 = arith.constant 64 : index
        %get3A_1098 = tpu.vector_load %arg14[%get3A_1096, %get3A_1097] {strides = array<i32>} : memref<128x128xf32, #tpu.memory_space<vmem>>, vector<16xf32>,
        %mul3A_1099 = arith.mulf %unpack3A_1084, %get3A_1098 : vector<16xf32>
        %add3A_1100 = arith.addf %add3A_1095, %mul3A_1099 : vector<16xf32>
        %get3A_1101 = arith.index_cast %add3A_1073 : i32 to index
        %get3A_1102 = arith.constant 96 : index
        %get3A_1103 = tpu.vector_load %arg14[%get3A_1101, %get3A_1102] {strides = array<i32>} : memref<128x128xf32, #tpu.memory_space<vmem>>, vector<16xf32>,
        %mul3A_1104 = arith.mulf %unpack3A_1085, %get3A_1103 : vector<16xf32>
        %add3A_1105 = arith.addf %add3A_1100, %mul3A_1104 : vector<16xf32>
        %get3A_1106 = arith.index_cast %add3A_1073 : i32 to index
        %get3A_1107 = arith.constant 16 : index
        %get3A_1108 = tpu.vector_load %arg14[%get3A_1106, %get3A_1107] {strides = array<i32>} : memref<128x128xf32, #tpu.memory_space<vmem>>, vector<16xf32>,
        %mul3A_1109 = arith.mulf %unpack3A_1082, %get3A_1108 : vector<16xf32>
        %add3A_1110 = arith.addf %add3A_1069, %mul3A_1109 : vector<16xf32>
        %get3A_1111 = arith.index_cast %add3A_1073 : i32 to index
        %get3A_1112 = arith.constant 48 : index
        %get3A_1113 = tpu.vector_load %arg14[%get3A_1111, %get3A_1112] {strides = array<i32>} : memref<128x128xf32, #tpu.memory_space<vmem>>, vector<16xf32>,
        %mul3A_1114 = arith.mulf %unpack3A_1083, %get3A_1113 : vector<16xf32>
        %add3A_1115 = arith.addf %add3A_1110, %mul3A_1114 : vector<16xf32>
        %get3A_1116 = arith.index_cast %add3A_1073 : i32 to index
        %get3A_1117 = arith.constant 80 : index
        %get3A_1118 = tpu.vector_load %arg14[%get3A_1116, %get3A_1117] {strides = array<i32>} : memref<128x128xf32, #tpu.memory_space<vmem>>, vector<16xf32>,
        %mul3A_1119 = arith.mulf %unpack3A_1084, %get3A_1118 : vector<16xf32>
        %add3A_1120 = arith.addf %add3A_1115, %mul3A_1119 : vector<16xf32>
        %get3A_1121 = arith.index_cast %add3A_1073 : i32 to index
        %get3A_1122 = arith.constant 112 : index
        %get3A_1123 = tpu.vector_load %arg14[%get3A_1121, %get3A_1122] {strides = array<i32>} : memref<128x128xf32, #tpu.memory_space<vmem>>, vector<16xf32>,
        %mul3A_1124 = arith.mulf %unpack3A_1085, %get3A_1123 : vector<16xf32>
        %add3A_1125 = arith.addf %add3A_1120, %mul3A_1124 : vector<16xf32>
        %mul3A_1126 = arith.constant 32 : i32
        %mul3A_1127 = arith.muli %add3A_230, %mul3A_1126 : i32
        %add3A_1128 = arith.addi %add3A_105, %mul3A_1127 : i32
        %swap3A = arith.index_cast %add3A_1128 : i32 to index
        %swap3A_1129 = tpu.vector_load %arg18[%swap3A] {strides = array<i32>} : memref<5120xf32, #tpu.memory_space<vmem>>, vector<16xf32>,
        tpu.vector_store %arg18[%swap3A], %add3A_1105 {strides = array<i32>} : memref<5120xf32, #tpu.memory_space<vmem>>, vector<16xf32>,
        %mul3A_1130 = arith.constant 32 : i32
        %mul3A_1131 = arith.muli %add3A_230, %mul3A_1130 : i32
        %add3A_1132 = arith.addi %add3A_105, %mul3A_1131 : i32
        %add3A_1133 = arith.constant 16 : i32
        %add3A_1134 = arith.addi %add3A_1132, %add3A_1133 : i32
        %swap3A_1135 = arith.index_cast %add3A_1134 : i32 to index
        %swap3A_1136 = tpu.vector_load %arg18[%swap3A_1135] {strides = array<i32>} : memref<5120xf32, #tpu.memory_space<vmem>>, vector<16xf32>,
        tpu.vector_store %arg18[%swap3A_1135], %add3A_1125 {strides = array<i32>} : memref<5120xf32, #tpu.memory_space<vmem>>, vector<16xf32>,
      }
      %scan3A_110 = arith.constant 8 : i32
      %add3A_111 = arith.constant 4 : i32
      %add3A_112 = arith.addi %add3A_100, %add3A_111 : i32
      %lt3A = arith.constant 340 : i32
      %lt3A_113 = arith.cmpi slt, %add3A_112, %lt3A : i32
      %convert_element_type3A = arith.extui %lt3A_113 : i1 to i32
      %cond3A = arith.constant 0 : i32
      %cond3A_114 = arith.cmpi ne, %convert_element_type3A, %cond3A : i32
      scf.if %cond3A_114 {
        %add3A_226 = arith.constant 4 : i32
        %add3A_227 = arith.addi %add3A_100, %add3A_226 : i32
        %add3A_228 = arith.addi %mul3A_2, %add3A_227 : i32
        %mul3A_229 = arith.constant 128 : i32
        %mul3A_230 = arith.muli %add3A_228, %mul3A_229 : i32
        %dma_start3A_231 = tpu.memref_slice %arg3[%mul3A_230] : memref<1392640xi32, #tpu.memory_space<hbm>> -> memref<128xi32, #tpu.memory_space<hbm>>
        %dma_start3A_232 = tpu.memref_slice %arg3[%mul3A_230] : memref<1392640xi32, #tpu.memory_space<hbm>> -> memref<128xi32, #tpu.memory_space<hbm>>
        tpu.enqueue_dma source(%dma_start3A_232 : memref<128xi32, #tpu.memory_space<hbm>>) target(%arg6 : memref<128xi32, #tpu.memory_space<vmem>>) target_semaphore(%arg19 : memref<!tpu.dma_semaphore, #tpu.memory_space<semaphore_mem>>)
        %mul3A_233 = arith.constant 256 : i32
        %mul3A_234 = arith.muli %add3A_228, %mul3A_233 : i32
        %dma_start3A_235 = tpu.memref_slice %arg4[%mul3A_234] : memref<2785280xi32, #tpu.memory_space<hbm>> -> memref<256xi32, #tpu.memory_space<hbm>>
        %dma_start3A_236 = tpu.memref_slice %arg4[%mul3A_234] : memref<2785280xi32, #tpu.memory_space<hbm>> -> memref<256xi32, #tpu.memory_space<hbm>>
        tpu.enqueue_dma source(%dma_start3A_236 : memref<256xi32, #tpu.memory_space<hbm>>) target(%arg10 : memref<256xi32, #tpu.memory_space<vmem>>) target_semaphore(%arg19 : memref<!tpu.dma_semaphore, #tpu.memory_space<semaphore_mem>>)
      } else {
      }
      %mul3A_115 = arith.constant 4 : i32
      %mul3A_116 = arith.muli %mul3A_115, %add3A_75 : i32
      %add3A_117 = arith.constant 0 : i32
      %add3A_118 = arith.addi %mul3A_116, %add3A_117 : i32
      %add3A_119 = arith.constant 2 : i32
      %add3A_120 = arith.addi %add3A_118, %add3A_119 : i32
      %lt3A_121 = arith.constant 340 : i32
      %lt3A_122 = arith.cmpi slt, %add3A_120, %lt3A_121 : i32
      %convert_element_type3A_123 = arith.extui %lt3A_122 : i1 to i32
      %cond3A_124 = arith.constant 0 : i32
      %cond3A_125 = arith.cmpi ne, %convert_element_type3A_123, %cond3A_124 : i32
      scf.if %cond3A_125 {
        %add3A_226 = arith.addi %mul3A_2, %add3A_120 : i32
        %mul3A_227 = arith.constant 128 : i32
        %mul3A_228 = arith.muli %add3A_226, %mul3A_227 : i32
        %dma_wait3A_229 = tpu.memref_slice %arg3[%mul3A_228] : memref<1392640xi32, #tpu.memory_space<hbm>> -> memref<128xi32, #tpu.memory_space<hbm>>
        %dma_wait3A_230 = tpu.memref_slice %arg3[%mul3A_228] : memref<1392640xi32, #tpu.memory_space<hbm>> -> memref<128xi32, #tpu.memory_space<hbm>>
        tpu.wait_dma2 semaphore(%arg21 : memref<!tpu.dma_semaphore, #tpu.memory_space<semaphore_mem>>) src(%dma_wait3A_230 : memref<128xi32, #tpu.memory_space<hbm>>) dst(%arg8 : memref<128xi32, #tpu.memory_space<vmem>>)
        %mul3A_231 = arith.constant 256 : i32
        %mul3A_232 = arith.muli %add3A_226, %mul3A_231 : i32
        %dma_wait3A_233 = tpu.memref_slice %arg4[%mul3A_232] : memref<2785280xi32, #tpu.memory_space<hbm>> -> memref<256xi32, #tpu.memory_space<hbm>>
        %dma_wait3A_234 = tpu.memref_slice %arg4[%mul3A_232] : memref<2785280xi32, #tpu.memory_space<hbm>> -> memref<256xi32, #tpu.memory_space<hbm>>
        tpu.wait_dma2 semaphore(%arg21 : memref<!tpu.dma_semaphore, #tpu.memory_space<semaphore_mem>>) src(%dma_wait3A_234 : memref<256xi32, #tpu.memory_space<hbm>>) dst(%arg12 : memref<256xi32, #tpu.memory_space<vmem>>)
        %dma_start3A_235 = arith.constant 0 : i32
        %dma_start3A_236 = arith.constant 0 : i32
        %dma_start3A_237 = tpu.memref_slice %arg2[%dma_start3A_235, %dma_start3A_236] : memref<94976x128xf32, #tpu.memory_space<hbm>> -> memref<94976x128xf32, #tpu.memory_space<hbm>>
        tpu.enqueue_indirect_dma source(%dma_start3A_237 : memref<94976x128xf32, #tpu.memory_space<hbm>>) target(%arg16 : memref<128x128xf32, #tpu.memory_space<vmem>>) offsets(%arg8 : memref<128xi32, #tpu.memory_space<vmem>>) semaphore(%arg25 : memref<!tpu.dma_semaphore, #tpu.memory_space<semaphore_mem>>)
      } else {
      }
      %mul3A_126 = arith.constant 4 : i32
      %mul3A_127 = arith.muli %mul3A_126, %add3A_75 : i32
      %add3A_128 = arith.constant 1 : i32
      %add3A_129 = arith.addi %mul3A_127, %add3A_128 : i32
      %dma_wait3A_130 = arith.constant 0 : i32
      %dma_wait3A_131 = arith.constant 0 : i32
      %dma_wait3A_132 = tpu.memref_slice %arg2[%dma_wait3A_130, %dma_wait3A_131] : memref<94976x128xf32, #tpu.memory_space<hbm>> -> memref<94976x128xf32, #tpu.memory_space<hbm>>
      tpu.wait_indirect_dma semaphore(%arg24 : memref<!tpu.dma_semaphore, #tpu.memory_space<semaphore_mem>>) src(%dma_wait3A_132 : memref<94976x128xf32, #tpu.memory_space<hbm>>) dst(%arg15 : memref<128x128xf32, #tpu.memory_space<vmem>>)
      %add3A_133 = arith.constant 256 : i32
      %add3A_134 = arith.addi %mul3A_96, %add3A_133 : i32
      %scan3A_135 = arith.constant 0 : i32
      %scan3A_136 = arith.constant 8 : i32
      %scan3A_137 = arith.addi %scan3A_135, %scan3A_136 : i32
      %scan3A_138 = arith.constant 1 : i32
      scf.for %scan3A_226 = %scan3A_135 to %scan3A_137 step %scan3A_138  : i32 {
        %mul3A_227 = arith.constant 1 : i32
        %mul3A_228 = arith.muli %scan3A_226, %mul3A_227 : i32
        %add3A_229 = arith.constant 0 : i32
        %add3A_230 = arith.addi %add3A_229, %mul3A_228 : i32
        %broadcast_in_dim3A = arith.constant 0.000000e+00 : f32
        %broadcast_in_dim3A_231 = vector.broadcast %broadcast_in_dim3A : f32 to vector<16xf32>
        %broadcast_in_dim3A_232 = arith.constant 0.000000e+00 : f32
        %broadcast_in_dim3A_233 = vector.broadcast %broadcast_in_dim3A_232 : f32 to vector<16xf32>
        %mul3A_234 = arith.constant 16 : i32
        %mul3A_235 = arith.muli %add3A_230, %mul3A_234 : i32
        %add3A_236 = arith.constant 0 : i32
        %add3A_237 = arith.addi %mul3A_235, %add3A_236 : i32
        %broadcast_in_dim3A_238 = vector.broadcast %add3A_237 : i32 to vector<16xi32>
        %gather3A = tpu.vector_load_idx %arg11[%broadcast_in_dim3A_238] : memref<256xi32, #tpu.memory_space<vmem>>[vector<16xi32>], vector<16xi32>,
        %bitcast3A = vector.bitcast %gather3A : vector<16xi32> to vector<32xbf16>
        %add3A_239 = arith.constant 128 : i32
        %add3A_240 = vector.broadcast %add3A_239 : i32 to vector<16xi32>
        %add3A_241 = arith.addi %broadcast_in_dim3A_238, %add3A_240 : vector<16xi32>
        %gather3A_242 = tpu.vector_load_idx %arg11[%add3A_241] : memref<256xi32, #tpu.memory_space<vmem>>[vector<16xi32>], vector<16xi32>,
        %bitcast3A_243 = vector.bitcast %gather3A_242 : vector<16xi32> to vector<32xbf16>
        %unpack3A = tpu.unpack_subelements %bitcast3A, 0 {pack_format = #tpu.pack_format<interleaved>} : vector<32xbf16> -> vector<16xf32>
        %unpack3A_244 = tpu.unpack_subelements %bitcast3A, 1 {pack_format = #tpu.pack_format<interleaved>} : vector<32xbf16> -> vector<16xf32>
        %unpack3A_245 = tpu.unpack_subelements %bitcast3A_243, 0 {pack_format = #tpu.pack_format<interleaved>} : vector<32xbf16> -> vector<16xf32>
        %unpack3A_246 = tpu.unpack_subelements %bitcast3A_243, 1 {pack_format = #tpu.pack_format<interleaved>} : vector<32xbf16> -> vector<16xf32>
        %get3A = arith.index_cast %add3A_237 : i32 to index
        %get3A_247 = arith.constant 0 : index
        %get3A_248 = tpu.vector_load %arg15[%get3A, %get3A_247] {strides = array<i32>} : memref<128x128xf32, #tpu.memory_space<vmem>>, vector<16xf32>,
        %mul3A_249 = arith.mulf %unpack3A, %get3A_248 : vector<16xf32>
        %add3A_250 = arith.addf %broadcast_in_dim3A_231, %mul3A_249 : vector<16xf32>
        %get3A_251 = arith.index_cast %add3A_237 : i32 to index
        %get3A_252 = arith.constant 32 : index
        %get3A_253 = tpu.vector_load %arg15[%get3A_251, %get3A_252] {strides = array<i32>} : memref<128x128xf32, #tpu.memory_space<vmem>>, vector<16xf32>,
        %mul3A_254 = arith.mulf %unpack3A_244, %get3A_253 : vector<16xf32>
        %add3A_255 = arith.addf %add3A_250, %mul3A_254 : vector<16xf32>
        %get3A_256 = arith.index_cast %add3A_237 : i32 to index
        %get3A_257 = arith.constant 64 : index
        %get3A_258 = tpu.vector_load %arg15[%get3A_256, %get3A_257] {strides = array<i32>} : memref<128x128xf32, #tpu.memory_space<vmem>>, vector<16xf32>,
        %mul3A_259 = arith.mulf %unpack3A_245, %get3A_258 : vector<16xf32>
        %add3A_260 = arith.addf %add3A_255, %mul3A_259 : vector<16xf32>
        %get3A_261 = arith.index_cast %add3A_237 : i32 to index
        %get3A_262 = arith.constant 96 : index
        %get3A_263 = tpu.vector_load %arg15[%get3A_261, %get3A_262] {strides = array<i32>} : memref<128x128xf32, #tpu.memory_space<vmem>>, vector<16xf32>,
        %mul3A_264 = arith.mulf %unpack3A_246, %get3A_263 : vector<16xf32>
        %add3A_265 = arith.addf %add3A_260, %mul3A_264 : vector<16xf32>
        %get3A_266 = arith.index_cast %add3A_237 : i32 to index
        %get3A_267 = arith.constant 16 : index
        %get3A_268 = tpu.vector_load %arg15[%get3A_266, %get3A_267] {strides = array<i32>} : memref<128x128xf32, #tpu.memory_space<vmem>>, vector<16xf32>,
        %mul3A_269 = arith.mulf %unpack3A, %get3A_268 : vector<16xf32>
        %add3A_270 = arith.addf %broadcast_in_dim3A_233, %mul3A_269 : vector<16xf32>
        %get3A_271 = arith.index_cast %add3A_237 : i32 to index
        %get3A_272 = arith.constant 48 : index
        %get3A_273 = tpu.vector_load %arg15[%get3A_271, %get3A_272] {strides = array<i32>} : memref<128x128xf32, #tpu.memory_space<vmem>>, vector<16xf32>,
        %mul3A_274 = arith.mulf %unpack3A_244, %get3A_273 : vector<16xf32>
        %add3A_275 = arith.addf %add3A_270, %mul3A_274 : vector<16xf32>
        %get3A_276 = arith.index_cast %add3A_237 : i32 to index
        %get3A_277 = arith.constant 80 : index
        %get3A_278 = tpu.vector_load %arg15[%get3A_276, %get3A_277] {strides = array<i32>} : memref<128x128xf32, #tpu.memory_space<vmem>>, vector<16xf32>,
        %mul3A_279 = arith.mulf %unpack3A_245, %get3A_278 : vector<16xf32>
        %add3A_280 = arith.addf %add3A_275, %mul3A_279 : vector<16xf32>
        %get3A_281 = arith.index_cast %add3A_237 : i32 to index
        %get3A_282 = arith.constant 112 : index
        %get3A_283 = tpu.vector_load %arg15[%get3A_281, %get3A_282] {strides = array<i32>} : memref<128x128xf32, #tpu.memory_space<vmem>>, vector<16xf32>,
        %mul3A_284 = arith.mulf %unpack3A_246, %get3A_283 : vector<16xf32>
        %add3A_285 = arith.addf %add3A_280, %mul3A_284 : vector<16xf32>
        %mul3A_286 = arith.constant 16 : i32
        %mul3A_287 = arith.muli %add3A_230, %mul3A_286 : i32
        %add3A_288 = arith.constant 1 : i32
        %add3A_289 = arith.addi %mul3A_287, %add3A_288 : i32
        %broadcast_in_dim3A_290 = vector.broadcast %add3A_289 : i32 to vector<16xi32>
        %gather3A_291 = tpu.vector_load_idx %arg11[%broadcast_in_dim3A_290] : memref<256xi32, #tpu.memory_space<vmem>>[vector<16xi32>], vector<16xi32>,
        %bitcast3A_292 = vector.bitcast %gather3A_291 : vector<16xi32> to vector<32xbf16>
        %add3A_293 = arith.constant 128 : i32
        %add3A_294 = vector.broadcast %add3A_293 : i32 to vector<16xi32>
        %add3A_295 = arith.addi %broadcast_in_dim3A_290, %add3A_294 : vector<16xi32>
        %gather3A_296 = tpu.vector_load_idx %arg11[%add3A_295] : memref<256xi32, #tpu.memory_space<vmem>>[vector<16xi32>], vector<16xi32>,
        %bitcast3A_297 = vector.bitcast %gather3A_296 : vector<16xi32> to vector<32xbf16>
        %unpack3A_298 = tpu.unpack_subelements %bitcast3A_292, 0 {pack_format = #tpu.pack_format<interleaved>} : vector<32xbf16> -> vector<16xf32>
        %unpack3A_299 = tpu.unpack_subelements %bitcast3A_292, 1 {pack_format = #tpu.pack_format<interleaved>} : vector<32xbf16> -> vector<16xf32>
        %unpack3A_300 = tpu.unpack_subelements %bitcast3A_297, 0 {pack_format = #tpu.pack_format<interleaved>} : vector<32xbf16> -> vector<16xf32>
        %unpack3A_301 = tpu.unpack_subelements %bitcast3A_297, 1 {pack_format = #tpu.pack_format<interleaved>} : vector<32xbf16> -> vector<16xf32>
        %get3A_302 = arith.index_cast %add3A_289 : i32 to index
        %get3A_303 = arith.constant 0 : index
        %get3A_304 = tpu.vector_load %arg15[%get3A_302, %get3A_303] {strides = array<i32>} : memref<128x128xf32, #tpu.memory_space<vmem>>, vector<16xf32>,
        %mul3A_305 = arith.mulf %unpack3A_298, %get3A_304 : vector<16xf32>
        %add3A_306 = arith.addf %add3A_265, %mul3A_305 : vector<16xf32>
        %get3A_307 = arith.index_cast %add3A_289 : i32 to index
        %get3A_308 = arith.constant 32 : index
        %get3A_309 = tpu.vector_load %arg15[%get3A_307, %get3A_308] {strides = array<i32>} : memref<128x128xf32, #tpu.memory_space<vmem>>, vector<16xf32>,
        %mul3A_310 = arith.mulf %unpack3A_299, %get3A_309 : vector<16xf32>
        %add3A_311 = arith.addf %add3A_306, %mul3A_310 : vector<16xf32>
        %get3A_312 = arith.index_cast %add3A_289 : i32 to index
        %get3A_313 = arith.constant 64 : index
        %get3A_314 = tpu.vector_load %arg15[%get3A_312, %get3A_313] {strides = array<i32>} : memref<128x128xf32, #tpu.memory_space<vmem>>, vector<16xf32>,
        %mul3A_315 = arith.mulf %unpack3A_300, %get3A_314 : vector<16xf32>
        %add3A_316 = arith.addf %add3A_311, %mul3A_315 : vector<16xf32>
        %get3A_317 = arith.index_cast %add3A_289 : i32 to index
        %get3A_318 = arith.constant 96 : index
        %get3A_319 = tpu.vector_load %arg15[%get3A_317, %get3A_318] {strides = array<i32>} : memref<128x128xf32, #tpu.memory_space<vmem>>, vector<16xf32>,
        %mul3A_320 = arith.mulf %unpack3A_301, %get3A_319 : vector<16xf32>
        %add3A_321 = arith.addf %add3A_316, %mul3A_320 : vector<16xf32>
        %get3A_322 = arith.index_cast %add3A_289 : i32 to index
        %get3A_323 = arith.constant 16 : index
        %get3A_324 = tpu.vector_load %arg15[%get3A_322, %get3A_323] {strides = array<i32>} : memref<128x128xf32, #tpu.memory_space<vmem>>, vector<16xf32>,
        %mul3A_325 = arith.mulf %unpack3A_298, %get3A_324 : vector<16xf32>
        %add3A_326 = arith.addf %add3A_285, %mul3A_325 : vector<16xf32>
        %get3A_327 = arith.index_cast %add3A_289 : i32 to index
        %get3A_328 = arith.constant 48 : index
        %get3A_329 = tpu.vector_load %arg15[%get3A_327, %get3A_328] {strides = array<i32>} : memref<128x128xf32, #tpu.memory_space<vmem>>, vector<16xf32>,
        %mul3A_330 = arith.mulf %unpack3A_299, %get3A_329 : vector<16xf32>
        %add3A_331 = arith.addf %add3A_326, %mul3A_330 : vector<16xf32>
        %get3A_332 = arith.index_cast %add3A_289 : i32 to index
        %get3A_333 = arith.constant 80 : index
        %get3A_334 = tpu.vector_load %arg15[%get3A_332, %get3A_333] {strides = array<i32>} : memref<128x128xf32, #tpu.memory_space<vmem>>, vector<16xf32>,
        %mul3A_335 = arith.mulf %unpack3A_300, %get3A_334 : vector<16xf32>
        %add3A_336 = arith.addf %add3A_331, %mul3A_335 : vector<16xf32>
        %get3A_337 = arith.index_cast %add3A_289 : i32 to index
        %get3A_338 = arith.constant 112 : index
        %get3A_339 = tpu.vector_load %arg15[%get3A_337, %get3A_338] {strides = array<i32>} : memref<128x128xf32, #tpu.memory_space<vmem>>, vector<16xf32>,
        %mul3A_340 = arith.mulf %unpack3A_301, %get3A_339 : vector<16xf32>
        %add3A_341 = arith.addf %add3A_336, %mul3A_340 : vector<16xf32>
        %mul3A_342 = arith.constant 16 : i32
        %mul3A_343 = arith.muli %add3A_230, %mul3A_342 : i32
        %add3A_344 = arith.constant 2 : i32
        %add3A_345 = arith.addi %mul3A_343, %add3A_344 : i32
        %broadcast_in_dim3A_346 = vector.broadcast %add3A_345 : i32 to vector<16xi32>
        %gather3A_347 = tpu.vector_load_idx %arg11[%broadcast_in_dim3A_346] : memref<256xi32, #tpu.memory_space<vmem>>[vector<16xi32>], vector<16xi32>,
        %bitcast3A_348 = vector.bitcast %gather3A_347 : vector<16xi32> to vector<32xbf16>
        %add3A_349 = arith.constant 128 : i32
        %add3A_350 = vector.broadcast %add3A_349 : i32 to vector<16xi32>
        %add3A_351 = arith.addi %broadcast_in_dim3A_346, %add3A_350 : vector<16xi32>
        %gather3A_352 = tpu.vector_load_idx %arg11[%add3A_351] : memref<256xi32, #tpu.memory_space<vmem>>[vector<16xi32>], vector<16xi32>,
        %bitcast3A_353 = vector.bitcast %gather3A_352 : vector<16xi32> to vector<32xbf16>
        %unpack3A_354 = tpu.unpack_subelements %bitcast3A_348, 0 {pack_format = #tpu.pack_format<interleaved>} : vector<32xbf16> -> vector<16xf32>
        %unpack3A_355 = tpu.unpack_subelements %bitcast3A_348, 1 {pack_format = #tpu.pack_format<interleaved>} : vector<32xbf16> -> vector<16xf32>
        %unpack3A_356 = tpu.unpack_subelements %bitcast3A_353, 0 {pack_format = #tpu.pack_format<interleaved>} : vector<32xbf16> -> vector<16xf32>
        %unpack3A_357 = tpu.unpack_subelements %bitcast3A_353, 1 {pack_format = #tpu.pack_format<interleaved>} : vector<32xbf16> -> vector<16xf32>
        %get3A_358 = arith.index_cast %add3A_345 : i32 to index
        %get3A_359 = arith.constant 0 : index
        %get3A_360 = tpu.vector_load %arg15[%get3A_358, %get3A_359] {strides = array<i32>} : memref<128x128xf32, #tpu.memory_space<vmem>>, vector<16xf32>,
        %mul3A_361 = arith.mulf %unpack3A_354, %get3A_360 : vector<16xf32>
        %add3A_362 = arith.addf %add3A_321, %mul3A_361 : vector<16xf32>
        %get3A_363 = arith.index_cast %add3A_345 : i32 to index
        %get3A_364 = arith.constant 32 : index
        %get3A_365 = tpu.vector_load %arg15[%get3A_363, %get3A_364] {strides = array<i32>} : memref<128x128xf32, #tpu.memory_space<vmem>>, vector<16xf32>,
        %mul3A_366 = arith.mulf %unpack3A_355, %get3A_365 : vector<16xf32>
        %add3A_367 = arith.addf %add3A_362, %mul3A_366 : vector<16xf32>
        %get3A_368 = arith.index_cast %add3A_345 : i32 to index
        %get3A_369 = arith.constant 64 : index
        %get3A_370 = tpu.vector_load %arg15[%get3A_368, %get3A_369] {strides = array<i32>} : memref<128x128xf32, #tpu.memory_space<vmem>>, vector<16xf32>,
        %mul3A_371 = arith.mulf %unpack3A_356, %get3A_370 : vector<16xf32>
        %add3A_372 = arith.addf %add3A_367, %mul3A_371 : vector<16xf32>
        %get3A_373 = arith.index_cast %add3A_345 : i32 to index
        %get3A_374 = arith.constant 96 : index
        %get3A_375 = tpu.vector_load %arg15[%get3A_373, %get3A_374] {strides = array<i32>} : memref<128x128xf32, #tpu.memory_space<vmem>>, vector<16xf32>,
        %mul3A_376 = arith.mulf %unpack3A_357, %get3A_375 : vector<16xf32>
        %add3A_377 = arith.addf %add3A_372, %mul3A_376 : vector<16xf32>
        %get3A_378 = arith.index_cast %add3A_345 : i32 to index
        %get3A_379 = arith.constant 16 : index
        %get3A_380 = tpu.vector_load %arg15[%get3A_378, %get3A_379] {strides = array<i32>} : memref<128x128xf32, #tpu.memory_space<vmem>>, vector<16xf32>,
        %mul3A_381 = arith.mulf %unpack3A_354, %get3A_380 : vector<16xf32>
        %add3A_382 = arith.addf %add3A_341, %mul3A_381 : vector<16xf32>
        %get3A_383 = arith.index_cast %add3A_345 : i32 to index
        %get3A_384 = arith.constant 48 : index
        %get3A_385 = tpu.vector_load %arg15[%get3A_383, %get3A_384] {strides = array<i32>} : memref<128x128xf32, #tpu.memory_space<vmem>>, vector<16xf32>,
        %mul3A_386 = arith.mulf %unpack3A_355, %get3A_385 : vector<16xf32>
        %add3A_387 = arith.addf %add3A_382, %mul3A_386 : vector<16xf32>
        %get3A_388 = arith.index_cast %add3A_345 : i32 to index
        %get3A_389 = arith.constant 80 : index
        %get3A_390 = tpu.vector_load %arg15[%get3A_388, %get3A_389] {strides = array<i32>} : memref<128x128xf32, #tpu.memory_space<vmem>>, vector<16xf32>,
        %mul3A_391 = arith.mulf %unpack3A_356, %get3A_390 : vector<16xf32>
        %add3A_392 = arith.addf %add3A_387, %mul3A_391 : vector<16xf32>
        %get3A_393 = arith.index_cast %add3A_345 : i32 to index
        %get3A_394 = arith.constant 112 : index
        %get3A_395 = tpu.vector_load %arg15[%get3A_393, %get3A_394] {strides = array<i32>} : memref<128x128xf32, #tpu.memory_space<vmem>>, vector<16xf32>,
        %mul3A_396 = arith.mulf %unpack3A_357, %get3A_395 : vector<16xf32>
        %add3A_397 = arith.addf %add3A_392, %mul3A_396 : vector<16xf32>
        %mul3A_398 = arith.constant 16 : i32
        %mul3A_399 = arith.muli %add3A_230, %mul3A_398 : i32
        %add3A_400 = arith.constant 3 : i32
        %add3A_401 = arith.addi %mul3A_399, %add3A_400 : i32
        %broadcast_in_dim3A_402 = vector.broadcast %add3A_401 : i32 to vector<16xi32>
        %gather3A_403 = tpu.vector_load_idx %arg11[%broadcast_in_dim3A_402] : memref<256xi32, #tpu.memory_space<vmem>>[vector<16xi32>], vector<16xi32>,
        %bitcast3A_404 = vector.bitcast %gather3A_403 : vector<16xi32> to vector<32xbf16>
        %add3A_405 = arith.constant 128 : i32
        %add3A_406 = vector.broadcast %add3A_405 : i32 to vector<16xi32>
        %add3A_407 = arith.addi %broadcast_in_dim3A_402, %add3A_406 : vector<16xi32>
        %gather3A_408 = tpu.vector_load_idx %arg11[%add3A_407] : memref<256xi32, #tpu.memory_space<vmem>>[vector<16xi32>], vector<16xi32>,
        %bitcast3A_409 = vector.bitcast %gather3A_408 : vector<16xi32> to vector<32xbf16>
        %unpack3A_410 = tpu.unpack_subelements %bitcast3A_404, 0 {pack_format = #tpu.pack_format<interleaved>} : vector<32xbf16> -> vector<16xf32>
        %unpack3A_411 = tpu.unpack_subelements %bitcast3A_404, 1 {pack_format = #tpu.pack_format<interleaved>} : vector<32xbf16> -> vector<16xf32>
        %unpack3A_412 = tpu.unpack_subelements %bitcast3A_409, 0 {pack_format = #tpu.pack_format<interleaved>} : vector<32xbf16> -> vector<16xf32>
        %unpack3A_413 = tpu.unpack_subelements %bitcast3A_409, 1 {pack_format = #tpu.pack_format<interleaved>} : vector<32xbf16> -> vector<16xf32>
        %get3A_414 = arith.index_cast %add3A_401 : i32 to index
        %get3A_415 = arith.constant 0 : index
        %get3A_416 = tpu.vector_load %arg15[%get3A_414, %get3A_415] {strides = array<i32>} : memref<128x128xf32, #tpu.memory_space<vmem>>, vector<16xf32>,
        %mul3A_417 = arith.mulf %unpack3A_410, %get3A_416 : vector<16xf32>
        %add3A_418 = arith.addf %add3A_377, %mul3A_417 : vector<16xf32>
        %get3A_419 = arith.index_cast %add3A_401 : i32 to index
        %get3A_420 = arith.constant 32 : index
        %get3A_421 = tpu.vector_load %arg15[%get3A_419, %get3A_420] {strides = array<i32>} : memref<128x128xf32, #tpu.memory_space<vmem>>, vector<16xf32>,
        %mul3A_422 = arith.mulf %unpack3A_411, %get3A_421 : vector<16xf32>
        %add3A_423 = arith.addf %add3A_418, %mul3A_422 : vector<16xf32>
        %get3A_424 = arith.index_cast %add3A_401 : i32 to index
        %get3A_425 = arith.constant 64 : index
        %get3A_426 = tpu.vector_load %arg15[%get3A_424, %get3A_425] {strides = array<i32>} : memref<128x128xf32, #tpu.memory_space<vmem>>, vector<16xf32>,
        %mul3A_427 = arith.mulf %unpack3A_412, %get3A_426 : vector<16xf32>
        %add3A_428 = arith.addf %add3A_423, %mul3A_427 : vector<16xf32>
        %get3A_429 = arith.index_cast %add3A_401 : i32 to index
        %get3A_430 = arith.constant 96 : index
        %get3A_431 = tpu.vector_load %arg15[%get3A_429, %get3A_430] {strides = array<i32>} : memref<128x128xf32, #tpu.memory_space<vmem>>, vector<16xf32>,
        %mul3A_432 = arith.mulf %unpack3A_413, %get3A_431 : vector<16xf32>
        %add3A_433 = arith.addf %add3A_428, %mul3A_432 : vector<16xf32>
        %get3A_434 = arith.index_cast %add3A_401 : i32 to index
        %get3A_435 = arith.constant 16 : index
        %get3A_436 = tpu.vector_load %arg15[%get3A_434, %get3A_435] {strides = array<i32>} : memref<128x128xf32, #tpu.memory_space<vmem>>, vector<16xf32>,
        %mul3A_437 = arith.mulf %unpack3A_410, %get3A_436 : vector<16xf32>
        %add3A_438 = arith.addf %add3A_397, %mul3A_437 : vector<16xf32>
        %get3A_439 = arith.index_cast %add3A_401 : i32 to index
        %get3A_440 = arith.constant 48 : index
        %get3A_441 = tpu.vector_load %arg15[%get3A_439, %get3A_440] {strides = array<i32>} : memref<128x128xf32, #tpu.memory_space<vmem>>, vector<16xf32>,
        %mul3A_442 = arith.mulf %unpack3A_411, %get3A_441 : vector<16xf32>
        %add3A_443 = arith.addf %add3A_438, %mul3A_442 : vector<16xf32>
        %get3A_444 = arith.index_cast %add3A_401 : i32 to index
        %get3A_445 = arith.constant 80 : index
        %get3A_446 = tpu.vector_load %arg15[%get3A_444, %get3A_445] {strides = array<i32>} : memref<128x128xf32, #tpu.memory_space<vmem>>, vector<16xf32>,
        %mul3A_447 = arith.mulf %unpack3A_412, %get3A_446 : vector<16xf32>
        %add3A_448 = arith.addf %add3A_443, %mul3A_447 : vector<16xf32>
        %get3A_449 = arith.index_cast %add3A_401 : i32 to index
        %get3A_450 = arith.constant 112 : index
        %get3A_451 = tpu.vector_load %arg15[%get3A_449, %get3A_450] {strides = array<i32>} : memref<128x128xf32, #tpu.memory_space<vmem>>, vector<16xf32>,
        %mul3A_452 = arith.mulf %unpack3A_413, %get3A_451 : vector<16xf32>
        %add3A_453 = arith.addf %add3A_448, %mul3A_452 : vector<16xf32>
        %mul3A_454 = arith.constant 16 : i32
        %mul3A_455 = arith.muli %add3A_230, %mul3A_454 : i32
        %add3A_456 = arith.constant 4 : i32
        %add3A_457 = arith.addi %mul3A_455, %add3A_456 : i32
        %broadcast_in_dim3A_458 = vector.broadcast %add3A_457 : i32 to vector<16xi32>
        %gather3A_459 = tpu.vector_load_idx %arg11[%broadcast_in_dim3A_458] : memref<256xi32, #tpu.memory_space<vmem>>[vector<16xi32>], vector<16xi32>,
        %bitcast3A_460 = vector.bitcast %gather3A_459 : vector<16xi32> to vector<32xbf16>
        %add3A_461 = arith.constant 128 : i32
        %add3A_462 = vector.broadcast %add3A_461 : i32 to vector<16xi32>
        %add3A_463 = arith.addi %broadcast_in_dim3A_458, %add3A_462 : vector<16xi32>
        %gather3A_464 = tpu.vector_load_idx %arg11[%add3A_463] : memref<256xi32, #tpu.memory_space<vmem>>[vector<16xi32>], vector<16xi32>,
        %bitcast3A_465 = vector.bitcast %gather3A_464 : vector<16xi32> to vector<32xbf16>
        %unpack3A_466 = tpu.unpack_subelements %bitcast3A_460, 0 {pack_format = #tpu.pack_format<interleaved>} : vector<32xbf16> -> vector<16xf32>
        %unpack3A_467 = tpu.unpack_subelements %bitcast3A_460, 1 {pack_format = #tpu.pack_format<interleaved>} : vector<32xbf16> -> vector<16xf32>
        %unpack3A_468 = tpu.unpack_subelements %bitcast3A_465, 0 {pack_format = #tpu.pack_format<interleaved>} : vector<32xbf16> -> vector<16xf32>
        %unpack3A_469 = tpu.unpack_subelements %bitcast3A_465, 1 {pack_format = #tpu.pack_format<interleaved>} : vector<32xbf16> -> vector<16xf32>
        %get3A_470 = arith.index_cast %add3A_457 : i32 to index
        %get3A_471 = arith.constant 0 : index
        %get3A_472 = tpu.vector_load %arg15[%get3A_470, %get3A_471] {strides = array<i32>} : memref<128x128xf32, #tpu.memory_space<vmem>>, vector<16xf32>,
        %mul3A_473 = arith.mulf %unpack3A_466, %get3A_472 : vector<16xf32>
        %add3A_474 = arith.addf %add3A_433, %mul3A_473 : vector<16xf32>
        %get3A_475 = arith.index_cast %add3A_457 : i32 to index
        %get3A_476 = arith.constant 32 : index
        %get3A_477 = tpu.vector_load %arg15[%get3A_475, %get3A_476] {strides = array<i32>} : memref<128x128xf32, #tpu.memory_space<vmem>>, vector<16xf32>,
        %mul3A_478 = arith.mulf %unpack3A_467, %get3A_477 : vector<16xf32>
        %add3A_479 = arith.addf %add3A_474, %mul3A_478 : vector<16xf32>
        %get3A_480 = arith.index_cast %add3A_457 : i32 to index
        %get3A_481 = arith.constant 64 : index
        %get3A_482 = tpu.vector_load %arg15[%get3A_480, %get3A_481] {strides = array<i32>} : memref<128x128xf32, #tpu.memory_space<vmem>>, vector<16xf32>,
        %mul3A_483 = arith.mulf %unpack3A_468, %get3A_482 : vector<16xf32>
        %add3A_484 = arith.addf %add3A_479, %mul3A_483 : vector<16xf32>
        %get3A_485 = arith.index_cast %add3A_457 : i32 to index
        %get3A_486 = arith.constant 96 : index
        %get3A_487 = tpu.vector_load %arg15[%get3A_485, %get3A_486] {strides = array<i32>} : memref<128x128xf32, #tpu.memory_space<vmem>>, vector<16xf32>,
        %mul3A_488 = arith.mulf %unpack3A_469, %get3A_487 : vector<16xf32>
        %add3A_489 = arith.addf %add3A_484, %mul3A_488 : vector<16xf32>
        %get3A_490 = arith.index_cast %add3A_457 : i32 to index
        %get3A_491 = arith.constant 16 : index
        %get3A_492 = tpu.vector_load %arg15[%get3A_490, %get3A_491] {strides = array<i32>} : memref<128x128xf32, #tpu.memory_space<vmem>>, vector<16xf32>,
        %mul3A_493 = arith.mulf %unpack3A_466, %get3A_492 : vector<16xf32>
        %add3A_494 = arith.addf %add3A_453, %mul3A_493 : vector<16xf32>
        %get3A_495 = arith.index_cast %add3A_457 : i32 to index
        %get3A_496 = arith.constant 48 : index
        %get3A_497 = tpu.vector_load %arg15[%get3A_495, %get3A_496] {strides = array<i32>} : memref<128x128xf32, #tpu.memory_space<vmem>>, vector<16xf32>,
        %mul3A_498 = arith.mulf %unpack3A_467, %get3A_497 : vector<16xf32>
        %add3A_499 = arith.addf %add3A_494, %mul3A_498 : vector<16xf32>
        %get3A_500 = arith.index_cast %add3A_457 : i32 to index
        %get3A_501 = arith.constant 80 : index
        %get3A_502 = tpu.vector_load %arg15[%get3A_500, %get3A_501] {strides = array<i32>} : memref<128x128xf32, #tpu.memory_space<vmem>>, vector<16xf32>,
        %mul3A_503 = arith.mulf %unpack3A_468, %get3A_502 : vector<16xf32>
        %add3A_504 = arith.addf %add3A_499, %mul3A_503 : vector<16xf32>
        %get3A_505 = arith.index_cast %add3A_457 : i32 to index
        %get3A_506 = arith.constant 112 : index
        %get3A_507 = tpu.vector_load %arg15[%get3A_505, %get3A_506] {strides = array<i32>} : memref<128x128xf32, #tpu.memory_space<vmem>>, vector<16xf32>,
        %mul3A_508 = arith.mulf %unpack3A_469, %get3A_507 : vector<16xf32>
        %add3A_509 = arith.addf %add3A_504, %mul3A_508 : vector<16xf32>
        %mul3A_510 = arith.constant 16 : i32
        %mul3A_511 = arith.muli %add3A_230, %mul3A_510 : i32
        %add3A_512 = arith.constant 5 : i32
        %add3A_513 = arith.addi %mul3A_511, %add3A_512 : i32
        %broadcast_in_dim3A_514 = vector.broadcast %add3A_513 : i32 to vector<16xi32>
        %gather3A_515 = tpu.vector_load_idx %arg11[%broadcast_in_dim3A_514] : memref<256xi32, #tpu.memory_space<vmem>>[vector<16xi32>], vector<16xi32>,
        %bitcast3A_516 = vector.bitcast %gather3A_515 : vector<16xi32> to vector<32xbf16>
        %add3A_517 = arith.constant 128 : i32
        %add3A_518 = vector.broadcast %add3A_517 : i32 to vector<16xi32>
        %add3A_519 = arith.addi %broadcast_in_dim3A_514, %add3A_518 : vector<16xi32>
        %gather3A_520 = tpu.vector_load_idx %arg11[%add3A_519] : memref<256xi32, #tpu.memory_space<vmem>>[vector<16xi32>], vector<16xi32>,
        %bitcast3A_521 = vector.bitcast %gather3A_520 : vector<16xi32> to vector<32xbf16>
        %unpack3A_522 = tpu.unpack_subelements %bitcast3A_516, 0 {pack_format = #tpu.pack_format<interleaved>} : vector<32xbf16> -> vector<16xf32>
        %unpack3A_523 = tpu.unpack_subelements %bitcast3A_516, 1 {pack_format = #tpu.pack_format<interleaved>} : vector<32xbf16> -> vector<16xf32>
        %unpack3A_524 = tpu.unpack_subelements %bitcast3A_521, 0 {pack_format = #tpu.pack_format<interleaved>} : vector<32xbf16> -> vector<16xf32>
        %unpack3A_525 = tpu.unpack_subelements %bitcast3A_521, 1 {pack_format = #tpu.pack_format<interleaved>} : vector<32xbf16> -> vector<16xf32>
        %get3A_526 = arith.index_cast %add3A_513 : i32 to index
        %get3A_527 = arith.constant 0 : index
        %get3A_528 = tpu.vector_load %arg15[%get3A_526, %get3A_527] {strides = array<i32>} : memref<128x128xf32, #tpu.memory_space<vmem>>, vector<16xf32>,
        %mul3A_529 = arith.mulf %unpack3A_522, %get3A_528 : vector<16xf32>
        %add3A_530 = arith.addf %add3A_489, %mul3A_529 : vector<16xf32>
        %get3A_531 = arith.index_cast %add3A_513 : i32 to index
        %get3A_532 = arith.constant 32 : index
        %get3A_533 = tpu.vector_load %arg15[%get3A_531, %get3A_532] {strides = array<i32>} : memref<128x128xf32, #tpu.memory_space<vmem>>, vector<16xf32>,
        %mul3A_534 = arith.mulf %unpack3A_523, %get3A_533 : vector<16xf32>
        %add3A_535 = arith.addf %add3A_530, %mul3A_534 : vector<16xf32>
        %get3A_536 = arith.index_cast %add3A_513 : i32 to index
        %get3A_537 = arith.constant 64 : index
        %get3A_538 = tpu.vector_load %arg15[%get3A_536, %get3A_537] {strides = array<i32>} : memref<128x128xf32, #tpu.memory_space<vmem>>, vector<16xf32>,
        %mul3A_539 = arith.mulf %unpack3A_524, %get3A_538 : vector<16xf32>
        %add3A_540 = arith.addf %add3A_535, %mul3A_539 : vector<16xf32>
        %get3A_541 = arith.index_cast %add3A_513 : i32 to index
        %get3A_542 = arith.constant 96 : index
        %get3A_543 = tpu.vector_load %arg15[%get3A_541, %get3A_542] {strides = array<i32>} : memref<128x128xf32, #tpu.memory_space<vmem>>, vector<16xf32>,
        %mul3A_544 = arith.mulf %unpack3A_525, %get3A_543 : vector<16xf32>
        %add3A_545 = arith.addf %add3A_540, %mul3A_544 : vector<16xf32>
        %get3A_546 = arith.index_cast %add3A_513 : i32 to index
        %get3A_547 = arith.constant 16 : index
        %get3A_548 = tpu.vector_load %arg15[%get3A_546, %get3A_547] {strides = array<i32>} : memref<128x128xf32, #tpu.memory_space<vmem>>, vector<16xf32>,
        %mul3A_549 = arith.mulf %unpack3A_522, %get3A_548 : vector<16xf32>
        %add3A_550 = arith.addf %add3A_509, %mul3A_549 : vector<16xf32>
        %get3A_551 = arith.index_cast %add3A_513 : i32 to index
        %get3A_552 = arith.constant 48 : index
        %get3A_553 = tpu.vector_load %arg15[%get3A_551, %get3A_552] {strides = array<i32>} : memref<128x128xf32, #tpu.memory_space<vmem>>, vector<16xf32>,
        %mul3A_554 = arith.mulf %unpack3A_523, %get3A_553 : vector<16xf32>
        %add3A_555 = arith.addf %add3A_550, %mul3A_554 : vector<16xf32>
        %get3A_556 = arith.index_cast %add3A_513 : i32 to index
        %get3A_557 = arith.constant 80 : index
        %get3A_558 = tpu.vector_load %arg15[%get3A_556, %get3A_557] {strides = array<i32>} : memref<128x128xf32, #tpu.memory_space<vmem>>, vector<16xf32>,
        %mul3A_559 = arith.mulf %unpack3A_524, %get3A_558 : vector<16xf32>
        %add3A_560 = arith.addf %add3A_555, %mul3A_559 : vector<16xf32>
        %get3A_561 = arith.index_cast %add3A_513 : i32 to index
        %get3A_562 = arith.constant 112 : index
        %get3A_563 = tpu.vector_load %arg15[%get3A_561, %get3A_562] {strides = array<i32>} : memref<128x128xf32, #tpu.memory_space<vmem>>, vector<16xf32>,
        %mul3A_564 = arith.mulf %unpack3A_525, %get3A_563 : vector<16xf32>
        %add3A_565 = arith.addf %add3A_560, %mul3A_564 : vector<16xf32>
        %mul3A_566 = arith.constant 16 : i32
        %mul3A_567 = arith.muli %add3A_230, %mul3A_566 : i32
        %add3A_568 = arith.constant 6 : i32
        %add3A_569 = arith.addi %mul3A_567, %add3A_568 : i32
        %broadcast_in_dim3A_570 = vector.broadcast %add3A_569 : i32 to vector<16xi32>
        %gather3A_571 = tpu.vector_load_idx %arg11[%broadcast_in_dim3A_570] : memref<256xi32, #tpu.memory_space<vmem>>[vector<16xi32>], vector<16xi32>,
        %bitcast3A_572 = vector.bitcast %gather3A_571 : vector<16xi32> to vector<32xbf16>
        %add3A_573 = arith.constant 128 : i32
        %add3A_574 = vector.broadcast %add3A_573 : i32 to vector<16xi32>
        %add3A_575 = arith.addi %broadcast_in_dim3A_570, %add3A_574 : vector<16xi32>
        %gather3A_576 = tpu.vector_load_idx %arg11[%add3A_575] : memref<256xi32, #tpu.memory_space<vmem>>[vector<16xi32>], vector<16xi32>,
        %bitcast3A_577 = vector.bitcast %gather3A_576 : vector<16xi32> to vector<32xbf16>
        %unpack3A_578 = tpu.unpack_subelements %bitcast3A_572, 0 {pack_format = #tpu.pack_format<interleaved>} : vector<32xbf16> -> vector<16xf32>
        %unpack3A_579 = tpu.unpack_subelements %bitcast3A_572, 1 {pack_format = #tpu.pack_format<interleaved>} : vector<32xbf16> -> vector<16xf32>
        %unpack3A_580 = tpu.unpack_subelements %bitcast3A_577, 0 {pack_format = #tpu.pack_format<interleaved>} : vector<32xbf16> -> vector<16xf32>
        %unpack3A_581 = tpu.unpack_subelements %bitcast3A_577, 1 {pack_format = #tpu.pack_format<interleaved>} : vector<32xbf16> -> vector<16xf32>
        %get3A_582 = arith.index_cast %add3A_569 : i32 to index
        %get3A_583 = arith.constant 0 : index
        %get3A_584 = tpu.vector_load %arg15[%get3A_582, %get3A_583] {strides = array<i32>} : memref<128x128xf32, #tpu.memory_space<vmem>>, vector<16xf32>,
        %mul3A_585 = arith.mulf %unpack3A_578, %get3A_584 : vector<16xf32>
        %add3A_586 = arith.addf %add3A_545, %mul3A_585 : vector<16xf32>
        %get3A_587 = arith.index_cast %add3A_569 : i32 to index
        %get3A_588 = arith.constant 32 : index
        %get3A_589 = tpu.vector_load %arg15[%get3A_587, %get3A_588] {strides = array<i32>} : memref<128x128xf32, #tpu.memory_space<vmem>>, vector<16xf32>,
        %mul3A_590 = arith.mulf %unpack3A_579, %get3A_589 : vector<16xf32>
        %add3A_591 = arith.addf %add3A_586, %mul3A_590 : vector<16xf32>
        %get3A_592 = arith.index_cast %add3A_569 : i32 to index
        %get3A_593 = arith.constant 64 : index
        %get3A_594 = tpu.vector_load %arg15[%get3A_592, %get3A_593] {strides = array<i32>} : memref<128x128xf32, #tpu.memory_space<vmem>>, vector<16xf32>,
        %mul3A_595 = arith.mulf %unpack3A_580, %get3A_594 : vector<16xf32>
        %add3A_596 = arith.addf %add3A_591, %mul3A_595 : vector<16xf32>
        %get3A_597 = arith.index_cast %add3A_569 : i32 to index
        %get3A_598 = arith.constant 96 : index
        %get3A_599 = tpu.vector_load %arg15[%get3A_597, %get3A_598] {strides = array<i32>} : memref<128x128xf32, #tpu.memory_space<vmem>>, vector<16xf32>,
        %mul3A_600 = arith.mulf %unpack3A_581, %get3A_599 : vector<16xf32>
        %add3A_601 = arith.addf %add3A_596, %mul3A_600 : vector<16xf32>
        %get3A_602 = arith.index_cast %add3A_569 : i32 to index
        %get3A_603 = arith.constant 16 : index
        %get3A_604 = tpu.vector_load %arg15[%get3A_602, %get3A_603] {strides = array<i32>} : memref<128x128xf32, #tpu.memory_space<vmem>>, vector<16xf32>,
        %mul3A_605 = arith.mulf %unpack3A_578, %get3A_604 : vector<16xf32>
        %add3A_606 = arith.addf %add3A_565, %mul3A_605 : vector<16xf32>
        %get3A_607 = arith.index_cast %add3A_569 : i32 to index
        %get3A_608 = arith.constant 48 : index
        %get3A_609 = tpu.vector_load %arg15[%get3A_607, %get3A_608] {strides = array<i32>} : memref<128x128xf32, #tpu.memory_space<vmem>>, vector<16xf32>,
        %mul3A_610 = arith.mulf %unpack3A_579, %get3A_609 : vector<16xf32>
        %add3A_611 = arith.addf %add3A_606, %mul3A_610 : vector<16xf32>
        %get3A_612 = arith.index_cast %add3A_569 : i32 to index
        %get3A_613 = arith.constant 80 : index
        %get3A_614 = tpu.vector_load %arg15[%get3A_612, %get3A_613] {strides = array<i32>} : memref<128x128xf32, #tpu.memory_space<vmem>>, vector<16xf32>,
        %mul3A_615 = arith.mulf %unpack3A_580, %get3A_614 : vector<16xf32>
        %add3A_616 = arith.addf %add3A_611, %mul3A_615 : vector<16xf32>
        %get3A_617 = arith.index_cast %add3A_569 : i32 to index
        %get3A_618 = arith.constant 112 : index
        %get3A_619 = tpu.vector_load %arg15[%get3A_617, %get3A_618] {strides = array<i32>} : memref<128x128xf32, #tpu.memory_space<vmem>>, vector<16xf32>,
        %mul3A_620 = arith.mulf %unpack3A_581, %get3A_619 : vector<16xf32>
        %add3A_621 = arith.addf %add3A_616, %mul3A_620 : vector<16xf32>
        %mul3A_622 = arith.constant 16 : i32
        %mul3A_623 = arith.muli %add3A_230, %mul3A_622 : i32
        %add3A_624 = arith.constant 7 : i32
        %add3A_625 = arith.addi %mul3A_623, %add3A_624 : i32
        %broadcast_in_dim3A_626 = vector.broadcast %add3A_625 : i32 to vector<16xi32>
        %gather3A_627 = tpu.vector_load_idx %arg11[%broadcast_in_dim3A_626] : memref<256xi32, #tpu.memory_space<vmem>>[vector<16xi32>], vector<16xi32>,
        %bitcast3A_628 = vector.bitcast %gather3A_627 : vector<16xi32> to vector<32xbf16>
        %add3A_629 = arith.constant 128 : i32
        %add3A_630 = vector.broadcast %add3A_629 : i32 to vector<16xi32>
        %add3A_631 = arith.addi %broadcast_in_dim3A_626, %add3A_630 : vector<16xi32>
        %gather3A_632 = tpu.vector_load_idx %arg11[%add3A_631] : memref<256xi32, #tpu.memory_space<vmem>>[vector<16xi32>], vector<16xi32>,
        %bitcast3A_633 = vector.bitcast %gather3A_632 : vector<16xi32> to vector<32xbf16>
        %unpack3A_634 = tpu.unpack_subelements %bitcast3A_628, 0 {pack_format = #tpu.pack_format<interleaved>} : vector<32xbf16> -> vector<16xf32>
        %unpack3A_635 = tpu.unpack_subelements %bitcast3A_628, 1 {pack_format = #tpu.pack_format<interleaved>} : vector<32xbf16> -> vector<16xf32>
        %unpack3A_636 = tpu.unpack_subelements %bitcast3A_633, 0 {pack_format = #tpu.pack_format<interleaved>} : vector<32xbf16> -> vector<16xf32>
        %unpack3A_637 = tpu.unpack_subelements %bitcast3A_633, 1 {pack_format = #tpu.pack_format<interleaved>} : vector<32xbf16> -> vector<16xf32>
        %get3A_638 = arith.index_cast %add3A_625 : i32 to index
        %get3A_639 = arith.constant 0 : index
        %get3A_640 = tpu.vector_load %arg15[%get3A_638, %get3A_639] {strides = array<i32>} : memref<128x128xf32, #tpu.memory_space<vmem>>, vector<16xf32>,
        %mul3A_641 = arith.mulf %unpack3A_634, %get3A_640 : vector<16xf32>
        %add3A_642 = arith.addf %add3A_601, %mul3A_641 : vector<16xf32>
        %get3A_643 = arith.index_cast %add3A_625 : i32 to index
        %get3A_644 = arith.constant 32 : index
        %get3A_645 = tpu.vector_load %arg15[%get3A_643, %get3A_644] {strides = array<i32>} : memref<128x128xf32, #tpu.memory_space<vmem>>, vector<16xf32>,
        %mul3A_646 = arith.mulf %unpack3A_635, %get3A_645 : vector<16xf32>
        %add3A_647 = arith.addf %add3A_642, %mul3A_646 : vector<16xf32>
        %get3A_648 = arith.index_cast %add3A_625 : i32 to index
        %get3A_649 = arith.constant 64 : index
        %get3A_650 = tpu.vector_load %arg15[%get3A_648, %get3A_649] {strides = array<i32>} : memref<128x128xf32, #tpu.memory_space<vmem>>, vector<16xf32>,
        %mul3A_651 = arith.mulf %unpack3A_636, %get3A_650 : vector<16xf32>
        %add3A_652 = arith.addf %add3A_647, %mul3A_651 : vector<16xf32>
        %get3A_653 = arith.index_cast %add3A_625 : i32 to index
        %get3A_654 = arith.constant 96 : index
        %get3A_655 = tpu.vector_load %arg15[%get3A_653, %get3A_654] {strides = array<i32>} : memref<128x128xf32, #tpu.memory_space<vmem>>, vector<16xf32>,
        %mul3A_656 = arith.mulf %unpack3A_637, %get3A_655 : vector<16xf32>
        %add3A_657 = arith.addf %add3A_652, %mul3A_656 : vector<16xf32>
        %get3A_658 = arith.index_cast %add3A_625 : i32 to index
        %get3A_659 = arith.constant 16 : index
        %get3A_660 = tpu.vector_load %arg15[%get3A_658, %get3A_659] {strides = array<i32>} : memref<128x128xf32, #tpu.memory_space<vmem>>, vector<16xf32>,
        %mul3A_661 = arith.mulf %unpack3A_634, %get3A_660 : vector<16xf32>
        %add3A_662 = arith.addf %add3A_621, %mul3A_661 : vector<16xf32>
        %get3A_663 = arith.index_cast %add3A_625 : i32 to index
        %get3A_664 = arith.constant 48 : index
        %get3A_665 = tpu.vector_load %arg15[%get3A_663, %get3A_664] {strides = array<i32>} : memref<128x128xf32, #tpu.memory_space<vmem>>, vector<16xf32>,
        %mul3A_666 = arith.mulf %unpack3A_635, %get3A_665 : vector<16xf32>
        %add3A_667 = arith.addf %add3A_662, %mul3A_666 : vector<16xf32>
        %get3A_668 = arith.index_cast %add3A_625 : i32 to index
        %get3A_669 = arith.constant 80 : index
        %get3A_670 = tpu.vector_load %arg15[%get3A_668, %get3A_669] {strides = array<i32>} : memref<128x128xf32, #tpu.memory_space<vmem>>, vector<16xf32>,
        %mul3A_671 = arith.mulf %unpack3A_636, %get3A_670 : vector<16xf32>
        %add3A_672 = arith.addf %add3A_667, %mul3A_671 : vector<16xf32>
        %get3A_673 = arith.index_cast %add3A_625 : i32 to index
        %get3A_674 = arith.constant 112 : index
        %get3A_675 = tpu.vector_load %arg15[%get3A_673, %get3A_674] {strides = array<i32>} : memref<128x128xf32, #tpu.memory_space<vmem>>, vector<16xf32>,
        %mul3A_676 = arith.mulf %unpack3A_637, %get3A_675 : vector<16xf32>
        %add3A_677 = arith.addf %add3A_672, %mul3A_676 : vector<16xf32>
        %mul3A_678 = arith.constant 16 : i32
        %mul3A_679 = arith.muli %add3A_230, %mul3A_678 : i32
        %add3A_680 = arith.constant 8 : i32
        %add3A_681 = arith.addi %mul3A_679, %add3A_680 : i32
        %broadcast_in_dim3A_682 = vector.broadcast %add3A_681 : i32 to vector<16xi32>
        %gather3A_683 = tpu.vector_load_idx %arg11[%broadcast_in_dim3A_682] : memref<256xi32, #tpu.memory_space<vmem>>[vector<16xi32>], vector<16xi32>,
        %bitcast3A_684 = vector.bitcast %gather3A_683 : vector<16xi32> to vector<32xbf16>
        %add3A_685 = arith.constant 128 : i32
        %add3A_686 = vector.broadcast %add3A_685 : i32 to vector<16xi32>
        %add3A_687 = arith.addi %broadcast_in_dim3A_682, %add3A_686 : vector<16xi32>
        %gather3A_688 = tpu.vector_load_idx %arg11[%add3A_687] : memref<256xi32, #tpu.memory_space<vmem>>[vector<16xi32>], vector<16xi32>,
        %bitcast3A_689 = vector.bitcast %gather3A_688 : vector<16xi32> to vector<32xbf16>
        %unpack3A_690 = tpu.unpack_subelements %bitcast3A_684, 0 {pack_format = #tpu.pack_format<interleaved>} : vector<32xbf16> -> vector<16xf32>
        %unpack3A_691 = tpu.unpack_subelements %bitcast3A_684, 1 {pack_format = #tpu.pack_format<interleaved>} : vector<32xbf16> -> vector<16xf32>
        %unpack3A_692 = tpu.unpack_subelements %bitcast3A_689, 0 {pack_format = #tpu.pack_format<interleaved>} : vector<32xbf16> -> vector<16xf32>
        %unpack3A_693 = tpu.unpack_subelements %bitcast3A_689, 1 {pack_format = #tpu.pack_format<interleaved>} : vector<32xbf16> -> vector<16xf32>
        %get3A_694 = arith.index_cast %add3A_681 : i32 to index
        %get3A_695 = arith.constant 0 : index
        %get3A_696 = tpu.vector_load %arg15[%get3A_694, %get3A_695] {strides = array<i32>} : memref<128x128xf32, #tpu.memory_space<vmem>>, vector<16xf32>,
        %mul3A_697 = arith.mulf %unpack3A_690, %get3A_696 : vector<16xf32>
        %add3A_698 = arith.addf %add3A_657, %mul3A_697 : vector<16xf32>
        %get3A_699 = arith.index_cast %add3A_681 : i32 to index
        %get3A_700 = arith.constant 32 : index
        %get3A_701 = tpu.vector_load %arg15[%get3A_699, %get3A_700] {strides = array<i32>} : memref<128x128xf32, #tpu.memory_space<vmem>>, vector<16xf32>,
        %mul3A_702 = arith.mulf %unpack3A_691, %get3A_701 : vector<16xf32>
        %add3A_703 = arith.addf %add3A_698, %mul3A_702 : vector<16xf32>
        %get3A_704 = arith.index_cast %add3A_681 : i32 to index
        %get3A_705 = arith.constant 64 : index
        %get3A_706 = tpu.vector_load %arg15[%get3A_704, %get3A_705] {strides = array<i32>} : memref<128x128xf32, #tpu.memory_space<vmem>>, vector<16xf32>,
        %mul3A_707 = arith.mulf %unpack3A_692, %get3A_706 : vector<16xf32>
        %add3A_708 = arith.addf %add3A_703, %mul3A_707 : vector<16xf32>
        %get3A_709 = arith.index_cast %add3A_681 : i32 to index
        %get3A_710 = arith.constant 96 : index
        %get3A_711 = tpu.vector_load %arg15[%get3A_709, %get3A_710] {strides = array<i32>} : memref<128x128xf32, #tpu.memory_space<vmem>>, vector<16xf32>,
        %mul3A_712 = arith.mulf %unpack3A_693, %get3A_711 : vector<16xf32>
        %add3A_713 = arith.addf %add3A_708, %mul3A_712 : vector<16xf32>
        %get3A_714 = arith.index_cast %add3A_681 : i32 to index
        %get3A_715 = arith.constant 16 : index
        %get3A_716 = tpu.vector_load %arg15[%get3A_714, %get3A_715] {strides = array<i32>} : memref<128x128xf32, #tpu.memory_space<vmem>>, vector<16xf32>,
        %mul3A_717 = arith.mulf %unpack3A_690, %get3A_716 : vector<16xf32>
        %add3A_718 = arith.addf %add3A_677, %mul3A_717 : vector<16xf32>
        %get3A_719 = arith.index_cast %add3A_681 : i32 to index
        %get3A_720 = arith.constant 48 : index
        %get3A_721 = tpu.vector_load %arg15[%get3A_719, %get3A_720] {strides = array<i32>} : memref<128x128xf32, #tpu.memory_space<vmem>>, vector<16xf32>,
        %mul3A_722 = arith.mulf %unpack3A_691, %get3A_721 : vector<16xf32>
        %add3A_723 = arith.addf %add3A_718, %mul3A_722 : vector<16xf32>
        %get3A_724 = arith.index_cast %add3A_681 : i32 to index
        %get3A_725 = arith.constant 80 : index
        %get3A_726 = tpu.vector_load %arg15[%get3A_724, %get3A_725] {strides = array<i32>} : memref<128x128xf32, #tpu.memory_space<vmem>>, vector<16xf32>,
        %mul3A_727 = arith.mulf %unpack3A_692, %get3A_726 : vector<16xf32>
        %add3A_728 = arith.addf %add3A_723, %mul3A_727 : vector<16xf32>
        %get3A_729 = arith.index_cast %add3A_681 : i32 to index
        %get3A_730 = arith.constant 112 : index
        %get3A_731 = tpu.vector_load %arg15[%get3A_729, %get3A_730] {strides = array<i32>} : memref<128x128xf32, #tpu.memory_space<vmem>>, vector<16xf32>,
        %mul3A_732 = arith.mulf %unpack3A_693, %get3A_731 : vector<16xf32>
        %add3A_733 = arith.addf %add3A_728, %mul3A_732 : vector<16xf32>
        %mul3A_734 = arith.constant 16 : i32
        %mul3A_735 = arith.muli %add3A_230, %mul3A_734 : i32
        %add3A_736 = arith.constant 9 : i32
        %add3A_737 = arith.addi %mul3A_735, %add3A_736 : i32
        %broadcast_in_dim3A_738 = vector.broadcast %add3A_737 : i32 to vector<16xi32>
        %gather3A_739 = tpu.vector_load_idx %arg11[%broadcast_in_dim3A_738] : memref<256xi32, #tpu.memory_space<vmem>>[vector<16xi32>], vector<16xi32>,
        %bitcast3A_740 = vector.bitcast %gather3A_739 : vector<16xi32> to vector<32xbf16>
        %add3A_741 = arith.constant 128 : i32
        %add3A_742 = vector.broadcast %add3A_741 : i32 to vector<16xi32>
        %add3A_743 = arith.addi %broadcast_in_dim3A_738, %add3A_742 : vector<16xi32>
        %gather3A_744 = tpu.vector_load_idx %arg11[%add3A_743] : memref<256xi32, #tpu.memory_space<vmem>>[vector<16xi32>], vector<16xi32>,
        %bitcast3A_745 = vector.bitcast %gather3A_744 : vector<16xi32> to vector<32xbf16>
        %unpack3A_746 = tpu.unpack_subelements %bitcast3A_740, 0 {pack_format = #tpu.pack_format<interleaved>} : vector<32xbf16> -> vector<16xf32>
        %unpack3A_747 = tpu.unpack_subelements %bitcast3A_740, 1 {pack_format = #tpu.pack_format<interleaved>} : vector<32xbf16> -> vector<16xf32>
        %unpack3A_748 = tpu.unpack_subelements %bitcast3A_745, 0 {pack_format = #tpu.pack_format<interleaved>} : vector<32xbf16> -> vector<16xf32>
        %unpack3A_749 = tpu.unpack_subelements %bitcast3A_745, 1 {pack_format = #tpu.pack_format<interleaved>} : vector<32xbf16> -> vector<16xf32>
        %get3A_750 = arith.index_cast %add3A_737 : i32 to index
        %get3A_751 = arith.constant 0 : index
        %get3A_752 = tpu.vector_load %arg15[%get3A_750, %get3A_751] {strides = array<i32>} : memref<128x128xf32, #tpu.memory_space<vmem>>, vector<16xf32>,
        %mul3A_753 = arith.mulf %unpack3A_746, %get3A_752 : vector<16xf32>
        %add3A_754 = arith.addf %add3A_713, %mul3A_753 : vector<16xf32>
        %get3A_755 = arith.index_cast %add3A_737 : i32 to index
        %get3A_756 = arith.constant 32 : index
        %get3A_757 = tpu.vector_load %arg15[%get3A_755, %get3A_756] {strides = array<i32>} : memref<128x128xf32, #tpu.memory_space<vmem>>, vector<16xf32>,
        %mul3A_758 = arith.mulf %unpack3A_747, %get3A_757 : vector<16xf32>
        %add3A_759 = arith.addf %add3A_754, %mul3A_758 : vector<16xf32>
        %get3A_760 = arith.index_cast %add3A_737 : i32 to index
        %get3A_761 = arith.constant 64 : index
        %get3A_762 = tpu.vector_load %arg15[%get3A_760, %get3A_761] {strides = array<i32>} : memref<128x128xf32, #tpu.memory_space<vmem>>, vector<16xf32>,
        %mul3A_763 = arith.mulf %unpack3A_748, %get3A_762 : vector<16xf32>
        %add3A_764 = arith.addf %add3A_759, %mul3A_763 : vector<16xf32>
        %get3A_765 = arith.index_cast %add3A_737 : i32 to index
        %get3A_766 = arith.constant 96 : index
        %get3A_767 = tpu.vector_load %arg15[%get3A_765, %get3A_766] {strides = array<i32>} : memref<128x128xf32, #tpu.memory_space<vmem>>, vector<16xf32>,
        %mul3A_768 = arith.mulf %unpack3A_749, %get3A_767 : vector<16xf32>
        %add3A_769 = arith.addf %add3A_764, %mul3A_768 : vector<16xf32>
        %get3A_770 = arith.index_cast %add3A_737 : i32 to index
        %get3A_771 = arith.constant 16 : index
        %get3A_772 = tpu.vector_load %arg15[%get3A_770, %get3A_771] {strides = array<i32>} : memref<128x128xf32, #tpu.memory_space<vmem>>, vector<16xf32>,
        %mul3A_773 = arith.mulf %unpack3A_746, %get3A_772 : vector<16xf32>
        %add3A_774 = arith.addf %add3A_733, %mul3A_773 : vector<16xf32>
        %get3A_775 = arith.index_cast %add3A_737 : i32 to index
        %get3A_776 = arith.constant 48 : index
        %get3A_777 = tpu.vector_load %arg15[%get3A_775, %get3A_776] {strides = array<i32>} : memref<128x128xf32, #tpu.memory_space<vmem>>, vector<16xf32>,
        %mul3A_778 = arith.mulf %unpack3A_747, %get3A_777 : vector<16xf32>
        %add3A_779 = arith.addf %add3A_774, %mul3A_778 : vector<16xf32>
        %get3A_780 = arith.index_cast %add3A_737 : i32 to index
        %get3A_781 = arith.constant 80 : index
        %get3A_782 = tpu.vector_load %arg15[%get3A_780, %get3A_781] {strides = array<i32>} : memref<128x128xf32, #tpu.memory_space<vmem>>, vector<16xf32>,
        %mul3A_783 = arith.mulf %unpack3A_748, %get3A_782 : vector<16xf32>
        %add3A_784 = arith.addf %add3A_779, %mul3A_783 : vector<16xf32>
        %get3A_785 = arith.index_cast %add3A_737 : i32 to index
        %get3A_786 = arith.constant 112 : index
        %get3A_787 = tpu.vector_load %arg15[%get3A_785, %get3A_786] {strides = array<i32>} : memref<128x128xf32, #tpu.memory_space<vmem>>, vector<16xf32>,
        %mul3A_788 = arith.mulf %unpack3A_749, %get3A_787 : vector<16xf32>
        %add3A_789 = arith.addf %add3A_784, %mul3A_788 : vector<16xf32>
        %mul3A_790 = arith.constant 16 : i32
        %mul3A_791 = arith.muli %add3A_230, %mul3A_790 : i32
        %add3A_792 = arith.constant 10 : i32
        %add3A_793 = arith.addi %mul3A_791, %add3A_792 : i32
        %broadcast_in_dim3A_794 = vector.broadcast %add3A_793 : i32 to vector<16xi32>
        %gather3A_795 = tpu.vector_load_idx %arg11[%broadcast_in_dim3A_794] : memref<256xi32, #tpu.memory_space<vmem>>[vector<16xi32>], vector<16xi32>,
        %bitcast3A_796 = vector.bitcast %gather3A_795 : vector<16xi32> to vector<32xbf16>
        %add3A_797 = arith.constant 128 : i32
        %add3A_798 = vector.broadcast %add3A_797 : i32 to vector<16xi32>
        %add3A_799 = arith.addi %broadcast_in_dim3A_794, %add3A_798 : vector<16xi32>
        %gather3A_800 = tpu.vector_load_idx %arg11[%add3A_799] : memref<256xi32, #tpu.memory_space<vmem>>[vector<16xi32>], vector<16xi32>,
        %bitcast3A_801 = vector.bitcast %gather3A_800 : vector<16xi32> to vector<32xbf16>
        %unpack3A_802 = tpu.unpack_subelements %bitcast3A_796, 0 {pack_format = #tpu.pack_format<interleaved>} : vector<32xbf16> -> vector<16xf32>
        %unpack3A_803 = tpu.unpack_subelements %bitcast3A_796, 1 {pack_format = #tpu.pack_format<interleaved>} : vector<32xbf16> -> vector<16xf32>
        %unpack3A_804 = tpu.unpack_subelements %bitcast3A_801, 0 {pack_format = #tpu.pack_format<interleaved>} : vector<32xbf16> -> vector<16xf32>
        %unpack3A_805 = tpu.unpack_subelements %bitcast3A_801, 1 {pack_format = #tpu.pack_format<interleaved>} : vector<32xbf16> -> vector<16xf32>
        %get3A_806 = arith.index_cast %add3A_793 : i32 to index
        %get3A_807 = arith.constant 0 : index
        %get3A_808 = tpu.vector_load %arg15[%get3A_806, %get3A_807] {strides = array<i32>} : memref<128x128xf32, #tpu.memory_space<vmem>>, vector<16xf32>,
        %mul3A_809 = arith.mulf %unpack3A_802, %get3A_808 : vector<16xf32>
        %add3A_810 = arith.addf %add3A_769, %mul3A_809 : vector<16xf32>
        %get3A_811 = arith.index_cast %add3A_793 : i32 to index
        %get3A_812 = arith.constant 32 : index
        %get3A_813 = tpu.vector_load %arg15[%get3A_811, %get3A_812] {strides = array<i32>} : memref<128x128xf32, #tpu.memory_space<vmem>>, vector<16xf32>,
        %mul3A_814 = arith.mulf %unpack3A_803, %get3A_813 : vector<16xf32>
        %add3A_815 = arith.addf %add3A_810, %mul3A_814 : vector<16xf32>
        %get3A_816 = arith.index_cast %add3A_793 : i32 to index
        %get3A_817 = arith.constant 64 : index
        %get3A_818 = tpu.vector_load %arg15[%get3A_816, %get3A_817] {strides = array<i32>} : memref<128x128xf32, #tpu.memory_space<vmem>>, vector<16xf32>,
        %mul3A_819 = arith.mulf %unpack3A_804, %get3A_818 : vector<16xf32>
        %add3A_820 = arith.addf %add3A_815, %mul3A_819 : vector<16xf32>
        %get3A_821 = arith.index_cast %add3A_793 : i32 to index
        %get3A_822 = arith.constant 96 : index
        %get3A_823 = tpu.vector_load %arg15[%get3A_821, %get3A_822] {strides = array<i32>} : memref<128x128xf32, #tpu.memory_space<vmem>>, vector<16xf32>,
        %mul3A_824 = arith.mulf %unpack3A_805, %get3A_823 : vector<16xf32>
        %add3A_825 = arith.addf %add3A_820, %mul3A_824 : vector<16xf32>
        %get3A_826 = arith.index_cast %add3A_793 : i32 to index
        %get3A_827 = arith.constant 16 : index
        %get3A_828 = tpu.vector_load %arg15[%get3A_826, %get3A_827] {strides = array<i32>} : memref<128x128xf32, #tpu.memory_space<vmem>>, vector<16xf32>,
        %mul3A_829 = arith.mulf %unpack3A_802, %get3A_828 : vector<16xf32>
        %add3A_830 = arith.addf %add3A_789, %mul3A_829 : vector<16xf32>
        %get3A_831 = arith.index_cast %add3A_793 : i32 to index
        %get3A_832 = arith.constant 48 : index
        %get3A_833 = tpu.vector_load %arg15[%get3A_831, %get3A_832] {strides = array<i32>} : memref<128x128xf32, #tpu.memory_space<vmem>>, vector<16xf32>,
        %mul3A_834 = arith.mulf %unpack3A_803, %get3A_833 : vector<16xf32>
        %add3A_835 = arith.addf %add3A_830, %mul3A_834 : vector<16xf32>
        %get3A_836 = arith.index_cast %add3A_793 : i32 to index
        %get3A_837 = arith.constant 80 : index
        %get3A_838 = tpu.vector_load %arg15[%get3A_836, %get3A_837] {strides = array<i32>} : memref<128x128xf32, #tpu.memory_space<vmem>>, vector<16xf32>,
        %mul3A_839 = arith.mulf %unpack3A_804, %get3A_838 : vector<16xf32>
        %add3A_840 = arith.addf %add3A_835, %mul3A_839 : vector<16xf32>
        %get3A_841 = arith.index_cast %add3A_793 : i32 to index
        %get3A_842 = arith.constant 112 : index
        %get3A_843 = tpu.vector_load %arg15[%get3A_841, %get3A_842] {strides = array<i32>} : memref<128x128xf32, #tpu.memory_space<vmem>>, vector<16xf32>,
        %mul3A_844 = arith.mulf %unpack3A_805, %get3A_843 : vector<16xf32>
        %add3A_845 = arith.addf %add3A_840, %mul3A_844 : vector<16xf32>
        %mul3A_846 = arith.constant 16 : i32
        %mul3A_847 = arith.muli %add3A_230, %mul3A_846 : i32
        %add3A_848 = arith.constant 11 : i32
        %add3A_849 = arith.addi %mul3A_847, %add3A_848 : i32
        %broadcast_in_dim3A_850 = vector.broadcast %add3A_849 : i32 to vector<16xi32>
        %gather3A_851 = tpu.vector_load_idx %arg11[%broadcast_in_dim3A_850] : memref<256xi32, #tpu.memory_space<vmem>>[vector<16xi32>], vector<16xi32>,
        %bitcast3A_852 = vector.bitcast %gather3A_851 : vector<16xi32> to vector<32xbf16>
        %add3A_853 = arith.constant 128 : i32
        %add3A_854 = vector.broadcast %add3A_853 : i32 to vector<16xi32>
        %add3A_855 = arith.addi %broadcast_in_dim3A_850, %add3A_854 : vector<16xi32>
        %gather3A_856 = tpu.vector_load_idx %arg11[%add3A_855] : memref<256xi32, #tpu.memory_space<vmem>>[vector<16xi32>], vector<16xi32>,
        %bitcast3A_857 = vector.bitcast %gather3A_856 : vector<16xi32> to vector<32xbf16>
        %unpack3A_858 = tpu.unpack_subelements %bitcast3A_852, 0 {pack_format = #tpu.pack_format<interleaved>} : vector<32xbf16> -> vector<16xf32>
        %unpack3A_859 = tpu.unpack_subelements %bitcast3A_852, 1 {pack_format = #tpu.pack_format<interleaved>} : vector<32xbf16> -> vector<16xf32>
        %unpack3A_860 = tpu.unpack_subelements %bitcast3A_857, 0 {pack_format = #tpu.pack_format<interleaved>} : vector<32xbf16> -> vector<16xf32>
        %unpack3A_861 = tpu.unpack_subelements %bitcast3A_857, 1 {pack_format = #tpu.pack_format<interleaved>} : vector<32xbf16> -> vector<16xf32>
        %get3A_862 = arith.index_cast %add3A_849 : i32 to index
        %get3A_863 = arith.constant 0 : index
        %get3A_864 = tpu.vector_load %arg15[%get3A_862, %get3A_863] {strides = array<i32>} : memref<128x128xf32, #tpu.memory_space<vmem>>, vector<16xf32>,
        %mul3A_865 = arith.mulf %unpack3A_858, %get3A_864 : vector<16xf32>
        %add3A_866 = arith.addf %add3A_825, %mul3A_865 : vector<16xf32>
        %get3A_867 = arith.index_cast %add3A_849 : i32 to index
        %get3A_868 = arith.constant 32 : index
        %get3A_869 = tpu.vector_load %arg15[%get3A_867, %get3A_868] {strides = array<i32>} : memref<128x128xf32, #tpu.memory_space<vmem>>, vector<16xf32>,
        %mul3A_870 = arith.mulf %unpack3A_859, %get3A_869 : vector<16xf32>
        %add3A_871 = arith.addf %add3A_866, %mul3A_870 : vector<16xf32>
        %get3A_872 = arith.index_cast %add3A_849 : i32 to index
        %get3A_873 = arith.constant 64 : index
        %get3A_874 = tpu.vector_load %arg15[%get3A_872, %get3A_873] {strides = array<i32>} : memref<128x128xf32, #tpu.memory_space<vmem>>, vector<16xf32>,
        %mul3A_875 = arith.mulf %unpack3A_860, %get3A_874 : vector<16xf32>
        %add3A_876 = arith.addf %add3A_871, %mul3A_875 : vector<16xf32>
        %get3A_877 = arith.index_cast %add3A_849 : i32 to index
        %get3A_878 = arith.constant 96 : index
        %get3A_879 = tpu.vector_load %arg15[%get3A_877, %get3A_878] {strides = array<i32>} : memref<128x128xf32, #tpu.memory_space<vmem>>, vector<16xf32>,
        %mul3A_880 = arith.mulf %unpack3A_861, %get3A_879 : vector<16xf32>
        %add3A_881 = arith.addf %add3A_876, %mul3A_880 : vector<16xf32>
        %get3A_882 = arith.index_cast %add3A_849 : i32 to index
        %get3A_883 = arith.constant 16 : index
        %get3A_884 = tpu.vector_load %arg15[%get3A_882, %get3A_883] {strides = array<i32>} : memref<128x128xf32, #tpu.memory_space<vmem>>, vector<16xf32>,
        %mul3A_885 = arith.mulf %unpack3A_858, %get3A_884 : vector<16xf32>
        %add3A_886 = arith.addf %add3A_845, %mul3A_885 : vector<16xf32>
        %get3A_887 = arith.index_cast %add3A_849 : i32 to index
        %get3A_888 = arith.constant 48 : index
        %get3A_889 = tpu.vector_load %arg15[%get3A_887, %get3A_888] {strides = array<i32>} : memref<128x128xf32, #tpu.memory_space<vmem>>, vector<16xf32>,
        %mul3A_890 = arith.mulf %unpack3A_859, %get3A_889 : vector<16xf32>
        %add3A_891 = arith.addf %add3A_886, %mul3A_890 : vector<16xf32>
        %get3A_892 = arith.index_cast %add3A_849 : i32 to index
        %get3A_893 = arith.constant 80 : index
        %get3A_894 = tpu.vector_load %arg15[%get3A_892, %get3A_893] {strides = array<i32>} : memref<128x128xf32, #tpu.memory_space<vmem>>, vector<16xf32>,
        %mul3A_895 = arith.mulf %unpack3A_860, %get3A_894 : vector<16xf32>
        %add3A_896 = arith.addf %add3A_891, %mul3A_895 : vector<16xf32>
        %get3A_897 = arith.index_cast %add3A_849 : i32 to index
        %get3A_898 = arith.constant 112 : index
        %get3A_899 = tpu.vector_load %arg15[%get3A_897, %get3A_898] {strides = array<i32>} : memref<128x128xf32, #tpu.memory_space<vmem>>, vector<16xf32>,
        %mul3A_900 = arith.mulf %unpack3A_861, %get3A_899 : vector<16xf32>
        %add3A_901 = arith.addf %add3A_896, %mul3A_900 : vector<16xf32>
        %mul3A_902 = arith.constant 16 : i32
        %mul3A_903 = arith.muli %add3A_230, %mul3A_902 : i32
        %add3A_904 = arith.constant 12 : i32
        %add3A_905 = arith.addi %mul3A_903, %add3A_904 : i32
        %broadcast_in_dim3A_906 = vector.broadcast %add3A_905 : i32 to vector<16xi32>
        %gather3A_907 = tpu.vector_load_idx %arg11[%broadcast_in_dim3A_906] : memref<256xi32, #tpu.memory_space<vmem>>[vector<16xi32>], vector<16xi32>,
        %bitcast3A_908 = vector.bitcast %gather3A_907 : vector<16xi32> to vector<32xbf16>
        %add3A_909 = arith.constant 128 : i32
        %add3A_910 = vector.broadcast %add3A_909 : i32 to vector<16xi32>
        %add3A_911 = arith.addi %broadcast_in_dim3A_906, %add3A_910 : vector<16xi32>
        %gather3A_912 = tpu.vector_load_idx %arg11[%add3A_911] : memref<256xi32, #tpu.memory_space<vmem>>[vector<16xi32>], vector<16xi32>,
        %bitcast3A_913 = vector.bitcast %gather3A_912 : vector<16xi32> to vector<32xbf16>
        %unpack3A_914 = tpu.unpack_subelements %bitcast3A_908, 0 {pack_format = #tpu.pack_format<interleaved>} : vector<32xbf16> -> vector<16xf32>
        %unpack3A_915 = tpu.unpack_subelements %bitcast3A_908, 1 {pack_format = #tpu.pack_format<interleaved>} : vector<32xbf16> -> vector<16xf32>
        %unpack3A_916 = tpu.unpack_subelements %bitcast3A_913, 0 {pack_format = #tpu.pack_format<interleaved>} : vector<32xbf16> -> vector<16xf32>
        %unpack3A_917 = tpu.unpack_subelements %bitcast3A_913, 1 {pack_format = #tpu.pack_format<interleaved>} : vector<32xbf16> -> vector<16xf32>
        %get3A_918 = arith.index_cast %add3A_905 : i32 to index
        %get3A_919 = arith.constant 0 : index
        %get3A_920 = tpu.vector_load %arg15[%get3A_918, %get3A_919] {strides = array<i32>} : memref<128x128xf32, #tpu.memory_space<vmem>>, vector<16xf32>,
        %mul3A_921 = arith.mulf %unpack3A_914, %get3A_920 : vector<16xf32>
        %add3A_922 = arith.addf %add3A_881, %mul3A_921 : vector<16xf32>
        %get3A_923 = arith.index_cast %add3A_905 : i32 to index
        %get3A_924 = arith.constant 32 : index
        %get3A_925 = tpu.vector_load %arg15[%get3A_923, %get3A_924] {strides = array<i32>} : memref<128x128xf32, #tpu.memory_space<vmem>>, vector<16xf32>,
        %mul3A_926 = arith.mulf %unpack3A_915, %get3A_925 : vector<16xf32>
        %add3A_927 = arith.addf %add3A_922, %mul3A_926 : vector<16xf32>
        %get3A_928 = arith.index_cast %add3A_905 : i32 to index
        %get3A_929 = arith.constant 64 : index
        %get3A_930 = tpu.vector_load %arg15[%get3A_928, %get3A_929] {strides = array<i32>} : memref<128x128xf32, #tpu.memory_space<vmem>>, vector<16xf32>,
        %mul3A_931 = arith.mulf %unpack3A_916, %get3A_930 : vector<16xf32>
        %add3A_932 = arith.addf %add3A_927, %mul3A_931 : vector<16xf32>
        %get3A_933 = arith.index_cast %add3A_905 : i32 to index
        %get3A_934 = arith.constant 96 : index
        %get3A_935 = tpu.vector_load %arg15[%get3A_933, %get3A_934] {strides = array<i32>} : memref<128x128xf32, #tpu.memory_space<vmem>>, vector<16xf32>,
        %mul3A_936 = arith.mulf %unpack3A_917, %get3A_935 : vector<16xf32>
        %add3A_937 = arith.addf %add3A_932, %mul3A_936 : vector<16xf32>
        %get3A_938 = arith.index_cast %add3A_905 : i32 to index
        %get3A_939 = arith.constant 16 : index
        %get3A_940 = tpu.vector_load %arg15[%get3A_938, %get3A_939] {strides = array<i32>} : memref<128x128xf32, #tpu.memory_space<vmem>>, vector<16xf32>,
        %mul3A_941 = arith.mulf %unpack3A_914, %get3A_940 : vector<16xf32>
        %add3A_942 = arith.addf %add3A_901, %mul3A_941 : vector<16xf32>
        %get3A_943 = arith.index_cast %add3A_905 : i32 to index
        %get3A_944 = arith.constant 48 : index
        %get3A_945 = tpu.vector_load %arg15[%get3A_943, %get3A_944] {strides = array<i32>} : memref<128x128xf32, #tpu.memory_space<vmem>>, vector<16xf32>,
        %mul3A_946 = arith.mulf %unpack3A_915, %get3A_945 : vector<16xf32>
        %add3A_947 = arith.addf %add3A_942, %mul3A_946 : vector<16xf32>
        %get3A_948 = arith.index_cast %add3A_905 : i32 to index
        %get3A_949 = arith.constant 80 : index
        %get3A_950 = tpu.vector_load %arg15[%get3A_948, %get3A_949] {strides = array<i32>} : memref<128x128xf32, #tpu.memory_space<vmem>>, vector<16xf32>,
        %mul3A_951 = arith.mulf %unpack3A_916, %get3A_950 : vector<16xf32>
        %add3A_952 = arith.addf %add3A_947, %mul3A_951 : vector<16xf32>
        %get3A_953 = arith.index_cast %add3A_905 : i32 to index
        %get3A_954 = arith.constant 112 : index
        %get3A_955 = tpu.vector_load %arg15[%get3A_953, %get3A_954] {strides = array<i32>} : memref<128x128xf32, #tpu.memory_space<vmem>>, vector<16xf32>,
        %mul3A_956 = arith.mulf %unpack3A_917, %get3A_955 : vector<16xf32>
        %add3A_957 = arith.addf %add3A_952, %mul3A_956 : vector<16xf32>
        %mul3A_958 = arith.constant 16 : i32
        %mul3A_959 = arith.muli %add3A_230, %mul3A_958 : i32
        %add3A_960 = arith.constant 13 : i32
        %add3A_961 = arith.addi %mul3A_959, %add3A_960 : i32
        %broadcast_in_dim3A_962 = vector.broadcast %add3A_961 : i32 to vector<16xi32>
        %gather3A_963 = tpu.vector_load_idx %arg11[%broadcast_in_dim3A_962] : memref<256xi32, #tpu.memory_space<vmem>>[vector<16xi32>], vector<16xi32>,
        %bitcast3A_964 = vector.bitcast %gather3A_963 : vector<16xi32> to vector<32xbf16>
        %add3A_965 = arith.constant 128 : i32
        %add3A_966 = vector.broadcast %add3A_965 : i32 to vector<16xi32>
        %add3A_967 = arith.addi %broadcast_in_dim3A_962, %add3A_966 : vector<16xi32>
        %gather3A_968 = tpu.vector_load_idx %arg11[%add3A_967] : memref<256xi32, #tpu.memory_space<vmem>>[vector<16xi32>], vector<16xi32>,
        %bitcast3A_969 = vector.bitcast %gather3A_968 : vector<16xi32> to vector<32xbf16>
        %unpack3A_970 = tpu.unpack_subelements %bitcast3A_964, 0 {pack_format = #tpu.pack_format<interleaved>} : vector<32xbf16> -> vector<16xf32>
        %unpack3A_971 = tpu.unpack_subelements %bitcast3A_964, 1 {pack_format = #tpu.pack_format<interleaved>} : vector<32xbf16> -> vector<16xf32>
        %unpack3A_972 = tpu.unpack_subelements %bitcast3A_969, 0 {pack_format = #tpu.pack_format<interleaved>} : vector<32xbf16> -> vector<16xf32>
        %unpack3A_973 = tpu.unpack_subelements %bitcast3A_969, 1 {pack_format = #tpu.pack_format<interleaved>} : vector<32xbf16> -> vector<16xf32>
        %get3A_974 = arith.index_cast %add3A_961 : i32 to index
        %get3A_975 = arith.constant 0 : index
        %get3A_976 = tpu.vector_load %arg15[%get3A_974, %get3A_975] {strides = array<i32>} : memref<128x128xf32, #tpu.memory_space<vmem>>, vector<16xf32>,
        %mul3A_977 = arith.mulf %unpack3A_970, %get3A_976 : vector<16xf32>
        %add3A_978 = arith.addf %add3A_937, %mul3A_977 : vector<16xf32>
        %get3A_979 = arith.index_cast %add3A_961 : i32 to index
        %get3A_980 = arith.constant 32 : index
        %get3A_981 = tpu.vector_load %arg15[%get3A_979, %get3A_980] {strides = array<i32>} : memref<128x128xf32, #tpu.memory_space<vmem>>, vector<16xf32>,
        %mul3A_982 = arith.mulf %unpack3A_971, %get3A_981 : vector<16xf32>
        %add3A_983 = arith.addf %add3A_978, %mul3A_982 : vector<16xf32>
        %get3A_984 = arith.index_cast %add3A_961 : i32 to index
        %get3A_985 = arith.constant 64 : index
        %get3A_986 = tpu.vector_load %arg15[%get3A_984, %get3A_985] {strides = array<i32>} : memref<128x128xf32, #tpu.memory_space<vmem>>, vector<16xf32>,
        %mul3A_987 = arith.mulf %unpack3A_972, %get3A_986 : vector<16xf32>
        %add3A_988 = arith.addf %add3A_983, %mul3A_987 : vector<16xf32>
        %get3A_989 = arith.index_cast %add3A_961 : i32 to index
        %get3A_990 = arith.constant 96 : index
        %get3A_991 = tpu.vector_load %arg15[%get3A_989, %get3A_990] {strides = array<i32>} : memref<128x128xf32, #tpu.memory_space<vmem>>, vector<16xf32>,
        %mul3A_992 = arith.mulf %unpack3A_973, %get3A_991 : vector<16xf32>
        %add3A_993 = arith.addf %add3A_988, %mul3A_992 : vector<16xf32>
        %get3A_994 = arith.index_cast %add3A_961 : i32 to index
        %get3A_995 = arith.constant 16 : index
        %get3A_996 = tpu.vector_load %arg15[%get3A_994, %get3A_995] {strides = array<i32>} : memref<128x128xf32, #tpu.memory_space<vmem>>, vector<16xf32>,
        %mul3A_997 = arith.mulf %unpack3A_970, %get3A_996 : vector<16xf32>
        %add3A_998 = arith.addf %add3A_957, %mul3A_997 : vector<16xf32>
        %get3A_999 = arith.index_cast %add3A_961 : i32 to index
        %get3A_1000 = arith.constant 48 : index
        %get3A_1001 = tpu.vector_load %arg15[%get3A_999, %get3A_1000] {strides = array<i32>} : memref<128x128xf32, #tpu.memory_space<vmem>>, vector<16xf32>,
        %mul3A_1002 = arith.mulf %unpack3A_971, %get3A_1001 : vector<16xf32>
        %add3A_1003 = arith.addf %add3A_998, %mul3A_1002 : vector<16xf32>
        %get3A_1004 = arith.index_cast %add3A_961 : i32 to index
        %get3A_1005 = arith.constant 80 : index
        %get3A_1006 = tpu.vector_load %arg15[%get3A_1004, %get3A_1005] {strides = array<i32>} : memref<128x128xf32, #tpu.memory_space<vmem>>, vector<16xf32>,
        %mul3A_1007 = arith.mulf %unpack3A_972, %get3A_1006 : vector<16xf32>
        %add3A_1008 = arith.addf %add3A_1003, %mul3A_1007 : vector<16xf32>
        %get3A_1009 = arith.index_cast %add3A_961 : i32 to index
        %get3A_1010 = arith.constant 112 : index
        %get3A_1011 = tpu.vector_load %arg15[%get3A_1009, %get3A_1010] {strides = array<i32>} : memref<128x128xf32, #tpu.memory_space<vmem>>, vector<16xf32>,
        %mul3A_1012 = arith.mulf %unpack3A_973, %get3A_1011 : vector<16xf32>
        %add3A_1013 = arith.addf %add3A_1008, %mul3A_1012 : vector<16xf32>
        %mul3A_1014 = arith.constant 16 : i32
        %mul3A_1015 = arith.muli %add3A_230, %mul3A_1014 : i32
        %add3A_1016 = arith.constant 14 : i32
        %add3A_1017 = arith.addi %mul3A_1015, %add3A_1016 : i32
        %broadcast_in_dim3A_1018 = vector.broadcast %add3A_1017 : i32 to vector<16xi32>
        %gather3A_1019 = tpu.vector_load_idx %arg11[%broadcast_in_dim3A_1018] : memref<256xi32, #tpu.memory_space<vmem>>[vector<16xi32>], vector<16xi32>,
        %bitcast3A_1020 = vector.bitcast %gather3A_1019 : vector<16xi32> to vector<32xbf16>
        %add3A_1021 = arith.constant 128 : i32
        %add3A_1022 = vector.broadcast %add3A_1021 : i32 to vector<16xi32>
        %add3A_1023 = arith.addi %broadcast_in_dim3A_1018, %add3A_1022 : vector<16xi32>
        %gather3A_1024 = tpu.vector_load_idx %arg11[%add3A_1023] : memref<256xi32, #tpu.memory_space<vmem>>[vector<16xi32>], vector<16xi32>,
        %bitcast3A_1025 = vector.bitcast %gather3A_1024 : vector<16xi32> to vector<32xbf16>
        %unpack3A_1026 = tpu.unpack_subelements %bitcast3A_1020, 0 {pack_format = #tpu.pack_format<interleaved>} : vector<32xbf16> -> vector<16xf32>
        %unpack3A_1027 = tpu.unpack_subelements %bitcast3A_1020, 1 {pack_format = #tpu.pack_format<interleaved>} : vector<32xbf16> -> vector<16xf32>
        %unpack3A_1028 = tpu.unpack_subelements %bitcast3A_1025, 0 {pack_format = #tpu.pack_format<interleaved>} : vector<32xbf16> -> vector<16xf32>
        %unpack3A_1029 = tpu.unpack_subelements %bitcast3A_1025, 1 {pack_format = #tpu.pack_format<interleaved>} : vector<32xbf16> -> vector<16xf32>
        %get3A_1030 = arith.index_cast %add3A_1017 : i32 to index
        %get3A_1031 = arith.constant 0 : index
        %get3A_1032 = tpu.vector_load %arg15[%get3A_1030, %get3A_1031] {strides = array<i32>} : memref<128x128xf32, #tpu.memory_space<vmem>>, vector<16xf32>,
        %mul3A_1033 = arith.mulf %unpack3A_1026, %get3A_1032 : vector<16xf32>
        %add3A_1034 = arith.addf %add3A_993, %mul3A_1033 : vector<16xf32>
        %get3A_1035 = arith.index_cast %add3A_1017 : i32 to index
        %get3A_1036 = arith.constant 32 : index
        %get3A_1037 = tpu.vector_load %arg15[%get3A_1035, %get3A_1036] {strides = array<i32>} : memref<128x128xf32, #tpu.memory_space<vmem>>, vector<16xf32>,
        %mul3A_1038 = arith.mulf %unpack3A_1027, %get3A_1037 : vector<16xf32>
        %add3A_1039 = arith.addf %add3A_1034, %mul3A_1038 : vector<16xf32>
        %get3A_1040 = arith.index_cast %add3A_1017 : i32 to index
        %get3A_1041 = arith.constant 64 : index
        %get3A_1042 = tpu.vector_load %arg15[%get3A_1040, %get3A_1041] {strides = array<i32>} : memref<128x128xf32, #tpu.memory_space<vmem>>, vector<16xf32>,
        %mul3A_1043 = arith.mulf %unpack3A_1028, %get3A_1042 : vector<16xf32>
        %add3A_1044 = arith.addf %add3A_1039, %mul3A_1043 : vector<16xf32>
        %get3A_1045 = arith.index_cast %add3A_1017 : i32 to index
        %get3A_1046 = arith.constant 96 : index
        %get3A_1047 = tpu.vector_load %arg15[%get3A_1045, %get3A_1046] {strides = array<i32>} : memref<128x128xf32, #tpu.memory_space<vmem>>, vector<16xf32>,
        %mul3A_1048 = arith.mulf %unpack3A_1029, %get3A_1047 : vector<16xf32>
        %add3A_1049 = arith.addf %add3A_1044, %mul3A_1048 : vector<16xf32>
        %get3A_1050 = arith.index_cast %add3A_1017 : i32 to index
        %get3A_1051 = arith.constant 16 : index
        %get3A_1052 = tpu.vector_load %arg15[%get3A_1050, %get3A_1051] {strides = array<i32>} : memref<128x128xf32, #tpu.memory_space<vmem>>, vector<16xf32>,
        %mul3A_1053 = arith.mulf %unpack3A_1026, %get3A_1052 : vector<16xf32>
        %add3A_1054 = arith.addf %add3A_1013, %mul3A_1053 : vector<16xf32>
        %get3A_1055 = arith.index_cast %add3A_1017 : i32 to index
        %get3A_1056 = arith.constant 48 : index
        %get3A_1057 = tpu.vector_load %arg15[%get3A_1055, %get3A_1056] {strides = array<i32>} : memref<128x128xf32, #tpu.memory_space<vmem>>, vector<16xf32>,
        %mul3A_1058 = arith.mulf %unpack3A_1027, %get3A_1057 : vector<16xf32>
        %add3A_1059 = arith.addf %add3A_1054, %mul3A_1058 : vector<16xf32>
        %get3A_1060 = arith.index_cast %add3A_1017 : i32 to index
        %get3A_1061 = arith.constant 80 : index
        %get3A_1062 = tpu.vector_load %arg15[%get3A_1060, %get3A_1061] {strides = array<i32>} : memref<128x128xf32, #tpu.memory_space<vmem>>, vector<16xf32>,
        %mul3A_1063 = arith.mulf %unpack3A_1028, %get3A_1062 : vector<16xf32>
        %add3A_1064 = arith.addf %add3A_1059, %mul3A_1063 : vector<16xf32>
        %get3A_1065 = arith.index_cast %add3A_1017 : i32 to index
        %get3A_1066 = arith.constant 112 : index
        %get3A_1067 = tpu.vector_load %arg15[%get3A_1065, %get3A_1066] {strides = array<i32>} : memref<128x128xf32, #tpu.memory_space<vmem>>, vector<16xf32>,
        %mul3A_1068 = arith.mulf %unpack3A_1029, %get3A_1067 : vector<16xf32>
        %add3A_1069 = arith.addf %add3A_1064, %mul3A_1068 : vector<16xf32>
        %mul3A_1070 = arith.constant 16 : i32
        %mul3A_1071 = arith.muli %add3A_230, %mul3A_1070 : i32
        %add3A_1072 = arith.constant 15 : i32
        %add3A_1073 = arith.addi %mul3A_1071, %add3A_1072 : i32
        %broadcast_in_dim3A_1074 = vector.broadcast %add3A_1073 : i32 to vector<16xi32>
        %gather3A_1075 = tpu.vector_load_idx %arg11[%broadcast_in_dim3A_1074] : memref<256xi32, #tpu.memory_space<vmem>>[vector<16xi32>], vector<16xi32>,
        %bitcast3A_1076 = vector.bitcast %gather3A_1075 : vector<16xi32> to vector<32xbf16>
        %add3A_1077 = arith.constant 128 : i32
        %add3A_1078 = vector.broadcast %add3A_1077 : i32 to vector<16xi32>
        %add3A_1079 = arith.addi %broadcast_in_dim3A_1074, %add3A_1078 : vector<16xi32>
        %gather3A_1080 = tpu.vector_load_idx %arg11[%add3A_1079] : memref<256xi32, #tpu.memory_space<vmem>>[vector<16xi32>], vector<16xi32>,
        %bitcast3A_1081 = vector.bitcast %gather3A_1080 : vector<16xi32> to vector<32xbf16>
        %unpack3A_1082 = tpu.unpack_subelements %bitcast3A_1076, 0 {pack_format = #tpu.pack_format<interleaved>} : vector<32xbf16> -> vector<16xf32>
        %unpack3A_1083 = tpu.unpack_subelements %bitcast3A_1076, 1 {pack_format = #tpu.pack_format<interleaved>} : vector<32xbf16> -> vector<16xf32>
        %unpack3A_1084 = tpu.unpack_subelements %bitcast3A_1081, 0 {pack_format = #tpu.pack_format<interleaved>} : vector<32xbf16> -> vector<16xf32>
        %unpack3A_1085 = tpu.unpack_subelements %bitcast3A_1081, 1 {pack_format = #tpu.pack_format<interleaved>} : vector<32xbf16> -> vector<16xf32>
        %get3A_1086 = arith.index_cast %add3A_1073 : i32 to index
        %get3A_1087 = arith.constant 0 : index
        %get3A_1088 = tpu.vector_load %arg15[%get3A_1086, %get3A_1087] {strides = array<i32>} : memref<128x128xf32, #tpu.memory_space<vmem>>, vector<16xf32>,
        %mul3A_1089 = arith.mulf %unpack3A_1082, %get3A_1088 : vector<16xf32>
        %add3A_1090 = arith.addf %add3A_1049, %mul3A_1089 : vector<16xf32>
        %get3A_1091 = arith.index_cast %add3A_1073 : i32 to index
        %get3A_1092 = arith.constant 32 : index
        %get3A_1093 = tpu.vector_load %arg15[%get3A_1091, %get3A_1092] {strides = array<i32>} : memref<128x128xf32, #tpu.memory_space<vmem>>, vector<16xf32>,
        %mul3A_1094 = arith.mulf %unpack3A_1083, %get3A_1093 : vector<16xf32>
        %add3A_1095 = arith.addf %add3A_1090, %mul3A_1094 : vector<16xf32>
        %get3A_1096 = arith.index_cast %add3A_1073 : i32 to index
        %get3A_1097 = arith.constant 64 : index
        %get3A_1098 = tpu.vector_load %arg15[%get3A_1096, %get3A_1097] {strides = array<i32>} : memref<128x128xf32, #tpu.memory_space<vmem>>, vector<16xf32>,
        %mul3A_1099 = arith.mulf %unpack3A_1084, %get3A_1098 : vector<16xf32>
        %add3A_1100 = arith.addf %add3A_1095, %mul3A_1099 : vector<16xf32>
        %get3A_1101 = arith.index_cast %add3A_1073 : i32 to index
        %get3A_1102 = arith.constant 96 : index
        %get3A_1103 = tpu.vector_load %arg15[%get3A_1101, %get3A_1102] {strides = array<i32>} : memref<128x128xf32, #tpu.memory_space<vmem>>, vector<16xf32>,
        %mul3A_1104 = arith.mulf %unpack3A_1085, %get3A_1103 : vector<16xf32>
        %add3A_1105 = arith.addf %add3A_1100, %mul3A_1104 : vector<16xf32>
        %get3A_1106 = arith.index_cast %add3A_1073 : i32 to index
        %get3A_1107 = arith.constant 16 : index
        %get3A_1108 = tpu.vector_load %arg15[%get3A_1106, %get3A_1107] {strides = array<i32>} : memref<128x128xf32, #tpu.memory_space<vmem>>, vector<16xf32>,
        %mul3A_1109 = arith.mulf %unpack3A_1082, %get3A_1108 : vector<16xf32>
        %add3A_1110 = arith.addf %add3A_1069, %mul3A_1109 : vector<16xf32>
        %get3A_1111 = arith.index_cast %add3A_1073 : i32 to index
        %get3A_1112 = arith.constant 48 : index
        %get3A_1113 = tpu.vector_load %arg15[%get3A_1111, %get3A_1112] {strides = array<i32>} : memref<128x128xf32, #tpu.memory_space<vmem>>, vector<16xf32>,
        %mul3A_1114 = arith.mulf %unpack3A_1083, %get3A_1113 : vector<16xf32>
        %add3A_1115 = arith.addf %add3A_1110, %mul3A_1114 : vector<16xf32>
        %get3A_1116 = arith.index_cast %add3A_1073 : i32 to index
        %get3A_1117 = arith.constant 80 : index
        %get3A_1118 = tpu.vector_load %arg15[%get3A_1116, %get3A_1117] {strides = array<i32>} : memref<128x128xf32, #tpu.memory_space<vmem>>, vector<16xf32>,
        %mul3A_1119 = arith.mulf %unpack3A_1084, %get3A_1118 : vector<16xf32>
        %add3A_1120 = arith.addf %add3A_1115, %mul3A_1119 : vector<16xf32>
        %get3A_1121 = arith.index_cast %add3A_1073 : i32 to index
        %get3A_1122 = arith.constant 112 : index
        %get3A_1123 = tpu.vector_load %arg15[%get3A_1121, %get3A_1122] {strides = array<i32>} : memref<128x128xf32, #tpu.memory_space<vmem>>, vector<16xf32>,
        %mul3A_1124 = arith.mulf %unpack3A_1085, %get3A_1123 : vector<16xf32>
        %add3A_1125 = arith.addf %add3A_1120, %mul3A_1124 : vector<16xf32>
        %mul3A_1126 = arith.constant 32 : i32
        %mul3A_1127 = arith.muli %add3A_230, %mul3A_1126 : i32
        %add3A_1128 = arith.addi %add3A_134, %mul3A_1127 : i32
        %swap3A = arith.index_cast %add3A_1128 : i32 to index
        %swap3A_1129 = tpu.vector_load %arg18[%swap3A] {strides = array<i32>} : memref<5120xf32, #tpu.memory_space<vmem>>, vector<16xf32>,
        tpu.vector_store %arg18[%swap3A], %add3A_1105 {strides = array<i32>} : memref<5120xf32, #tpu.memory_space<vmem>>, vector<16xf32>,
        %mul3A_1130 = arith.constant 32 : i32
        %mul3A_1131 = arith.muli %add3A_230, %mul3A_1130 : i32
        %add3A_1132 = arith.addi %add3A_134, %mul3A_1131 : i32
        %add3A_1133 = arith.constant 16 : i32
        %add3A_1134 = arith.addi %add3A_1132, %add3A_1133 : i32
        %swap3A_1135 = arith.index_cast %add3A_1134 : i32 to index
        %swap3A_1136 = tpu.vector_load %arg18[%swap3A_1135] {strides = array<i32>} : memref<5120xf32, #tpu.memory_space<vmem>>, vector<16xf32>,
        tpu.vector_store %arg18[%swap3A_1135], %add3A_1125 {strides = array<i32>} : memref<5120xf32, #tpu.memory_space<vmem>>, vector<16xf32>,
      }
      %scan3A_139 = arith.constant 8 : i32
      %add3A_140 = arith.constant 4 : i32
      %add3A_141 = arith.addi %add3A_129, %add3A_140 : i32
      %lt3A_142 = arith.constant 340 : i32
      %lt3A_143 = arith.cmpi slt, %add3A_141, %lt3A_142 : i32
      %convert_element_type3A_144 = arith.extui %lt3A_143 : i1 to i32
      %cond3A_145 = arith.constant 0 : i32
      %cond3A_146 = arith.cmpi ne, %convert_element_type3A_144, %cond3A_145 : i32
      scf.if %cond3A_146 {
        %add3A_226 = arith.constant 4 : i32
        %add3A_227 = arith.addi %add3A_129, %add3A_226 : i32
        %add3A_228 = arith.addi %mul3A_2, %add3A_227 : i32
        %mul3A_229 = arith.constant 128 : i32
        %mul3A_230 = arith.muli %add3A_228, %mul3A_229 : i32
        %dma_start3A_231 = tpu.memref_slice %arg3[%mul3A_230] : memref<1392640xi32, #tpu.memory_space<hbm>> -> memref<128xi32, #tpu.memory_space<hbm>>
        %dma_start3A_232 = tpu.memref_slice %arg3[%mul3A_230] : memref<1392640xi32, #tpu.memory_space<hbm>> -> memref<128xi32, #tpu.memory_space<hbm>>
        tpu.enqueue_dma source(%dma_start3A_232 : memref<128xi32, #tpu.memory_space<hbm>>) target(%arg7 : memref<128xi32, #tpu.memory_space<vmem>>) target_semaphore(%arg20 : memref<!tpu.dma_semaphore, #tpu.memory_space<semaphore_mem>>)
        %mul3A_233 = arith.constant 256 : i32
        %mul3A_234 = arith.muli %add3A_228, %mul3A_233 : i32
        %dma_start3A_235 = tpu.memref_slice %arg4[%mul3A_234] : memref<2785280xi32, #tpu.memory_space<hbm>> -> memref<256xi32, #tpu.memory_space<hbm>>
        %dma_start3A_236 = tpu.memref_slice %arg4[%mul3A_234] : memref<2785280xi32, #tpu.memory_space<hbm>> -> memref<256xi32, #tpu.memory_space<hbm>>
        tpu.enqueue_dma source(%dma_start3A_236 : memref<256xi32, #tpu.memory_space<hbm>>) target(%arg11 : memref<256xi32, #tpu.memory_space<vmem>>) target_semaphore(%arg20 : memref<!tpu.dma_semaphore, #tpu.memory_space<semaphore_mem>>)
      } else {
      }
      %mul3A_147 = arith.constant 4 : i32
      %mul3A_148 = arith.muli %mul3A_147, %add3A_75 : i32
      %add3A_149 = arith.constant 1 : i32
      %add3A_150 = arith.addi %mul3A_148, %add3A_149 : i32
      %add3A_151 = arith.constant 2 : i32
      %add3A_152 = arith.addi %add3A_150, %add3A_151 : i32
      %lt3A_153 = arith.constant 340 : i32
      %lt3A_154 = arith.cmpi slt, %add3A_152, %lt3A_153 : i32
      %convert_element_type3A_155 = arith.extui %lt3A_154 : i1 to i32
      %cond3A_156 = arith.constant 0 : i32
      %cond3A_157 = arith.cmpi ne, %convert_element_type3A_155, %cond3A_156 : i32
      scf.if %cond3A_157 {
        %add3A_226 = arith.addi %mul3A_2, %add3A_152 : i32
        %mul3A_227 = arith.constant 128 : i32
        %mul3A_228 = arith.muli %add3A_226, %mul3A_227 : i32
        %dma_wait3A_229 = tpu.memref_slice %arg3[%mul3A_228] : memref<1392640xi32, #tpu.memory_space<hbm>> -> memref<128xi32, #tpu.memory_space<hbm>>
        %dma_wait3A_230 = tpu.memref_slice %arg3[%mul3A_228] : memref<1392640xi32, #tpu.memory_space<hbm>> -> memref<128xi32, #tpu.memory_space<hbm>>
        tpu.wait_dma2 semaphore(%arg22 : memref<!tpu.dma_semaphore, #tpu.memory_space<semaphore_mem>>) src(%dma_wait3A_230 : memref<128xi32, #tpu.memory_space<hbm>>) dst(%arg9 : memref<128xi32, #tpu.memory_space<vmem>>)
        %mul3A_231 = arith.constant 256 : i32
        %mul3A_232 = arith.muli %add3A_226, %mul3A_231 : i32
        %dma_wait3A_233 = tpu.memref_slice %arg4[%mul3A_232] : memref<2785280xi32, #tpu.memory_space<hbm>> -> memref<256xi32, #tpu.memory_space<hbm>>
        %dma_wait3A_234 = tpu.memref_slice %arg4[%mul3A_232] : memref<2785280xi32, #tpu.memory_space<hbm>> -> memref<256xi32, #tpu.memory_space<hbm>>
        tpu.wait_dma2 semaphore(%arg22 : memref<!tpu.dma_semaphore, #tpu.memory_space<semaphore_mem>>) src(%dma_wait3A_234 : memref<256xi32, #tpu.memory_space<hbm>>) dst(%arg13 : memref<256xi32, #tpu.memory_space<vmem>>)
        %dma_start3A_235 = arith.constant 0 : i32
        %dma_start3A_236 = arith.constant 0 : i32
        %dma_start3A_237 = tpu.memref_slice %arg2[%dma_start3A_235, %dma_start3A_236] : memref<94976x128xf32, #tpu.memory_space<hbm>> -> memref<94976x128xf32, #tpu.memory_space<hbm>>
        tpu.enqueue_indirect_dma source(%dma_start3A_237 : memref<94976x128xf32, #tpu.memory_space<hbm>>) target(%arg17 : memref<128x128xf32, #tpu.memory_space<vmem>>) offsets(%arg9 : memref<128xi32, #tpu.memory_space<vmem>>) semaphore(%arg26 : memref<!tpu.dma_semaphore, #tpu.memory_space<semaphore_mem>>)
      } else {
      }
      %mul3A_158 = arith.constant 4 : i32
      %mul3A_159 = arith.muli %mul3A_158, %add3A_75 : i32
      %add3A_160 = arith.constant 2 : i32
      %add3A_161 = arith.addi %mul3A_159, %add3A_160 : i32
      %dma_wait3A_162 = arith.constant 0 : i32
      %dma_wait3A_163 = arith.constant 0 : i32
      %dma_wait3A_164 = tpu.memref_slice %arg2[%dma_wait3A_162, %dma_wait3A_163] : memref<94976x128xf32, #tpu.memory_space<hbm>> -> memref<94976x128xf32, #tpu.memory_space<hbm>>
      tpu.wait_indirect_dma semaphore(%arg25 : memref<!tpu.dma_semaphore, #tpu.memory_space<semaphore_mem>>) src(%dma_wait3A_164 : memref<94976x128xf32, #tpu.memory_space<hbm>>) dst(%arg16 : memref<128x128xf32, #tpu.memory_space<vmem>>)
      %add3A_165 = arith.constant 512 : i32
      %add3A_166 = arith.addi %mul3A_96, %add3A_165 : i32
      %scan3A_167 = arith.constant 0 : i32
      %scan3A_168 = arith.constant 8 : i32
      %scan3A_169 = arith.addi %scan3A_167, %scan3A_168 : i32
      %scan3A_170 = arith.constant 1 : i32
      scf.for %scan3A_226 = %scan3A_167 to %scan3A_169 step %scan3A_170  : i32 {
        %mul3A_227 = arith.constant 1 : i32
        %mul3A_228 = arith.muli %scan3A_226, %mul3A_227 : i32
        %add3A_229 = arith.constant 0 : i32
        %add3A_230 = arith.addi %add3A_229, %mul3A_228 : i32
        %broadcast_in_dim3A = arith.constant 0.000000e+00 : f32
        %broadcast_in_dim3A_231 = vector.broadcast %broadcast_in_dim3A : f32 to vector<16xf32>
        %broadcast_in_dim3A_232 = arith.constant 0.000000e+00 : f32
        %broadcast_in_dim3A_233 = vector.broadcast %broadcast_in_dim3A_232 : f32 to vector<16xf32>
        %mul3A_234 = arith.constant 16 : i32
        %mul3A_235 = arith.muli %add3A_230, %mul3A_234 : i32
        %add3A_236 = arith.constant 0 : i32
        %add3A_237 = arith.addi %mul3A_235, %add3A_236 : i32
        %broadcast_in_dim3A_238 = vector.broadcast %add3A_237 : i32 to vector<16xi32>
        %gather3A = tpu.vector_load_idx %arg12[%broadcast_in_dim3A_238] : memref<256xi32, #tpu.memory_space<vmem>>[vector<16xi32>], vector<16xi32>,
        %bitcast3A = vector.bitcast %gather3A : vector<16xi32> to vector<32xbf16>
        %add3A_239 = arith.constant 128 : i32
        %add3A_240 = vector.broadcast %add3A_239 : i32 to vector<16xi32>
        %add3A_241 = arith.addi %broadcast_in_dim3A_238, %add3A_240 : vector<16xi32>
        %gather3A_242 = tpu.vector_load_idx %arg12[%add3A_241] : memref<256xi32, #tpu.memory_space<vmem>>[vector<16xi32>], vector<16xi32>,
        %bitcast3A_243 = vector.bitcast %gather3A_242 : vector<16xi32> to vector<32xbf16>
        %unpack3A = tpu.unpack_subelements %bitcast3A, 0 {pack_format = #tpu.pack_format<interleaved>} : vector<32xbf16> -> vector<16xf32>
        %unpack3A_244 = tpu.unpack_subelements %bitcast3A, 1 {pack_format = #tpu.pack_format<interleaved>} : vector<32xbf16> -> vector<16xf32>
        %unpack3A_245 = tpu.unpack_subelements %bitcast3A_243, 0 {pack_format = #tpu.pack_format<interleaved>} : vector<32xbf16> -> vector<16xf32>
        %unpack3A_246 = tpu.unpack_subelements %bitcast3A_243, 1 {pack_format = #tpu.pack_format<interleaved>} : vector<32xbf16> -> vector<16xf32>
        %get3A = arith.index_cast %add3A_237 : i32 to index
        %get3A_247 = arith.constant 0 : index
        %get3A_248 = tpu.vector_load %arg16[%get3A, %get3A_247] {strides = array<i32>} : memref<128x128xf32, #tpu.memory_space<vmem>>, vector<16xf32>,
        %mul3A_249 = arith.mulf %unpack3A, %get3A_248 : vector<16xf32>
        %add3A_250 = arith.addf %broadcast_in_dim3A_231, %mul3A_249 : vector<16xf32>
        %get3A_251 = arith.index_cast %add3A_237 : i32 to index
        %get3A_252 = arith.constant 32 : index
        %get3A_253 = tpu.vector_load %arg16[%get3A_251, %get3A_252] {strides = array<i32>} : memref<128x128xf32, #tpu.memory_space<vmem>>, vector<16xf32>,
        %mul3A_254 = arith.mulf %unpack3A_244, %get3A_253 : vector<16xf32>
        %add3A_255 = arith.addf %add3A_250, %mul3A_254 : vector<16xf32>
        %get3A_256 = arith.index_cast %add3A_237 : i32 to index
        %get3A_257 = arith.constant 64 : index
        %get3A_258 = tpu.vector_load %arg16[%get3A_256, %get3A_257] {strides = array<i32>} : memref<128x128xf32, #tpu.memory_space<vmem>>, vector<16xf32>,
        %mul3A_259 = arith.mulf %unpack3A_245, %get3A_258 : vector<16xf32>
        %add3A_260 = arith.addf %add3A_255, %mul3A_259 : vector<16xf32>
        %get3A_261 = arith.index_cast %add3A_237 : i32 to index
        %get3A_262 = arith.constant 96 : index
        %get3A_263 = tpu.vector_load %arg16[%get3A_261, %get3A_262] {strides = array<i32>} : memref<128x128xf32, #tpu.memory_space<vmem>>, vector<16xf32>,
        %mul3A_264 = arith.mulf %unpack3A_246, %get3A_263 : vector<16xf32>
        %add3A_265 = arith.addf %add3A_260, %mul3A_264 : vector<16xf32>
        %get3A_266 = arith.index_cast %add3A_237 : i32 to index
        %get3A_267 = arith.constant 16 : index
        %get3A_268 = tpu.vector_load %arg16[%get3A_266, %get3A_267] {strides = array<i32>} : memref<128x128xf32, #tpu.memory_space<vmem>>, vector<16xf32>,
        %mul3A_269 = arith.mulf %unpack3A, %get3A_268 : vector<16xf32>
        %add3A_270 = arith.addf %broadcast_in_dim3A_233, %mul3A_269 : vector<16xf32>
        %get3A_271 = arith.index_cast %add3A_237 : i32 to index
        %get3A_272 = arith.constant 48 : index
        %get3A_273 = tpu.vector_load %arg16[%get3A_271, %get3A_272] {strides = array<i32>} : memref<128x128xf32, #tpu.memory_space<vmem>>, vector<16xf32>,
        %mul3A_274 = arith.mulf %unpack3A_244, %get3A_273 : vector<16xf32>
        %add3A_275 = arith.addf %add3A_270, %mul3A_274 : vector<16xf32>
        %get3A_276 = arith.index_cast %add3A_237 : i32 to index
        %get3A_277 = arith.constant 80 : index
        %get3A_278 = tpu.vector_load %arg16[%get3A_276, %get3A_277] {strides = array<i32>} : memref<128x128xf32, #tpu.memory_space<vmem>>, vector<16xf32>,
        %mul3A_279 = arith.mulf %unpack3A_245, %get3A_278 : vector<16xf32>
        %add3A_280 = arith.addf %add3A_275, %mul3A_279 : vector<16xf32>
        %get3A_281 = arith.index_cast %add3A_237 : i32 to index
        %get3A_282 = arith.constant 112 : index
        %get3A_283 = tpu.vector_load %arg16[%get3A_281, %get3A_282] {strides = array<i32>} : memref<128x128xf32, #tpu.memory_space<vmem>>, vector<16xf32>,
        %mul3A_284 = arith.mulf %unpack3A_246, %get3A_283 : vector<16xf32>
        %add3A_285 = arith.addf %add3A_280, %mul3A_284 : vector<16xf32>
        %mul3A_286 = arith.constant 16 : i32
        %mul3A_287 = arith.muli %add3A_230, %mul3A_286 : i32
        %add3A_288 = arith.constant 1 : i32
        %add3A_289 = arith.addi %mul3A_287, %add3A_288 : i32
        %broadcast_in_dim3A_290 = vector.broadcast %add3A_289 : i32 to vector<16xi32>
        %gather3A_291 = tpu.vector_load_idx %arg12[%broadcast_in_dim3A_290] : memref<256xi32, #tpu.memory_space<vmem>>[vector<16xi32>], vector<16xi32>,
        %bitcast3A_292 = vector.bitcast %gather3A_291 : vector<16xi32> to vector<32xbf16>
        %add3A_293 = arith.constant 128 : i32
        %add3A_294 = vector.broadcast %add3A_293 : i32 to vector<16xi32>
        %add3A_295 = arith.addi %broadcast_in_dim3A_290, %add3A_294 : vector<16xi32>
        %gather3A_296 = tpu.vector_load_idx %arg12[%add3A_295] : memref<256xi32, #tpu.memory_space<vmem>>[vector<16xi32>], vector<16xi32>,
        %bitcast3A_297 = vector.bitcast %gather3A_296 : vector<16xi32> to vector<32xbf16>
        %unpack3A_298 = tpu.unpack_subelements %bitcast3A_292, 0 {pack_format = #tpu.pack_format<interleaved>} : vector<32xbf16> -> vector<16xf32>
        %unpack3A_299 = tpu.unpack_subelements %bitcast3A_292, 1 {pack_format = #tpu.pack_format<interleaved>} : vector<32xbf16> -> vector<16xf32>
        %unpack3A_300 = tpu.unpack_subelements %bitcast3A_297, 0 {pack_format = #tpu.pack_format<interleaved>} : vector<32xbf16> -> vector<16xf32>
        %unpack3A_301 = tpu.unpack_subelements %bitcast3A_297, 1 {pack_format = #tpu.pack_format<interleaved>} : vector<32xbf16> -> vector<16xf32>
        %get3A_302 = arith.index_cast %add3A_289 : i32 to index
        %get3A_303 = arith.constant 0 : index
        %get3A_304 = tpu.vector_load %arg16[%get3A_302, %get3A_303] {strides = array<i32>} : memref<128x128xf32, #tpu.memory_space<vmem>>, vector<16xf32>,
        %mul3A_305 = arith.mulf %unpack3A_298, %get3A_304 : vector<16xf32>
        %add3A_306 = arith.addf %add3A_265, %mul3A_305 : vector<16xf32>
        %get3A_307 = arith.index_cast %add3A_289 : i32 to index
        %get3A_308 = arith.constant 32 : index
        %get3A_309 = tpu.vector_load %arg16[%get3A_307, %get3A_308] {strides = array<i32>} : memref<128x128xf32, #tpu.memory_space<vmem>>, vector<16xf32>,
        %mul3A_310 = arith.mulf %unpack3A_299, %get3A_309 : vector<16xf32>
        %add3A_311 = arith.addf %add3A_306, %mul3A_310 : vector<16xf32>
        %get3A_312 = arith.index_cast %add3A_289 : i32 to index
        %get3A_313 = arith.constant 64 : index
        %get3A_314 = tpu.vector_load %arg16[%get3A_312, %get3A_313] {strides = array<i32>} : memref<128x128xf32, #tpu.memory_space<vmem>>, vector<16xf32>,
        %mul3A_315 = arith.mulf %unpack3A_300, %get3A_314 : vector<16xf32>
        %add3A_316 = arith.addf %add3A_311, %mul3A_315 : vector<16xf32>
        %get3A_317 = arith.index_cast %add3A_289 : i32 to index
        %get3A_318 = arith.constant 96 : index
        %get3A_319 = tpu.vector_load %arg16[%get3A_317, %get3A_318] {strides = array<i32>} : memref<128x128xf32, #tpu.memory_space<vmem>>, vector<16xf32>,
        %mul3A_320 = arith.mulf %unpack3A_301, %get3A_319 : vector<16xf32>
        %add3A_321 = arith.addf %add3A_316, %mul3A_320 : vector<16xf32>
        %get3A_322 = arith.index_cast %add3A_289 : i32 to index
        %get3A_323 = arith.constant 16 : index
        %get3A_324 = tpu.vector_load %arg16[%get3A_322, %get3A_323] {strides = array<i32>} : memref<128x128xf32, #tpu.memory_space<vmem>>, vector<16xf32>,
        %mul3A_325 = arith.mulf %unpack3A_298, %get3A_324 : vector<16xf32>
        %add3A_326 = arith.addf %add3A_285, %mul3A_325 : vector<16xf32>
        %get3A_327 = arith.index_cast %add3A_289 : i32 to index
        %get3A_328 = arith.constant 48 : index
        %get3A_329 = tpu.vector_load %arg16[%get3A_327, %get3A_328] {strides = array<i32>} : memref<128x128xf32, #tpu.memory_space<vmem>>, vector<16xf32>,
        %mul3A_330 = arith.mulf %unpack3A_299, %get3A_329 : vector<16xf32>
        %add3A_331 = arith.addf %add3A_326, %mul3A_330 : vector<16xf32>
        %get3A_332 = arith.index_cast %add3A_289 : i32 to index
        %get3A_333 = arith.constant 80 : index
        %get3A_334 = tpu.vector_load %arg16[%get3A_332, %get3A_333] {strides = array<i32>} : memref<128x128xf32, #tpu.memory_space<vmem>>, vector<16xf32>,
        %mul3A_335 = arith.mulf %unpack3A_300, %get3A_334 : vector<16xf32>
        %add3A_336 = arith.addf %add3A_331, %mul3A_335 : vector<16xf32>
        %get3A_337 = arith.index_cast %add3A_289 : i32 to index
        %get3A_338 = arith.constant 112 : index
        %get3A_339 = tpu.vector_load %arg16[%get3A_337, %get3A_338] {strides = array<i32>} : memref<128x128xf32, #tpu.memory_space<vmem>>, vector<16xf32>,
        %mul3A_340 = arith.mulf %unpack3A_301, %get3A_339 : vector<16xf32>
        %add3A_341 = arith.addf %add3A_336, %mul3A_340 : vector<16xf32>
        %mul3A_342 = arith.constant 16 : i32
        %mul3A_343 = arith.muli %add3A_230, %mul3A_342 : i32
        %add3A_344 = arith.constant 2 : i32
        %add3A_345 = arith.addi %mul3A_343, %add3A_344 : i32
        %broadcast_in_dim3A_346 = vector.broadcast %add3A_345 : i32 to vector<16xi32>
        %gather3A_347 = tpu.vector_load_idx %arg12[%broadcast_in_dim3A_346] : memref<256xi32, #tpu.memory_space<vmem>>[vector<16xi32>], vector<16xi32>,
        %bitcast3A_348 = vector.bitcast %gather3A_347 : vector<16xi32> to vector<32xbf16>
        %add3A_349 = arith.constant 128 : i32
        %add3A_350 = vector.broadcast %add3A_349 : i32 to vector<16xi32>
        %add3A_351 = arith.addi %broadcast_in_dim3A_346, %add3A_350 : vector<16xi32>
        %gather3A_352 = tpu.vector_load_idx %arg12[%add3A_351] : memref<256xi32, #tpu.memory_space<vmem>>[vector<16xi32>], vector<16xi32>,
        %bitcast3A_353 = vector.bitcast %gather3A_352 : vector<16xi32> to vector<32xbf16>
        %unpack3A_354 = tpu.unpack_subelements %bitcast3A_348, 0 {pack_format = #tpu.pack_format<interleaved>} : vector<32xbf16> -> vector<16xf32>
        %unpack3A_355 = tpu.unpack_subelements %bitcast3A_348, 1 {pack_format = #tpu.pack_format<interleaved>} : vector<32xbf16> -> vector<16xf32>
        %unpack3A_356 = tpu.unpack_subelements %bitcast3A_353, 0 {pack_format = #tpu.pack_format<interleaved>} : vector<32xbf16> -> vector<16xf32>
        %unpack3A_357 = tpu.unpack_subelements %bitcast3A_353, 1 {pack_format = #tpu.pack_format<interleaved>} : vector<32xbf16> -> vector<16xf32>
        %get3A_358 = arith.index_cast %add3A_345 : i32 to index
        %get3A_359 = arith.constant 0 : index
        %get3A_360 = tpu.vector_load %arg16[%get3A_358, %get3A_359] {strides = array<i32>} : memref<128x128xf32, #tpu.memory_space<vmem>>, vector<16xf32>,
        %mul3A_361 = arith.mulf %unpack3A_354, %get3A_360 : vector<16xf32>
        %add3A_362 = arith.addf %add3A_321, %mul3A_361 : vector<16xf32>
        %get3A_363 = arith.index_cast %add3A_345 : i32 to index
        %get3A_364 = arith.constant 32 : index
        %get3A_365 = tpu.vector_load %arg16[%get3A_363, %get3A_364] {strides = array<i32>} : memref<128x128xf32, #tpu.memory_space<vmem>>, vector<16xf32>,
        %mul3A_366 = arith.mulf %unpack3A_355, %get3A_365 : vector<16xf32>
        %add3A_367 = arith.addf %add3A_362, %mul3A_366 : vector<16xf32>
        %get3A_368 = arith.index_cast %add3A_345 : i32 to index
        %get3A_369 = arith.constant 64 : index
        %get3A_370 = tpu.vector_load %arg16[%get3A_368, %get3A_369] {strides = array<i32>} : memref<128x128xf32, #tpu.memory_space<vmem>>, vector<16xf32>,
        %mul3A_371 = arith.mulf %unpack3A_356, %get3A_370 : vector<16xf32>
        %add3A_372 = arith.addf %add3A_367, %mul3A_371 : vector<16xf32>
        %get3A_373 = arith.index_cast %add3A_345 : i32 to index
        %get3A_374 = arith.constant 96 : index
        %get3A_375 = tpu.vector_load %arg16[%get3A_373, %get3A_374] {strides = array<i32>} : memref<128x128xf32, #tpu.memory_space<vmem>>, vector<16xf32>,
        %mul3A_376 = arith.mulf %unpack3A_357, %get3A_375 : vector<16xf32>
        %add3A_377 = arith.addf %add3A_372, %mul3A_376 : vector<16xf32>
        %get3A_378 = arith.index_cast %add3A_345 : i32 to index
        %get3A_379 = arith.constant 16 : index
        %get3A_380 = tpu.vector_load %arg16[%get3A_378, %get3A_379] {strides = array<i32>} : memref<128x128xf32, #tpu.memory_space<vmem>>, vector<16xf32>,
        %mul3A_381 = arith.mulf %unpack3A_354, %get3A_380 : vector<16xf32>
        %add3A_382 = arith.addf %add3A_341, %mul3A_381 : vector<16xf32>
        %get3A_383 = arith.index_cast %add3A_345 : i32 to index
        %get3A_384 = arith.constant 48 : index
        %get3A_385 = tpu.vector_load %arg16[%get3A_383, %get3A_384] {strides = array<i32>} : memref<128x128xf32, #tpu.memory_space<vmem>>, vector<16xf32>,
        %mul3A_386 = arith.mulf %unpack3A_355, %get3A_385 : vector<16xf32>
        %add3A_387 = arith.addf %add3A_382, %mul3A_386 : vector<16xf32>
        %get3A_388 = arith.index_cast %add3A_345 : i32 to index
        %get3A_389 = arith.constant 80 : index
        %get3A_390 = tpu.vector_load %arg16[%get3A_388, %get3A_389] {strides = array<i32>} : memref<128x128xf32, #tpu.memory_space<vmem>>, vector<16xf32>,
        %mul3A_391 = arith.mulf %unpack3A_356, %get3A_390 : vector<16xf32>
        %add3A_392 = arith.addf %add3A_387, %mul3A_391 : vector<16xf32>
        %get3A_393 = arith.index_cast %add3A_345 : i32 to index
        %get3A_394 = arith.constant 112 : index
        %get3A_395 = tpu.vector_load %arg16[%get3A_393, %get3A_394] {strides = array<i32>} : memref<128x128xf32, #tpu.memory_space<vmem>>, vector<16xf32>,
        %mul3A_396 = arith.mulf %unpack3A_357, %get3A_395 : vector<16xf32>
        %add3A_397 = arith.addf %add3A_392, %mul3A_396 : vector<16xf32>
        %mul3A_398 = arith.constant 16 : i32
        %mul3A_399 = arith.muli %add3A_230, %mul3A_398 : i32
        %add3A_400 = arith.constant 3 : i32
        %add3A_401 = arith.addi %mul3A_399, %add3A_400 : i32
        %broadcast_in_dim3A_402 = vector.broadcast %add3A_401 : i32 to vector<16xi32>
        %gather3A_403 = tpu.vector_load_idx %arg12[%broadcast_in_dim3A_402] : memref<256xi32, #tpu.memory_space<vmem>>[vector<16xi32>], vector<16xi32>,
        %bitcast3A_404 = vector.bitcast %gather3A_403 : vector<16xi32> to vector<32xbf16>
        %add3A_405 = arith.constant 128 : i32
        %add3A_406 = vector.broadcast %add3A_405 : i32 to vector<16xi32>
        %add3A_407 = arith.addi %broadcast_in_dim3A_402, %add3A_406 : vector<16xi32>
        %gather3A_408 = tpu.vector_load_idx %arg12[%add3A_407] : memref<256xi32, #tpu.memory_space<vmem>>[vector<16xi32>], vector<16xi32>,
        %bitcast3A_409 = vector.bitcast %gather3A_408 : vector<16xi32> to vector<32xbf16>
        %unpack3A_410 = tpu.unpack_subelements %bitcast3A_404, 0 {pack_format = #tpu.pack_format<interleaved>} : vector<32xbf16> -> vector<16xf32>
        %unpack3A_411 = tpu.unpack_subelements %bitcast3A_404, 1 {pack_format = #tpu.pack_format<interleaved>} : vector<32xbf16> -> vector<16xf32>
        %unpack3A_412 = tpu.unpack_subelements %bitcast3A_409, 0 {pack_format = #tpu.pack_format<interleaved>} : vector<32xbf16> -> vector<16xf32>
        %unpack3A_413 = tpu.unpack_subelements %bitcast3A_409, 1 {pack_format = #tpu.pack_format<interleaved>} : vector<32xbf16> -> vector<16xf32>
        %get3A_414 = arith.index_cast %add3A_401 : i32 to index
        %get3A_415 = arith.constant 0 : index
        %get3A_416 = tpu.vector_load %arg16[%get3A_414, %get3A_415] {strides = array<i32>} : memref<128x128xf32, #tpu.memory_space<vmem>>, vector<16xf32>,
        %mul3A_417 = arith.mulf %unpack3A_410, %get3A_416 : vector<16xf32>
        %add3A_418 = arith.addf %add3A_377, %mul3A_417 : vector<16xf32>
        %get3A_419 = arith.index_cast %add3A_401 : i32 to index
        %get3A_420 = arith.constant 32 : index
        %get3A_421 = tpu.vector_load %arg16[%get3A_419, %get3A_420] {strides = array<i32>} : memref<128x128xf32, #tpu.memory_space<vmem>>, vector<16xf32>,
        %mul3A_422 = arith.mulf %unpack3A_411, %get3A_421 : vector<16xf32>
        %add3A_423 = arith.addf %add3A_418, %mul3A_422 : vector<16xf32>
        %get3A_424 = arith.index_cast %add3A_401 : i32 to index
        %get3A_425 = arith.constant 64 : index
        %get3A_426 = tpu.vector_load %arg16[%get3A_424, %get3A_425] {strides = array<i32>} : memref<128x128xf32, #tpu.memory_space<vmem>>, vector<16xf32>,
        %mul3A_427 = arith.mulf %unpack3A_412, %get3A_426 : vector<16xf32>
        %add3A_428 = arith.addf %add3A_423, %mul3A_427 : vector<16xf32>
        %get3A_429 = arith.index_cast %add3A_401 : i32 to index
        %get3A_430 = arith.constant 96 : index
        %get3A_431 = tpu.vector_load %arg16[%get3A_429, %get3A_430] {strides = array<i32>} : memref<128x128xf32, #tpu.memory_space<vmem>>, vector<16xf32>,
        %mul3A_432 = arith.mulf %unpack3A_413, %get3A_431 : vector<16xf32>
        %add3A_433 = arith.addf %add3A_428, %mul3A_432 : vector<16xf32>
        %get3A_434 = arith.index_cast %add3A_401 : i32 to index
        %get3A_435 = arith.constant 16 : index
        %get3A_436 = tpu.vector_load %arg16[%get3A_434, %get3A_435] {strides = array<i32>} : memref<128x128xf32, #tpu.memory_space<vmem>>, vector<16xf32>,
        %mul3A_437 = arith.mulf %unpack3A_410, %get3A_436 : vector<16xf32>
        %add3A_438 = arith.addf %add3A_397, %mul3A_437 : vector<16xf32>
        %get3A_439 = arith.index_cast %add3A_401 : i32 to index
        %get3A_440 = arith.constant 48 : index
        %get3A_441 = tpu.vector_load %arg16[%get3A_439, %get3A_440] {strides = array<i32>} : memref<128x128xf32, #tpu.memory_space<vmem>>, vector<16xf32>,
        %mul3A_442 = arith.mulf %unpack3A_411, %get3A_441 : vector<16xf32>
        %add3A_443 = arith.addf %add3A_438, %mul3A_442 : vector<16xf32>
        %get3A_444 = arith.index_cast %add3A_401 : i32 to index
        %get3A_445 = arith.constant 80 : index
        %get3A_446 = tpu.vector_load %arg16[%get3A_444, %get3A_445] {strides = array<i32>} : memref<128x128xf32, #tpu.memory_space<vmem>>, vector<16xf32>,
        %mul3A_447 = arith.mulf %unpack3A_412, %get3A_446 : vector<16xf32>
        %add3A_448 = arith.addf %add3A_443, %mul3A_447 : vector<16xf32>
        %get3A_449 = arith.index_cast %add3A_401 : i32 to index
        %get3A_450 = arith.constant 112 : index
        %get3A_451 = tpu.vector_load %arg16[%get3A_449, %get3A_450] {strides = array<i32>} : memref<128x128xf32, #tpu.memory_space<vmem>>, vector<16xf32>,
        %mul3A_452 = arith.mulf %unpack3A_413, %get3A_451 : vector<16xf32>
        %add3A_453 = arith.addf %add3A_448, %mul3A_452 : vector<16xf32>
        %mul3A_454 = arith.constant 16 : i32
        %mul3A_455 = arith.muli %add3A_230, %mul3A_454 : i32
        %add3A_456 = arith.constant 4 : i32
        %add3A_457 = arith.addi %mul3A_455, %add3A_456 : i32
        %broadcast_in_dim3A_458 = vector.broadcast %add3A_457 : i32 to vector<16xi32>
        %gather3A_459 = tpu.vector_load_idx %arg12[%broadcast_in_dim3A_458] : memref<256xi32, #tpu.memory_space<vmem>>[vector<16xi32>], vector<16xi32>,
        %bitcast3A_460 = vector.bitcast %gather3A_459 : vector<16xi32> to vector<32xbf16>
        %add3A_461 = arith.constant 128 : i32
        %add3A_462 = vector.broadcast %add3A_461 : i32 to vector<16xi32>
        %add3A_463 = arith.addi %broadcast_in_dim3A_458, %add3A_462 : vector<16xi32>
        %gather3A_464 = tpu.vector_load_idx %arg12[%add3A_463] : memref<256xi32, #tpu.memory_space<vmem>>[vector<16xi32>], vector<16xi32>,
        %bitcast3A_465 = vector.bitcast %gather3A_464 : vector<16xi32> to vector<32xbf16>
        %unpack3A_466 = tpu.unpack_subelements %bitcast3A_460, 0 {pack_format = #tpu.pack_format<interleaved>} : vector<32xbf16> -> vector<16xf32>
        %unpack3A_467 = tpu.unpack_subelements %bitcast3A_460, 1 {pack_format = #tpu.pack_format<interleaved>} : vector<32xbf16> -> vector<16xf32>
        %unpack3A_468 = tpu.unpack_subelements %bitcast3A_465, 0 {pack_format = #tpu.pack_format<interleaved>} : vector<32xbf16> -> vector<16xf32>
        %unpack3A_469 = tpu.unpack_subelements %bitcast3A_465, 1 {pack_format = #tpu.pack_format<interleaved>} : vector<32xbf16> -> vector<16xf32>
        %get3A_470 = arith.index_cast %add3A_457 : i32 to index
        %get3A_471 = arith.constant 0 : index
        %get3A_472 = tpu.vector_load %arg16[%get3A_470, %get3A_471] {strides = array<i32>} : memref<128x128xf32, #tpu.memory_space<vmem>>, vector<16xf32>,
        %mul3A_473 = arith.mulf %unpack3A_466, %get3A_472 : vector<16xf32>
        %add3A_474 = arith.addf %add3A_433, %mul3A_473 : vector<16xf32>
        %get3A_475 = arith.index_cast %add3A_457 : i32 to index
        %get3A_476 = arith.constant 32 : index
        %get3A_477 = tpu.vector_load %arg16[%get3A_475, %get3A_476] {strides = array<i32>} : memref<128x128xf32, #tpu.memory_space<vmem>>, vector<16xf32>,
        %mul3A_478 = arith.mulf %unpack3A_467, %get3A_477 : vector<16xf32>
        %add3A_479 = arith.addf %add3A_474, %mul3A_478 : vector<16xf32>
        %get3A_480 = arith.index_cast %add3A_457 : i32 to index
        %get3A_481 = arith.constant 64 : index
        %get3A_482 = tpu.vector_load %arg16[%get3A_480, %get3A_481] {strides = array<i32>} : memref<128x128xf32, #tpu.memory_space<vmem>>, vector<16xf32>,
        %mul3A_483 = arith.mulf %unpack3A_468, %get3A_482 : vector<16xf32>
        %add3A_484 = arith.addf %add3A_479, %mul3A_483 : vector<16xf32>
        %get3A_485 = arith.index_cast %add3A_457 : i32 to index
        %get3A_486 = arith.constant 96 : index
        %get3A_487 = tpu.vector_load %arg16[%get3A_485, %get3A_486] {strides = array<i32>} : memref<128x128xf32, #tpu.memory_space<vmem>>, vector<16xf32>,
        %mul3A_488 = arith.mulf %unpack3A_469, %get3A_487 : vector<16xf32>
        %add3A_489 = arith.addf %add3A_484, %mul3A_488 : vector<16xf32>
        %get3A_490 = arith.index_cast %add3A_457 : i32 to index
        %get3A_491 = arith.constant 16 : index
        %get3A_492 = tpu.vector_load %arg16[%get3A_490, %get3A_491] {strides = array<i32>} : memref<128x128xf32, #tpu.memory_space<vmem>>, vector<16xf32>,
        %mul3A_493 = arith.mulf %unpack3A_466, %get3A_492 : vector<16xf32>
        %add3A_494 = arith.addf %add3A_453, %mul3A_493 : vector<16xf32>
        %get3A_495 = arith.index_cast %add3A_457 : i32 to index
        %get3A_496 = arith.constant 48 : index
        %get3A_497 = tpu.vector_load %arg16[%get3A_495, %get3A_496] {strides = array<i32>} : memref<128x128xf32, #tpu.memory_space<vmem>>, vector<16xf32>,
        %mul3A_498 = arith.mulf %unpack3A_467, %get3A_497 : vector<16xf32>
        %add3A_499 = arith.addf %add3A_494, %mul3A_498 : vector<16xf32>
        %get3A_500 = arith.index_cast %add3A_457 : i32 to index
        %get3A_501 = arith.constant 80 : index
        %get3A_502 = tpu.vector_load %arg16[%get3A_500, %get3A_501] {strides = array<i32>} : memref<128x128xf32, #tpu.memory_space<vmem>>, vector<16xf32>,
        %mul3A_503 = arith.mulf %unpack3A_468, %get3A_502 : vector<16xf32>
        %add3A_504 = arith.addf %add3A_499, %mul3A_503 : vector<16xf32>
        %get3A_505 = arith.index_cast %add3A_457 : i32 to index
        %get3A_506 = arith.constant 112 : index
        %get3A_507 = tpu.vector_load %arg16[%get3A_505, %get3A_506] {strides = array<i32>} : memref<128x128xf32, #tpu.memory_space<vmem>>, vector<16xf32>,
        %mul3A_508 = arith.mulf %unpack3A_469, %get3A_507 : vector<16xf32>
        %add3A_509 = arith.addf %add3A_504, %mul3A_508 : vector<16xf32>
        %mul3A_510 = arith.constant 16 : i32
        %mul3A_511 = arith.muli %add3A_230, %mul3A_510 : i32
        %add3A_512 = arith.constant 5 : i32
        %add3A_513 = arith.addi %mul3A_511, %add3A_512 : i32
        %broadcast_in_dim3A_514 = vector.broadcast %add3A_513 : i32 to vector<16xi32>
        %gather3A_515 = tpu.vector_load_idx %arg12[%broadcast_in_dim3A_514] : memref<256xi32, #tpu.memory_space<vmem>>[vector<16xi32>], vector<16xi32>,
        %bitcast3A_516 = vector.bitcast %gather3A_515 : vector<16xi32> to vector<32xbf16>
        %add3A_517 = arith.constant 128 : i32
        %add3A_518 = vector.broadcast %add3A_517 : i32 to vector<16xi32>
        %add3A_519 = arith.addi %broadcast_in_dim3A_514, %add3A_518 : vector<16xi32>
        %gather3A_520 = tpu.vector_load_idx %arg12[%add3A_519] : memref<256xi32, #tpu.memory_space<vmem>>[vector<16xi32>], vector<16xi32>,
        %bitcast3A_521 = vector.bitcast %gather3A_520 : vector<16xi32> to vector<32xbf16>
        %unpack3A_522 = tpu.unpack_subelements %bitcast3A_516, 0 {pack_format = #tpu.pack_format<interleaved>} : vector<32xbf16> -> vector<16xf32>
        %unpack3A_523 = tpu.unpack_subelements %bitcast3A_516, 1 {pack_format = #tpu.pack_format<interleaved>} : vector<32xbf16> -> vector<16xf32>
        %unpack3A_524 = tpu.unpack_subelements %bitcast3A_521, 0 {pack_format = #tpu.pack_format<interleaved>} : vector<32xbf16> -> vector<16xf32>
        %unpack3A_525 = tpu.unpack_subelements %bitcast3A_521, 1 {pack_format = #tpu.pack_format<interleaved>} : vector<32xbf16> -> vector<16xf32>
        %get3A_526 = arith.index_cast %add3A_513 : i32 to index
        %get3A_527 = arith.constant 0 : index
        %get3A_528 = tpu.vector_load %arg16[%get3A_526, %get3A_527] {strides = array<i32>} : memref<128x128xf32, #tpu.memory_space<vmem>>, vector<16xf32>,
        %mul3A_529 = arith.mulf %unpack3A_522, %get3A_528 : vector<16xf32>
        %add3A_530 = arith.addf %add3A_489, %mul3A_529 : vector<16xf32>
        %get3A_531 = arith.index_cast %add3A_513 : i32 to index
        %get3A_532 = arith.constant 32 : index
        %get3A_533 = tpu.vector_load %arg16[%get3A_531, %get3A_532] {strides = array<i32>} : memref<128x128xf32, #tpu.memory_space<vmem>>, vector<16xf32>,
        %mul3A_534 = arith.mulf %unpack3A_523, %get3A_533 : vector<16xf32>
        %add3A_535 = arith.addf %add3A_530, %mul3A_534 : vector<16xf32>
        %get3A_536 = arith.index_cast %add3A_513 : i32 to index
        %get3A_537 = arith.constant 64 : index
        %get3A_538 = tpu.vector_load %arg16[%get3A_536, %get3A_537] {strides = array<i32>} : memref<128x128xf32, #tpu.memory_space<vmem>>, vector<16xf32>,
        %mul3A_539 = arith.mulf %unpack3A_524, %get3A_538 : vector<16xf32>
        %add3A_540 = arith.addf %add3A_535, %mul3A_539 : vector<16xf32>
        %get3A_541 = arith.index_cast %add3A_513 : i32 to index
        %get3A_542 = arith.constant 96 : index
        %get3A_543 = tpu.vector_load %arg16[%get3A_541, %get3A_542] {strides = array<i32>} : memref<128x128xf32, #tpu.memory_space<vmem>>, vector<16xf32>,
        %mul3A_544 = arith.mulf %unpack3A_525, %get3A_543 : vector<16xf32>
        %add3A_545 = arith.addf %add3A_540, %mul3A_544 : vector<16xf32>
        %get3A_546 = arith.index_cast %add3A_513 : i32 to index
        %get3A_547 = arith.constant 16 : index
        %get3A_548 = tpu.vector_load %arg16[%get3A_546, %get3A_547] {strides = array<i32>} : memref<128x128xf32, #tpu.memory_space<vmem>>, vector<16xf32>,
        %mul3A_549 = arith.mulf %unpack3A_522, %get3A_548 : vector<16xf32>
        %add3A_550 = arith.addf %add3A_509, %mul3A_549 : vector<16xf32>
        %get3A_551 = arith.index_cast %add3A_513 : i32 to index
        %get3A_552 = arith.constant 48 : index
        %get3A_553 = tpu.vector_load %arg16[%get3A_551, %get3A_552] {strides = array<i32>} : memref<128x128xf32, #tpu.memory_space<vmem>>, vector<16xf32>,
        %mul3A_554 = arith.mulf %unpack3A_523, %get3A_553 : vector<16xf32>
        %add3A_555 = arith.addf %add3A_550, %mul3A_554 : vector<16xf32>
        %get3A_556 = arith.index_cast %add3A_513 : i32 to index
        %get3A_557 = arith.constant 80 : index
        %get3A_558 = tpu.vector_load %arg16[%get3A_556, %get3A_557] {strides = array<i32>} : memref<128x128xf32, #tpu.memory_space<vmem>>, vector<16xf32>,
        %mul3A_559 = arith.mulf %unpack3A_524, %get3A_558 : vector<16xf32>
        %add3A_560 = arith.addf %add3A_555, %mul3A_559 : vector<16xf32>
        %get3A_561 = arith.index_cast %add3A_513 : i32 to index
        %get3A_562 = arith.constant 112 : index
        %get3A_563 = tpu.vector_load %arg16[%get3A_561, %get3A_562] {strides = array<i32>} : memref<128x128xf32, #tpu.memory_space<vmem>>, vector<16xf32>,
        %mul3A_564 = arith.mulf %unpack3A_525, %get3A_563 : vector<16xf32>
        %add3A_565 = arith.addf %add3A_560, %mul3A_564 : vector<16xf32>
        %mul3A_566 = arith.constant 16 : i32
        %mul3A_567 = arith.muli %add3A_230, %mul3A_566 : i32
        %add3A_568 = arith.constant 6 : i32
        %add3A_569 = arith.addi %mul3A_567, %add3A_568 : i32
        %broadcast_in_dim3A_570 = vector.broadcast %add3A_569 : i32 to vector<16xi32>
        %gather3A_571 = tpu.vector_load_idx %arg12[%broadcast_in_dim3A_570] : memref<256xi32, #tpu.memory_space<vmem>>[vector<16xi32>], vector<16xi32>,
        %bitcast3A_572 = vector.bitcast %gather3A_571 : vector<16xi32> to vector<32xbf16>
        %add3A_573 = arith.constant 128 : i32
        %add3A_574 = vector.broadcast %add3A_573 : i32 to vector<16xi32>
        %add3A_575 = arith.addi %broadcast_in_dim3A_570, %add3A_574 : vector<16xi32>
        %gather3A_576 = tpu.vector_load_idx %arg12[%add3A_575] : memref<256xi32, #tpu.memory_space<vmem>>[vector<16xi32>], vector<16xi32>,
        %bitcast3A_577 = vector.bitcast %gather3A_576 : vector<16xi32> to vector<32xbf16>
        %unpack3A_578 = tpu.unpack_subelements %bitcast3A_572, 0 {pack_format = #tpu.pack_format<interleaved>} : vector<32xbf16> -> vector<16xf32>
        %unpack3A_579 = tpu.unpack_subelements %bitcast3A_572, 1 {pack_format = #tpu.pack_format<interleaved>} : vector<32xbf16> -> vector<16xf32>
        %unpack3A_580 = tpu.unpack_subelements %bitcast3A_577, 0 {pack_format = #tpu.pack_format<interleaved>} : vector<32xbf16> -> vector<16xf32>
        %unpack3A_581 = tpu.unpack_subelements %bitcast3A_577, 1 {pack_format = #tpu.pack_format<interleaved>} : vector<32xbf16> -> vector<16xf32>
        %get3A_582 = arith.index_cast %add3A_569 : i32 to index
        %get3A_583 = arith.constant 0 : index
        %get3A_584 = tpu.vector_load %arg16[%get3A_582, %get3A_583] {strides = array<i32>} : memref<128x128xf32, #tpu.memory_space<vmem>>, vector<16xf32>,
        %mul3A_585 = arith.mulf %unpack3A_578, %get3A_584 : vector<16xf32>
        %add3A_586 = arith.addf %add3A_545, %mul3A_585 : vector<16xf32>
        %get3A_587 = arith.index_cast %add3A_569 : i32 to index
        %get3A_588 = arith.constant 32 : index
        %get3A_589 = tpu.vector_load %arg16[%get3A_587, %get3A_588] {strides = array<i32>} : memref<128x128xf32, #tpu.memory_space<vmem>>, vector<16xf32>,
        %mul3A_590 = arith.mulf %unpack3A_579, %get3A_589 : vector<16xf32>
        %add3A_591 = arith.addf %add3A_586, %mul3A_590 : vector<16xf32>
        %get3A_592 = arith.index_cast %add3A_569 : i32 to index
        %get3A_593 = arith.constant 64 : index
        %get3A_594 = tpu.vector_load %arg16[%get3A_592, %get3A_593] {strides = array<i32>} : memref<128x128xf32, #tpu.memory_space<vmem>>, vector<16xf32>,
        %mul3A_595 = arith.mulf %unpack3A_580, %get3A_594 : vector<16xf32>
        %add3A_596 = arith.addf %add3A_591, %mul3A_595 : vector<16xf32>
        %get3A_597 = arith.index_cast %add3A_569 : i32 to index
        %get3A_598 = arith.constant 96 : index
        %get3A_599 = tpu.vector_load %arg16[%get3A_597, %get3A_598] {strides = array<i32>} : memref<128x128xf32, #tpu.memory_space<vmem>>, vector<16xf32>,
        %mul3A_600 = arith.mulf %unpack3A_581, %get3A_599 : vector<16xf32>
        %add3A_601 = arith.addf %add3A_596, %mul3A_600 : vector<16xf32>
        %get3A_602 = arith.index_cast %add3A_569 : i32 to index
        %get3A_603 = arith.constant 16 : index
        %get3A_604 = tpu.vector_load %arg16[%get3A_602, %get3A_603] {strides = array<i32>} : memref<128x128xf32, #tpu.memory_space<vmem>>, vector<16xf32>,
        %mul3A_605 = arith.mulf %unpack3A_578, %get3A_604 : vector<16xf32>
        %add3A_606 = arith.addf %add3A_565, %mul3A_605 : vector<16xf32>
        %get3A_607 = arith.index_cast %add3A_569 : i32 to index
        %get3A_608 = arith.constant 48 : index
        %get3A_609 = tpu.vector_load %arg16[%get3A_607, %get3A_608] {strides = array<i32>} : memref<128x128xf32, #tpu.memory_space<vmem>>, vector<16xf32>,
        %mul3A_610 = arith.mulf %unpack3A_579, %get3A_609 : vector<16xf32>
        %add3A_611 = arith.addf %add3A_606, %mul3A_610 : vector<16xf32>
        %get3A_612 = arith.index_cast %add3A_569 : i32 to index
        %get3A_613 = arith.constant 80 : index
        %get3A_614 = tpu.vector_load %arg16[%get3A_612, %get3A_613] {strides = array<i32>} : memref<128x128xf32, #tpu.memory_space<vmem>>, vector<16xf32>,
        %mul3A_615 = arith.mulf %unpack3A_580, %get3A_614 : vector<16xf32>
        %add3A_616 = arith.addf %add3A_611, %mul3A_615 : vector<16xf32>
        %get3A_617 = arith.index_cast %add3A_569 : i32 to index
        %get3A_618 = arith.constant 112 : index
        %get3A_619 = tpu.vector_load %arg16[%get3A_617, %get3A_618] {strides = array<i32>} : memref<128x128xf32, #tpu.memory_space<vmem>>, vector<16xf32>,
        %mul3A_620 = arith.mulf %unpack3A_581, %get3A_619 : vector<16xf32>
        %add3A_621 = arith.addf %add3A_616, %mul3A_620 : vector<16xf32>
        %mul3A_622 = arith.constant 16 : i32
        %mul3A_623 = arith.muli %add3A_230, %mul3A_622 : i32
        %add3A_624 = arith.constant 7 : i32
        %add3A_625 = arith.addi %mul3A_623, %add3A_624 : i32
        %broadcast_in_dim3A_626 = vector.broadcast %add3A_625 : i32 to vector<16xi32>
        %gather3A_627 = tpu.vector_load_idx %arg12[%broadcast_in_dim3A_626] : memref<256xi32, #tpu.memory_space<vmem>>[vector<16xi32>], vector<16xi32>,
        %bitcast3A_628 = vector.bitcast %gather3A_627 : vector<16xi32> to vector<32xbf16>
        %add3A_629 = arith.constant 128 : i32
        %add3A_630 = vector.broadcast %add3A_629 : i32 to vector<16xi32>
        %add3A_631 = arith.addi %broadcast_in_dim3A_626, %add3A_630 : vector<16xi32>
        %gather3A_632 = tpu.vector_load_idx %arg12[%add3A_631] : memref<256xi32, #tpu.memory_space<vmem>>[vector<16xi32>], vector<16xi32>,
        %bitcast3A_633 = vector.bitcast %gather3A_632 : vector<16xi32> to vector<32xbf16>
        %unpack3A_634 = tpu.unpack_subelements %bitcast3A_628, 0 {pack_format = #tpu.pack_format<interleaved>} : vector<32xbf16> -> vector<16xf32>
        %unpack3A_635 = tpu.unpack_subelements %bitcast3A_628, 1 {pack_format = #tpu.pack_format<interleaved>} : vector<32xbf16> -> vector<16xf32>
        %unpack3A_636 = tpu.unpack_subelements %bitcast3A_633, 0 {pack_format = #tpu.pack_format<interleaved>} : vector<32xbf16> -> vector<16xf32>
        %unpack3A_637 = tpu.unpack_subelements %bitcast3A_633, 1 {pack_format = #tpu.pack_format<interleaved>} : vector<32xbf16> -> vector<16xf32>
        %get3A_638 = arith.index_cast %add3A_625 : i32 to index
        %get3A_639 = arith.constant 0 : index
        %get3A_640 = tpu.vector_load %arg16[%get3A_638, %get3A_639] {strides = array<i32>} : memref<128x128xf32, #tpu.memory_space<vmem>>, vector<16xf32>,
        %mul3A_641 = arith.mulf %unpack3A_634, %get3A_640 : vector<16xf32>
        %add3A_642 = arith.addf %add3A_601, %mul3A_641 : vector<16xf32>
        %get3A_643 = arith.index_cast %add3A_625 : i32 to index
        %get3A_644 = arith.constant 32 : index
        %get3A_645 = tpu.vector_load %arg16[%get3A_643, %get3A_644] {strides = array<i32>} : memref<128x128xf32, #tpu.memory_space<vmem>>, vector<16xf32>,
        %mul3A_646 = arith.mulf %unpack3A_635, %get3A_645 : vector<16xf32>
        %add3A_647 = arith.addf %add3A_642, %mul3A_646 : vector<16xf32>
        %get3A_648 = arith.index_cast %add3A_625 : i32 to index
        %get3A_649 = arith.constant 64 : index
        %get3A_650 = tpu.vector_load %arg16[%get3A_648, %get3A_649] {strides = array<i32>} : memref<128x128xf32, #tpu.memory_space<vmem>>, vector<16xf32>,
        %mul3A_651 = arith.mulf %unpack3A_636, %get3A_650 : vector<16xf32>
        %add3A_652 = arith.addf %add3A_647, %mul3A_651 : vector<16xf32>
        %get3A_653 = arith.index_cast %add3A_625 : i32 to index
        %get3A_654 = arith.constant 96 : index
        %get3A_655 = tpu.vector_load %arg16[%get3A_653, %get3A_654] {strides = array<i32>} : memref<128x128xf32, #tpu.memory_space<vmem>>, vector<16xf32>,
        %mul3A_656 = arith.mulf %unpack3A_637, %get3A_655 : vector<16xf32>
        %add3A_657 = arith.addf %add3A_652, %mul3A_656 : vector<16xf32>
        %get3A_658 = arith.index_cast %add3A_625 : i32 to index
        %get3A_659 = arith.constant 16 : index
        %get3A_660 = tpu.vector_load %arg16[%get3A_658, %get3A_659] {strides = array<i32>} : memref<128x128xf32, #tpu.memory_space<vmem>>, vector<16xf32>,
        %mul3A_661 = arith.mulf %unpack3A_634, %get3A_660 : vector<16xf32>
        %add3A_662 = arith.addf %add3A_621, %mul3A_661 : vector<16xf32>
        %get3A_663 = arith.index_cast %add3A_625 : i32 to index
        %get3A_664 = arith.constant 48 : index
        %get3A_665 = tpu.vector_load %arg16[%get3A_663, %get3A_664] {strides = array<i32>} : memref<128x128xf32, #tpu.memory_space<vmem>>, vector<16xf32>,
        %mul3A_666 = arith.mulf %unpack3A_635, %get3A_665 : vector<16xf32>
        %add3A_667 = arith.addf %add3A_662, %mul3A_666 : vector<16xf32>
        %get3A_668 = arith.index_cast %add3A_625 : i32 to index
        %get3A_669 = arith.constant 80 : index
        %get3A_670 = tpu.vector_load %arg16[%get3A_668, %get3A_669] {strides = array<i32>} : memref<128x128xf32, #tpu.memory_space<vmem>>, vector<16xf32>,
        %mul3A_671 = arith.mulf %unpack3A_636, %get3A_670 : vector<16xf32>
        %add3A_672 = arith.addf %add3A_667, %mul3A_671 : vector<16xf32>
        %get3A_673 = arith.index_cast %add3A_625 : i32 to index
        %get3A_674 = arith.constant 112 : index
        %get3A_675 = tpu.vector_load %arg16[%get3A_673, %get3A_674] {strides = array<i32>} : memref<128x128xf32, #tpu.memory_space<vmem>>, vector<16xf32>,
        %mul3A_676 = arith.mulf %unpack3A_637, %get3A_675 : vector<16xf32>
        %add3A_677 = arith.addf %add3A_672, %mul3A_676 : vector<16xf32>
        %mul3A_678 = arith.constant 16 : i32
        %mul3A_679 = arith.muli %add3A_230, %mul3A_678 : i32
        %add3A_680 = arith.constant 8 : i32
        %add3A_681 = arith.addi %mul3A_679, %add3A_680 : i32
        %broadcast_in_dim3A_682 = vector.broadcast %add3A_681 : i32 to vector<16xi32>
        %gather3A_683 = tpu.vector_load_idx %arg12[%broadcast_in_dim3A_682] : memref<256xi32, #tpu.memory_space<vmem>>[vector<16xi32>], vector<16xi32>,
        %bitcast3A_684 = vector.bitcast %gather3A_683 : vector<16xi32> to vector<32xbf16>
        %add3A_685 = arith.constant 128 : i32
        %add3A_686 = vector.broadcast %add3A_685 : i32 to vector<16xi32>
        %add3A_687 = arith.addi %broadcast_in_dim3A_682, %add3A_686 : vector<16xi32>
        %gather3A_688 = tpu.vector_load_idx %arg12[%add3A_687] : memref<256xi32, #tpu.memory_space<vmem>>[vector<16xi32>], vector<16xi32>,
        %bitcast3A_689 = vector.bitcast %gather3A_688 : vector<16xi32> to vector<32xbf16>
        %unpack3A_690 = tpu.unpack_subelements %bitcast3A_684, 0 {pack_format = #tpu.pack_format<interleaved>} : vector<32xbf16> -> vector<16xf32>
        %unpack3A_691 = tpu.unpack_subelements %bitcast3A_684, 1 {pack_format = #tpu.pack_format<interleaved>} : vector<32xbf16> -> vector<16xf32>
        %unpack3A_692 = tpu.unpack_subelements %bitcast3A_689, 0 {pack_format = #tpu.pack_format<interleaved>} : vector<32xbf16> -> vector<16xf32>
        %unpack3A_693 = tpu.unpack_subelements %bitcast3A_689, 1 {pack_format = #tpu.pack_format<interleaved>} : vector<32xbf16> -> vector<16xf32>
        %get3A_694 = arith.index_cast %add3A_681 : i32 to index
        %get3A_695 = arith.constant 0 : index
        %get3A_696 = tpu.vector_load %arg16[%get3A_694, %get3A_695] {strides = array<i32>} : memref<128x128xf32, #tpu.memory_space<vmem>>, vector<16xf32>,
        %mul3A_697 = arith.mulf %unpack3A_690, %get3A_696 : vector<16xf32>
        %add3A_698 = arith.addf %add3A_657, %mul3A_697 : vector<16xf32>
        %get3A_699 = arith.index_cast %add3A_681 : i32 to index
        %get3A_700 = arith.constant 32 : index
        %get3A_701 = tpu.vector_load %arg16[%get3A_699, %get3A_700] {strides = array<i32>} : memref<128x128xf32, #tpu.memory_space<vmem>>, vector<16xf32>,
        %mul3A_702 = arith.mulf %unpack3A_691, %get3A_701 : vector<16xf32>
        %add3A_703 = arith.addf %add3A_698, %mul3A_702 : vector<16xf32>
        %get3A_704 = arith.index_cast %add3A_681 : i32 to index
        %get3A_705 = arith.constant 64 : index
        %get3A_706 = tpu.vector_load %arg16[%get3A_704, %get3A_705] {strides = array<i32>} : memref<128x128xf32, #tpu.memory_space<vmem>>, vector<16xf32>,
        %mul3A_707 = arith.mulf %unpack3A_692, %get3A_706 : vector<16xf32>
        %add3A_708 = arith.addf %add3A_703, %mul3A_707 : vector<16xf32>
        %get3A_709 = arith.index_cast %add3A_681 : i32 to index
        %get3A_710 = arith.constant 96 : index
        %get3A_711 = tpu.vector_load %arg16[%get3A_709, %get3A_710] {strides = array<i32>} : memref<128x128xf32, #tpu.memory_space<vmem>>, vector<16xf32>,
        %mul3A_712 = arith.mulf %unpack3A_693, %get3A_711 : vector<16xf32>
        %add3A_713 = arith.addf %add3A_708, %mul3A_712 : vector<16xf32>
        %get3A_714 = arith.index_cast %add3A_681 : i32 to index
        %get3A_715 = arith.constant 16 : index
        %get3A_716 = tpu.vector_load %arg16[%get3A_714, %get3A_715] {strides = array<i32>} : memref<128x128xf32, #tpu.memory_space<vmem>>, vector<16xf32>,
        %mul3A_717 = arith.mulf %unpack3A_690, %get3A_716 : vector<16xf32>
        %add3A_718 = arith.addf %add3A_677, %mul3A_717 : vector<16xf32>
        %get3A_719 = arith.index_cast %add3A_681 : i32 to index
        %get3A_720 = arith.constant 48 : index
        %get3A_721 = tpu.vector_load %arg16[%get3A_719, %get3A_720] {strides = array<i32>} : memref<128x128xf32, #tpu.memory_space<vmem>>, vector<16xf32>,
        %mul3A_722 = arith.mulf %unpack3A_691, %get3A_721 : vector<16xf32>
        %add3A_723 = arith.addf %add3A_718, %mul3A_722 : vector<16xf32>
        %get3A_724 = arith.index_cast %add3A_681 : i32 to index
        %get3A_725 = arith.constant 80 : index
        %get3A_726 = tpu.vector_load %arg16[%get3A_724, %get3A_725] {strides = array<i32>} : memref<128x128xf32, #tpu.memory_space<vmem>>, vector<16xf32>,
        %mul3A_727 = arith.mulf %unpack3A_692, %get3A_726 : vector<16xf32>
        %add3A_728 = arith.addf %add3A_723, %mul3A_727 : vector<16xf32>
        %get3A_729 = arith.index_cast %add3A_681 : i32 to index
        %get3A_730 = arith.constant 112 : index
        %get3A_731 = tpu.vector_load %arg16[%get3A_729, %get3A_730] {strides = array<i32>} : memref<128x128xf32, #tpu.memory_space<vmem>>, vector<16xf32>,
        %mul3A_732 = arith.mulf %unpack3A_693, %get3A_731 : vector<16xf32>
        %add3A_733 = arith.addf %add3A_728, %mul3A_732 : vector<16xf32>
        %mul3A_734 = arith.constant 16 : i32
        %mul3A_735 = arith.muli %add3A_230, %mul3A_734 : i32
        %add3A_736 = arith.constant 9 : i32
        %add3A_737 = arith.addi %mul3A_735, %add3A_736 : i32
        %broadcast_in_dim3A_738 = vector.broadcast %add3A_737 : i32 to vector<16xi32>
        %gather3A_739 = tpu.vector_load_idx %arg12[%broadcast_in_dim3A_738] : memref<256xi32, #tpu.memory_space<vmem>>[vector<16xi32>], vector<16xi32>,
        %bitcast3A_740 = vector.bitcast %gather3A_739 : vector<16xi32> to vector<32xbf16>
        %add3A_741 = arith.constant 128 : i32
        %add3A_742 = vector.broadcast %add3A_741 : i32 to vector<16xi32>
        %add3A_743 = arith.addi %broadcast_in_dim3A_738, %add3A_742 : vector<16xi32>
        %gather3A_744 = tpu.vector_load_idx %arg12[%add3A_743] : memref<256xi32, #tpu.memory_space<vmem>>[vector<16xi32>], vector<16xi32>,
        %bitcast3A_745 = vector.bitcast %gather3A_744 : vector<16xi32> to vector<32xbf16>
        %unpack3A_746 = tpu.unpack_subelements %bitcast3A_740, 0 {pack_format = #tpu.pack_format<interleaved>} : vector<32xbf16> -> vector<16xf32>
        %unpack3A_747 = tpu.unpack_subelements %bitcast3A_740, 1 {pack_format = #tpu.pack_format<interleaved>} : vector<32xbf16> -> vector<16xf32>
        %unpack3A_748 = tpu.unpack_subelements %bitcast3A_745, 0 {pack_format = #tpu.pack_format<interleaved>} : vector<32xbf16> -> vector<16xf32>
        %unpack3A_749 = tpu.unpack_subelements %bitcast3A_745, 1 {pack_format = #tpu.pack_format<interleaved>} : vector<32xbf16> -> vector<16xf32>
        %get3A_750 = arith.index_cast %add3A_737 : i32 to index
        %get3A_751 = arith.constant 0 : index
        %get3A_752 = tpu.vector_load %arg16[%get3A_750, %get3A_751] {strides = array<i32>} : memref<128x128xf32, #tpu.memory_space<vmem>>, vector<16xf32>,
        %mul3A_753 = arith.mulf %unpack3A_746, %get3A_752 : vector<16xf32>
        %add3A_754 = arith.addf %add3A_713, %mul3A_753 : vector<16xf32>
        %get3A_755 = arith.index_cast %add3A_737 : i32 to index
        %get3A_756 = arith.constant 32 : index
        %get3A_757 = tpu.vector_load %arg16[%get3A_755, %get3A_756] {strides = array<i32>} : memref<128x128xf32, #tpu.memory_space<vmem>>, vector<16xf32>,
        %mul3A_758 = arith.mulf %unpack3A_747, %get3A_757 : vector<16xf32>
        %add3A_759 = arith.addf %add3A_754, %mul3A_758 : vector<16xf32>
        %get3A_760 = arith.index_cast %add3A_737 : i32 to index
        %get3A_761 = arith.constant 64 : index
        %get3A_762 = tpu.vector_load %arg16[%get3A_760, %get3A_761] {strides = array<i32>} : memref<128x128xf32, #tpu.memory_space<vmem>>, vector<16xf32>,
        %mul3A_763 = arith.mulf %unpack3A_748, %get3A_762 : vector<16xf32>
        %add3A_764 = arith.addf %add3A_759, %mul3A_763 : vector<16xf32>
        %get3A_765 = arith.index_cast %add3A_737 : i32 to index
        %get3A_766 = arith.constant 96 : index
        %get3A_767 = tpu.vector_load %arg16[%get3A_765, %get3A_766] {strides = array<i32>} : memref<128x128xf32, #tpu.memory_space<vmem>>, vector<16xf32>,
        %mul3A_768 = arith.mulf %unpack3A_749, %get3A_767 : vector<16xf32>
        %add3A_769 = arith.addf %add3A_764, %mul3A_768 : vector<16xf32>
        %get3A_770 = arith.index_cast %add3A_737 : i32 to index
        %get3A_771 = arith.constant 16 : index
        %get3A_772 = tpu.vector_load %arg16[%get3A_770, %get3A_771] {strides = array<i32>} : memref<128x128xf32, #tpu.memory_space<vmem>>, vector<16xf32>,
        %mul3A_773 = arith.mulf %unpack3A_746, %get3A_772 : vector<16xf32>
        %add3A_774 = arith.addf %add3A_733, %mul3A_773 : vector<16xf32>
        %get3A_775 = arith.index_cast %add3A_737 : i32 to index
        %get3A_776 = arith.constant 48 : index
        %get3A_777 = tpu.vector_load %arg16[%get3A_775, %get3A_776] {strides = array<i32>} : memref<128x128xf32, #tpu.memory_space<vmem>>, vector<16xf32>,
        %mul3A_778 = arith.mulf %unpack3A_747, %get3A_777 : vector<16xf32>
        %add3A_779 = arith.addf %add3A_774, %mul3A_778 : vector<16xf32>
        %get3A_780 = arith.index_cast %add3A_737 : i32 to index
        %get3A_781 = arith.constant 80 : index
        %get3A_782 = tpu.vector_load %arg16[%get3A_780, %get3A_781] {strides = array<i32>} : memref<128x128xf32, #tpu.memory_space<vmem>>, vector<16xf32>,
        %mul3A_783 = arith.mulf %unpack3A_748, %get3A_782 : vector<16xf32>
        %add3A_784 = arith.addf %add3A_779, %mul3A_783 : vector<16xf32>
        %get3A_785 = arith.index_cast %add3A_737 : i32 to index
        %get3A_786 = arith.constant 112 : index
        %get3A_787 = tpu.vector_load %arg16[%get3A_785, %get3A_786] {strides = array<i32>} : memref<128x128xf32, #tpu.memory_space<vmem>>, vector<16xf32>,
        %mul3A_788 = arith.mulf %unpack3A_749, %get3A_787 : vector<16xf32>
        %add3A_789 = arith.addf %add3A_784, %mul3A_788 : vector<16xf32>
        %mul3A_790 = arith.constant 16 : i32
        %mul3A_791 = arith.muli %add3A_230, %mul3A_790 : i32
        %add3A_792 = arith.constant 10 : i32
        %add3A_793 = arith.addi %mul3A_791, %add3A_792 : i32
        %broadcast_in_dim3A_794 = vector.broadcast %add3A_793 : i32 to vector<16xi32>
        %gather3A_795 = tpu.vector_load_idx %arg12[%broadcast_in_dim3A_794] : memref<256xi32, #tpu.memory_space<vmem>>[vector<16xi32>], vector<16xi32>,
        %bitcast3A_796 = vector.bitcast %gather3A_795 : vector<16xi32> to vector<32xbf16>
        %add3A_797 = arith.constant 128 : i32
        %add3A_798 = vector.broadcast %add3A_797 : i32 to vector<16xi32>
        %add3A_799 = arith.addi %broadcast_in_dim3A_794, %add3A_798 : vector<16xi32>
        %gather3A_800 = tpu.vector_load_idx %arg12[%add3A_799] : memref<256xi32, #tpu.memory_space<vmem>>[vector<16xi32>], vector<16xi32>,
        %bitcast3A_801 = vector.bitcast %gather3A_800 : vector<16xi32> to vector<32xbf16>
        %unpack3A_802 = tpu.unpack_subelements %bitcast3A_796, 0 {pack_format = #tpu.pack_format<interleaved>} : vector<32xbf16> -> vector<16xf32>
        %unpack3A_803 = tpu.unpack_subelements %bitcast3A_796, 1 {pack_format = #tpu.pack_format<interleaved>} : vector<32xbf16> -> vector<16xf32>
        %unpack3A_804 = tpu.unpack_subelements %bitcast3A_801, 0 {pack_format = #tpu.pack_format<interleaved>} : vector<32xbf16> -> vector<16xf32>
        %unpack3A_805 = tpu.unpack_subelements %bitcast3A_801, 1 {pack_format = #tpu.pack_format<interleaved>} : vector<32xbf16> -> vector<16xf32>
        %get3A_806 = arith.index_cast %add3A_793 : i32 to index
        %get3A_807 = arith.constant 0 : index
        %get3A_808 = tpu.vector_load %arg16[%get3A_806, %get3A_807] {strides = array<i32>} : memref<128x128xf32, #tpu.memory_space<vmem>>, vector<16xf32>,
        %mul3A_809 = arith.mulf %unpack3A_802, %get3A_808 : vector<16xf32>
        %add3A_810 = arith.addf %add3A_769, %mul3A_809 : vector<16xf32>
        %get3A_811 = arith.index_cast %add3A_793 : i32 to index
        %get3A_812 = arith.constant 32 : index
        %get3A_813 = tpu.vector_load %arg16[%get3A_811, %get3A_812] {strides = array<i32>} : memref<128x128xf32, #tpu.memory_space<vmem>>, vector<16xf32>,
        %mul3A_814 = arith.mulf %unpack3A_803, %get3A_813 : vector<16xf32>
        %add3A_815 = arith.addf %add3A_810, %mul3A_814 : vector<16xf32>
        %get3A_816 = arith.index_cast %add3A_793 : i32 to index
        %get3A_817 = arith.constant 64 : index
        %get3A_818 = tpu.vector_load %arg16[%get3A_816, %get3A_817] {strides = array<i32>} : memref<128x128xf32, #tpu.memory_space<vmem>>, vector<16xf32>,
        %mul3A_819 = arith.mulf %unpack3A_804, %get3A_818 : vector<16xf32>
        %add3A_820 = arith.addf %add3A_815, %mul3A_819 : vector<16xf32>
        %get3A_821 = arith.index_cast %add3A_793 : i32 to index
        %get3A_822 = arith.constant 96 : index
        %get3A_823 = tpu.vector_load %arg16[%get3A_821, %get3A_822] {strides = array<i32>} : memref<128x128xf32, #tpu.memory_space<vmem>>, vector<16xf32>,
        %mul3A_824 = arith.mulf %unpack3A_805, %get3A_823 : vector<16xf32>
        %add3A_825 = arith.addf %add3A_820, %mul3A_824 : vector<16xf32>
        %get3A_826 = arith.index_cast %add3A_793 : i32 to index
        %get3A_827 = arith.constant 16 : index
        %get3A_828 = tpu.vector_load %arg16[%get3A_826, %get3A_827] {strides = array<i32>} : memref<128x128xf32, #tpu.memory_space<vmem>>, vector<16xf32>,
        %mul3A_829 = arith.mulf %unpack3A_802, %get3A_828 : vector<16xf32>
        %add3A_830 = arith.addf %add3A_789, %mul3A_829 : vector<16xf32>
        %get3A_831 = arith.index_cast %add3A_793 : i32 to index
        %get3A_832 = arith.constant 48 : index
        %get3A_833 = tpu.vector_load %arg16[%get3A_831, %get3A_832] {strides = array<i32>} : memref<128x128xf32, #tpu.memory_space<vmem>>, vector<16xf32>,
        %mul3A_834 = arith.mulf %unpack3A_803, %get3A_833 : vector<16xf32>
        %add3A_835 = arith.addf %add3A_830, %mul3A_834 : vector<16xf32>
        %get3A_836 = arith.index_cast %add3A_793 : i32 to index
        %get3A_837 = arith.constant 80 : index
        %get3A_838 = tpu.vector_load %arg16[%get3A_836, %get3A_837] {strides = array<i32>} : memref<128x128xf32, #tpu.memory_space<vmem>>, vector<16xf32>,
        %mul3A_839 = arith.mulf %unpack3A_804, %get3A_838 : vector<16xf32>
        %add3A_840 = arith.addf %add3A_835, %mul3A_839 : vector<16xf32>
        %get3A_841 = arith.index_cast %add3A_793 : i32 to index
        %get3A_842 = arith.constant 112 : index
        %get3A_843 = tpu.vector_load %arg16[%get3A_841, %get3A_842] {strides = array<i32>} : memref<128x128xf32, #tpu.memory_space<vmem>>, vector<16xf32>,
        %mul3A_844 = arith.mulf %unpack3A_805, %get3A_843 : vector<16xf32>
        %add3A_845 = arith.addf %add3A_840, %mul3A_844 : vector<16xf32>
        %mul3A_846 = arith.constant 16 : i32
        %mul3A_847 = arith.muli %add3A_230, %mul3A_846 : i32
        %add3A_848 = arith.constant 11 : i32
        %add3A_849 = arith.addi %mul3A_847, %add3A_848 : i32
        %broadcast_in_dim3A_850 = vector.broadcast %add3A_849 : i32 to vector<16xi32>
        %gather3A_851 = tpu.vector_load_idx %arg12[%broadcast_in_dim3A_850] : memref<256xi32, #tpu.memory_space<vmem>>[vector<16xi32>], vector<16xi32>,
        %bitcast3A_852 = vector.bitcast %gather3A_851 : vector<16xi32> to vector<32xbf16>
        %add3A_853 = arith.constant 128 : i32
        %add3A_854 = vector.broadcast %add3A_853 : i32 to vector<16xi32>
        %add3A_855 = arith.addi %broadcast_in_dim3A_850, %add3A_854 : vector<16xi32>
        %gather3A_856 = tpu.vector_load_idx %arg12[%add3A_855] : memref<256xi32, #tpu.memory_space<vmem>>[vector<16xi32>], vector<16xi32>,
        %bitcast3A_857 = vector.bitcast %gather3A_856 : vector<16xi32> to vector<32xbf16>
        %unpack3A_858 = tpu.unpack_subelements %bitcast3A_852, 0 {pack_format = #tpu.pack_format<interleaved>} : vector<32xbf16> -> vector<16xf32>
        %unpack3A_859 = tpu.unpack_subelements %bitcast3A_852, 1 {pack_format = #tpu.pack_format<interleaved>} : vector<32xbf16> -> vector<16xf32>
        %unpack3A_860 = tpu.unpack_subelements %bitcast3A_857, 0 {pack_format = #tpu.pack_format<interleaved>} : vector<32xbf16> -> vector<16xf32>
        %unpack3A_861 = tpu.unpack_subelements %bitcast3A_857, 1 {pack_format = #tpu.pack_format<interleaved>} : vector<32xbf16> -> vector<16xf32>
        %get3A_862 = arith.index_cast %add3A_849 : i32 to index
        %get3A_863 = arith.constant 0 : index
        %get3A_864 = tpu.vector_load %arg16[%get3A_862, %get3A_863] {strides = array<i32>} : memref<128x128xf32, #tpu.memory_space<vmem>>, vector<16xf32>,
        %mul3A_865 = arith.mulf %unpack3A_858, %get3A_864 : vector<16xf32>
        %add3A_866 = arith.addf %add3A_825, %mul3A_865 : vector<16xf32>
        %get3A_867 = arith.index_cast %add3A_849 : i32 to index
        %get3A_868 = arith.constant 32 : index
        %get3A_869 = tpu.vector_load %arg16[%get3A_867, %get3A_868] {strides = array<i32>} : memref<128x128xf32, #tpu.memory_space<vmem>>, vector<16xf32>,
        %mul3A_870 = arith.mulf %unpack3A_859, %get3A_869 : vector<16xf32>
        %add3A_871 = arith.addf %add3A_866, %mul3A_870 : vector<16xf32>
        %get3A_872 = arith.index_cast %add3A_849 : i32 to index
        %get3A_873 = arith.constant 64 : index
        %get3A_874 = tpu.vector_load %arg16[%get3A_872, %get3A_873] {strides = array<i32>} : memref<128x128xf32, #tpu.memory_space<vmem>>, vector<16xf32>,
        %mul3A_875 = arith.mulf %unpack3A_860, %get3A_874 : vector<16xf32>
        %add3A_876 = arith.addf %add3A_871, %mul3A_875 : vector<16xf32>
        %get3A_877 = arith.index_cast %add3A_849 : i32 to index
        %get3A_878 = arith.constant 96 : index
        %get3A_879 = tpu.vector_load %arg16[%get3A_877, %get3A_878] {strides = array<i32>} : memref<128x128xf32, #tpu.memory_space<vmem>>, vector<16xf32>,
        %mul3A_880 = arith.mulf %unpack3A_861, %get3A_879 : vector<16xf32>
        %add3A_881 = arith.addf %add3A_876, %mul3A_880 : vector<16xf32>
        %get3A_882 = arith.index_cast %add3A_849 : i32 to index
        %get3A_883 = arith.constant 16 : index
        %get3A_884 = tpu.vector_load %arg16[%get3A_882, %get3A_883] {strides = array<i32>} : memref<128x128xf32, #tpu.memory_space<vmem>>, vector<16xf32>,
        %mul3A_885 = arith.mulf %unpack3A_858, %get3A_884 : vector<16xf32>
        %add3A_886 = arith.addf %add3A_845, %mul3A_885 : vector<16xf32>
        %get3A_887 = arith.index_cast %add3A_849 : i32 to index
        %get3A_888 = arith.constant 48 : index
        %get3A_889 = tpu.vector_load %arg16[%get3A_887, %get3A_888] {strides = array<i32>} : memref<128x128xf32, #tpu.memory_space<vmem>>, vector<16xf32>,
        %mul3A_890 = arith.mulf %unpack3A_859, %get3A_889 : vector<16xf32>
        %add3A_891 = arith.addf %add3A_886, %mul3A_890 : vector<16xf32>
        %get3A_892 = arith.index_cast %add3A_849 : i32 to index
        %get3A_893 = arith.constant 80 : index
        %get3A_894 = tpu.vector_load %arg16[%get3A_892, %get3A_893] {strides = array<i32>} : memref<128x128xf32, #tpu.memory_space<vmem>>, vector<16xf32>,
        %mul3A_895 = arith.mulf %unpack3A_860, %get3A_894 : vector<16xf32>
        %add3A_896 = arith.addf %add3A_891, %mul3A_895 : vector<16xf32>
        %get3A_897 = arith.index_cast %add3A_849 : i32 to index
        %get3A_898 = arith.constant 112 : index
        %get3A_899 = tpu.vector_load %arg16[%get3A_897, %get3A_898] {strides = array<i32>} : memref<128x128xf32, #tpu.memory_space<vmem>>, vector<16xf32>,
        %mul3A_900 = arith.mulf %unpack3A_861, %get3A_899 : vector<16xf32>
        %add3A_901 = arith.addf %add3A_896, %mul3A_900 : vector<16xf32>
        %mul3A_902 = arith.constant 16 : i32
        %mul3A_903 = arith.muli %add3A_230, %mul3A_902 : i32
        %add3A_904 = arith.constant 12 : i32
        %add3A_905 = arith.addi %mul3A_903, %add3A_904 : i32
        %broadcast_in_dim3A_906 = vector.broadcast %add3A_905 : i32 to vector<16xi32>
        %gather3A_907 = tpu.vector_load_idx %arg12[%broadcast_in_dim3A_906] : memref<256xi32, #tpu.memory_space<vmem>>[vector<16xi32>], vector<16xi32>,
        %bitcast3A_908 = vector.bitcast %gather3A_907 : vector<16xi32> to vector<32xbf16>
        %add3A_909 = arith.constant 128 : i32
        %add3A_910 = vector.broadcast %add3A_909 : i32 to vector<16xi32>
        %add3A_911 = arith.addi %broadcast_in_dim3A_906, %add3A_910 : vector<16xi32>
        %gather3A_912 = tpu.vector_load_idx %arg12[%add3A_911] : memref<256xi32, #tpu.memory_space<vmem>>[vector<16xi32>], vector<16xi32>,
        %bitcast3A_913 = vector.bitcast %gather3A_912 : vector<16xi32> to vector<32xbf16>
        %unpack3A_914 = tpu.unpack_subelements %bitcast3A_908, 0 {pack_format = #tpu.pack_format<interleaved>} : vector<32xbf16> -> vector<16xf32>
        %unpack3A_915 = tpu.unpack_subelements %bitcast3A_908, 1 {pack_format = #tpu.pack_format<interleaved>} : vector<32xbf16> -> vector<16xf32>
        %unpack3A_916 = tpu.unpack_subelements %bitcast3A_913, 0 {pack_format = #tpu.pack_format<interleaved>} : vector<32xbf16> -> vector<16xf32>
        %unpack3A_917 = tpu.unpack_subelements %bitcast3A_913, 1 {pack_format = #tpu.pack_format<interleaved>} : vector<32xbf16> -> vector<16xf32>
        %get3A_918 = arith.index_cast %add3A_905 : i32 to index
        %get3A_919 = arith.constant 0 : index
        %get3A_920 = tpu.vector_load %arg16[%get3A_918, %get3A_919] {strides = array<i32>} : memref<128x128xf32, #tpu.memory_space<vmem>>, vector<16xf32>,
        %mul3A_921 = arith.mulf %unpack3A_914, %get3A_920 : vector<16xf32>
        %add3A_922 = arith.addf %add3A_881, %mul3A_921 : vector<16xf32>
        %get3A_923 = arith.index_cast %add3A_905 : i32 to index
        %get3A_924 = arith.constant 32 : index
        %get3A_925 = tpu.vector_load %arg16[%get3A_923, %get3A_924] {strides = array<i32>} : memref<128x128xf32, #tpu.memory_space<vmem>>, vector<16xf32>,
        %mul3A_926 = arith.mulf %unpack3A_915, %get3A_925 : vector<16xf32>
        %add3A_927 = arith.addf %add3A_922, %mul3A_926 : vector<16xf32>
        %get3A_928 = arith.index_cast %add3A_905 : i32 to index
        %get3A_929 = arith.constant 64 : index
        %get3A_930 = tpu.vector_load %arg16[%get3A_928, %get3A_929] {strides = array<i32>} : memref<128x128xf32, #tpu.memory_space<vmem>>, vector<16xf32>,
        %mul3A_931 = arith.mulf %unpack3A_916, %get3A_930 : vector<16xf32>
        %add3A_932 = arith.addf %add3A_927, %mul3A_931 : vector<16xf32>
        %get3A_933 = arith.index_cast %add3A_905 : i32 to index
        %get3A_934 = arith.constant 96 : index
        %get3A_935 = tpu.vector_load %arg16[%get3A_933, %get3A_934] {strides = array<i32>} : memref<128x128xf32, #tpu.memory_space<vmem>>, vector<16xf32>,
        %mul3A_936 = arith.mulf %unpack3A_917, %get3A_935 : vector<16xf32>
        %add3A_937 = arith.addf %add3A_932, %mul3A_936 : vector<16xf32>
        %get3A_938 = arith.index_cast %add3A_905 : i32 to index
        %get3A_939 = arith.constant 16 : index
        %get3A_940 = tpu.vector_load %arg16[%get3A_938, %get3A_939] {strides = array<i32>} : memref<128x128xf32, #tpu.memory_space<vmem>>, vector<16xf32>,
        %mul3A_941 = arith.mulf %unpack3A_914, %get3A_940 : vector<16xf32>
        %add3A_942 = arith.addf %add3A_901, %mul3A_941 : vector<16xf32>
        %get3A_943 = arith.index_cast %add3A_905 : i32 to index
        %get3A_944 = arith.constant 48 : index
        %get3A_945 = tpu.vector_load %arg16[%get3A_943, %get3A_944] {strides = array<i32>} : memref<128x128xf32, #tpu.memory_space<vmem>>, vector<16xf32>,
        %mul3A_946 = arith.mulf %unpack3A_915, %get3A_945 : vector<16xf32>
        %add3A_947 = arith.addf %add3A_942, %mul3A_946 : vector<16xf32>
        %get3A_948 = arith.index_cast %add3A_905 : i32 to index
        %get3A_949 = arith.constant 80 : index
        %get3A_950 = tpu.vector_load %arg16[%get3A_948, %get3A_949] {strides = array<i32>} : memref<128x128xf32, #tpu.memory_space<vmem>>, vector<16xf32>,
        %mul3A_951 = arith.mulf %unpack3A_916, %get3A_950 : vector<16xf32>
        %add3A_952 = arith.addf %add3A_947, %mul3A_951 : vector<16xf32>
        %get3A_953 = arith.index_cast %add3A_905 : i32 to index
        %get3A_954 = arith.constant 112 : index
        %get3A_955 = tpu.vector_load %arg16[%get3A_953, %get3A_954] {strides = array<i32>} : memref<128x128xf32, #tpu.memory_space<vmem>>, vector<16xf32>,
        %mul3A_956 = arith.mulf %unpack3A_917, %get3A_955 : vector<16xf32>
        %add3A_957 = arith.addf %add3A_952, %mul3A_956 : vector<16xf32>
        %mul3A_958 = arith.constant 16 : i32
        %mul3A_959 = arith.muli %add3A_230, %mul3A_958 : i32
        %add3A_960 = arith.constant 13 : i32
        %add3A_961 = arith.addi %mul3A_959, %add3A_960 : i32
        %broadcast_in_dim3A_962 = vector.broadcast %add3A_961 : i32 to vector<16xi32>
        %gather3A_963 = tpu.vector_load_idx %arg12[%broadcast_in_dim3A_962] : memref<256xi32, #tpu.memory_space<vmem>>[vector<16xi32>], vector<16xi32>,
        %bitcast3A_964 = vector.bitcast %gather3A_963 : vector<16xi32> to vector<32xbf16>
        %add3A_965 = arith.constant 128 : i32
        %add3A_966 = vector.broadcast %add3A_965 : i32 to vector<16xi32>
        %add3A_967 = arith.addi %broadcast_in_dim3A_962, %add3A_966 : vector<16xi32>
        %gather3A_968 = tpu.vector_load_idx %arg12[%add3A_967] : memref<256xi32, #tpu.memory_space<vmem>>[vector<16xi32>], vector<16xi32>,
        %bitcast3A_969 = vector.bitcast %gather3A_968 : vector<16xi32> to vector<32xbf16>
        %unpack3A_970 = tpu.unpack_subelements %bitcast3A_964, 0 {pack_format = #tpu.pack_format<interleaved>} : vector<32xbf16> -> vector<16xf32>
        %unpack3A_971 = tpu.unpack_subelements %bitcast3A_964, 1 {pack_format = #tpu.pack_format<interleaved>} : vector<32xbf16> -> vector<16xf32>
        %unpack3A_972 = tpu.unpack_subelements %bitcast3A_969, 0 {pack_format = #tpu.pack_format<interleaved>} : vector<32xbf16> -> vector<16xf32>
        %unpack3A_973 = tpu.unpack_subelements %bitcast3A_969, 1 {pack_format = #tpu.pack_format<interleaved>} : vector<32xbf16> -> vector<16xf32>
        %get3A_974 = arith.index_cast %add3A_961 : i32 to index
        %get3A_975 = arith.constant 0 : index
        %get3A_976 = tpu.vector_load %arg16[%get3A_974, %get3A_975] {strides = array<i32>} : memref<128x128xf32, #tpu.memory_space<vmem>>, vector<16xf32>,
        %mul3A_977 = arith.mulf %unpack3A_970, %get3A_976 : vector<16xf32>
        %add3A_978 = arith.addf %add3A_937, %mul3A_977 : vector<16xf32>
        %get3A_979 = arith.index_cast %add3A_961 : i32 to index
        %get3A_980 = arith.constant 32 : index
        %get3A_981 = tpu.vector_load %arg16[%get3A_979, %get3A_980] {strides = array<i32>} : memref<128x128xf32, #tpu.memory_space<vmem>>, vector<16xf32>,
        %mul3A_982 = arith.mulf %unpack3A_971, %get3A_981 : vector<16xf32>
        %add3A_983 = arith.addf %add3A_978, %mul3A_982 : vector<16xf32>
        %get3A_984 = arith.index_cast %add3A_961 : i32 to index
        %get3A_985 = arith.constant 64 : index
        %get3A_986 = tpu.vector_load %arg16[%get3A_984, %get3A_985] {strides = array<i32>} : memref<128x128xf32, #tpu.memory_space<vmem>>, vector<16xf32>,
        %mul3A_987 = arith.mulf %unpack3A_972, %get3A_986 : vector<16xf32>
        %add3A_988 = arith.addf %add3A_983, %mul3A_987 : vector<16xf32>
        %get3A_989 = arith.index_cast %add3A_961 : i32 to index
        %get3A_990 = arith.constant 96 : index
        %get3A_991 = tpu.vector_load %arg16[%get3A_989, %get3A_990] {strides = array<i32>} : memref<128x128xf32, #tpu.memory_space<vmem>>, vector<16xf32>,
        %mul3A_992 = arith.mulf %unpack3A_973, %get3A_991 : vector<16xf32>
        %add3A_993 = arith.addf %add3A_988, %mul3A_992 : vector<16xf32>
        %get3A_994 = arith.index_cast %add3A_961 : i32 to index
        %get3A_995 = arith.constant 16 : index
        %get3A_996 = tpu.vector_load %arg16[%get3A_994, %get3A_995] {strides = array<i32>} : memref<128x128xf32, #tpu.memory_space<vmem>>, vector<16xf32>,
        %mul3A_997 = arith.mulf %unpack3A_970, %get3A_996 : vector<16xf32>
        %add3A_998 = arith.addf %add3A_957, %mul3A_997 : vector<16xf32>
        %get3A_999 = arith.index_cast %add3A_961 : i32 to index
        %get3A_1000 = arith.constant 48 : index
        %get3A_1001 = tpu.vector_load %arg16[%get3A_999, %get3A_1000] {strides = array<i32>} : memref<128x128xf32, #tpu.memory_space<vmem>>, vector<16xf32>,
        %mul3A_1002 = arith.mulf %unpack3A_971, %get3A_1001 : vector<16xf32>
        %add3A_1003 = arith.addf %add3A_998, %mul3A_1002 : vector<16xf32>
        %get3A_1004 = arith.index_cast %add3A_961 : i32 to index
        %get3A_1005 = arith.constant 80 : index
        %get3A_1006 = tpu.vector_load %arg16[%get3A_1004, %get3A_1005] {strides = array<i32>} : memref<128x128xf32, #tpu.memory_space<vmem>>, vector<16xf32>,
        %mul3A_1007 = arith.mulf %unpack3A_972, %get3A_1006 : vector<16xf32>
        %add3A_1008 = arith.addf %add3A_1003, %mul3A_1007 : vector<16xf32>
        %get3A_1009 = arith.index_cast %add3A_961 : i32 to index
        %get3A_1010 = arith.constant 112 : index
        %get3A_1011 = tpu.vector_load %arg16[%get3A_1009, %get3A_1010] {strides = array<i32>} : memref<128x128xf32, #tpu.memory_space<vmem>>, vector<16xf32>,
        %mul3A_1012 = arith.mulf %unpack3A_973, %get3A_1011 : vector<16xf32>
        %add3A_1013 = arith.addf %add3A_1008, %mul3A_1012 : vector<16xf32>
        %mul3A_1014 = arith.constant 16 : i32
        %mul3A_1015 = arith.muli %add3A_230, %mul3A_1014 : i32
        %add3A_1016 = arith.constant 14 : i32
        %add3A_1017 = arith.addi %mul3A_1015, %add3A_1016 : i32
        %broadcast_in_dim3A_1018 = vector.broadcast %add3A_1017 : i32 to vector<16xi32>
        %gather3A_1019 = tpu.vector_load_idx %arg12[%broadcast_in_dim3A_1018] : memref<256xi32, #tpu.memory_space<vmem>>[vector<16xi32>], vector<16xi32>,
        %bitcast3A_1020 = vector.bitcast %gather3A_1019 : vector<16xi32> to vector<32xbf16>
        %add3A_1021 = arith.constant 128 : i32
        %add3A_1022 = vector.broadcast %add3A_1021 : i32 to vector<16xi32>
        %add3A_1023 = arith.addi %broadcast_in_dim3A_1018, %add3A_1022 : vector<16xi32>
        %gather3A_1024 = tpu.vector_load_idx %arg12[%add3A_1023] : memref<256xi32, #tpu.memory_space<vmem>>[vector<16xi32>], vector<16xi32>,
        %bitcast3A_1025 = vector.bitcast %gather3A_1024 : vector<16xi32> to vector<32xbf16>
        %unpack3A_1026 = tpu.unpack_subelements %bitcast3A_1020, 0 {pack_format = #tpu.pack_format<interleaved>} : vector<32xbf16> -> vector<16xf32>
        %unpack3A_1027 = tpu.unpack_subelements %bitcast3A_1020, 1 {pack_format = #tpu.pack_format<interleaved>} : vector<32xbf16> -> vector<16xf32>
        %unpack3A_1028 = tpu.unpack_subelements %bitcast3A_1025, 0 {pack_format = #tpu.pack_format<interleaved>} : vector<32xbf16> -> vector<16xf32>
        %unpack3A_1029 = tpu.unpack_subelements %bitcast3A_1025, 1 {pack_format = #tpu.pack_format<interleaved>} : vector<32xbf16> -> vector<16xf32>
        %get3A_1030 = arith.index_cast %add3A_1017 : i32 to index
        %get3A_1031 = arith.constant 0 : index
        %get3A_1032 = tpu.vector_load %arg16[%get3A_1030, %get3A_1031] {strides = array<i32>} : memref<128x128xf32, #tpu.memory_space<vmem>>, vector<16xf32>,
        %mul3A_1033 = arith.mulf %unpack3A_1026, %get3A_1032 : vector<16xf32>
        %add3A_1034 = arith.addf %add3A_993, %mul3A_1033 : vector<16xf32>
        %get3A_1035 = arith.index_cast %add3A_1017 : i32 to index
        %get3A_1036 = arith.constant 32 : index
        %get3A_1037 = tpu.vector_load %arg16[%get3A_1035, %get3A_1036] {strides = array<i32>} : memref<128x128xf32, #tpu.memory_space<vmem>>, vector<16xf32>,
        %mul3A_1038 = arith.mulf %unpack3A_1027, %get3A_1037 : vector<16xf32>
        %add3A_1039 = arith.addf %add3A_1034, %mul3A_1038 : vector<16xf32>
        %get3A_1040 = arith.index_cast %add3A_1017 : i32 to index
        %get3A_1041 = arith.constant 64 : index
        %get3A_1042 = tpu.vector_load %arg16[%get3A_1040, %get3A_1041] {strides = array<i32>} : memref<128x128xf32, #tpu.memory_space<vmem>>, vector<16xf32>,
        %mul3A_1043 = arith.mulf %unpack3A_1028, %get3A_1042 : vector<16xf32>
        %add3A_1044 = arith.addf %add3A_1039, %mul3A_1043 : vector<16xf32>
        %get3A_1045 = arith.index_cast %add3A_1017 : i32 to index
        %get3A_1046 = arith.constant 96 : index
        %get3A_1047 = tpu.vector_load %arg16[%get3A_1045, %get3A_1046] {strides = array<i32>} : memref<128x128xf32, #tpu.memory_space<vmem>>, vector<16xf32>,
        %mul3A_1048 = arith.mulf %unpack3A_1029, %get3A_1047 : vector<16xf32>
        %add3A_1049 = arith.addf %add3A_1044, %mul3A_1048 : vector<16xf32>
        %get3A_1050 = arith.index_cast %add3A_1017 : i32 to index
        %get3A_1051 = arith.constant 16 : index
        %get3A_1052 = tpu.vector_load %arg16[%get3A_1050, %get3A_1051] {strides = array<i32>} : memref<128x128xf32, #tpu.memory_space<vmem>>, vector<16xf32>,
        %mul3A_1053 = arith.mulf %unpack3A_1026, %get3A_1052 : vector<16xf32>
        %add3A_1054 = arith.addf %add3A_1013, %mul3A_1053 : vector<16xf32>
        %get3A_1055 = arith.index_cast %add3A_1017 : i32 to index
        %get3A_1056 = arith.constant 48 : index
        %get3A_1057 = tpu.vector_load %arg16[%get3A_1055, %get3A_1056] {strides = array<i32>} : memref<128x128xf32, #tpu.memory_space<vmem>>, vector<16xf32>,
        %mul3A_1058 = arith.mulf %unpack3A_1027, %get3A_1057 : vector<16xf32>
        %add3A_1059 = arith.addf %add3A_1054, %mul3A_1058 : vector<16xf32>
        %get3A_1060 = arith.index_cast %add3A_1017 : i32 to index
        %get3A_1061 = arith.constant 80 : index
        %get3A_1062 = tpu.vector_load %arg16[%get3A_1060, %get3A_1061] {strides = array<i32>} : memref<128x128xf32, #tpu.memory_space<vmem>>, vector<16xf32>,
        %mul3A_1063 = arith.mulf %unpack3A_1028, %get3A_1062 : vector<16xf32>
        %add3A_1064 = arith.addf %add3A_1059, %mul3A_1063 : vector<16xf32>
        %get3A_1065 = arith.index_cast %add3A_1017 : i32 to index
        %get3A_1066 = arith.constant 112 : index
        %get3A_1067 = tpu.vector_load %arg16[%get3A_1065, %get3A_1066] {strides = array<i32>} : memref<128x128xf32, #tpu.memory_space<vmem>>, vector<16xf32>,
        %mul3A_1068 = arith.mulf %unpack3A_1029, %get3A_1067 : vector<16xf32>
        %add3A_1069 = arith.addf %add3A_1064, %mul3A_1068 : vector<16xf32>
        %mul3A_1070 = arith.constant 16 : i32
        %mul3A_1071 = arith.muli %add3A_230, %mul3A_1070 : i32
        %add3A_1072 = arith.constant 15 : i32
        %add3A_1073 = arith.addi %mul3A_1071, %add3A_1072 : i32
        %broadcast_in_dim3A_1074 = vector.broadcast %add3A_1073 : i32 to vector<16xi32>
        %gather3A_1075 = tpu.vector_load_idx %arg12[%broadcast_in_dim3A_1074] : memref<256xi32, #tpu.memory_space<vmem>>[vector<16xi32>], vector<16xi32>,
        %bitcast3A_1076 = vector.bitcast %gather3A_1075 : vector<16xi32> to vector<32xbf16>
        %add3A_1077 = arith.constant 128 : i32
        %add3A_1078 = vector.broadcast %add3A_1077 : i32 to vector<16xi32>
        %add3A_1079 = arith.addi %broadcast_in_dim3A_1074, %add3A_1078 : vector<16xi32>
        %gather3A_1080 = tpu.vector_load_idx %arg12[%add3A_1079] : memref<256xi32, #tpu.memory_space<vmem>>[vector<16xi32>], vector<16xi32>,
        %bitcast3A_1081 = vector.bitcast %gather3A_1080 : vector<16xi32> to vector<32xbf16>
        %unpack3A_1082 = tpu.unpack_subelements %bitcast3A_1076, 0 {pack_format = #tpu.pack_format<interleaved>} : vector<32xbf16> -> vector<16xf32>
        %unpack3A_1083 = tpu.unpack_subelements %bitcast3A_1076, 1 {pack_format = #tpu.pack_format<interleaved>} : vector<32xbf16> -> vector<16xf32>
        %unpack3A_1084 = tpu.unpack_subelements %bitcast3A_1081, 0 {pack_format = #tpu.pack_format<interleaved>} : vector<32xbf16> -> vector<16xf32>
        %unpack3A_1085 = tpu.unpack_subelements %bitcast3A_1081, 1 {pack_format = #tpu.pack_format<interleaved>} : vector<32xbf16> -> vector<16xf32>
        %get3A_1086 = arith.index_cast %add3A_1073 : i32 to index
        %get3A_1087 = arith.constant 0 : index
        %get3A_1088 = tpu.vector_load %arg16[%get3A_1086, %get3A_1087] {strides = array<i32>} : memref<128x128xf32, #tpu.memory_space<vmem>>, vector<16xf32>,
        %mul3A_1089 = arith.mulf %unpack3A_1082, %get3A_1088 : vector<16xf32>
        %add3A_1090 = arith.addf %add3A_1049, %mul3A_1089 : vector<16xf32>
        %get3A_1091 = arith.index_cast %add3A_1073 : i32 to index
        %get3A_1092 = arith.constant 32 : index
        %get3A_1093 = tpu.vector_load %arg16[%get3A_1091, %get3A_1092] {strides = array<i32>} : memref<128x128xf32, #tpu.memory_space<vmem>>, vector<16xf32>,
        %mul3A_1094 = arith.mulf %unpack3A_1083, %get3A_1093 : vector<16xf32>
        %add3A_1095 = arith.addf %add3A_1090, %mul3A_1094 : vector<16xf32>
        %get3A_1096 = arith.index_cast %add3A_1073 : i32 to index
        %get3A_1097 = arith.constant 64 : index
        %get3A_1098 = tpu.vector_load %arg16[%get3A_1096, %get3A_1097] {strides = array<i32>} : memref<128x128xf32, #tpu.memory_space<vmem>>, vector<16xf32>,
        %mul3A_1099 = arith.mulf %unpack3A_1084, %get3A_1098 : vector<16xf32>
        %add3A_1100 = arith.addf %add3A_1095, %mul3A_1099 : vector<16xf32>
        %get3A_1101 = arith.index_cast %add3A_1073 : i32 to index
        %get3A_1102 = arith.constant 96 : index
        %get3A_1103 = tpu.vector_load %arg16[%get3A_1101, %get3A_1102] {strides = array<i32>} : memref<128x128xf32, #tpu.memory_space<vmem>>, vector<16xf32>,
        %mul3A_1104 = arith.mulf %unpack3A_1085, %get3A_1103 : vector<16xf32>
        %add3A_1105 = arith.addf %add3A_1100, %mul3A_1104 : vector<16xf32>
        %get3A_1106 = arith.index_cast %add3A_1073 : i32 to index
        %get3A_1107 = arith.constant 16 : index
        %get3A_1108 = tpu.vector_load %arg16[%get3A_1106, %get3A_1107] {strides = array<i32>} : memref<128x128xf32, #tpu.memory_space<vmem>>, vector<16xf32>,
        %mul3A_1109 = arith.mulf %unpack3A_1082, %get3A_1108 : vector<16xf32>
        %add3A_1110 = arith.addf %add3A_1069, %mul3A_1109 : vector<16xf32>
        %get3A_1111 = arith.index_cast %add3A_1073 : i32 to index
        %get3A_1112 = arith.constant 48 : index
        %get3A_1113 = tpu.vector_load %arg16[%get3A_1111, %get3A_1112] {strides = array<i32>} : memref<128x128xf32, #tpu.memory_space<vmem>>, vector<16xf32>,
        %mul3A_1114 = arith.mulf %unpack3A_1083, %get3A_1113 : vector<16xf32>
        %add3A_1115 = arith.addf %add3A_1110, %mul3A_1114 : vector<16xf32>
        %get3A_1116 = arith.index_cast %add3A_1073 : i32 to index
        %get3A_1117 = arith.constant 80 : index
        %get3A_1118 = tpu.vector_load %arg16[%get3A_1116, %get3A_1117] {strides = array<i32>} : memref<128x128xf32, #tpu.memory_space<vmem>>, vector<16xf32>,
        %mul3A_1119 = arith.mulf %unpack3A_1084, %get3A_1118 : vector<16xf32>
        %add3A_1120 = arith.addf %add3A_1115, %mul3A_1119 : vector<16xf32>
        %get3A_1121 = arith.index_cast %add3A_1073 : i32 to index
        %get3A_1122 = arith.constant 112 : index
        %get3A_1123 = tpu.vector_load %arg16[%get3A_1121, %get3A_1122] {strides = array<i32>} : memref<128x128xf32, #tpu.memory_space<vmem>>, vector<16xf32>,
        %mul3A_1124 = arith.mulf %unpack3A_1085, %get3A_1123 : vector<16xf32>
        %add3A_1125 = arith.addf %add3A_1120, %mul3A_1124 : vector<16xf32>
        %mul3A_1126 = arith.constant 32 : i32
        %mul3A_1127 = arith.muli %add3A_230, %mul3A_1126 : i32
        %add3A_1128 = arith.addi %add3A_166, %mul3A_1127 : i32
        %swap3A = arith.index_cast %add3A_1128 : i32 to index
        %swap3A_1129 = tpu.vector_load %arg18[%swap3A] {strides = array<i32>} : memref<5120xf32, #tpu.memory_space<vmem>>, vector<16xf32>,
        tpu.vector_store %arg18[%swap3A], %add3A_1105 {strides = array<i32>} : memref<5120xf32, #tpu.memory_space<vmem>>, vector<16xf32>,
        %mul3A_1130 = arith.constant 32 : i32
        %mul3A_1131 = arith.muli %add3A_230, %mul3A_1130 : i32
        %add3A_1132 = arith.addi %add3A_166, %mul3A_1131 : i32
        %add3A_1133 = arith.constant 16 : i32
        %add3A_1134 = arith.addi %add3A_1132, %add3A_1133 : i32
        %swap3A_1135 = arith.index_cast %add3A_1134 : i32 to index
        %swap3A_1136 = tpu.vector_load %arg18[%swap3A_1135] {strides = array<i32>} : memref<5120xf32, #tpu.memory_space<vmem>>, vector<16xf32>,
        tpu.vector_store %arg18[%swap3A_1135], %add3A_1125 {strides = array<i32>} : memref<5120xf32, #tpu.memory_space<vmem>>, vector<16xf32>,
      }
      %scan3A_171 = arith.constant 8 : i32
      %add3A_172 = arith.constant 4 : i32
      %add3A_173 = arith.addi %add3A_161, %add3A_172 : i32
      %lt3A_174 = arith.constant 340 : i32
      %lt3A_175 = arith.cmpi slt, %add3A_173, %lt3A_174 : i32
      %convert_element_type3A_176 = arith.extui %lt3A_175 : i1 to i32
      %cond3A_177 = arith.constant 0 : i32
      %cond3A_178 = arith.cmpi ne, %convert_element_type3A_176, %cond3A_177 : i32
      scf.if %cond3A_178 {
        %add3A_226 = arith.constant 4 : i32
        %add3A_227 = arith.addi %add3A_161, %add3A_226 : i32
        %add3A_228 = arith.addi %mul3A_2, %add3A_227 : i32
        %mul3A_229 = arith.constant 128 : i32
        %mul3A_230 = arith.muli %add3A_228, %mul3A_229 : i32
        %dma_start3A_231 = tpu.memref_slice %arg3[%mul3A_230] : memref<1392640xi32, #tpu.memory_space<hbm>> -> memref<128xi32, #tpu.memory_space<hbm>>
        %dma_start3A_232 = tpu.memref_slice %arg3[%mul3A_230] : memref<1392640xi32, #tpu.memory_space<hbm>> -> memref<128xi32, #tpu.memory_space<hbm>>
        tpu.enqueue_dma source(%dma_start3A_232 : memref<128xi32, #tpu.memory_space<hbm>>) target(%arg8 : memref<128xi32, #tpu.memory_space<vmem>>) target_semaphore(%arg21 : memref<!tpu.dma_semaphore, #tpu.memory_space<semaphore_mem>>)
        %mul3A_233 = arith.constant 256 : i32
        %mul3A_234 = arith.muli %add3A_228, %mul3A_233 : i32
        %dma_start3A_235 = tpu.memref_slice %arg4[%mul3A_234] : memref<2785280xi32, #tpu.memory_space<hbm>> -> memref<256xi32, #tpu.memory_space<hbm>>
        %dma_start3A_236 = tpu.memref_slice %arg4[%mul3A_234] : memref<2785280xi32, #tpu.memory_space<hbm>> -> memref<256xi32, #tpu.memory_space<hbm>>
        tpu.enqueue_dma source(%dma_start3A_236 : memref<256xi32, #tpu.memory_space<hbm>>) target(%arg12 : memref<256xi32, #tpu.memory_space<vmem>>) target_semaphore(%arg21 : memref<!tpu.dma_semaphore, #tpu.memory_space<semaphore_mem>>)
      } else {
      }
      %mul3A_179 = arith.constant 4 : i32
      %mul3A_180 = arith.muli %mul3A_179, %add3A_75 : i32
      %add3A_181 = arith.constant 2 : i32
      %add3A_182 = arith.addi %mul3A_180, %add3A_181 : i32
      %add3A_183 = arith.constant 2 : i32
      %add3A_184 = arith.addi %add3A_182, %add3A_183 : i32
      %lt3A_185 = arith.constant 340 : i32
      %lt3A_186 = arith.cmpi slt, %add3A_184, %lt3A_185 : i32
      %convert_element_type3A_187 = arith.extui %lt3A_186 : i1 to i32
      %cond3A_188 = arith.constant 0 : i32
      %cond3A_189 = arith.cmpi ne, %convert_element_type3A_187, %cond3A_188 : i32
      scf.if %cond3A_189 {
        %add3A_226 = arith.addi %mul3A_2, %add3A_184 : i32
        %mul3A_227 = arith.constant 128 : i32
        %mul3A_228 = arith.muli %add3A_226, %mul3A_227 : i32
        %dma_wait3A_229 = tpu.memref_slice %arg3[%mul3A_228] : memref<1392640xi32, #tpu.memory_space<hbm>> -> memref<128xi32, #tpu.memory_space<hbm>>
        %dma_wait3A_230 = tpu.memref_slice %arg3[%mul3A_228] : memref<1392640xi32, #tpu.memory_space<hbm>> -> memref<128xi32, #tpu.memory_space<hbm>>
        tpu.wait_dma2 semaphore(%arg19 : memref<!tpu.dma_semaphore, #tpu.memory_space<semaphore_mem>>) src(%dma_wait3A_230 : memref<128xi32, #tpu.memory_space<hbm>>) dst(%arg6 : memref<128xi32, #tpu.memory_space<vmem>>)
        %mul3A_231 = arith.constant 256 : i32
        %mul3A_232 = arith.muli %add3A_226, %mul3A_231 : i32
        %dma_wait3A_233 = tpu.memref_slice %arg4[%mul3A_232] : memref<2785280xi32, #tpu.memory_space<hbm>> -> memref<256xi32, #tpu.memory_space<hbm>>
        %dma_wait3A_234 = tpu.memref_slice %arg4[%mul3A_232] : memref<2785280xi32, #tpu.memory_space<hbm>> -> memref<256xi32, #tpu.memory_space<hbm>>
        tpu.wait_dma2 semaphore(%arg19 : memref<!tpu.dma_semaphore, #tpu.memory_space<semaphore_mem>>) src(%dma_wait3A_234 : memref<256xi32, #tpu.memory_space<hbm>>) dst(%arg10 : memref<256xi32, #tpu.memory_space<vmem>>)
        %dma_start3A_235 = arith.constant 0 : i32
        %dma_start3A_236 = arith.constant 0 : i32
        %dma_start3A_237 = tpu.memref_slice %arg2[%dma_start3A_235, %dma_start3A_236] : memref<94976x128xf32, #tpu.memory_space<hbm>> -> memref<94976x128xf32, #tpu.memory_space<hbm>>
        tpu.enqueue_indirect_dma source(%dma_start3A_237 : memref<94976x128xf32, #tpu.memory_space<hbm>>) target(%arg14 : memref<128x128xf32, #tpu.memory_space<vmem>>) offsets(%arg6 : memref<128xi32, #tpu.memory_space<vmem>>) semaphore(%arg23 : memref<!tpu.dma_semaphore, #tpu.memory_space<semaphore_mem>>)
      } else {
      }
      %mul3A_190 = arith.constant 4 : i32
      %mul3A_191 = arith.muli %mul3A_190, %add3A_75 : i32
      %add3A_192 = arith.constant 3 : i32
      %add3A_193 = arith.addi %mul3A_191, %add3A_192 : i32
      %dma_wait3A_194 = arith.constant 0 : i32
      %dma_wait3A_195 = arith.constant 0 : i32
      %dma_wait3A_196 = tpu.memref_slice %arg2[%dma_wait3A_194, %dma_wait3A_195] : memref<94976x128xf32, #tpu.memory_space<hbm>> -> memref<94976x128xf32, #tpu.memory_space<hbm>>
      tpu.wait_indirect_dma semaphore(%arg26 : memref<!tpu.dma_semaphore, #tpu.memory_space<semaphore_mem>>) src(%dma_wait3A_196 : memref<94976x128xf32, #tpu.memory_space<hbm>>) dst(%arg17 : memref<128x128xf32, #tpu.memory_space<vmem>>)
      %add3A_197 = arith.constant 768 : i32
      %add3A_198 = arith.addi %mul3A_96, %add3A_197 : i32
      %scan3A_199 = arith.constant 0 : i32
      %scan3A_200 = arith.constant 8 : i32
      %scan3A_201 = arith.addi %scan3A_199, %scan3A_200 : i32
      %scan3A_202 = arith.constant 1 : i32
      scf.for %scan3A_226 = %scan3A_199 to %scan3A_201 step %scan3A_202  : i32 {
        %mul3A_227 = arith.constant 1 : i32
        %mul3A_228 = arith.muli %scan3A_226, %mul3A_227 : i32
        %add3A_229 = arith.constant 0 : i32
        %add3A_230 = arith.addi %add3A_229, %mul3A_228 : i32
        %broadcast_in_dim3A = arith.constant 0.000000e+00 : f32
        %broadcast_in_dim3A_231 = vector.broadcast %broadcast_in_dim3A : f32 to vector<16xf32>
        %broadcast_in_dim3A_232 = arith.constant 0.000000e+00 : f32
        %broadcast_in_dim3A_233 = vector.broadcast %broadcast_in_dim3A_232 : f32 to vector<16xf32>
        %mul3A_234 = arith.constant 16 : i32
        %mul3A_235 = arith.muli %add3A_230, %mul3A_234 : i32
        %add3A_236 = arith.constant 0 : i32
        %add3A_237 = arith.addi %mul3A_235, %add3A_236 : i32
        %broadcast_in_dim3A_238 = vector.broadcast %add3A_237 : i32 to vector<16xi32>
        %gather3A = tpu.vector_load_idx %arg13[%broadcast_in_dim3A_238] : memref<256xi32, #tpu.memory_space<vmem>>[vector<16xi32>], vector<16xi32>,
        %bitcast3A = vector.bitcast %gather3A : vector<16xi32> to vector<32xbf16>
        %add3A_239 = arith.constant 128 : i32
        %add3A_240 = vector.broadcast %add3A_239 : i32 to vector<16xi32>
        %add3A_241 = arith.addi %broadcast_in_dim3A_238, %add3A_240 : vector<16xi32>
        %gather3A_242 = tpu.vector_load_idx %arg13[%add3A_241] : memref<256xi32, #tpu.memory_space<vmem>>[vector<16xi32>], vector<16xi32>,
        %bitcast3A_243 = vector.bitcast %gather3A_242 : vector<16xi32> to vector<32xbf16>
        %unpack3A = tpu.unpack_subelements %bitcast3A, 0 {pack_format = #tpu.pack_format<interleaved>} : vector<32xbf16> -> vector<16xf32>
        %unpack3A_244 = tpu.unpack_subelements %bitcast3A, 1 {pack_format = #tpu.pack_format<interleaved>} : vector<32xbf16> -> vector<16xf32>
        %unpack3A_245 = tpu.unpack_subelements %bitcast3A_243, 0 {pack_format = #tpu.pack_format<interleaved>} : vector<32xbf16> -> vector<16xf32>
        %unpack3A_246 = tpu.unpack_subelements %bitcast3A_243, 1 {pack_format = #tpu.pack_format<interleaved>} : vector<32xbf16> -> vector<16xf32>
        %get3A = arith.index_cast %add3A_237 : i32 to index
        %get3A_247 = arith.constant 0 : index
        %get3A_248 = tpu.vector_load %arg17[%get3A, %get3A_247] {strides = array<i32>} : memref<128x128xf32, #tpu.memory_space<vmem>>, vector<16xf32>,
        %mul3A_249 = arith.mulf %unpack3A, %get3A_248 : vector<16xf32>
        %add3A_250 = arith.addf %broadcast_in_dim3A_231, %mul3A_249 : vector<16xf32>
        %get3A_251 = arith.index_cast %add3A_237 : i32 to index
        %get3A_252 = arith.constant 32 : index
        %get3A_253 = tpu.vector_load %arg17[%get3A_251, %get3A_252] {strides = array<i32>} : memref<128x128xf32, #tpu.memory_space<vmem>>, vector<16xf32>,
        %mul3A_254 = arith.mulf %unpack3A_244, %get3A_253 : vector<16xf32>
        %add3A_255 = arith.addf %add3A_250, %mul3A_254 : vector<16xf32>
        %get3A_256 = arith.index_cast %add3A_237 : i32 to index
        %get3A_257 = arith.constant 64 : index
        %get3A_258 = tpu.vector_load %arg17[%get3A_256, %get3A_257] {strides = array<i32>} : memref<128x128xf32, #tpu.memory_space<vmem>>, vector<16xf32>,
        %mul3A_259 = arith.mulf %unpack3A_245, %get3A_258 : vector<16xf32>
        %add3A_260 = arith.addf %add3A_255, %mul3A_259 : vector<16xf32>
        %get3A_261 = arith.index_cast %add3A_237 : i32 to index
        %get3A_262 = arith.constant 96 : index
        %get3A_263 = tpu.vector_load %arg17[%get3A_261, %get3A_262] {strides = array<i32>} : memref<128x128xf32, #tpu.memory_space<vmem>>, vector<16xf32>,
        %mul3A_264 = arith.mulf %unpack3A_246, %get3A_263 : vector<16xf32>
        %add3A_265 = arith.addf %add3A_260, %mul3A_264 : vector<16xf32>
        %get3A_266 = arith.index_cast %add3A_237 : i32 to index
        %get3A_267 = arith.constant 16 : index
        %get3A_268 = tpu.vector_load %arg17[%get3A_266, %get3A_267] {strides = array<i32>} : memref<128x128xf32, #tpu.memory_space<vmem>>, vector<16xf32>,
        %mul3A_269 = arith.mulf %unpack3A, %get3A_268 : vector<16xf32>
        %add3A_270 = arith.addf %broadcast_in_dim3A_233, %mul3A_269 : vector<16xf32>
        %get3A_271 = arith.index_cast %add3A_237 : i32 to index
        %get3A_272 = arith.constant 48 : index
        %get3A_273 = tpu.vector_load %arg17[%get3A_271, %get3A_272] {strides = array<i32>} : memref<128x128xf32, #tpu.memory_space<vmem>>, vector<16xf32>,
        %mul3A_274 = arith.mulf %unpack3A_244, %get3A_273 : vector<16xf32>
        %add3A_275 = arith.addf %add3A_270, %mul3A_274 : vector<16xf32>
        %get3A_276 = arith.index_cast %add3A_237 : i32 to index
        %get3A_277 = arith.constant 80 : index
        %get3A_278 = tpu.vector_load %arg17[%get3A_276, %get3A_277] {strides = array<i32>} : memref<128x128xf32, #tpu.memory_space<vmem>>, vector<16xf32>,
        %mul3A_279 = arith.mulf %unpack3A_245, %get3A_278 : vector<16xf32>
        %add3A_280 = arith.addf %add3A_275, %mul3A_279 : vector<16xf32>
        %get3A_281 = arith.index_cast %add3A_237 : i32 to index
        %get3A_282 = arith.constant 112 : index
        %get3A_283 = tpu.vector_load %arg17[%get3A_281, %get3A_282] {strides = array<i32>} : memref<128x128xf32, #tpu.memory_space<vmem>>, vector<16xf32>,
        %mul3A_284 = arith.mulf %unpack3A_246, %get3A_283 : vector<16xf32>
        %add3A_285 = arith.addf %add3A_280, %mul3A_284 : vector<16xf32>
        %mul3A_286 = arith.constant 16 : i32
        %mul3A_287 = arith.muli %add3A_230, %mul3A_286 : i32
        %add3A_288 = arith.constant 1 : i32
        %add3A_289 = arith.addi %mul3A_287, %add3A_288 : i32
        %broadcast_in_dim3A_290 = vector.broadcast %add3A_289 : i32 to vector<16xi32>
        %gather3A_291 = tpu.vector_load_idx %arg13[%broadcast_in_dim3A_290] : memref<256xi32, #tpu.memory_space<vmem>>[vector<16xi32>], vector<16xi32>,
        %bitcast3A_292 = vector.bitcast %gather3A_291 : vector<16xi32> to vector<32xbf16>
        %add3A_293 = arith.constant 128 : i32
        %add3A_294 = vector.broadcast %add3A_293 : i32 to vector<16xi32>
        %add3A_295 = arith.addi %broadcast_in_dim3A_290, %add3A_294 : vector<16xi32>
        %gather3A_296 = tpu.vector_load_idx %arg13[%add3A_295] : memref<256xi32, #tpu.memory_space<vmem>>[vector<16xi32>], vector<16xi32>,
        %bitcast3A_297 = vector.bitcast %gather3A_296 : vector<16xi32> to vector<32xbf16>
        %unpack3A_298 = tpu.unpack_subelements %bitcast3A_292, 0 {pack_format = #tpu.pack_format<interleaved>} : vector<32xbf16> -> vector<16xf32>
        %unpack3A_299 = tpu.unpack_subelements %bitcast3A_292, 1 {pack_format = #tpu.pack_format<interleaved>} : vector<32xbf16> -> vector<16xf32>
        %unpack3A_300 = tpu.unpack_subelements %bitcast3A_297, 0 {pack_format = #tpu.pack_format<interleaved>} : vector<32xbf16> -> vector<16xf32>
        %unpack3A_301 = tpu.unpack_subelements %bitcast3A_297, 1 {pack_format = #tpu.pack_format<interleaved>} : vector<32xbf16> -> vector<16xf32>
        %get3A_302 = arith.index_cast %add3A_289 : i32 to index
        %get3A_303 = arith.constant 0 : index
        %get3A_304 = tpu.vector_load %arg17[%get3A_302, %get3A_303] {strides = array<i32>} : memref<128x128xf32, #tpu.memory_space<vmem>>, vector<16xf32>,
        %mul3A_305 = arith.mulf %unpack3A_298, %get3A_304 : vector<16xf32>
        %add3A_306 = arith.addf %add3A_265, %mul3A_305 : vector<16xf32>
        %get3A_307 = arith.index_cast %add3A_289 : i32 to index
        %get3A_308 = arith.constant 32 : index
        %get3A_309 = tpu.vector_load %arg17[%get3A_307, %get3A_308] {strides = array<i32>} : memref<128x128xf32, #tpu.memory_space<vmem>>, vector<16xf32>,
        %mul3A_310 = arith.mulf %unpack3A_299, %get3A_309 : vector<16xf32>
        %add3A_311 = arith.addf %add3A_306, %mul3A_310 : vector<16xf32>
        %get3A_312 = arith.index_cast %add3A_289 : i32 to index
        %get3A_313 = arith.constant 64 : index
        %get3A_314 = tpu.vector_load %arg17[%get3A_312, %get3A_313] {strides = array<i32>} : memref<128x128xf32, #tpu.memory_space<vmem>>, vector<16xf32>,
        %mul3A_315 = arith.mulf %unpack3A_300, %get3A_314 : vector<16xf32>
        %add3A_316 = arith.addf %add3A_311, %mul3A_315 : vector<16xf32>
        %get3A_317 = arith.index_cast %add3A_289 : i32 to index
        %get3A_318 = arith.constant 96 : index
        %get3A_319 = tpu.vector_load %arg17[%get3A_317, %get3A_318] {strides = array<i32>} : memref<128x128xf32, #tpu.memory_space<vmem>>, vector<16xf32>,
        %mul3A_320 = arith.mulf %unpack3A_301, %get3A_319 : vector<16xf32>
        %add3A_321 = arith.addf %add3A_316, %mul3A_320 : vector<16xf32>
        %get3A_322 = arith.index_cast %add3A_289 : i32 to index
        %get3A_323 = arith.constant 16 : index
        %get3A_324 = tpu.vector_load %arg17[%get3A_322, %get3A_323] {strides = array<i32>} : memref<128x128xf32, #tpu.memory_space<vmem>>, vector<16xf32>,
        %mul3A_325 = arith.mulf %unpack3A_298, %get3A_324 : vector<16xf32>
        %add3A_326 = arith.addf %add3A_285, %mul3A_325 : vector<16xf32>
        %get3A_327 = arith.index_cast %add3A_289 : i32 to index
        %get3A_328 = arith.constant 48 : index
        %get3A_329 = tpu.vector_load %arg17[%get3A_327, %get3A_328] {strides = array<i32>} : memref<128x128xf32, #tpu.memory_space<vmem>>, vector<16xf32>,
        %mul3A_330 = arith.mulf %unpack3A_299, %get3A_329 : vector<16xf32>
        %add3A_331 = arith.addf %add3A_326, %mul3A_330 : vector<16xf32>
        %get3A_332 = arith.index_cast %add3A_289 : i32 to index
        %get3A_333 = arith.constant 80 : index
        %get3A_334 = tpu.vector_load %arg17[%get3A_332, %get3A_333] {strides = array<i32>} : memref<128x128xf32, #tpu.memory_space<vmem>>, vector<16xf32>,
        %mul3A_335 = arith.mulf %unpack3A_300, %get3A_334 : vector<16xf32>
        %add3A_336 = arith.addf %add3A_331, %mul3A_335 : vector<16xf32>
        %get3A_337 = arith.index_cast %add3A_289 : i32 to index
        %get3A_338 = arith.constant 112 : index
        %get3A_339 = tpu.vector_load %arg17[%get3A_337, %get3A_338] {strides = array<i32>} : memref<128x128xf32, #tpu.memory_space<vmem>>, vector<16xf32>,
        %mul3A_340 = arith.mulf %unpack3A_301, %get3A_339 : vector<16xf32>
        %add3A_341 = arith.addf %add3A_336, %mul3A_340 : vector<16xf32>
        %mul3A_342 = arith.constant 16 : i32
        %mul3A_343 = arith.muli %add3A_230, %mul3A_342 : i32
        %add3A_344 = arith.constant 2 : i32
        %add3A_345 = arith.addi %mul3A_343, %add3A_344 : i32
        %broadcast_in_dim3A_346 = vector.broadcast %add3A_345 : i32 to vector<16xi32>
        %gather3A_347 = tpu.vector_load_idx %arg13[%broadcast_in_dim3A_346] : memref<256xi32, #tpu.memory_space<vmem>>[vector<16xi32>], vector<16xi32>,
        %bitcast3A_348 = vector.bitcast %gather3A_347 : vector<16xi32> to vector<32xbf16>
        %add3A_349 = arith.constant 128 : i32
        %add3A_350 = vector.broadcast %add3A_349 : i32 to vector<16xi32>
        %add3A_351 = arith.addi %broadcast_in_dim3A_346, %add3A_350 : vector<16xi32>
        %gather3A_352 = tpu.vector_load_idx %arg13[%add3A_351] : memref<256xi32, #tpu.memory_space<vmem>>[vector<16xi32>], vector<16xi32>,
        %bitcast3A_353 = vector.bitcast %gather3A_352 : vector<16xi32> to vector<32xbf16>
        %unpack3A_354 = tpu.unpack_subelements %bitcast3A_348, 0 {pack_format = #tpu.pack_format<interleaved>} : vector<32xbf16> -> vector<16xf32>
        %unpack3A_355 = tpu.unpack_subelements %bitcast3A_348, 1 {pack_format = #tpu.pack_format<interleaved>} : vector<32xbf16> -> vector<16xf32>
        %unpack3A_356 = tpu.unpack_subelements %bitcast3A_353, 0 {pack_format = #tpu.pack_format<interleaved>} : vector<32xbf16> -> vector<16xf32>
        %unpack3A_357 = tpu.unpack_subelements %bitcast3A_353, 1 {pack_format = #tpu.pack_format<interleaved>} : vector<32xbf16> -> vector<16xf32>
        %get3A_358 = arith.index_cast %add3A_345 : i32 to index
        %get3A_359 = arith.constant 0 : index
        %get3A_360 = tpu.vector_load %arg17[%get3A_358, %get3A_359] {strides = array<i32>} : memref<128x128xf32, #tpu.memory_space<vmem>>, vector<16xf32>,
        %mul3A_361 = arith.mulf %unpack3A_354, %get3A_360 : vector<16xf32>
        %add3A_362 = arith.addf %add3A_321, %mul3A_361 : vector<16xf32>
        %get3A_363 = arith.index_cast %add3A_345 : i32 to index
        %get3A_364 = arith.constant 32 : index
        %get3A_365 = tpu.vector_load %arg17[%get3A_363, %get3A_364] {strides = array<i32>} : memref<128x128xf32, #tpu.memory_space<vmem>>, vector<16xf32>,
        %mul3A_366 = arith.mulf %unpack3A_355, %get3A_365 : vector<16xf32>
        %add3A_367 = arith.addf %add3A_362, %mul3A_366 : vector<16xf32>
        %get3A_368 = arith.index_cast %add3A_345 : i32 to index
        %get3A_369 = arith.constant 64 : index
        %get3A_370 = tpu.vector_load %arg17[%get3A_368, %get3A_369] {strides = array<i32>} : memref<128x128xf32, #tpu.memory_space<vmem>>, vector<16xf32>,
        %mul3A_371 = arith.mulf %unpack3A_356, %get3A_370 : vector<16xf32>
        %add3A_372 = arith.addf %add3A_367, %mul3A_371 : vector<16xf32>
        %get3A_373 = arith.index_cast %add3A_345 : i32 to index
        %get3A_374 = arith.constant 96 : index
        %get3A_375 = tpu.vector_load %arg17[%get3A_373, %get3A_374] {strides = array<i32>} : memref<128x128xf32, #tpu.memory_space<vmem>>, vector<16xf32>,
        %mul3A_376 = arith.mulf %unpack3A_357, %get3A_375 : vector<16xf32>
        %add3A_377 = arith.addf %add3A_372, %mul3A_376 : vector<16xf32>
        %get3A_378 = arith.index_cast %add3A_345 : i32 to index
        %get3A_379 = arith.constant 16 : index
        %get3A_380 = tpu.vector_load %arg17[%get3A_378, %get3A_379] {strides = array<i32>} : memref<128x128xf32, #tpu.memory_space<vmem>>, vector<16xf32>,
        %mul3A_381 = arith.mulf %unpack3A_354, %get3A_380 : vector<16xf32>
        %add3A_382 = arith.addf %add3A_341, %mul3A_381 : vector<16xf32>
        %get3A_383 = arith.index_cast %add3A_345 : i32 to index
        %get3A_384 = arith.constant 48 : index
        %get3A_385 = tpu.vector_load %arg17[%get3A_383, %get3A_384] {strides = array<i32>} : memref<128x128xf32, #tpu.memory_space<vmem>>, vector<16xf32>,
        %mul3A_386 = arith.mulf %unpack3A_355, %get3A_385 : vector<16xf32>
        %add3A_387 = arith.addf %add3A_382, %mul3A_386 : vector<16xf32>
        %get3A_388 = arith.index_cast %add3A_345 : i32 to index
        %get3A_389 = arith.constant 80 : index
        %get3A_390 = tpu.vector_load %arg17[%get3A_388, %get3A_389] {strides = array<i32>} : memref<128x128xf32, #tpu.memory_space<vmem>>, vector<16xf32>,
        %mul3A_391 = arith.mulf %unpack3A_356, %get3A_390 : vector<16xf32>
        %add3A_392 = arith.addf %add3A_387, %mul3A_391 : vector<16xf32>
        %get3A_393 = arith.index_cast %add3A_345 : i32 to index
        %get3A_394 = arith.constant 112 : index
        %get3A_395 = tpu.vector_load %arg17[%get3A_393, %get3A_394] {strides = array<i32>} : memref<128x128xf32, #tpu.memory_space<vmem>>, vector<16xf32>,
        %mul3A_396 = arith.mulf %unpack3A_357, %get3A_395 : vector<16xf32>
        %add3A_397 = arith.addf %add3A_392, %mul3A_396 : vector<16xf32>
        %mul3A_398 = arith.constant 16 : i32
        %mul3A_399 = arith.muli %add3A_230, %mul3A_398 : i32
        %add3A_400 = arith.constant 3 : i32
        %add3A_401 = arith.addi %mul3A_399, %add3A_400 : i32
        %broadcast_in_dim3A_402 = vector.broadcast %add3A_401 : i32 to vector<16xi32>
        %gather3A_403 = tpu.vector_load_idx %arg13[%broadcast_in_dim3A_402] : memref<256xi32, #tpu.memory_space<vmem>>[vector<16xi32>], vector<16xi32>,
        %bitcast3A_404 = vector.bitcast %gather3A_403 : vector<16xi32> to vector<32xbf16>
        %add3A_405 = arith.constant 128 : i32
        %add3A_406 = vector.broadcast %add3A_405 : i32 to vector<16xi32>
        %add3A_407 = arith.addi %broadcast_in_dim3A_402, %add3A_406 : vector<16xi32>
        %gather3A_408 = tpu.vector_load_idx %arg13[%add3A_407] : memref<256xi32, #tpu.memory_space<vmem>>[vector<16xi32>], vector<16xi32>,
        %bitcast3A_409 = vector.bitcast %gather3A_408 : vector<16xi32> to vector<32xbf16>
        %unpack3A_410 = tpu.unpack_subelements %bitcast3A_404, 0 {pack_format = #tpu.pack_format<interleaved>} : vector<32xbf16> -> vector<16xf32>
        %unpack3A_411 = tpu.unpack_subelements %bitcast3A_404, 1 {pack_format = #tpu.pack_format<interleaved>} : vector<32xbf16> -> vector<16xf32>
        %unpack3A_412 = tpu.unpack_subelements %bitcast3A_409, 0 {pack_format = #tpu.pack_format<interleaved>} : vector<32xbf16> -> vector<16xf32>
        %unpack3A_413 = tpu.unpack_subelements %bitcast3A_409, 1 {pack_format = #tpu.pack_format<interleaved>} : vector<32xbf16> -> vector<16xf32>
        %get3A_414 = arith.index_cast %add3A_401 : i32 to index
        %get3A_415 = arith.constant 0 : index
        %get3A_416 = tpu.vector_load %arg17[%get3A_414, %get3A_415] {strides = array<i32>} : memref<128x128xf32, #tpu.memory_space<vmem>>, vector<16xf32>,
        %mul3A_417 = arith.mulf %unpack3A_410, %get3A_416 : vector<16xf32>
        %add3A_418 = arith.addf %add3A_377, %mul3A_417 : vector<16xf32>
        %get3A_419 = arith.index_cast %add3A_401 : i32 to index
        %get3A_420 = arith.constant 32 : index
        %get3A_421 = tpu.vector_load %arg17[%get3A_419, %get3A_420] {strides = array<i32>} : memref<128x128xf32, #tpu.memory_space<vmem>>, vector<16xf32>,
        %mul3A_422 = arith.mulf %unpack3A_411, %get3A_421 : vector<16xf32>
        %add3A_423 = arith.addf %add3A_418, %mul3A_422 : vector<16xf32>
        %get3A_424 = arith.index_cast %add3A_401 : i32 to index
        %get3A_425 = arith.constant 64 : index
        %get3A_426 = tpu.vector_load %arg17[%get3A_424, %get3A_425] {strides = array<i32>} : memref<128x128xf32, #tpu.memory_space<vmem>>, vector<16xf32>,
        %mul3A_427 = arith.mulf %unpack3A_412, %get3A_426 : vector<16xf32>
        %add3A_428 = arith.addf %add3A_423, %mul3A_427 : vector<16xf32>
        %get3A_429 = arith.index_cast %add3A_401 : i32 to index
        %get3A_430 = arith.constant 96 : index
        %get3A_431 = tpu.vector_load %arg17[%get3A_429, %get3A_430] {strides = array<i32>} : memref<128x128xf32, #tpu.memory_space<vmem>>, vector<16xf32>,
        %mul3A_432 = arith.mulf %unpack3A_413, %get3A_431 : vector<16xf32>
        %add3A_433 = arith.addf %add3A_428, %mul3A_432 : vector<16xf32>
        %get3A_434 = arith.index_cast %add3A_401 : i32 to index
        %get3A_435 = arith.constant 16 : index
        %get3A_436 = tpu.vector_load %arg17[%get3A_434, %get3A_435] {strides = array<i32>} : memref<128x128xf32, #tpu.memory_space<vmem>>, vector<16xf32>,
        %mul3A_437 = arith.mulf %unpack3A_410, %get3A_436 : vector<16xf32>
        %add3A_438 = arith.addf %add3A_397, %mul3A_437 : vector<16xf32>
        %get3A_439 = arith.index_cast %add3A_401 : i32 to index
        %get3A_440 = arith.constant 48 : index
        %get3A_441 = tpu.vector_load %arg17[%get3A_439, %get3A_440] {strides = array<i32>} : memref<128x128xf32, #tpu.memory_space<vmem>>, vector<16xf32>,
        %mul3A_442 = arith.mulf %unpack3A_411, %get3A_441 : vector<16xf32>
        %add3A_443 = arith.addf %add3A_438, %mul3A_442 : vector<16xf32>
        %get3A_444 = arith.index_cast %add3A_401 : i32 to index
        %get3A_445 = arith.constant 80 : index
        %get3A_446 = tpu.vector_load %arg17[%get3A_444, %get3A_445] {strides = array<i32>} : memref<128x128xf32, #tpu.memory_space<vmem>>, vector<16xf32>,
        %mul3A_447 = arith.mulf %unpack3A_412, %get3A_446 : vector<16xf32>
        %add3A_448 = arith.addf %add3A_443, %mul3A_447 : vector<16xf32>
        %get3A_449 = arith.index_cast %add3A_401 : i32 to index
        %get3A_450 = arith.constant 112 : index
        %get3A_451 = tpu.vector_load %arg17[%get3A_449, %get3A_450] {strides = array<i32>} : memref<128x128xf32, #tpu.memory_space<vmem>>, vector<16xf32>,
        %mul3A_452 = arith.mulf %unpack3A_413, %get3A_451 : vector<16xf32>
        %add3A_453 = arith.addf %add3A_448, %mul3A_452 : vector<16xf32>
        %mul3A_454 = arith.constant 16 : i32
        %mul3A_455 = arith.muli %add3A_230, %mul3A_454 : i32
        %add3A_456 = arith.constant 4 : i32
        %add3A_457 = arith.addi %mul3A_455, %add3A_456 : i32
        %broadcast_in_dim3A_458 = vector.broadcast %add3A_457 : i32 to vector<16xi32>
        %gather3A_459 = tpu.vector_load_idx %arg13[%broadcast_in_dim3A_458] : memref<256xi32, #tpu.memory_space<vmem>>[vector<16xi32>], vector<16xi32>,
        %bitcast3A_460 = vector.bitcast %gather3A_459 : vector<16xi32> to vector<32xbf16>
        %add3A_461 = arith.constant 128 : i32
        %add3A_462 = vector.broadcast %add3A_461 : i32 to vector<16xi32>
        %add3A_463 = arith.addi %broadcast_in_dim3A_458, %add3A_462 : vector<16xi32>
        %gather3A_464 = tpu.vector_load_idx %arg13[%add3A_463] : memref<256xi32, #tpu.memory_space<vmem>>[vector<16xi32>], vector<16xi32>,
        %bitcast3A_465 = vector.bitcast %gather3A_464 : vector<16xi32> to vector<32xbf16>
        %unpack3A_466 = tpu.unpack_subelements %bitcast3A_460, 0 {pack_format = #tpu.pack_format<interleaved>} : vector<32xbf16> -> vector<16xf32>
        %unpack3A_467 = tpu.unpack_subelements %bitcast3A_460, 1 {pack_format = #tpu.pack_format<interleaved>} : vector<32xbf16> -> vector<16xf32>
        %unpack3A_468 = tpu.unpack_subelements %bitcast3A_465, 0 {pack_format = #tpu.pack_format<interleaved>} : vector<32xbf16> -> vector<16xf32>
        %unpack3A_469 = tpu.unpack_subelements %bitcast3A_465, 1 {pack_format = #tpu.pack_format<interleaved>} : vector<32xbf16> -> vector<16xf32>
        %get3A_470 = arith.index_cast %add3A_457 : i32 to index
        %get3A_471 = arith.constant 0 : index
        %get3A_472 = tpu.vector_load %arg17[%get3A_470, %get3A_471] {strides = array<i32>} : memref<128x128xf32, #tpu.memory_space<vmem>>, vector<16xf32>,
        %mul3A_473 = arith.mulf %unpack3A_466, %get3A_472 : vector<16xf32>
        %add3A_474 = arith.addf %add3A_433, %mul3A_473 : vector<16xf32>
        %get3A_475 = arith.index_cast %add3A_457 : i32 to index
        %get3A_476 = arith.constant 32 : index
        %get3A_477 = tpu.vector_load %arg17[%get3A_475, %get3A_476] {strides = array<i32>} : memref<128x128xf32, #tpu.memory_space<vmem>>, vector<16xf32>,
        %mul3A_478 = arith.mulf %unpack3A_467, %get3A_477 : vector<16xf32>
        %add3A_479 = arith.addf %add3A_474, %mul3A_478 : vector<16xf32>
        %get3A_480 = arith.index_cast %add3A_457 : i32 to index
        %get3A_481 = arith.constant 64 : index
        %get3A_482 = tpu.vector_load %arg17[%get3A_480, %get3A_481] {strides = array<i32>} : memref<128x128xf32, #tpu.memory_space<vmem>>, vector<16xf32>,
        %mul3A_483 = arith.mulf %unpack3A_468, %get3A_482 : vector<16xf32>
        %add3A_484 = arith.addf %add3A_479, %mul3A_483 : vector<16xf32>
        %get3A_485 = arith.index_cast %add3A_457 : i32 to index
        %get3A_486 = arith.constant 96 : index
        %get3A_487 = tpu.vector_load %arg17[%get3A_485, %get3A_486] {strides = array<i32>} : memref<128x128xf32, #tpu.memory_space<vmem>>, vector<16xf32>,
        %mul3A_488 = arith.mulf %unpack3A_469, %get3A_487 : vector<16xf32>
        %add3A_489 = arith.addf %add3A_484, %mul3A_488 : vector<16xf32>
        %get3A_490 = arith.index_cast %add3A_457 : i32 to index
        %get3A_491 = arith.constant 16 : index
        %get3A_492 = tpu.vector_load %arg17[%get3A_490, %get3A_491] {strides = array<i32>} : memref<128x128xf32, #tpu.memory_space<vmem>>, vector<16xf32>,
        %mul3A_493 = arith.mulf %unpack3A_466, %get3A_492 : vector<16xf32>
        %add3A_494 = arith.addf %add3A_453, %mul3A_493 : vector<16xf32>
        %get3A_495 = arith.index_cast %add3A_457 : i32 to index
        %get3A_496 = arith.constant 48 : index
        %get3A_497 = tpu.vector_load %arg17[%get3A_495, %get3A_496] {strides = array<i32>} : memref<128x128xf32, #tpu.memory_space<vmem>>, vector<16xf32>,
        %mul3A_498 = arith.mulf %unpack3A_467, %get3A_497 : vector<16xf32>
        %add3A_499 = arith.addf %add3A_494, %mul3A_498 : vector<16xf32>
        %get3A_500 = arith.index_cast %add3A_457 : i32 to index
        %get3A_501 = arith.constant 80 : index
        %get3A_502 = tpu.vector_load %arg17[%get3A_500, %get3A_501] {strides = array<i32>} : memref<128x128xf32, #tpu.memory_space<vmem>>, vector<16xf32>,
        %mul3A_503 = arith.mulf %unpack3A_468, %get3A_502 : vector<16xf32>
        %add3A_504 = arith.addf %add3A_499, %mul3A_503 : vector<16xf32>
        %get3A_505 = arith.index_cast %add3A_457 : i32 to index
        %get3A_506 = arith.constant 112 : index
        %get3A_507 = tpu.vector_load %arg17[%get3A_505, %get3A_506] {strides = array<i32>} : memref<128x128xf32, #tpu.memory_space<vmem>>, vector<16xf32>,
        %mul3A_508 = arith.mulf %unpack3A_469, %get3A_507 : vector<16xf32>
        %add3A_509 = arith.addf %add3A_504, %mul3A_508 : vector<16xf32>
        %mul3A_510 = arith.constant 16 : i32
        %mul3A_511 = arith.muli %add3A_230, %mul3A_510 : i32
        %add3A_512 = arith.constant 5 : i32
        %add3A_513 = arith.addi %mul3A_511, %add3A_512 : i32
        %broadcast_in_dim3A_514 = vector.broadcast %add3A_513 : i32 to vector<16xi32>
        %gather3A_515 = tpu.vector_load_idx %arg13[%broadcast_in_dim3A_514] : memref<256xi32, #tpu.memory_space<vmem>>[vector<16xi32>], vector<16xi32>,
        %bitcast3A_516 = vector.bitcast %gather3A_515 : vector<16xi32> to vector<32xbf16>
        %add3A_517 = arith.constant 128 : i32
        %add3A_518 = vector.broadcast %add3A_517 : i32 to vector<16xi32>
        %add3A_519 = arith.addi %broadcast_in_dim3A_514, %add3A_518 : vector<16xi32>
        %gather3A_520 = tpu.vector_load_idx %arg13[%add3A_519] : memref<256xi32, #tpu.memory_space<vmem>>[vector<16xi32>], vector<16xi32>,
        %bitcast3A_521 = vector.bitcast %gather3A_520 : vector<16xi32> to vector<32xbf16>
        %unpack3A_522 = tpu.unpack_subelements %bitcast3A_516, 0 {pack_format = #tpu.pack_format<interleaved>} : vector<32xbf16> -> vector<16xf32>
        %unpack3A_523 = tpu.unpack_subelements %bitcast3A_516, 1 {pack_format = #tpu.pack_format<interleaved>} : vector<32xbf16> -> vector<16xf32>
        %unpack3A_524 = tpu.unpack_subelements %bitcast3A_521, 0 {pack_format = #tpu.pack_format<interleaved>} : vector<32xbf16> -> vector<16xf32>
        %unpack3A_525 = tpu.unpack_subelements %bitcast3A_521, 1 {pack_format = #tpu.pack_format<interleaved>} : vector<32xbf16> -> vector<16xf32>
        %get3A_526 = arith.index_cast %add3A_513 : i32 to index
        %get3A_527 = arith.constant 0 : index
        %get3A_528 = tpu.vector_load %arg17[%get3A_526, %get3A_527] {strides = array<i32>} : memref<128x128xf32, #tpu.memory_space<vmem>>, vector<16xf32>,
        %mul3A_529 = arith.mulf %unpack3A_522, %get3A_528 : vector<16xf32>
        %add3A_530 = arith.addf %add3A_489, %mul3A_529 : vector<16xf32>
        %get3A_531 = arith.index_cast %add3A_513 : i32 to index
        %get3A_532 = arith.constant 32 : index
        %get3A_533 = tpu.vector_load %arg17[%get3A_531, %get3A_532] {strides = array<i32>} : memref<128x128xf32, #tpu.memory_space<vmem>>, vector<16xf32>,
        %mul3A_534 = arith.mulf %unpack3A_523, %get3A_533 : vector<16xf32>
        %add3A_535 = arith.addf %add3A_530, %mul3A_534 : vector<16xf32>
        %get3A_536 = arith.index_cast %add3A_513 : i32 to index
        %get3A_537 = arith.constant 64 : index
        %get3A_538 = tpu.vector_load %arg17[%get3A_536, %get3A_537] {strides = array<i32>} : memref<128x128xf32, #tpu.memory_space<vmem>>, vector<16xf32>,
        %mul3A_539 = arith.mulf %unpack3A_524, %get3A_538 : vector<16xf32>
        %add3A_540 = arith.addf %add3A_535, %mul3A_539 : vector<16xf32>
        %get3A_541 = arith.index_cast %add3A_513 : i32 to index
        %get3A_542 = arith.constant 96 : index
        %get3A_543 = tpu.vector_load %arg17[%get3A_541, %get3A_542] {strides = array<i32>} : memref<128x128xf32, #tpu.memory_space<vmem>>, vector<16xf32>,
        %mul3A_544 = arith.mulf %unpack3A_525, %get3A_543 : vector<16xf32>
        %add3A_545 = arith.addf %add3A_540, %mul3A_544 : vector<16xf32>
        %get3A_546 = arith.index_cast %add3A_513 : i32 to index
        %get3A_547 = arith.constant 16 : index
        %get3A_548 = tpu.vector_load %arg17[%get3A_546, %get3A_547] {strides = array<i32>} : memref<128x128xf32, #tpu.memory_space<vmem>>, vector<16xf32>,
        %mul3A_549 = arith.mulf %unpack3A_522, %get3A_548 : vector<16xf32>
        %add3A_550 = arith.addf %add3A_509, %mul3A_549 : vector<16xf32>
        %get3A_551 = arith.index_cast %add3A_513 : i32 to index
        %get3A_552 = arith.constant 48 : index
        %get3A_553 = tpu.vector_load %arg17[%get3A_551, %get3A_552] {strides = array<i32>} : memref<128x128xf32, #tpu.memory_space<vmem>>, vector<16xf32>,
        %mul3A_554 = arith.mulf %unpack3A_523, %get3A_553 : vector<16xf32>
        %add3A_555 = arith.addf %add3A_550, %mul3A_554 : vector<16xf32>
        %get3A_556 = arith.index_cast %add3A_513 : i32 to index
        %get3A_557 = arith.constant 80 : index
        %get3A_558 = tpu.vector_load %arg17[%get3A_556, %get3A_557] {strides = array<i32>} : memref<128x128xf32, #tpu.memory_space<vmem>>, vector<16xf32>,
        %mul3A_559 = arith.mulf %unpack3A_524, %get3A_558 : vector<16xf32>
        %add3A_560 = arith.addf %add3A_555, %mul3A_559 : vector<16xf32>
        %get3A_561 = arith.index_cast %add3A_513 : i32 to index
        %get3A_562 = arith.constant 112 : index
        %get3A_563 = tpu.vector_load %arg17[%get3A_561, %get3A_562] {strides = array<i32>} : memref<128x128xf32, #tpu.memory_space<vmem>>, vector<16xf32>,
        %mul3A_564 = arith.mulf %unpack3A_525, %get3A_563 : vector<16xf32>
        %add3A_565 = arith.addf %add3A_560, %mul3A_564 : vector<16xf32>
        %mul3A_566 = arith.constant 16 : i32
        %mul3A_567 = arith.muli %add3A_230, %mul3A_566 : i32
        %add3A_568 = arith.constant 6 : i32
        %add3A_569 = arith.addi %mul3A_567, %add3A_568 : i32
        %broadcast_in_dim3A_570 = vector.broadcast %add3A_569 : i32 to vector<16xi32>
        %gather3A_571 = tpu.vector_load_idx %arg13[%broadcast_in_dim3A_570] : memref<256xi32, #tpu.memory_space<vmem>>[vector<16xi32>], vector<16xi32>,
        %bitcast3A_572 = vector.bitcast %gather3A_571 : vector<16xi32> to vector<32xbf16>
        %add3A_573 = arith.constant 128 : i32
        %add3A_574 = vector.broadcast %add3A_573 : i32 to vector<16xi32>
        %add3A_575 = arith.addi %broadcast_in_dim3A_570, %add3A_574 : vector<16xi32>
        %gather3A_576 = tpu.vector_load_idx %arg13[%add3A_575] : memref<256xi32, #tpu.memory_space<vmem>>[vector<16xi32>], vector<16xi32>,
        %bitcast3A_577 = vector.bitcast %gather3A_576 : vector<16xi32> to vector<32xbf16>
        %unpack3A_578 = tpu.unpack_subelements %bitcast3A_572, 0 {pack_format = #tpu.pack_format<interleaved>} : vector<32xbf16> -> vector<16xf32>
        %unpack3A_579 = tpu.unpack_subelements %bitcast3A_572, 1 {pack_format = #tpu.pack_format<interleaved>} : vector<32xbf16> -> vector<16xf32>
        %unpack3A_580 = tpu.unpack_subelements %bitcast3A_577, 0 {pack_format = #tpu.pack_format<interleaved>} : vector<32xbf16> -> vector<16xf32>
        %unpack3A_581 = tpu.unpack_subelements %bitcast3A_577, 1 {pack_format = #tpu.pack_format<interleaved>} : vector<32xbf16> -> vector<16xf32>
        %get3A_582 = arith.index_cast %add3A_569 : i32 to index
        %get3A_583 = arith.constant 0 : index
        %get3A_584 = tpu.vector_load %arg17[%get3A_582, %get3A_583] {strides = array<i32>} : memref<128x128xf32, #tpu.memory_space<vmem>>, vector<16xf32>,
        %mul3A_585 = arith.mulf %unpack3A_578, %get3A_584 : vector<16xf32>
        %add3A_586 = arith.addf %add3A_545, %mul3A_585 : vector<16xf32>
        %get3A_587 = arith.index_cast %add3A_569 : i32 to index
        %get3A_588 = arith.constant 32 : index
        %get3A_589 = tpu.vector_load %arg17[%get3A_587, %get3A_588] {strides = array<i32>} : memref<128x128xf32, #tpu.memory_space<vmem>>, vector<16xf32>,
        %mul3A_590 = arith.mulf %unpack3A_579, %get3A_589 : vector<16xf32>
        %add3A_591 = arith.addf %add3A_586, %mul3A_590 : vector<16xf32>
        %get3A_592 = arith.index_cast %add3A_569 : i32 to index
        %get3A_593 = arith.constant 64 : index
        %get3A_594 = tpu.vector_load %arg17[%get3A_592, %get3A_593] {strides = array<i32>} : memref<128x128xf32, #tpu.memory_space<vmem>>, vector<16xf32>,
        %mul3A_595 = arith.mulf %unpack3A_580, %get3A_594 : vector<16xf32>
        %add3A_596 = arith.addf %add3A_591, %mul3A_595 : vector<16xf32>
        %get3A_597 = arith.index_cast %add3A_569 : i32 to index
        %get3A_598 = arith.constant 96 : index
        %get3A_599 = tpu.vector_load %arg17[%get3A_597, %get3A_598] {strides = array<i32>} : memref<128x128xf32, #tpu.memory_space<vmem>>, vector<16xf32>,
        %mul3A_600 = arith.mulf %unpack3A_581, %get3A_599 : vector<16xf32>
        %add3A_601 = arith.addf %add3A_596, %mul3A_600 : vector<16xf32>
        %get3A_602 = arith.index_cast %add3A_569 : i32 to index
        %get3A_603 = arith.constant 16 : index
        %get3A_604 = tpu.vector_load %arg17[%get3A_602, %get3A_603] {strides = array<i32>} : memref<128x128xf32, #tpu.memory_space<vmem>>, vector<16xf32>,
        %mul3A_605 = arith.mulf %unpack3A_578, %get3A_604 : vector<16xf32>
        %add3A_606 = arith.addf %add3A_565, %mul3A_605 : vector<16xf32>
        %get3A_607 = arith.index_cast %add3A_569 : i32 to index
        %get3A_608 = arith.constant 48 : index
        %get3A_609 = tpu.vector_load %arg17[%get3A_607, %get3A_608] {strides = array<i32>} : memref<128x128xf32, #tpu.memory_space<vmem>>, vector<16xf32>,
        %mul3A_610 = arith.mulf %unpack3A_579, %get3A_609 : vector<16xf32>
        %add3A_611 = arith.addf %add3A_606, %mul3A_610 : vector<16xf32>
        %get3A_612 = arith.index_cast %add3A_569 : i32 to index
        %get3A_613 = arith.constant 80 : index
        %get3A_614 = tpu.vector_load %arg17[%get3A_612, %get3A_613] {strides = array<i32>} : memref<128x128xf32, #tpu.memory_space<vmem>>, vector<16xf32>,
        %mul3A_615 = arith.mulf %unpack3A_580, %get3A_614 : vector<16xf32>
        %add3A_616 = arith.addf %add3A_611, %mul3A_615 : vector<16xf32>
        %get3A_617 = arith.index_cast %add3A_569 : i32 to index
        %get3A_618 = arith.constant 112 : index
        %get3A_619 = tpu.vector_load %arg17[%get3A_617, %get3A_618] {strides = array<i32>} : memref<128x128xf32, #tpu.memory_space<vmem>>, vector<16xf32>,
        %mul3A_620 = arith.mulf %unpack3A_581, %get3A_619 : vector<16xf32>
        %add3A_621 = arith.addf %add3A_616, %mul3A_620 : vector<16xf32>
        %mul3A_622 = arith.constant 16 : i32
        %mul3A_623 = arith.muli %add3A_230, %mul3A_622 : i32
        %add3A_624 = arith.constant 7 : i32
        %add3A_625 = arith.addi %mul3A_623, %add3A_624 : i32
        %broadcast_in_dim3A_626 = vector.broadcast %add3A_625 : i32 to vector<16xi32>
        %gather3A_627 = tpu.vector_load_idx %arg13[%broadcast_in_dim3A_626] : memref<256xi32, #tpu.memory_space<vmem>>[vector<16xi32>], vector<16xi32>,
        %bitcast3A_628 = vector.bitcast %gather3A_627 : vector<16xi32> to vector<32xbf16>
        %add3A_629 = arith.constant 128 : i32
        %add3A_630 = vector.broadcast %add3A_629 : i32 to vector<16xi32>
        %add3A_631 = arith.addi %broadcast_in_dim3A_626, %add3A_630 : vector<16xi32>
        %gather3A_632 = tpu.vector_load_idx %arg13[%add3A_631] : memref<256xi32, #tpu.memory_space<vmem>>[vector<16xi32>], vector<16xi32>,
        %bitcast3A_633 = vector.bitcast %gather3A_632 : vector<16xi32> to vector<32xbf16>
        %unpack3A_634 = tpu.unpack_subelements %bitcast3A_628, 0 {pack_format = #tpu.pack_format<interleaved>} : vector<32xbf16> -> vector<16xf32>
        %unpack3A_635 = tpu.unpack_subelements %bitcast3A_628, 1 {pack_format = #tpu.pack_format<interleaved>} : vector<32xbf16> -> vector<16xf32>
        %unpack3A_636 = tpu.unpack_subelements %bitcast3A_633, 0 {pack_format = #tpu.pack_format<interleaved>} : vector<32xbf16> -> vector<16xf32>
        %unpack3A_637 = tpu.unpack_subelements %bitcast3A_633, 1 {pack_format = #tpu.pack_format<interleaved>} : vector<32xbf16> -> vector<16xf32>
        %get3A_638 = arith.index_cast %add3A_625 : i32 to index
        %get3A_639 = arith.constant 0 : index
        %get3A_640 = tpu.vector_load %arg17[%get3A_638, %get3A_639] {strides = array<i32>} : memref<128x128xf32, #tpu.memory_space<vmem>>, vector<16xf32>,
        %mul3A_641 = arith.mulf %unpack3A_634, %get3A_640 : vector<16xf32>
        %add3A_642 = arith.addf %add3A_601, %mul3A_641 : vector<16xf32>
        %get3A_643 = arith.index_cast %add3A_625 : i32 to index
        %get3A_644 = arith.constant 32 : index
        %get3A_645 = tpu.vector_load %arg17[%get3A_643, %get3A_644] {strides = array<i32>} : memref<128x128xf32, #tpu.memory_space<vmem>>, vector<16xf32>,
        %mul3A_646 = arith.mulf %unpack3A_635, %get3A_645 : vector<16xf32>
        %add3A_647 = arith.addf %add3A_642, %mul3A_646 : vector<16xf32>
        %get3A_648 = arith.index_cast %add3A_625 : i32 to index
        %get3A_649 = arith.constant 64 : index
        %get3A_650 = tpu.vector_load %arg17[%get3A_648, %get3A_649] {strides = array<i32>} : memref<128x128xf32, #tpu.memory_space<vmem>>, vector<16xf32>,
        %mul3A_651 = arith.mulf %unpack3A_636, %get3A_650 : vector<16xf32>
        %add3A_652 = arith.addf %add3A_647, %mul3A_651 : vector<16xf32>
        %get3A_653 = arith.index_cast %add3A_625 : i32 to index
        %get3A_654 = arith.constant 96 : index
        %get3A_655 = tpu.vector_load %arg17[%get3A_653, %get3A_654] {strides = array<i32>} : memref<128x128xf32, #tpu.memory_space<vmem>>, vector<16xf32>,
        %mul3A_656 = arith.mulf %unpack3A_637, %get3A_655 : vector<16xf32>
        %add3A_657 = arith.addf %add3A_652, %mul3A_656 : vector<16xf32>
        %get3A_658 = arith.index_cast %add3A_625 : i32 to index
        %get3A_659 = arith.constant 16 : index
        %get3A_660 = tpu.vector_load %arg17[%get3A_658, %get3A_659] {strides = array<i32>} : memref<128x128xf32, #tpu.memory_space<vmem>>, vector<16xf32>,
        %mul3A_661 = arith.mulf %unpack3A_634, %get3A_660 : vector<16xf32>
        %add3A_662 = arith.addf %add3A_621, %mul3A_661 : vector<16xf32>
        %get3A_663 = arith.index_cast %add3A_625 : i32 to index
        %get3A_664 = arith.constant 48 : index
        %get3A_665 = tpu.vector_load %arg17[%get3A_663, %get3A_664] {strides = array<i32>} : memref<128x128xf32, #tpu.memory_space<vmem>>, vector<16xf32>,
        %mul3A_666 = arith.mulf %unpack3A_635, %get3A_665 : vector<16xf32>
        %add3A_667 = arith.addf %add3A_662, %mul3A_666 : vector<16xf32>
        %get3A_668 = arith.index_cast %add3A_625 : i32 to index
        %get3A_669 = arith.constant 80 : index
        %get3A_670 = tpu.vector_load %arg17[%get3A_668, %get3A_669] {strides = array<i32>} : memref<128x128xf32, #tpu.memory_space<vmem>>, vector<16xf32>,
        %mul3A_671 = arith.mulf %unpack3A_636, %get3A_670 : vector<16xf32>
        %add3A_672 = arith.addf %add3A_667, %mul3A_671 : vector<16xf32>
        %get3A_673 = arith.index_cast %add3A_625 : i32 to index
        %get3A_674 = arith.constant 112 : index
        %get3A_675 = tpu.vector_load %arg17[%get3A_673, %get3A_674] {strides = array<i32>} : memref<128x128xf32, #tpu.memory_space<vmem>>, vector<16xf32>,
        %mul3A_676 = arith.mulf %unpack3A_637, %get3A_675 : vector<16xf32>
        %add3A_677 = arith.addf %add3A_672, %mul3A_676 : vector<16xf32>
        %mul3A_678 = arith.constant 16 : i32
        %mul3A_679 = arith.muli %add3A_230, %mul3A_678 : i32
        %add3A_680 = arith.constant 8 : i32
        %add3A_681 = arith.addi %mul3A_679, %add3A_680 : i32
        %broadcast_in_dim3A_682 = vector.broadcast %add3A_681 : i32 to vector<16xi32>
        %gather3A_683 = tpu.vector_load_idx %arg13[%broadcast_in_dim3A_682] : memref<256xi32, #tpu.memory_space<vmem>>[vector<16xi32>], vector<16xi32>,
        %bitcast3A_684 = vector.bitcast %gather3A_683 : vector<16xi32> to vector<32xbf16>
        %add3A_685 = arith.constant 128 : i32
        %add3A_686 = vector.broadcast %add3A_685 : i32 to vector<16xi32>
        %add3A_687 = arith.addi %broadcast_in_dim3A_682, %add3A_686 : vector<16xi32>
        %gather3A_688 = tpu.vector_load_idx %arg13[%add3A_687] : memref<256xi32, #tpu.memory_space<vmem>>[vector<16xi32>], vector<16xi32>,
        %bitcast3A_689 = vector.bitcast %gather3A_688 : vector<16xi32> to vector<32xbf16>
        %unpack3A_690 = tpu.unpack_subelements %bitcast3A_684, 0 {pack_format = #tpu.pack_format<interleaved>} : vector<32xbf16> -> vector<16xf32>
        %unpack3A_691 = tpu.unpack_subelements %bitcast3A_684, 1 {pack_format = #tpu.pack_format<interleaved>} : vector<32xbf16> -> vector<16xf32>
        %unpack3A_692 = tpu.unpack_subelements %bitcast3A_689, 0 {pack_format = #tpu.pack_format<interleaved>} : vector<32xbf16> -> vector<16xf32>
        %unpack3A_693 = tpu.unpack_subelements %bitcast3A_689, 1 {pack_format = #tpu.pack_format<interleaved>} : vector<32xbf16> -> vector<16xf32>
        %get3A_694 = arith.index_cast %add3A_681 : i32 to index
        %get3A_695 = arith.constant 0 : index
        %get3A_696 = tpu.vector_load %arg17[%get3A_694, %get3A_695] {strides = array<i32>} : memref<128x128xf32, #tpu.memory_space<vmem>>, vector<16xf32>,
        %mul3A_697 = arith.mulf %unpack3A_690, %get3A_696 : vector<16xf32>
        %add3A_698 = arith.addf %add3A_657, %mul3A_697 : vector<16xf32>
        %get3A_699 = arith.index_cast %add3A_681 : i32 to index
        %get3A_700 = arith.constant 32 : index
        %get3A_701 = tpu.vector_load %arg17[%get3A_699, %get3A_700] {strides = array<i32>} : memref<128x128xf32, #tpu.memory_space<vmem>>, vector<16xf32>,
        %mul3A_702 = arith.mulf %unpack3A_691, %get3A_701 : vector<16xf32>
        %add3A_703 = arith.addf %add3A_698, %mul3A_702 : vector<16xf32>
        %get3A_704 = arith.index_cast %add3A_681 : i32 to index
        %get3A_705 = arith.constant 64 : index
        %get3A_706 = tpu.vector_load %arg17[%get3A_704, %get3A_705] {strides = array<i32>} : memref<128x128xf32, #tpu.memory_space<vmem>>, vector<16xf32>,
        %mul3A_707 = arith.mulf %unpack3A_692, %get3A_706 : vector<16xf32>
        %add3A_708 = arith.addf %add3A_703, %mul3A_707 : vector<16xf32>
        %get3A_709 = arith.index_cast %add3A_681 : i32 to index
        %get3A_710 = arith.constant 96 : index
        %get3A_711 = tpu.vector_load %arg17[%get3A_709, %get3A_710] {strides = array<i32>} : memref<128x128xf32, #tpu.memory_space<vmem>>, vector<16xf32>,
        %mul3A_712 = arith.mulf %unpack3A_693, %get3A_711 : vector<16xf32>
        %add3A_713 = arith.addf %add3A_708, %mul3A_712 : vector<16xf32>
        %get3A_714 = arith.index_cast %add3A_681 : i32 to index
        %get3A_715 = arith.constant 16 : index
        %get3A_716 = tpu.vector_load %arg17[%get3A_714, %get3A_715] {strides = array<i32>} : memref<128x128xf32, #tpu.memory_space<vmem>>, vector<16xf32>,
        %mul3A_717 = arith.mulf %unpack3A_690, %get3A_716 : vector<16xf32>
        %add3A_718 = arith.addf %add3A_677, %mul3A_717 : vector<16xf32>
        %get3A_719 = arith.index_cast %add3A_681 : i32 to index
        %get3A_720 = arith.constant 48 : index
        %get3A_721 = tpu.vector_load %arg17[%get3A_719, %get3A_720] {strides = array<i32>} : memref<128x128xf32, #tpu.memory_space<vmem>>, vector<16xf32>,
        %mul3A_722 = arith.mulf %unpack3A_691, %get3A_721 : vector<16xf32>
        %add3A_723 = arith.addf %add3A_718, %mul3A_722 : vector<16xf32>
        %get3A_724 = arith.index_cast %add3A_681 : i32 to index
        %get3A_725 = arith.constant 80 : index
        %get3A_726 = tpu.vector_load %arg17[%get3A_724, %get3A_725] {strides = array<i32>} : memref<128x128xf32, #tpu.memory_space<vmem>>, vector<16xf32>,
        %mul3A_727 = arith.mulf %unpack3A_692, %get3A_726 : vector<16xf32>
        %add3A_728 = arith.addf %add3A_723, %mul3A_727 : vector<16xf32>
        %get3A_729 = arith.index_cast %add3A_681 : i32 to index
        %get3A_730 = arith.constant 112 : index
        %get3A_731 = tpu.vector_load %arg17[%get3A_729, %get3A_730] {strides = array<i32>} : memref<128x128xf32, #tpu.memory_space<vmem>>, vector<16xf32>,
        %mul3A_732 = arith.mulf %unpack3A_693, %get3A_731 : vector<16xf32>
        %add3A_733 = arith.addf %add3A_728, %mul3A_732 : vector<16xf32>
        %mul3A_734 = arith.constant 16 : i32
        %mul3A_735 = arith.muli %add3A_230, %mul3A_734 : i32
        %add3A_736 = arith.constant 9 : i32
        %add3A_737 = arith.addi %mul3A_735, %add3A_736 : i32
        %broadcast_in_dim3A_738 = vector.broadcast %add3A_737 : i32 to vector<16xi32>
        %gather3A_739 = tpu.vector_load_idx %arg13[%broadcast_in_dim3A_738] : memref<256xi32, #tpu.memory_space<vmem>>[vector<16xi32>], vector<16xi32>,
        %bitcast3A_740 = vector.bitcast %gather3A_739 : vector<16xi32> to vector<32xbf16>
        %add3A_741 = arith.constant 128 : i32
        %add3A_742 = vector.broadcast %add3A_741 : i32 to vector<16xi32>
        %add3A_743 = arith.addi %broadcast_in_dim3A_738, %add3A_742 : vector<16xi32>
        %gather3A_744 = tpu.vector_load_idx %arg13[%add3A_743] : memref<256xi32, #tpu.memory_space<vmem>>[vector<16xi32>], vector<16xi32>,
        %bitcast3A_745 = vector.bitcast %gather3A_744 : vector<16xi32> to vector<32xbf16>
        %unpack3A_746 = tpu.unpack_subelements %bitcast3A_740, 0 {pack_format = #tpu.pack_format<interleaved>} : vector<32xbf16> -> vector<16xf32>
        %unpack3A_747 = tpu.unpack_subelements %bitcast3A_740, 1 {pack_format = #tpu.pack_format<interleaved>} : vector<32xbf16> -> vector<16xf32>
        %unpack3A_748 = tpu.unpack_subelements %bitcast3A_745, 0 {pack_format = #tpu.pack_format<interleaved>} : vector<32xbf16> -> vector<16xf32>
        %unpack3A_749 = tpu.unpack_subelements %bitcast3A_745, 1 {pack_format = #tpu.pack_format<interleaved>} : vector<32xbf16> -> vector<16xf32>
        %get3A_750 = arith.index_cast %add3A_737 : i32 to index
        %get3A_751 = arith.constant 0 : index
        %get3A_752 = tpu.vector_load %arg17[%get3A_750, %get3A_751] {strides = array<i32>} : memref<128x128xf32, #tpu.memory_space<vmem>>, vector<16xf32>,
        %mul3A_753 = arith.mulf %unpack3A_746, %get3A_752 : vector<16xf32>
        %add3A_754 = arith.addf %add3A_713, %mul3A_753 : vector<16xf32>
        %get3A_755 = arith.index_cast %add3A_737 : i32 to index
        %get3A_756 = arith.constant 32 : index
        %get3A_757 = tpu.vector_load %arg17[%get3A_755, %get3A_756] {strides = array<i32>} : memref<128x128xf32, #tpu.memory_space<vmem>>, vector<16xf32>,
        %mul3A_758 = arith.mulf %unpack3A_747, %get3A_757 : vector<16xf32>
        %add3A_759 = arith.addf %add3A_754, %mul3A_758 : vector<16xf32>
        %get3A_760 = arith.index_cast %add3A_737 : i32 to index
        %get3A_761 = arith.constant 64 : index
        %get3A_762 = tpu.vector_load %arg17[%get3A_760, %get3A_761] {strides = array<i32>} : memref<128x128xf32, #tpu.memory_space<vmem>>, vector<16xf32>,
        %mul3A_763 = arith.mulf %unpack3A_748, %get3A_762 : vector<16xf32>
        %add3A_764 = arith.addf %add3A_759, %mul3A_763 : vector<16xf32>
        %get3A_765 = arith.index_cast %add3A_737 : i32 to index
        %get3A_766 = arith.constant 96 : index
        %get3A_767 = tpu.vector_load %arg17[%get3A_765, %get3A_766] {strides = array<i32>} : memref<128x128xf32, #tpu.memory_space<vmem>>, vector<16xf32>,
        %mul3A_768 = arith.mulf %unpack3A_749, %get3A_767 : vector<16xf32>
        %add3A_769 = arith.addf %add3A_764, %mul3A_768 : vector<16xf32>
        %get3A_770 = arith.index_cast %add3A_737 : i32 to index
        %get3A_771 = arith.constant 16 : index
        %get3A_772 = tpu.vector_load %arg17[%get3A_770, %get3A_771] {strides = array<i32>} : memref<128x128xf32, #tpu.memory_space<vmem>>, vector<16xf32>,
        %mul3A_773 = arith.mulf %unpack3A_746, %get3A_772 : vector<16xf32>
        %add3A_774 = arith.addf %add3A_733, %mul3A_773 : vector<16xf32>
        %get3A_775 = arith.index_cast %add3A_737 : i32 to index
        %get3A_776 = arith.constant 48 : index
        %get3A_777 = tpu.vector_load %arg17[%get3A_775, %get3A_776] {strides = array<i32>} : memref<128x128xf32, #tpu.memory_space<vmem>>, vector<16xf32>,
        %mul3A_778 = arith.mulf %unpack3A_747, %get3A_777 : vector<16xf32>
        %add3A_779 = arith.addf %add3A_774, %mul3A_778 : vector<16xf32>
        %get3A_780 = arith.index_cast %add3A_737 : i32 to index
        %get3A_781 = arith.constant 80 : index
        %get3A_782 = tpu.vector_load %arg17[%get3A_780, %get3A_781] {strides = array<i32>} : memref<128x128xf32, #tpu.memory_space<vmem>>, vector<16xf32>,
        %mul3A_783 = arith.mulf %unpack3A_748, %get3A_782 : vector<16xf32>
        %add3A_784 = arith.addf %add3A_779, %mul3A_783 : vector<16xf32>
        %get3A_785 = arith.index_cast %add3A_737 : i32 to index
        %get3A_786 = arith.constant 112 : index
        %get3A_787 = tpu.vector_load %arg17[%get3A_785, %get3A_786] {strides = array<i32>} : memref<128x128xf32, #tpu.memory_space<vmem>>, vector<16xf32>,
        %mul3A_788 = arith.mulf %unpack3A_749, %get3A_787 : vector<16xf32>
        %add3A_789 = arith.addf %add3A_784, %mul3A_788 : vector<16xf32>
        %mul3A_790 = arith.constant 16 : i32
        %mul3A_791 = arith.muli %add3A_230, %mul3A_790 : i32
        %add3A_792 = arith.constant 10 : i32
        %add3A_793 = arith.addi %mul3A_791, %add3A_792 : i32
        %broadcast_in_dim3A_794 = vector.broadcast %add3A_793 : i32 to vector<16xi32>
        %gather3A_795 = tpu.vector_load_idx %arg13[%broadcast_in_dim3A_794] : memref<256xi32, #tpu.memory_space<vmem>>[vector<16xi32>], vector<16xi32>,
        %bitcast3A_796 = vector.bitcast %gather3A_795 : vector<16xi32> to vector<32xbf16>
        %add3A_797 = arith.constant 128 : i32
        %add3A_798 = vector.broadcast %add3A_797 : i32 to vector<16xi32>
        %add3A_799 = arith.addi %broadcast_in_dim3A_794, %add3A_798 : vector<16xi32>
        %gather3A_800 = tpu.vector_load_idx %arg13[%add3A_799] : memref<256xi32, #tpu.memory_space<vmem>>[vector<16xi32>], vector<16xi32>,
        %bitcast3A_801 = vector.bitcast %gather3A_800 : vector<16xi32> to vector<32xbf16>
        %unpack3A_802 = tpu.unpack_subelements %bitcast3A_796, 0 {pack_format = #tpu.pack_format<interleaved>} : vector<32xbf16> -> vector<16xf32>
        %unpack3A_803 = tpu.unpack_subelements %bitcast3A_796, 1 {pack_format = #tpu.pack_format<interleaved>} : vector<32xbf16> -> vector<16xf32>
        %unpack3A_804 = tpu.unpack_subelements %bitcast3A_801, 0 {pack_format = #tpu.pack_format<interleaved>} : vector<32xbf16> -> vector<16xf32>
        %unpack3A_805 = tpu.unpack_subelements %bitcast3A_801, 1 {pack_format = #tpu.pack_format<interleaved>} : vector<32xbf16> -> vector<16xf32>
        %get3A_806 = arith.index_cast %add3A_793 : i32 to index
        %get3A_807 = arith.constant 0 : index
        %get3A_808 = tpu.vector_load %arg17[%get3A_806, %get3A_807] {strides = array<i32>} : memref<128x128xf32, #tpu.memory_space<vmem>>, vector<16xf32>,
        %mul3A_809 = arith.mulf %unpack3A_802, %get3A_808 : vector<16xf32>
        %add3A_810 = arith.addf %add3A_769, %mul3A_809 : vector<16xf32>
        %get3A_811 = arith.index_cast %add3A_793 : i32 to index
        %get3A_812 = arith.constant 32 : index
        %get3A_813 = tpu.vector_load %arg17[%get3A_811, %get3A_812] {strides = array<i32>} : memref<128x128xf32, #tpu.memory_space<vmem>>, vector<16xf32>,
        %mul3A_814 = arith.mulf %unpack3A_803, %get3A_813 : vector<16xf32>
        %add3A_815 = arith.addf %add3A_810, %mul3A_814 : vector<16xf32>
        %get3A_816 = arith.index_cast %add3A_793 : i32 to index
        %get3A_817 = arith.constant 64 : index
        %get3A_818 = tpu.vector_load %arg17[%get3A_816, %get3A_817] {strides = array<i32>} : memref<128x128xf32, #tpu.memory_space<vmem>>, vector<16xf32>,
        %mul3A_819 = arith.mulf %unpack3A_804, %get3A_818 : vector<16xf32>
        %add3A_820 = arith.addf %add3A_815, %mul3A_819 : vector<16xf32>
        %get3A_821 = arith.index_cast %add3A_793 : i32 to index
        %get3A_822 = arith.constant 96 : index
        %get3A_823 = tpu.vector_load %arg17[%get3A_821, %get3A_822] {strides = array<i32>} : memref<128x128xf32, #tpu.memory_space<vmem>>, vector<16xf32>,
        %mul3A_824 = arith.mulf %unpack3A_805, %get3A_823 : vector<16xf32>
        %add3A_825 = arith.addf %add3A_820, %mul3A_824 : vector<16xf32>
        %get3A_826 = arith.index_cast %add3A_793 : i32 to index
        %get3A_827 = arith.constant 16 : index
        %get3A_828 = tpu.vector_load %arg17[%get3A_826, %get3A_827] {strides = array<i32>} : memref<128x128xf32, #tpu.memory_space<vmem>>, vector<16xf32>,
        %mul3A_829 = arith.mulf %unpack3A_802, %get3A_828 : vector<16xf32>
        %add3A_830 = arith.addf %add3A_789, %mul3A_829 : vector<16xf32>
        %get3A_831 = arith.index_cast %add3A_793 : i32 to index
        %get3A_832 = arith.constant 48 : index
        %get3A_833 = tpu.vector_load %arg17[%get3A_831, %get3A_832] {strides = array<i32>} : memref<128x128xf32, #tpu.memory_space<vmem>>, vector<16xf32>,
        %mul3A_834 = arith.mulf %unpack3A_803, %get3A_833 : vector<16xf32>
        %add3A_835 = arith.addf %add3A_830, %mul3A_834 : vector<16xf32>
        %get3A_836 = arith.index_cast %add3A_793 : i32 to index
        %get3A_837 = arith.constant 80 : index
        %get3A_838 = tpu.vector_load %arg17[%get3A_836, %get3A_837] {strides = array<i32>} : memref<128x128xf32, #tpu.memory_space<vmem>>, vector<16xf32>,
        %mul3A_839 = arith.mulf %unpack3A_804, %get3A_838 : vector<16xf32>
        %add3A_840 = arith.addf %add3A_835, %mul3A_839 : vector<16xf32>
        %get3A_841 = arith.index_cast %add3A_793 : i32 to index
        %get3A_842 = arith.constant 112 : index
        %get3A_843 = tpu.vector_load %arg17[%get3A_841, %get3A_842] {strides = array<i32>} : memref<128x128xf32, #tpu.memory_space<vmem>>, vector<16xf32>,
        %mul3A_844 = arith.mulf %unpack3A_805, %get3A_843 : vector<16xf32>
        %add3A_845 = arith.addf %add3A_840, %mul3A_844 : vector<16xf32>
        %mul3A_846 = arith.constant 16 : i32
        %mul3A_847 = arith.muli %add3A_230, %mul3A_846 : i32
        %add3A_848 = arith.constant 11 : i32
        %add3A_849 = arith.addi %mul3A_847, %add3A_848 : i32
        %broadcast_in_dim3A_850 = vector.broadcast %add3A_849 : i32 to vector<16xi32>
        %gather3A_851 = tpu.vector_load_idx %arg13[%broadcast_in_dim3A_850] : memref<256xi32, #tpu.memory_space<vmem>>[vector<16xi32>], vector<16xi32>,
        %bitcast3A_852 = vector.bitcast %gather3A_851 : vector<16xi32> to vector<32xbf16>
        %add3A_853 = arith.constant 128 : i32
        %add3A_854 = vector.broadcast %add3A_853 : i32 to vector<16xi32>
        %add3A_855 = arith.addi %broadcast_in_dim3A_850, %add3A_854 : vector<16xi32>
        %gather3A_856 = tpu.vector_load_idx %arg13[%add3A_855] : memref<256xi32, #tpu.memory_space<vmem>>[vector<16xi32>], vector<16xi32>,
        %bitcast3A_857 = vector.bitcast %gather3A_856 : vector<16xi32> to vector<32xbf16>
        %unpack3A_858 = tpu.unpack_subelements %bitcast3A_852, 0 {pack_format = #tpu.pack_format<interleaved>} : vector<32xbf16> -> vector<16xf32>
        %unpack3A_859 = tpu.unpack_subelements %bitcast3A_852, 1 {pack_format = #tpu.pack_format<interleaved>} : vector<32xbf16> -> vector<16xf32>
        %unpack3A_860 = tpu.unpack_subelements %bitcast3A_857, 0 {pack_format = #tpu.pack_format<interleaved>} : vector<32xbf16> -> vector<16xf32>
        %unpack3A_861 = tpu.unpack_subelements %bitcast3A_857, 1 {pack_format = #tpu.pack_format<interleaved>} : vector<32xbf16> -> vector<16xf32>
        %get3A_862 = arith.index_cast %add3A_849 : i32 to index
        %get3A_863 = arith.constant 0 : index
        %get3A_864 = tpu.vector_load %arg17[%get3A_862, %get3A_863] {strides = array<i32>} : memref<128x128xf32, #tpu.memory_space<vmem>>, vector<16xf32>,
        %mul3A_865 = arith.mulf %unpack3A_858, %get3A_864 : vector<16xf32>
        %add3A_866 = arith.addf %add3A_825, %mul3A_865 : vector<16xf32>
        %get3A_867 = arith.index_cast %add3A_849 : i32 to index
        %get3A_868 = arith.constant 32 : index
        %get3A_869 = tpu.vector_load %arg17[%get3A_867, %get3A_868] {strides = array<i32>} : memref<128x128xf32, #tpu.memory_space<vmem>>, vector<16xf32>,
        %mul3A_870 = arith.mulf %unpack3A_859, %get3A_869 : vector<16xf32>
        %add3A_871 = arith.addf %add3A_866, %mul3A_870 : vector<16xf32>
        %get3A_872 = arith.index_cast %add3A_849 : i32 to index
        %get3A_873 = arith.constant 64 : index
        %get3A_874 = tpu.vector_load %arg17[%get3A_872, %get3A_873] {strides = array<i32>} : memref<128x128xf32, #tpu.memory_space<vmem>>, vector<16xf32>,
        %mul3A_875 = arith.mulf %unpack3A_860, %get3A_874 : vector<16xf32>
        %add3A_876 = arith.addf %add3A_871, %mul3A_875 : vector<16xf32>
        %get3A_877 = arith.index_cast %add3A_849 : i32 to index
        %get3A_878 = arith.constant 96 : index
        %get3A_879 = tpu.vector_load %arg17[%get3A_877, %get3A_878] {strides = array<i32>} : memref<128x128xf32, #tpu.memory_space<vmem>>, vector<16xf32>,
        %mul3A_880 = arith.mulf %unpack3A_861, %get3A_879 : vector<16xf32>
        %add3A_881 = arith.addf %add3A_876, %mul3A_880 : vector<16xf32>
        %get3A_882 = arith.index_cast %add3A_849 : i32 to index
        %get3A_883 = arith.constant 16 : index
        %get3A_884 = tpu.vector_load %arg17[%get3A_882, %get3A_883] {strides = array<i32>} : memref<128x128xf32, #tpu.memory_space<vmem>>, vector<16xf32>,
        %mul3A_885 = arith.mulf %unpack3A_858, %get3A_884 : vector<16xf32>
        %add3A_886 = arith.addf %add3A_845, %mul3A_885 : vector<16xf32>
        %get3A_887 = arith.index_cast %add3A_849 : i32 to index
        %get3A_888 = arith.constant 48 : index
        %get3A_889 = tpu.vector_load %arg17[%get3A_887, %get3A_888] {strides = array<i32>} : memref<128x128xf32, #tpu.memory_space<vmem>>, vector<16xf32>,
        %mul3A_890 = arith.mulf %unpack3A_859, %get3A_889 : vector<16xf32>
        %add3A_891 = arith.addf %add3A_886, %mul3A_890 : vector<16xf32>
        %get3A_892 = arith.index_cast %add3A_849 : i32 to index
        %get3A_893 = arith.constant 80 : index
        %get3A_894 = tpu.vector_load %arg17[%get3A_892, %get3A_893] {strides = array<i32>} : memref<128x128xf32, #tpu.memory_space<vmem>>, vector<16xf32>,
        %mul3A_895 = arith.mulf %unpack3A_860, %get3A_894 : vector<16xf32>
        %add3A_896 = arith.addf %add3A_891, %mul3A_895 : vector<16xf32>
        %get3A_897 = arith.index_cast %add3A_849 : i32 to index
        %get3A_898 = arith.constant 112 : index
        %get3A_899 = tpu.vector_load %arg17[%get3A_897, %get3A_898] {strides = array<i32>} : memref<128x128xf32, #tpu.memory_space<vmem>>, vector<16xf32>,
        %mul3A_900 = arith.mulf %unpack3A_861, %get3A_899 : vector<16xf32>
        %add3A_901 = arith.addf %add3A_896, %mul3A_900 : vector<16xf32>
        %mul3A_902 = arith.constant 16 : i32
        %mul3A_903 = arith.muli %add3A_230, %mul3A_902 : i32
        %add3A_904 = arith.constant 12 : i32
        %add3A_905 = arith.addi %mul3A_903, %add3A_904 : i32
        %broadcast_in_dim3A_906 = vector.broadcast %add3A_905 : i32 to vector<16xi32>
        %gather3A_907 = tpu.vector_load_idx %arg13[%broadcast_in_dim3A_906] : memref<256xi32, #tpu.memory_space<vmem>>[vector<16xi32>], vector<16xi32>,
        %bitcast3A_908 = vector.bitcast %gather3A_907 : vector<16xi32> to vector<32xbf16>
        %add3A_909 = arith.constant 128 : i32
        %add3A_910 = vector.broadcast %add3A_909 : i32 to vector<16xi32>
        %add3A_911 = arith.addi %broadcast_in_dim3A_906, %add3A_910 : vector<16xi32>
        %gather3A_912 = tpu.vector_load_idx %arg13[%add3A_911] : memref<256xi32, #tpu.memory_space<vmem>>[vector<16xi32>], vector<16xi32>,
        %bitcast3A_913 = vector.bitcast %gather3A_912 : vector<16xi32> to vector<32xbf16>
        %unpack3A_914 = tpu.unpack_subelements %bitcast3A_908, 0 {pack_format = #tpu.pack_format<interleaved>} : vector<32xbf16> -> vector<16xf32>
        %unpack3A_915 = tpu.unpack_subelements %bitcast3A_908, 1 {pack_format = #tpu.pack_format<interleaved>} : vector<32xbf16> -> vector<16xf32>
        %unpack3A_916 = tpu.unpack_subelements %bitcast3A_913, 0 {pack_format = #tpu.pack_format<interleaved>} : vector<32xbf16> -> vector<16xf32>
        %unpack3A_917 = tpu.unpack_subelements %bitcast3A_913, 1 {pack_format = #tpu.pack_format<interleaved>} : vector<32xbf16> -> vector<16xf32>
        %get3A_918 = arith.index_cast %add3A_905 : i32 to index
        %get3A_919 = arith.constant 0 : index
        %get3A_920 = tpu.vector_load %arg17[%get3A_918, %get3A_919] {strides = array<i32>} : memref<128x128xf32, #tpu.memory_space<vmem>>, vector<16xf32>,
        %mul3A_921 = arith.mulf %unpack3A_914, %get3A_920 : vector<16xf32>
        %add3A_922 = arith.addf %add3A_881, %mul3A_921 : vector<16xf32>
        %get3A_923 = arith.index_cast %add3A_905 : i32 to index
        %get3A_924 = arith.constant 32 : index
        %get3A_925 = tpu.vector_load %arg17[%get3A_923, %get3A_924] {strides = array<i32>} : memref<128x128xf32, #tpu.memory_space<vmem>>, vector<16xf32>,
        %mul3A_926 = arith.mulf %unpack3A_915, %get3A_925 : vector<16xf32>
        %add3A_927 = arith.addf %add3A_922, %mul3A_926 : vector<16xf32>
        %get3A_928 = arith.index_cast %add3A_905 : i32 to index
        %get3A_929 = arith.constant 64 : index
        %get3A_930 = tpu.vector_load %arg17[%get3A_928, %get3A_929] {strides = array<i32>} : memref<128x128xf32, #tpu.memory_space<vmem>>, vector<16xf32>,
        %mul3A_931 = arith.mulf %unpack3A_916, %get3A_930 : vector<16xf32>
        %add3A_932 = arith.addf %add3A_927, %mul3A_931 : vector<16xf32>
        %get3A_933 = arith.index_cast %add3A_905 : i32 to index
        %get3A_934 = arith.constant 96 : index
        %get3A_935 = tpu.vector_load %arg17[%get3A_933, %get3A_934] {strides = array<i32>} : memref<128x128xf32, #tpu.memory_space<vmem>>, vector<16xf32>,
        %mul3A_936 = arith.mulf %unpack3A_917, %get3A_935 : vector<16xf32>
        %add3A_937 = arith.addf %add3A_932, %mul3A_936 : vector<16xf32>
        %get3A_938 = arith.index_cast %add3A_905 : i32 to index
        %get3A_939 = arith.constant 16 : index
        %get3A_940 = tpu.vector_load %arg17[%get3A_938, %get3A_939] {strides = array<i32>} : memref<128x128xf32, #tpu.memory_space<vmem>>, vector<16xf32>,
        %mul3A_941 = arith.mulf %unpack3A_914, %get3A_940 : vector<16xf32>
        %add3A_942 = arith.addf %add3A_901, %mul3A_941 : vector<16xf32>
        %get3A_943 = arith.index_cast %add3A_905 : i32 to index
        %get3A_944 = arith.constant 48 : index
        %get3A_945 = tpu.vector_load %arg17[%get3A_943, %get3A_944] {strides = array<i32>} : memref<128x128xf32, #tpu.memory_space<vmem>>, vector<16xf32>,
        %mul3A_946 = arith.mulf %unpack3A_915, %get3A_945 : vector<16xf32>
        %add3A_947 = arith.addf %add3A_942, %mul3A_946 : vector<16xf32>
        %get3A_948 = arith.index_cast %add3A_905 : i32 to index
        %get3A_949 = arith.constant 80 : index
        %get3A_950 = tpu.vector_load %arg17[%get3A_948, %get3A_949] {strides = array<i32>} : memref<128x128xf32, #tpu.memory_space<vmem>>, vector<16xf32>,
        %mul3A_951 = arith.mulf %unpack3A_916, %get3A_950 : vector<16xf32>
        %add3A_952 = arith.addf %add3A_947, %mul3A_951 : vector<16xf32>
        %get3A_953 = arith.index_cast %add3A_905 : i32 to index
        %get3A_954 = arith.constant 112 : index
        %get3A_955 = tpu.vector_load %arg17[%get3A_953, %get3A_954] {strides = array<i32>} : memref<128x128xf32, #tpu.memory_space<vmem>>, vector<16xf32>,
        %mul3A_956 = arith.mulf %unpack3A_917, %get3A_955 : vector<16xf32>
        %add3A_957 = arith.addf %add3A_952, %mul3A_956 : vector<16xf32>
        %mul3A_958 = arith.constant 16 : i32
        %mul3A_959 = arith.muli %add3A_230, %mul3A_958 : i32
        %add3A_960 = arith.constant 13 : i32
        %add3A_961 = arith.addi %mul3A_959, %add3A_960 : i32
        %broadcast_in_dim3A_962 = vector.broadcast %add3A_961 : i32 to vector<16xi32>
        %gather3A_963 = tpu.vector_load_idx %arg13[%broadcast_in_dim3A_962] : memref<256xi32, #tpu.memory_space<vmem>>[vector<16xi32>], vector<16xi32>,
        %bitcast3A_964 = vector.bitcast %gather3A_963 : vector<16xi32> to vector<32xbf16>
        %add3A_965 = arith.constant 128 : i32
        %add3A_966 = vector.broadcast %add3A_965 : i32 to vector<16xi32>
        %add3A_967 = arith.addi %broadcast_in_dim3A_962, %add3A_966 : vector<16xi32>
        %gather3A_968 = tpu.vector_load_idx %arg13[%add3A_967] : memref<256xi32, #tpu.memory_space<vmem>>[vector<16xi32>], vector<16xi32>,
        %bitcast3A_969 = vector.bitcast %gather3A_968 : vector<16xi32> to vector<32xbf16>
        %unpack3A_970 = tpu.unpack_subelements %bitcast3A_964, 0 {pack_format = #tpu.pack_format<interleaved>} : vector<32xbf16> -> vector<16xf32>
        %unpack3A_971 = tpu.unpack_subelements %bitcast3A_964, 1 {pack_format = #tpu.pack_format<interleaved>} : vector<32xbf16> -> vector<16xf32>
        %unpack3A_972 = tpu.unpack_subelements %bitcast3A_969, 0 {pack_format = #tpu.pack_format<interleaved>} : vector<32xbf16> -> vector<16xf32>
        %unpack3A_973 = tpu.unpack_subelements %bitcast3A_969, 1 {pack_format = #tpu.pack_format<interleaved>} : vector<32xbf16> -> vector<16xf32>
        %get3A_974 = arith.index_cast %add3A_961 : i32 to index
        %get3A_975 = arith.constant 0 : index
        %get3A_976 = tpu.vector_load %arg17[%get3A_974, %get3A_975] {strides = array<i32>} : memref<128x128xf32, #tpu.memory_space<vmem>>, vector<16xf32>,
        %mul3A_977 = arith.mulf %unpack3A_970, %get3A_976 : vector<16xf32>
        %add3A_978 = arith.addf %add3A_937, %mul3A_977 : vector<16xf32>
        %get3A_979 = arith.index_cast %add3A_961 : i32 to index
        %get3A_980 = arith.constant 32 : index
        %get3A_981 = tpu.vector_load %arg17[%get3A_979, %get3A_980] {strides = array<i32>} : memref<128x128xf32, #tpu.memory_space<vmem>>, vector<16xf32>,
        %mul3A_982 = arith.mulf %unpack3A_971, %get3A_981 : vector<16xf32>
        %add3A_983 = arith.addf %add3A_978, %mul3A_982 : vector<16xf32>
        %get3A_984 = arith.index_cast %add3A_961 : i32 to index
        %get3A_985 = arith.constant 64 : index
        %get3A_986 = tpu.vector_load %arg17[%get3A_984, %get3A_985] {strides = array<i32>} : memref<128x128xf32, #tpu.memory_space<vmem>>, vector<16xf32>,
        %mul3A_987 = arith.mulf %unpack3A_972, %get3A_986 : vector<16xf32>
        %add3A_988 = arith.addf %add3A_983, %mul3A_987 : vector<16xf32>
        %get3A_989 = arith.index_cast %add3A_961 : i32 to index
        %get3A_990 = arith.constant 96 : index
        %get3A_991 = tpu.vector_load %arg17[%get3A_989, %get3A_990] {strides = array<i32>} : memref<128x128xf32, #tpu.memory_space<vmem>>, vector<16xf32>,
        %mul3A_992 = arith.mulf %unpack3A_973, %get3A_991 : vector<16xf32>
        %add3A_993 = arith.addf %add3A_988, %mul3A_992 : vector<16xf32>
        %get3A_994 = arith.index_cast %add3A_961 : i32 to index
        %get3A_995 = arith.constant 16 : index
        %get3A_996 = tpu.vector_load %arg17[%get3A_994, %get3A_995] {strides = array<i32>} : memref<128x128xf32, #tpu.memory_space<vmem>>, vector<16xf32>,
        %mul3A_997 = arith.mulf %unpack3A_970, %get3A_996 : vector<16xf32>
        %add3A_998 = arith.addf %add3A_957, %mul3A_997 : vector<16xf32>
        %get3A_999 = arith.index_cast %add3A_961 : i32 to index
        %get3A_1000 = arith.constant 48 : index
        %get3A_1001 = tpu.vector_load %arg17[%get3A_999, %get3A_1000] {strides = array<i32>} : memref<128x128xf32, #tpu.memory_space<vmem>>, vector<16xf32>,
        %mul3A_1002 = arith.mulf %unpack3A_971, %get3A_1001 : vector<16xf32>
        %add3A_1003 = arith.addf %add3A_998, %mul3A_1002 : vector<16xf32>
        %get3A_1004 = arith.index_cast %add3A_961 : i32 to index
        %get3A_1005 = arith.constant 80 : index
        %get3A_1006 = tpu.vector_load %arg17[%get3A_1004, %get3A_1005] {strides = array<i32>} : memref<128x128xf32, #tpu.memory_space<vmem>>, vector<16xf32>,
        %mul3A_1007 = arith.mulf %unpack3A_972, %get3A_1006 : vector<16xf32>
        %add3A_1008 = arith.addf %add3A_1003, %mul3A_1007 : vector<16xf32>
        %get3A_1009 = arith.index_cast %add3A_961 : i32 to index
        %get3A_1010 = arith.constant 112 : index
        %get3A_1011 = tpu.vector_load %arg17[%get3A_1009, %get3A_1010] {strides = array<i32>} : memref<128x128xf32, #tpu.memory_space<vmem>>, vector<16xf32>,
        %mul3A_1012 = arith.mulf %unpack3A_973, %get3A_1011 : vector<16xf32>
        %add3A_1013 = arith.addf %add3A_1008, %mul3A_1012 : vector<16xf32>
        %mul3A_1014 = arith.constant 16 : i32
        %mul3A_1015 = arith.muli %add3A_230, %mul3A_1014 : i32
        %add3A_1016 = arith.constant 14 : i32
        %add3A_1017 = arith.addi %mul3A_1015, %add3A_1016 : i32
        %broadcast_in_dim3A_1018 = vector.broadcast %add3A_1017 : i32 to vector<16xi32>
        %gather3A_1019 = tpu.vector_load_idx %arg13[%broadcast_in_dim3A_1018] : memref<256xi32, #tpu.memory_space<vmem>>[vector<16xi32>], vector<16xi32>,
        %bitcast3A_1020 = vector.bitcast %gather3A_1019 : vector<16xi32> to vector<32xbf16>
        %add3A_1021 = arith.constant 128 : i32
        %add3A_1022 = vector.broadcast %add3A_1021 : i32 to vector<16xi32>
        %add3A_1023 = arith.addi %broadcast_in_dim3A_1018, %add3A_1022 : vector<16xi32>
        %gather3A_1024 = tpu.vector_load_idx %arg13[%add3A_1023] : memref<256xi32, #tpu.memory_space<vmem>>[vector<16xi32>], vector<16xi32>,
        %bitcast3A_1025 = vector.bitcast %gather3A_1024 : vector<16xi32> to vector<32xbf16>
        %unpack3A_1026 = tpu.unpack_subelements %bitcast3A_1020, 0 {pack_format = #tpu.pack_format<interleaved>} : vector<32xbf16> -> vector<16xf32>
        %unpack3A_1027 = tpu.unpack_subelements %bitcast3A_1020, 1 {pack_format = #tpu.pack_format<interleaved>} : vector<32xbf16> -> vector<16xf32>
        %unpack3A_1028 = tpu.unpack_subelements %bitcast3A_1025, 0 {pack_format = #tpu.pack_format<interleaved>} : vector<32xbf16> -> vector<16xf32>
        %unpack3A_1029 = tpu.unpack_subelements %bitcast3A_1025, 1 {pack_format = #tpu.pack_format<interleaved>} : vector<32xbf16> -> vector<16xf32>
        %get3A_1030 = arith.index_cast %add3A_1017 : i32 to index
        %get3A_1031 = arith.constant 0 : index
        %get3A_1032 = tpu.vector_load %arg17[%get3A_1030, %get3A_1031] {strides = array<i32>} : memref<128x128xf32, #tpu.memory_space<vmem>>, vector<16xf32>,
        %mul3A_1033 = arith.mulf %unpack3A_1026, %get3A_1032 : vector<16xf32>
        %add3A_1034 = arith.addf %add3A_993, %mul3A_1033 : vector<16xf32>
        %get3A_1035 = arith.index_cast %add3A_1017 : i32 to index
        %get3A_1036 = arith.constant 32 : index
        %get3A_1037 = tpu.vector_load %arg17[%get3A_1035, %get3A_1036] {strides = array<i32>} : memref<128x128xf32, #tpu.memory_space<vmem>>, vector<16xf32>,
        %mul3A_1038 = arith.mulf %unpack3A_1027, %get3A_1037 : vector<16xf32>
        %add3A_1039 = arith.addf %add3A_1034, %mul3A_1038 : vector<16xf32>
        %get3A_1040 = arith.index_cast %add3A_1017 : i32 to index
        %get3A_1041 = arith.constant 64 : index
        %get3A_1042 = tpu.vector_load %arg17[%get3A_1040, %get3A_1041] {strides = array<i32>} : memref<128x128xf32, #tpu.memory_space<vmem>>, vector<16xf32>,
        %mul3A_1043 = arith.mulf %unpack3A_1028, %get3A_1042 : vector<16xf32>
        %add3A_1044 = arith.addf %add3A_1039, %mul3A_1043 : vector<16xf32>
        %get3A_1045 = arith.index_cast %add3A_1017 : i32 to index
        %get3A_1046 = arith.constant 96 : index
        %get3A_1047 = tpu.vector_load %arg17[%get3A_1045, %get3A_1046] {strides = array<i32>} : memref<128x128xf32, #tpu.memory_space<vmem>>, vector<16xf32>,
        %mul3A_1048 = arith.mulf %unpack3A_1029, %get3A_1047 : vector<16xf32>
        %add3A_1049 = arith.addf %add3A_1044, %mul3A_1048 : vector<16xf32>
        %get3A_1050 = arith.index_cast %add3A_1017 : i32 to index
        %get3A_1051 = arith.constant 16 : index
        %get3A_1052 = tpu.vector_load %arg17[%get3A_1050, %get3A_1051] {strides = array<i32>} : memref<128x128xf32, #tpu.memory_space<vmem>>, vector<16xf32>,
        %mul3A_1053 = arith.mulf %unpack3A_1026, %get3A_1052 : vector<16xf32>
        %add3A_1054 = arith.addf %add3A_1013, %mul3A_1053 : vector<16xf32>
        %get3A_1055 = arith.index_cast %add3A_1017 : i32 to index
        %get3A_1056 = arith.constant 48 : index
        %get3A_1057 = tpu.vector_load %arg17[%get3A_1055, %get3A_1056] {strides = array<i32>} : memref<128x128xf32, #tpu.memory_space<vmem>>, vector<16xf32>,
        %mul3A_1058 = arith.mulf %unpack3A_1027, %get3A_1057 : vector<16xf32>
        %add3A_1059 = arith.addf %add3A_1054, %mul3A_1058 : vector<16xf32>
        %get3A_1060 = arith.index_cast %add3A_1017 : i32 to index
        %get3A_1061 = arith.constant 80 : index
        %get3A_1062 = tpu.vector_load %arg17[%get3A_1060, %get3A_1061] {strides = array<i32>} : memref<128x128xf32, #tpu.memory_space<vmem>>, vector<16xf32>,
        %mul3A_1063 = arith.mulf %unpack3A_1028, %get3A_1062 : vector<16xf32>
        %add3A_1064 = arith.addf %add3A_1059, %mul3A_1063 : vector<16xf32>
        %get3A_1065 = arith.index_cast %add3A_1017 : i32 to index
        %get3A_1066 = arith.constant 112 : index
        %get3A_1067 = tpu.vector_load %arg17[%get3A_1065, %get3A_1066] {strides = array<i32>} : memref<128x128xf32, #tpu.memory_space<vmem>>, vector<16xf32>,
        %mul3A_1068 = arith.mulf %unpack3A_1029, %get3A_1067 : vector<16xf32>
        %add3A_1069 = arith.addf %add3A_1064, %mul3A_1068 : vector<16xf32>
        %mul3A_1070 = arith.constant 16 : i32
        %mul3A_1071 = arith.muli %add3A_230, %mul3A_1070 : i32
        %add3A_1072 = arith.constant 15 : i32
        %add3A_1073 = arith.addi %mul3A_1071, %add3A_1072 : i32
        %broadcast_in_dim3A_1074 = vector.broadcast %add3A_1073 : i32 to vector<16xi32>
        %gather3A_1075 = tpu.vector_load_idx %arg13[%broadcast_in_dim3A_1074] : memref<256xi32, #tpu.memory_space<vmem>>[vector<16xi32>], vector<16xi32>,
        %bitcast3A_1076 = vector.bitcast %gather3A_1075 : vector<16xi32> to vector<32xbf16>
        %add3A_1077 = arith.constant 128 : i32
        %add3A_1078 = vector.broadcast %add3A_1077 : i32 to vector<16xi32>
        %add3A_1079 = arith.addi %broadcast_in_dim3A_1074, %add3A_1078 : vector<16xi32>
        %gather3A_1080 = tpu.vector_load_idx %arg13[%add3A_1079] : memref<256xi32, #tpu.memory_space<vmem>>[vector<16xi32>], vector<16xi32>,
        %bitcast3A_1081 = vector.bitcast %gather3A_1080 : vector<16xi32> to vector<32xbf16>
        %unpack3A_1082 = tpu.unpack_subelements %bitcast3A_1076, 0 {pack_format = #tpu.pack_format<interleaved>} : vector<32xbf16> -> vector<16xf32>
        %unpack3A_1083 = tpu.unpack_subelements %bitcast3A_1076, 1 {pack_format = #tpu.pack_format<interleaved>} : vector<32xbf16> -> vector<16xf32>
        %unpack3A_1084 = tpu.unpack_subelements %bitcast3A_1081, 0 {pack_format = #tpu.pack_format<interleaved>} : vector<32xbf16> -> vector<16xf32>
        %unpack3A_1085 = tpu.unpack_subelements %bitcast3A_1081, 1 {pack_format = #tpu.pack_format<interleaved>} : vector<32xbf16> -> vector<16xf32>
        %get3A_1086 = arith.index_cast %add3A_1073 : i32 to index
        %get3A_1087 = arith.constant 0 : index
        %get3A_1088 = tpu.vector_load %arg17[%get3A_1086, %get3A_1087] {strides = array<i32>} : memref<128x128xf32, #tpu.memory_space<vmem>>, vector<16xf32>,
        %mul3A_1089 = arith.mulf %unpack3A_1082, %get3A_1088 : vector<16xf32>
        %add3A_1090 = arith.addf %add3A_1049, %mul3A_1089 : vector<16xf32>
        %get3A_1091 = arith.index_cast %add3A_1073 : i32 to index
        %get3A_1092 = arith.constant 32 : index
        %get3A_1093 = tpu.vector_load %arg17[%get3A_1091, %get3A_1092] {strides = array<i32>} : memref<128x128xf32, #tpu.memory_space<vmem>>, vector<16xf32>,
        %mul3A_1094 = arith.mulf %unpack3A_1083, %get3A_1093 : vector<16xf32>
        %add3A_1095 = arith.addf %add3A_1090, %mul3A_1094 : vector<16xf32>
        %get3A_1096 = arith.index_cast %add3A_1073 : i32 to index
        %get3A_1097 = arith.constant 64 : index
        %get3A_1098 = tpu.vector_load %arg17[%get3A_1096, %get3A_1097] {strides = array<i32>} : memref<128x128xf32, #tpu.memory_space<vmem>>, vector<16xf32>,
        %mul3A_1099 = arith.mulf %unpack3A_1084, %get3A_1098 : vector<16xf32>
        %add3A_1100 = arith.addf %add3A_1095, %mul3A_1099 : vector<16xf32>
        %get3A_1101 = arith.index_cast %add3A_1073 : i32 to index
        %get3A_1102 = arith.constant 96 : index
        %get3A_1103 = tpu.vector_load %arg17[%get3A_1101, %get3A_1102] {strides = array<i32>} : memref<128x128xf32, #tpu.memory_space<vmem>>, vector<16xf32>,
        %mul3A_1104 = arith.mulf %unpack3A_1085, %get3A_1103 : vector<16xf32>
        %add3A_1105 = arith.addf %add3A_1100, %mul3A_1104 : vector<16xf32>
        %get3A_1106 = arith.index_cast %add3A_1073 : i32 to index
        %get3A_1107 = arith.constant 16 : index
        %get3A_1108 = tpu.vector_load %arg17[%get3A_1106, %get3A_1107] {strides = array<i32>} : memref<128x128xf32, #tpu.memory_space<vmem>>, vector<16xf32>,
        %mul3A_1109 = arith.mulf %unpack3A_1082, %get3A_1108 : vector<16xf32>
        %add3A_1110 = arith.addf %add3A_1069, %mul3A_1109 : vector<16xf32>
        %get3A_1111 = arith.index_cast %add3A_1073 : i32 to index
        %get3A_1112 = arith.constant 48 : index
        %get3A_1113 = tpu.vector_load %arg17[%get3A_1111, %get3A_1112] {strides = array<i32>} : memref<128x128xf32, #tpu.memory_space<vmem>>, vector<16xf32>,
        %mul3A_1114 = arith.mulf %unpack3A_1083, %get3A_1113 : vector<16xf32>
        %add3A_1115 = arith.addf %add3A_1110, %mul3A_1114 : vector<16xf32>
        %get3A_1116 = arith.index_cast %add3A_1073 : i32 to index
        %get3A_1117 = arith.constant 80 : index
        %get3A_1118 = tpu.vector_load %arg17[%get3A_1116, %get3A_1117] {strides = array<i32>} : memref<128x128xf32, #tpu.memory_space<vmem>>, vector<16xf32>,
        %mul3A_1119 = arith.mulf %unpack3A_1084, %get3A_1118 : vector<16xf32>
        %add3A_1120 = arith.addf %add3A_1115, %mul3A_1119 : vector<16xf32>
        %get3A_1121 = arith.index_cast %add3A_1073 : i32 to index
        %get3A_1122 = arith.constant 112 : index
        %get3A_1123 = tpu.vector_load %arg17[%get3A_1121, %get3A_1122] {strides = array<i32>} : memref<128x128xf32, #tpu.memory_space<vmem>>, vector<16xf32>,
        %mul3A_1124 = arith.mulf %unpack3A_1085, %get3A_1123 : vector<16xf32>
        %add3A_1125 = arith.addf %add3A_1120, %mul3A_1124 : vector<16xf32>
        %mul3A_1126 = arith.constant 32 : i32
        %mul3A_1127 = arith.muli %add3A_230, %mul3A_1126 : i32
        %add3A_1128 = arith.addi %add3A_198, %mul3A_1127 : i32
        %swap3A = arith.index_cast %add3A_1128 : i32 to index
        %swap3A_1129 = tpu.vector_load %arg18[%swap3A] {strides = array<i32>} : memref<5120xf32, #tpu.memory_space<vmem>>, vector<16xf32>,
        tpu.vector_store %arg18[%swap3A], %add3A_1105 {strides = array<i32>} : memref<5120xf32, #tpu.memory_space<vmem>>, vector<16xf32>,
        %mul3A_1130 = arith.constant 32 : i32
        %mul3A_1131 = arith.muli %add3A_230, %mul3A_1130 : i32
        %add3A_1132 = arith.addi %add3A_198, %mul3A_1131 : i32
        %add3A_1133 = arith.constant 16 : i32
        %add3A_1134 = arith.addi %add3A_1132, %add3A_1133 : i32
        %swap3A_1135 = arith.index_cast %add3A_1134 : i32 to index
        %swap3A_1136 = tpu.vector_load %arg18[%swap3A_1135] {strides = array<i32>} : memref<5120xf32, #tpu.memory_space<vmem>>, vector<16xf32>,
        tpu.vector_store %arg18[%swap3A_1135], %add3A_1125 {strides = array<i32>} : memref<5120xf32, #tpu.memory_space<vmem>>, vector<16xf32>,
      }
      %scan3A_203 = arith.constant 8 : i32
      %add3A_204 = arith.constant 4 : i32
      %add3A_205 = arith.addi %add3A_193, %add3A_204 : i32
      %lt3A_206 = arith.constant 340 : i32
      %lt3A_207 = arith.cmpi slt, %add3A_205, %lt3A_206 : i32
      %convert_element_type3A_208 = arith.extui %lt3A_207 : i1 to i32
      %cond3A_209 = arith.constant 0 : i32
      %cond3A_210 = arith.cmpi ne, %convert_element_type3A_208, %cond3A_209 : i32
      scf.if %cond3A_210 {
        %add3A_226 = arith.constant 4 : i32
        %add3A_227 = arith.addi %add3A_193, %add3A_226 : i32
        %add3A_228 = arith.addi %mul3A_2, %add3A_227 : i32
        %mul3A_229 = arith.constant 128 : i32
        %mul3A_230 = arith.muli %add3A_228, %mul3A_229 : i32
        %dma_start3A_231 = tpu.memref_slice %arg3[%mul3A_230] : memref<1392640xi32, #tpu.memory_space<hbm>> -> memref<128xi32, #tpu.memory_space<hbm>>
        %dma_start3A_232 = tpu.memref_slice %arg3[%mul3A_230] : memref<1392640xi32, #tpu.memory_space<hbm>> -> memref<128xi32, #tpu.memory_space<hbm>>
        tpu.enqueue_dma source(%dma_start3A_232 : memref<128xi32, #tpu.memory_space<hbm>>) target(%arg9 : memref<128xi32, #tpu.memory_space<vmem>>) target_semaphore(%arg22 : memref<!tpu.dma_semaphore, #tpu.memory_space<semaphore_mem>>)
        %mul3A_233 = arith.constant 256 : i32
        %mul3A_234 = arith.muli %add3A_228, %mul3A_233 : i32
        %dma_start3A_235 = tpu.memref_slice %arg4[%mul3A_234] : memref<2785280xi32, #tpu.memory_space<hbm>> -> memref<256xi32, #tpu.memory_space<hbm>>
        %dma_start3A_236 = tpu.memref_slice %arg4[%mul3A_234] : memref<2785280xi32, #tpu.memory_space<hbm>> -> memref<256xi32, #tpu.memory_space<hbm>>
        tpu.enqueue_dma source(%dma_start3A_236 : memref<256xi32, #tpu.memory_space<hbm>>) target(%arg13 : memref<256xi32, #tpu.memory_space<vmem>>) target_semaphore(%arg22 : memref<!tpu.dma_semaphore, #tpu.memory_space<semaphore_mem>>)
      } else {
      }
      %mul3A_211 = arith.constant 4 : i32
      %mul3A_212 = arith.muli %mul3A_211, %add3A_75 : i32
      %add3A_213 = arith.constant 3 : i32
      %add3A_214 = arith.addi %mul3A_212, %add3A_213 : i32
      %add3A_215 = arith.constant 2 : i32
      %add3A_216 = arith.addi %add3A_214, %add3A_215 : i32
      %lt3A_217 = arith.constant 340 : i32
      %lt3A_218 = arith.cmpi slt, %add3A_216, %lt3A_217 : i32
      %convert_element_type3A_219 = arith.extui %lt3A_218 : i1 to i32
      %cond3A_220 = arith.constant 0 : i32
      %cond3A_221 = arith.cmpi ne, %convert_element_type3A_219, %cond3A_220 : i32
      scf.if %cond3A_221 {
        %add3A_226 = arith.addi %mul3A_2, %add3A_216 : i32
        %mul3A_227 = arith.constant 128 : i32
        %mul3A_228 = arith.muli %add3A_226, %mul3A_227 : i32
        %dma_wait3A_229 = tpu.memref_slice %arg3[%mul3A_228] : memref<1392640xi32, #tpu.memory_space<hbm>> -> memref<128xi32, #tpu.memory_space<hbm>>
        %dma_wait3A_230 = tpu.memref_slice %arg3[%mul3A_228] : memref<1392640xi32, #tpu.memory_space<hbm>> -> memref<128xi32, #tpu.memory_space<hbm>>
        tpu.wait_dma2 semaphore(%arg20 : memref<!tpu.dma_semaphore, #tpu.memory_space<semaphore_mem>>) src(%dma_wait3A_230 : memref<128xi32, #tpu.memory_space<hbm>>) dst(%arg7 : memref<128xi32, #tpu.memory_space<vmem>>)
        %mul3A_231 = arith.constant 256 : i32
        %mul3A_232 = arith.muli %add3A_226, %mul3A_231 : i32
        %dma_wait3A_233 = tpu.memref_slice %arg4[%mul3A_232] : memref<2785280xi32, #tpu.memory_space<hbm>> -> memref<256xi32, #tpu.memory_space<hbm>>
        %dma_wait3A_234 = tpu.memref_slice %arg4[%mul3A_232] : memref<2785280xi32, #tpu.memory_space<hbm>> -> memref<256xi32, #tpu.memory_space<hbm>>
        tpu.wait_dma2 semaphore(%arg20 : memref<!tpu.dma_semaphore, #tpu.memory_space<semaphore_mem>>) src(%dma_wait3A_234 : memref<256xi32, #tpu.memory_space<hbm>>) dst(%arg11 : memref<256xi32, #tpu.memory_space<vmem>>)
        %dma_start3A_235 = arith.constant 0 : i32
        %dma_start3A_236 = arith.constant 0 : i32
        %dma_start3A_237 = tpu.memref_slice %arg2[%dma_start3A_235, %dma_start3A_236] : memref<94976x128xf32, #tpu.memory_space<hbm>> -> memref<94976x128xf32, #tpu.memory_space<hbm>>
        tpu.enqueue_indirect_dma source(%dma_start3A_237 : memref<94976x128xf32, #tpu.memory_space<hbm>>) target(%arg15 : memref<128x128xf32, #tpu.memory_space<vmem>>) offsets(%arg7 : memref<128xi32, #tpu.memory_space<vmem>>) semaphore(%arg24 : memref<!tpu.dma_semaphore, #tpu.memory_space<semaphore_mem>>)
      } else {
      }
      %eq3A = arith.constant 4 : i32
      %eq3A_222 = arith.cmpi eq, %sub3A_94, %eq3A : i32
      %convert_element_type3A_223 = arith.extui %eq3A_222 : i1 to i32
      %cond3A_224 = arith.constant 0 : i32
      %cond3A_225 = arith.cmpi ne, %convert_element_type3A_223, %cond3A_224 : i32
      scf.if %cond3A_225 {
        %jit3A_226 = arith.constant 5 : i32
        %div3A_227 = arith.divsi %add3A_75, %jit3A_226 : i32
        %sign3A_228 = arith.constant 0 : i32
        %sign3A_229 = arith.cmpi sgt, %add3A_75, %sign3A_228 : i32
        %sign3A_230 = arith.extui %sign3A_229 : i1 to i32
        %sign3A_231 = arith.constant 0 : i32
        %sign3A_232 = arith.cmpi slt, %add3A_75, %sign3A_231 : i32
        %sign3A_233 = arith.extui %sign3A_232 : i1 to i32
        %sign3A_234 = arith.subi %sign3A_230, %sign3A_233 : i32
        %sign3A_235 = arith.constant 0 : i32
        %sign3A_236 = arith.cmpi sgt, %jit3A_226, %sign3A_235 : i32
        %sign3A_237 = arith.extui %sign3A_236 : i1 to i32
        %sign3A_238 = arith.constant 0 : i32
        %sign3A_239 = arith.cmpi slt, %jit3A_226, %sign3A_238 : i32
        %sign3A_240 = arith.extui %sign3A_239 : i1 to i32
        %sign3A_241 = arith.subi %sign3A_237, %sign3A_240 : i32
        %ne3A_242 = arith.cmpi ne, %sign3A_234, %sign3A_241 : i32
        %rem3A_243 = arith.remsi %add3A_75, %jit3A_226 : i32
        %ne3A_244 = arith.constant 0 : i32
        %ne3A_245 = arith.cmpi ne, %rem3A_243, %ne3A_244 : i32
        %and3A_246 = arith.andi %ne3A_242, %ne3A_245 : i1
        %sub3A_247 = arith.constant 1 : i32
        %sub3A_248 = arith.subi %div3A_227, %sub3A_247 : i32
        %select_n3A_249 = arith.select %and3A_246, %sub3A_248, %div3A_227 : i32
        %mul3A_250 = arith.constant 256 : i32
        %mul3A_251 = arith.muli %mul3A_2, %mul3A_250 : i32
        %mul3A_252 = arith.constant 5120 : i32
        %mul3A_253 = arith.muli %select_n3A_249, %mul3A_252 : i32
        %add3A_254 = arith.addi %mul3A_251, %mul3A_253 : i32
        "tpu.region"() ({
          %run_scoped3A = tpu.sem_alloc : memref<!tpu.dma_semaphore, #tpu.memory_space<semaphore_mem>>
          %dma_start3A_255 = tpu.memref_slice %arg5[%add3A_254] : memref<2785280xf32, #tpu.memory_space<hbm>> -> memref<5120xf32, #tpu.memory_space<hbm>>
          %dma_start3A_256 = tpu.memref_slice %arg5[%add3A_254] : memref<2785280xf32, #tpu.memory_space<hbm>> -> memref<5120xf32, #tpu.memory_space<hbm>>
          tpu.enqueue_dma source(%arg18 : memref<5120xf32, #tpu.memory_space<vmem>>) target(%dma_start3A_256 : memref<5120xf32, #tpu.memory_space<hbm>>) target_semaphore(%run_scoped3A : memref<!tpu.dma_semaphore, #tpu.memory_space<semaphore_mem>>)
          %dma_wait3A_257 = tpu.memref_slice %arg5[%add3A_254] : memref<2785280xf32, #tpu.memory_space<hbm>> -> memref<5120xf32, #tpu.memory_space<hbm>>
          %dma_wait3A_258 = tpu.memref_slice %arg5[%add3A_254] : memref<2785280xf32, #tpu.memory_space<hbm>> -> memref<5120xf32, #tpu.memory_space<hbm>>
          tpu.wait_dma2 semaphore(%run_scoped3A : memref<!tpu.dma_semaphore, #tpu.memory_space<semaphore_mem>>) src(%arg18 : memref<5120xf32, #tpu.memory_space<vmem>>) dst(%dma_wait3A_258 : memref<5120xf32, #tpu.memory_space<hbm>>)
          tpu.yield
        }) : () -> ()
      } else {
      }
    }
    %scan3A_70 = arith.constant 85 : i32
    return
  }
}

module attributes {stable_mosaic.version = 14 : i64} {
  func.func @_proj_body(%arg0: i32, %arg1: memref<680x256xf32, #tpu.memory_space<vmem>>, %arg2: memref<680x256xf32, #tpu.memory_space<vmem>>, %arg3: memref<256x256xbf16, #tpu.memory_space<vmem>>, %arg4: memref<1x256xf32, #tpu.memory_space<vmem>>, %arg5: memref<256x128xbf16, #tpu.memory_space<vmem>>, %arg6: memref<1x128xf32, #tpu.memory_space<vmem>>, %arg7: memref<256x128xbf16, #tpu.memory_space<vmem>>, %arg8: memref<1x128xf32, #tpu.memory_space<vmem>>, %arg9: memref<256x128xbf16, #tpu.memory_space<vmem>>, %arg10: memref<1x128xf32, #tpu.memory_space<vmem>>, %arg11: memref<680x128xf32, #tpu.memory_space<vmem>>, %arg12: memref<680x128xf32, #tpu.memory_space<vmem>>, %arg13: memref<1x128xf32, #tpu.memory_space<vmem>>, %arg14: memref<1x128xf32, #tpu.memory_space<vmem>>, %arg15: memref<1x128xi32, #tpu.memory_space<vmem>>, %arg16: memref<1x128xi32, #tpu.memory_space<vmem>>, %arg17: memref<1x128xi32, #tpu.memory_space<vmem>>, %arg18: memref<1x128xi32, #tpu.memory_space<vmem>>, %arg19: memref<680x256xf32, #tpu.memory_space<vmem>>, %arg20: memref<680x128xi32, #tpu.memory_space<vmem>>, %arg21: memref<680x256xi32, #tpu.memory_space<vmem>>) attributes {dimension_semantics = [#tpu.dimension_semantics<arbitrary>], iteration_bounds = array<i64: 16>, scalar_prefetch = 0 : i64, scratch_operands = 0 : i64, tpu.core_type = #tpu.core_type<tc>, window_params = [{transform_indices = @transform_0, window_bounds = array<i64: 680, 256>}, {transform_indices = @transform_1, window_bounds = array<i64: 680, 256>}, {pipeline_mode = #tpu.pipeline_mode<synchronous>, transform_indices = @transform_2, window_bounds = array<i64: 256, 256>}, {pipeline_mode = #tpu.pipeline_mode<synchronous>, transform_indices = @transform_3, window_bounds = array<i64: 1, 256>}, {pipeline_mode = #tpu.pipeline_mode<synchronous>, transform_indices = @transform_4, window_bounds = array<i64: 256, 128>}, {pipeline_mode = #tpu.pipeline_mode<synchronous>, transform_indices = @transform_5, window_bounds = array<i64: 1, 128>}, {pipeline_mode = #tpu.pipeline_mode<synchronous>, transform_indices = @transform_6, window_bounds = array<i64: 256, 128>}, {pipeline_mode = #tpu.pipeline_mode<synchronous>, transform_indices = @transform_7, window_bounds = array<i64: 1, 128>}, {pipeline_mode = #tpu.pipeline_mode<synchronous>, transform_indices = @transform_8, window_bounds = array<i64: 256, 128>}, {pipeline_mode = #tpu.pipeline_mode<synchronous>, transform_indices = @transform_9, window_bounds = array<i64: 1, 128>}, {transform_indices = @transform_10, window_bounds = array<i64: 680, 128>}, {transform_indices = @transform_11, window_bounds = array<i64: 680, 128>}, {pipeline_mode = #tpu.pipeline_mode<synchronous>, transform_indices = @transform_12, window_bounds = array<i64: 1, 128>}, {pipeline_mode = #tpu.pipeline_mode<synchronous>, transform_indices = @transform_13, window_bounds = array<i64: 1, 128>}, {pipeline_mode = #tpu.pipeline_mode<synchronous>, transform_indices = @transform_14, window_bounds = array<i64: 1, 128>}, {pipeline_mode = #tpu.pipeline_mode<synchronous>, transform_indices = @transform_15, window_bounds = array<i64: 1, 128>}, {pipeline_mode = #tpu.pipeline_mode<synchronous>, transform_indices = @transform_16, window_bounds = array<i64: 1, 128>}, {pipeline_mode = #tpu.pipeline_mode<synchronous>, transform_indices = @transform_17, window_bounds = array<i64: 1, 128>}, {transform_indices = @transform_18, window_bounds = array<i64: 680, 256>}, {transform_indices = @transform_19, window_bounds = array<i64: 680, 128>}, {transform_indices = @transform_20, window_bounds = array<i64: 680, 256>}]} {
    %get3A = arith.constant 0 : index
    %get3A_0 = arith.constant 0 : index
    %get3A_1 = vector.load %arg1[%get3A, %get3A_0] : memref<680x256xf32, #tpu.memory_space<vmem>>, vector<680x256xf32>
    %convert_element_type3A = arith.truncf %get3A_1 : vector<680x256xf32> to vector<680x256xbf16>
    %get3A_2 = arith.constant 0 : index
    %get3A_3 = arith.constant 0 : index
    %get3A_4 = vector.load %arg2[%get3A_2, %get3A_3] : memref<680x256xf32, #tpu.memory_space<vmem>>, vector<680x256xf32>
    %convert_element_type3A_5 = arith.truncf %get3A_4 : vector<680x256xf32> to vector<680x256xbf16>
    %get3A_6 = arith.constant 0 : index
    %get3A_7 = arith.constant 0 : index
    %get3A_8 = vector.load %arg3[%get3A_6, %get3A_7] : memref<256x256xbf16, #tpu.memory_space<vmem>>, vector<256x256xbf16>
    %dot_general3A = arith.constant dense<0.000000e+00> : vector<680x256xf32>
    %dot_general3A_9 = tpu.matmul %convert_element_type3A_5, %get3A_8, %dot_general3A {dimension_numbers = #tpu.dot_dimension_numbers<[1], [0], [0], [1], [0, 0, 1, 1], [], []>, transpose_lhs_hint = false} : vector<680x256xbf16>, vector<256x256xbf16>, vector<680x256xf32> -> vector<680x256xf32>
    %get3A_10 = arith.constant 0 : index
    %get3A_11 = arith.constant 0 : index
    %get3A_12 = vector.load %arg4[%get3A_10, %get3A_11] : memref<1x256xf32, #tpu.memory_space<vmem>>, vector<1x256xf32>
    %add3A = vector.broadcast %get3A_12 : vector<1x256xf32> to vector<680x256xf32>
    %add3A_13 = arith.addf %dot_general3A_9, %add3A : vector<680x256xf32>
    %swap3A = arith.constant 0 : index
    %swap3A_14 = arith.constant 0 : index
    %swap3A_15 = vector.load %arg19[%swap3A, %swap3A_14] : memref<680x256xf32, #tpu.memory_space<vmem>>, vector<680x256xf32>
    tpu.vector_store %arg19[%swap3A, %swap3A_14], %add3A_13 {strides = array<i32>} : memref<680x256xf32, #tpu.memory_space<vmem>>, vector<680x256xf32>,
    %get3A_16 = arith.constant 0 : index
    %get3A_17 = arith.constant 0 : index
    %get3A_18 = vector.load %arg5[%get3A_16, %get3A_17] : memref<256x128xbf16, #tpu.memory_space<vmem>>, vector<256x128xbf16>
    %dot_general3A_19 = arith.constant dense<0.000000e+00> : vector<680x128xf32>
    %dot_general3A_20 = tpu.matmul %convert_element_type3A, %get3A_18, %dot_general3A_19 {dimension_numbers = #tpu.dot_dimension_numbers<[1], [0], [0], [1], [0, 0, 1, 1], [], []>, transpose_lhs_hint = false} : vector<680x256xbf16>, vector<256x128xbf16>, vector<680x128xf32> -> vector<680x128xf32>
    %get3A_21 = arith.constant 0 : index
    %get3A_22 = arith.constant 0 : index
    %get3A_23 = vector.load %arg6[%get3A_21, %get3A_22] : memref<1x128xf32, #tpu.memory_space<vmem>>, vector<1x128xf32>
    %add3A_24 = vector.broadcast %get3A_23 : vector<1x128xf32> to vector<680x128xf32>
    %add3A_25 = arith.addf %dot_general3A_20, %add3A_24 : vector<680x128xf32>
    %get3A_26 = arith.constant 0 : index
    %get3A_27 = arith.constant 0 : index
    %get3A_28 = vector.load %arg7[%get3A_26, %get3A_27] : memref<256x128xbf16, #tpu.memory_space<vmem>>, vector<256x128xbf16>
    %dot_general3A_29 = arith.constant dense<0.000000e+00> : vector<680x128xf32>
    %dot_general3A_30 = tpu.matmul %convert_element_type3A, %get3A_28, %dot_general3A_29 {dimension_numbers = #tpu.dot_dimension_numbers<[1], [0], [0], [1], [0, 0, 1, 1], [], []>, transpose_lhs_hint = false} : vector<680x256xbf16>, vector<256x128xbf16>, vector<680x128xf32> -> vector<680x128xf32>
    %get3A_31 = arith.constant 0 : index
    %get3A_32 = arith.constant 0 : index
    %get3A_33 = vector.load %arg8[%get3A_31, %get3A_32] : memref<1x128xf32, #tpu.memory_space<vmem>>, vector<1x128xf32>
    %add3A_34 = vector.broadcast %get3A_33 : vector<1x128xf32> to vector<680x128xf32>
    %add3A_35 = arith.addf %dot_general3A_30, %add3A_34 : vector<680x128xf32>
    %get3A_36 = arith.constant 0 : index
    %get3A_37 = arith.constant 0 : index
    %get3A_38 = vector.load %arg9[%get3A_36, %get3A_37] : memref<256x128xbf16, #tpu.memory_space<vmem>>, vector<256x128xbf16>
    %dot_general3A_39 = arith.constant dense<0.000000e+00> : vector<680x128xf32>
    %dot_general3A_40 = tpu.matmul %convert_element_type3A, %get3A_38, %dot_general3A_39 {dimension_numbers = #tpu.dot_dimension_numbers<[1], [0], [0], [1], [0, 0, 1, 1], [], []>, transpose_lhs_hint = false} : vector<680x256xbf16>, vector<256x128xbf16>, vector<680x128xf32> -> vector<680x128xf32>
    %get3A_41 = arith.constant 0 : index
    %get3A_42 = arith.constant 0 : index
    %get3A_43 = vector.load %arg10[%get3A_41, %get3A_42] : memref<1x128xf32, #tpu.memory_space<vmem>>, vector<1x128xf32>
    %add3A_44 = vector.broadcast %get3A_43 : vector<1x128xf32> to vector<680x128xf32>
    %add3A_45 = arith.addf %dot_general3A_40, %add3A_44 : vector<680x128xf32>
    %reduce_max3A = arith.constant dense<0xFF800000> : vector<680xf32>
    %reduce_max3A_46 = vector.multi_reduction <maximumf>, %add3A_45, %reduce_max3A [1] : vector<680x128xf32> to vector<680xf32>
    %broadcast_in_dim3A = vector.shape_cast %reduce_max3A_46 : vector<680xf32> to vector<680x1xf32>
    %sub3A = vector.broadcast %broadcast_in_dim3A : vector<680x1xf32> to vector<680x128xf32>
    %sub3A_47 = arith.subf %add3A_45, %sub3A : vector<680x128xf32>
    %exp3A = math.exp %sub3A_47 : vector<680x128xf32>
    %iota3A = tpu.iota {dimensions = array<i32: 0>} : vector<128x128xi32>
    %jit3A = arith.constant 16 : i32
    %div3A = vector.broadcast %jit3A : i32 to vector<128x128xi32>
    %div3A_48 = arith.divsi %iota3A, %div3A : vector<128x128xi32>
    %sign3A = arith.constant 0 : i32
    %sign3A_49 = vector.broadcast %sign3A : i32 to vector<128x128xi32>
    %sign3A_50 = arith.cmpi sgt, %iota3A, %sign3A_49 : vector<128x128xi32>
    %sign3A_51 = arith.extui %sign3A_50 : vector<128x128xi1> to vector<128x128xi32>
    %sign3A_52 = arith.constant 0 : i32
    %sign3A_53 = vector.broadcast %sign3A_52 : i32 to vector<128x128xi32>
    %sign3A_54 = arith.cmpi slt, %iota3A, %sign3A_53 : vector<128x128xi32>
    %sign3A_55 = arith.extui %sign3A_54 : vector<128x128xi1> to vector<128x128xi32>
    %sign3A_56 = arith.subi %sign3A_51, %sign3A_55 : vector<128x128xi32>
    %sign3A_57 = arith.constant 0 : i32
    %sign3A_58 = arith.cmpi sgt, %jit3A, %sign3A_57 : i32
    %sign3A_59 = arith.extui %sign3A_58 : i1 to i32
    %sign3A_60 = arith.constant 0 : i32
    %sign3A_61 = arith.cmpi slt, %jit3A, %sign3A_60 : i32
    %sign3A_62 = arith.extui %sign3A_61 : i1 to i32
    %sign3A_63 = arith.subi %sign3A_59, %sign3A_62 : i32
    %ne3A = vector.broadcast %sign3A_63 : i32 to vector<128x128xi32>
    %ne3A_64 = arith.cmpi ne, %sign3A_56, %ne3A : vector<128x128xi32>
    %rem3A = vector.broadcast %jit3A : i32 to vector<128x128xi32>
    %rem3A_65 = arith.remsi %iota3A, %rem3A : vector<128x128xi32>
    %ne3A_66 = arith.constant 0 : i32
    %ne3A_67 = vector.broadcast %ne3A_66 : i32 to vector<128x128xi32>
    %ne3A_68 = arith.cmpi ne, %rem3A_65, %ne3A_67 : vector<128x128xi32>
    %and3A = arith.andi %ne3A_64, %ne3A_68 : vector<128x128xi1>
    %sub3A_69 = arith.constant 1 : i32
    %sub3A_70 = vector.broadcast %sub3A_69 : i32 to vector<128x128xi32>
    %sub3A_71 = arith.subi %div3A_48, %sub3A_70 : vector<128x128xi32>
    %select_n3A = arith.select %and3A, %sub3A_71, %div3A_48 : vector<128x128xi1>, vector<128x128xi32>
    %iota3A_72 = tpu.iota {dimensions = array<i32: 1>} : vector<128x128xi32>
    %jit3A_73 = arith.constant 16 : i32
    %div3A_74 = vector.broadcast %jit3A_73 : i32 to vector<128x128xi32>
    %div3A_75 = arith.divsi %iota3A_72, %div3A_74 : vector<128x128xi32>
    %sign3A_76 = arith.constant 0 : i32
    %sign3A_77 = vector.broadcast %sign3A_76 : i32 to vector<128x128xi32>
    %sign3A_78 = arith.cmpi sgt, %iota3A_72, %sign3A_77 : vector<128x128xi32>
    %sign3A_79 = arith.extui %sign3A_78 : vector<128x128xi1> to vector<128x128xi32>
    %sign3A_80 = arith.constant 0 : i32
    %sign3A_81 = vector.broadcast %sign3A_80 : i32 to vector<128x128xi32>
    %sign3A_82 = arith.cmpi slt, %iota3A_72, %sign3A_81 : vector<128x128xi32>
    %sign3A_83 = arith.extui %sign3A_82 : vector<128x128xi1> to vector<128x128xi32>
    %sign3A_84 = arith.subi %sign3A_79, %sign3A_83 : vector<128x128xi32>
    %sign3A_85 = arith.constant 0 : i32
    %sign3A_86 = arith.cmpi sgt, %jit3A_73, %sign3A_85 : i32
    %sign3A_87 = arith.extui %sign3A_86 : i1 to i32
    %sign3A_88 = arith.constant 0 : i32
    %sign3A_89 = arith.cmpi slt, %jit3A_73, %sign3A_88 : i32
    %sign3A_90 = arith.extui %sign3A_89 : i1 to i32
    %sign3A_91 = arith.subi %sign3A_87, %sign3A_90 : i32
    %ne3A_92 = vector.broadcast %sign3A_91 : i32 to vector<128x128xi32>
    %ne3A_93 = arith.cmpi ne, %sign3A_84, %ne3A_92 : vector<128x128xi32>
    %rem3A_94 = vector.broadcast %jit3A_73 : i32 to vector<128x128xi32>
    %rem3A_95 = arith.remsi %iota3A_72, %rem3A_94 : vector<128x128xi32>
    %ne3A_96 = arith.constant 0 : i32
    %ne3A_97 = vector.broadcast %ne3A_96 : i32 to vector<128x128xi32>
    %ne3A_98 = arith.cmpi ne, %rem3A_95, %ne3A_97 : vector<128x128xi32>
    %and3A_99 = arith.andi %ne3A_93, %ne3A_98 : vector<128x128xi1>
    %sub3A_100 = arith.constant 1 : i32
    %sub3A_101 = vector.broadcast %sub3A_100 : i32 to vector<128x128xi32>
    %sub3A_102 = arith.subi %div3A_75, %sub3A_101 : vector<128x128xi32>
    %select_n3A_103 = arith.select %and3A_99, %sub3A_102, %div3A_75 : vector<128x128xi1>, vector<128x128xi32>
    %eq3A = arith.cmpi eq, %select_n3A, %select_n3A_103 : vector<128x128xi32>
    %convert_element_type3A_104 = arith.extui %eq3A : vector<128x128xi1> to vector<128x128xi32>
    %convert_element_type3A_105 = arith.sitofp %convert_element_type3A_104 : vector<128x128xi32> to vector<128x128xf32>
    %convert_element_type3A_106 = arith.truncf %convert_element_type3A_105 : vector<128x128xf32> to vector<128x128xbf16>
    %convert_element_type3A_107 = arith.truncf %exp3A : vector<680x128xf32> to vector<680x128xbf16>
    %dot_general3A_108 = arith.constant dense<0.000000e+00> : vector<680x128xf32>
    %dot_general3A_109 = tpu.matmul %convert_element_type3A_107, %convert_element_type3A_106, %dot_general3A_108 {dimension_numbers = #tpu.dot_dimension_numbers<[1], [0], [0], [1], [0, 0, 1, 1], [], []>, transpose_lhs_hint = false} : vector<680x128xbf16>, vector<128x128xbf16>, vector<680x128xf32> -> vector<680x128xf32>
    %div3A_110 = arith.divf %exp3A, %dot_general3A_109 : vector<680x128xf32>
    %get3A_111 = arith.constant 0 : index
    %get3A_112 = arith.constant 0 : index
    %get3A_113 = vector.load %arg13[%get3A_111, %get3A_112] : memref<1x128xf32, #tpu.memory_space<vmem>>, vector<1x128xf32>
    %get3A_114 = arith.constant 0 : index
    %get3A_115 = arith.constant 0 : index
    %get3A_116 = vector.load %arg14[%get3A_114, %get3A_115] : memref<1x128xf32, #tpu.memory_space<vmem>>, vector<1x128xf32>
    %get3A_117 = arith.constant 0 : index
    %get3A_118 = arith.constant 0 : index
    %get3A_119 = vector.load %arg15[%get3A_117, %get3A_118] : memref<1x128xi32, #tpu.memory_space<vmem>>, vector<1x128xi32>
    %get3A_120 = arith.constant 0 : index
    %get3A_121 = arith.constant 0 : index
    %get3A_122 = vector.load %arg16[%get3A_120, %get3A_121] : memref<1x128xi32, #tpu.memory_space<vmem>>, vector<1x128xi32>
    %get3A_123 = arith.constant 0 : index
    %get3A_124 = arith.constant 0 : index
    %get3A_125 = vector.load %arg11[%get3A_123, %get3A_124] : memref<680x128xf32, #tpu.memory_space<vmem>>, vector<680x128xf32>
    %mul3A = vector.broadcast %get3A_113 : vector<1x128xf32> to vector<680x128xf32>
    %mul3A_126 = arith.mulf %get3A_125, %mul3A : vector<680x128xf32>
    %add3A_127 = arith.addf %mul3A_126, %add3A_25 : vector<680x128xf32>
    %sub3A_128 = arith.constant 5.000000e-01 : f32
    %sub3A_129 = vector.broadcast %sub3A_128 : f32 to vector<680x128xf32>
    %sub3A_130 = arith.subf %add3A_127, %sub3A_129 : vector<680x128xf32>
    %get3A_131 = arith.constant 0 : index
    %get3A_132 = arith.constant 0 : index
    %get3A_133 = vector.load %arg12[%get3A_131, %get3A_132] : memref<680x128xf32, #tpu.memory_space<vmem>>, vector<680x128xf32>
    %mul3A_134 = vector.broadcast %get3A_116 : vector<1x128xf32> to vector<680x128xf32>
    %mul3A_135 = arith.mulf %get3A_133, %mul3A_134 : vector<680x128xf32>
    %add3A_136 = arith.addf %mul3A_135, %add3A_35 : vector<680x128xf32>
    %sub3A_137 = arith.constant 5.000000e-01 : f32
    %sub3A_138 = vector.broadcast %sub3A_137 : f32 to vector<680x128xf32>
    %sub3A_139 = arith.subf %add3A_136, %sub3A_138 : vector<680x128xf32>
    %floor3A = math.floor %sub3A_130 : vector<680x128xf32>
    %floor3A_140 = math.floor %sub3A_139 : vector<680x128xf32>
    %convert_element_type3A_141 = arith.fptosi %floor3A : vector<680x128xf32> to vector<680x128xi32>
    %convert_element_type3A_142 = arith.fptosi %floor3A_140 : vector<680x128xf32> to vector<680x128xi32>
    %sub3A_143 = arith.subf %sub3A_130, %floor3A : vector<680x128xf32>
    %sub3A_144 = arith.constant 1.000000e+00 : f32
    %sub3A_145 = vector.broadcast %sub3A_144 : f32 to vector<680x128xf32>
    %sub3A_146 = arith.subf %sub3A_145, %sub3A_143 : vector<680x128xf32>
    %sub3A_147 = arith.subf %sub3A_139, %floor3A_140 : vector<680x128xf32>
    %sub3A_148 = arith.constant 1.000000e+00 : f32
    %sub3A_149 = vector.broadcast %sub3A_148 : f32 to vector<680x128xf32>
    %sub3A_150 = arith.subf %sub3A_149, %sub3A_147 : vector<680x128xf32>
    %ge3A = arith.constant -1 : i32
    %ge3A_151 = vector.broadcast %ge3A : i32 to vector<680x128xi32>
    %ge3A_152 = arith.cmpi sge, %convert_element_type3A_141, %ge3A_151 : vector<680x128xi32>
    %sub3A_153 = arith.constant 1 : i32
    %sub3A_154 = vector.broadcast %sub3A_153 : i32 to vector<1x128xi32>
    %sub3A_155 = arith.subi %get3A_119, %sub3A_154 : vector<1x128xi32>
    %le3A = vector.broadcast %sub3A_155 : vector<1x128xi32> to vector<680x128xi32>
    %le3A_156 = arith.cmpi sle, %convert_element_type3A_141, %le3A : vector<680x128xi32>
    %and3A_157 = arith.andi %ge3A_152, %le3A_156 : vector<680x128xi1>
    %convert_element_type3A_158 = arith.extui %and3A_157 : vector<680x128xi1> to vector<680x128xi32>
    %convert_element_type3A_159 = arith.sitofp %convert_element_type3A_158 : vector<680x128xi32> to vector<680x128xf32>
    %ge3A_160 = arith.constant -1 : i32
    %ge3A_161 = vector.broadcast %ge3A_160 : i32 to vector<680x128xi32>
    %ge3A_162 = arith.cmpi sge, %convert_element_type3A_142, %ge3A_161 : vector<680x128xi32>
    %sub3A_163 = arith.constant 1 : i32
    %sub3A_164 = vector.broadcast %sub3A_163 : i32 to vector<1x128xi32>
    %sub3A_165 = arith.subi %get3A_122, %sub3A_164 : vector<1x128xi32>
    %le3A_166 = vector.broadcast %sub3A_165 : vector<1x128xi32> to vector<680x128xi32>
    %le3A_167 = arith.cmpi sle, %convert_element_type3A_142, %le3A_166 : vector<680x128xi32>
    %and3A_168 = arith.andi %ge3A_162, %le3A_167 : vector<680x128xi1>
    %convert_element_type3A_169 = arith.extui %and3A_168 : vector<680x128xi1> to vector<680x128xi32>
    %convert_element_type3A_170 = arith.sitofp %convert_element_type3A_169 : vector<680x128xi32> to vector<680x128xf32>
    %add3A_171 = arith.constant 1 : i32
    %add3A_172 = vector.broadcast %add3A_171 : i32 to vector<680x128xi32>
    %add3A_173 = arith.addi %convert_element_type3A_141, %add3A_172 : vector<680x128xi32>
    %jit3A_174 = arith.constant 0 : i32
    %max3A = vector.broadcast %jit3A_174 : i32 to vector<680x128xi32>
    %max3A_175 = arith.maxsi %max3A, %add3A_173 : vector<680x128xi32>
    %min3A = vector.broadcast %get3A_119 : vector<1x128xi32> to vector<680x128xi32>
    %min3A_176 = arith.minsi %min3A, %max3A_175 : vector<680x128xi32>
    %add3A_177 = arith.constant 1 : i32
    %add3A_178 = vector.broadcast %add3A_177 : i32 to vector<680x128xi32>
    %add3A_179 = arith.addi %convert_element_type3A_142, %add3A_178 : vector<680x128xi32>
    %jit3A_180 = arith.constant 0 : i32
    %max3A_181 = vector.broadcast %jit3A_180 : i32 to vector<680x128xi32>
    %max3A_182 = arith.maxsi %max3A_181, %add3A_179 : vector<680x128xi32>
    %min3A_183 = vector.broadcast %get3A_122 : vector<1x128xi32> to vector<680x128xi32>
    %min3A_184 = arith.minsi %min3A_183, %max3A_182 : vector<680x128xi32>
    %get3A_185 = arith.constant 0 : index
    %get3A_186 = arith.constant 0 : index
    %get3A_187 = vector.load %arg18[%get3A_185, %get3A_186] : memref<1x128xi32, #tpu.memory_space<vmem>>, vector<1x128xi32>
    %mul3A_188 = vector.broadcast %get3A_187 : vector<1x128xi32> to vector<680x128xi32>
    %mul3A_189 = arith.muli %min3A_184, %mul3A_188 : vector<680x128xi32>
    %add3A_190 = arith.addi %mul3A_189, %min3A_176 : vector<680x128xi32>
    %get3A_191 = arith.constant 0 : index
    %get3A_192 = arith.constant 0 : index
    %get3A_193 = vector.load %arg17[%get3A_191, %get3A_192] : memref<1x128xi32, #tpu.memory_space<vmem>>, vector<1x128xi32>
    %add3A_194 = vector.broadcast %get3A_193 : vector<1x128xi32> to vector<680x128xi32>
    %add3A_195 = arith.addi %add3A_190, %add3A_194 : vector<680x128xi32>
    %mul3A_196 = arith.constant 680 : i32
    %mul3A_197 = arith.muli %arg0, %mul3A_196 : i32
    %iota3A_198 = tpu.iota {dimensions = array<i32: 0>} : vector<680x128xi32>
    %add3A_199 = vector.broadcast %mul3A_197 : i32 to vector<680x128xi32>
    %add3A_200 = arith.addi %add3A_199, %iota3A_198 : vector<680x128xi32>
    %ge3A_201 = arith.constant 5440 : i32
    %ge3A_202 = vector.broadcast %ge3A_201 : i32 to vector<680x128xi32>
    %ge3A_203 = arith.cmpi sge, %add3A_200, %ge3A_202 : vector<680x128xi32>
    %jit3A_204 = arith.constant 1 : i32
    %jit3A_205 = arith.constant 0 : i32
    %broadcast_in_dim3A_206 = vector.broadcast %jit3A_204 : i32 to vector<680x128xi32>
    %broadcast_in_dim3A_207 = vector.broadcast %jit3A_205 : i32 to vector<680x128xi32>
    %select_n3A_208 = arith.select %ge3A_203, %broadcast_in_dim3A_206, %broadcast_in_dim3A_207 : vector<680x128xi1>, vector<680x128xi32>
    %iota3A_209 = tpu.iota {dimensions = array<i32: 1>} : vector<680x128xi32>
    %jit3A_210 = arith.constant 16 : i32
    %div3A_211 = vector.broadcast %jit3A_210 : i32 to vector<680x128xi32>
    %div3A_212 = arith.divsi %iota3A_209, %div3A_211 : vector<680x128xi32>
    %sign3A_213 = arith.constant 0 : i32
    %sign3A_214 = vector.broadcast %sign3A_213 : i32 to vector<680x128xi32>
    %sign3A_215 = arith.cmpi sgt, %iota3A_209, %sign3A_214 : vector<680x128xi32>
    %sign3A_216 = arith.extui %sign3A_215 : vector<680x128xi1> to vector<680x128xi32>
    %sign3A_217 = arith.constant 0 : i32
    %sign3A_218 = vector.broadcast %sign3A_217 : i32 to vector<680x128xi32>
    %sign3A_219 = arith.cmpi slt, %iota3A_209, %sign3A_218 : vector<680x128xi32>
    %sign3A_220 = arith.extui %sign3A_219 : vector<680x128xi1> to vector<680x128xi32>
    %sign3A_221 = arith.subi %sign3A_216, %sign3A_220 : vector<680x128xi32>
    %sign3A_222 = arith.constant 0 : i32
    %sign3A_223 = arith.cmpi sgt, %jit3A_210, %sign3A_222 : i32
    %sign3A_224 = arith.extui %sign3A_223 : i1 to i32
    %sign3A_225 = arith.constant 0 : i32
    %sign3A_226 = arith.cmpi slt, %jit3A_210, %sign3A_225 : i32
    %sign3A_227 = arith.extui %sign3A_226 : i1 to i32
    %sign3A_228 = arith.subi %sign3A_224, %sign3A_227 : i32
    %ne3A_229 = vector.broadcast %sign3A_228 : i32 to vector<680x128xi32>
    %ne3A_230 = arith.cmpi ne, %sign3A_221, %ne3A_229 : vector<680x128xi32>
    %rem3A_231 = vector.broadcast %jit3A_210 : i32 to vector<680x128xi32>
    %rem3A_232 = arith.remsi %iota3A_209, %rem3A_231 : vector<680x128xi32>
    %ne3A_233 = arith.constant 0 : i32
    %ne3A_234 = vector.broadcast %ne3A_233 : i32 to vector<680x128xi32>
    %ne3A_235 = arith.cmpi ne, %rem3A_232, %ne3A_234 : vector<680x128xi32>
    %and3A_236 = arith.andi %ne3A_230, %ne3A_235 : vector<680x128xi1>
    %sub3A_237 = arith.constant 1 : i32
    %sub3A_238 = vector.broadcast %sub3A_237 : i32 to vector<680x128xi32>
    %sub3A_239 = arith.subi %div3A_212, %sub3A_238 : vector<680x128xi32>
    %select_n3A_240 = arith.select %and3A_236, %sub3A_239, %div3A_212 : vector<680x128xi1>, vector<680x128xi32>
    %mul3A_241 = arith.constant 5936 : i32
    %mul3A_242 = vector.broadcast %mul3A_241 : i32 to vector<680x128xi32>
    %mul3A_243 = arith.muli %select_n3A_208, %mul3A_242 : vector<680x128xi32>
    %add3A_244 = arith.addi %mul3A_243, %add3A_195 : vector<680x128xi32>
    %mul3A_245 = arith.constant 8 : i32
    %mul3A_246 = vector.broadcast %mul3A_245 : i32 to vector<680x128xi32>
    %mul3A_247 = arith.muli %add3A_244, %mul3A_246 : vector<680x128xi32>
    %add3A_248 = arith.addi %mul3A_247, %select_n3A_240 : vector<680x128xi32>
    %swap3A_249 = arith.constant 0 : index
    %swap3A_250 = arith.constant 0 : index
    %swap3A_251 = vector.load %arg20[%swap3A_249, %swap3A_250] : memref<680x128xi32, #tpu.memory_space<vmem>>, vector<680x128xi32>
    tpu.vector_store %arg20[%swap3A_249, %swap3A_250], %add3A_248 {strides = array<i32>} : memref<680x128xi32, #tpu.memory_space<vmem>>, vector<680x128xi32>,
    %mul3A_252 = arith.mulf %div3A_110, %convert_element_type3A_159 : vector<680x128xf32>
    %mul3A_253 = arith.mulf %mul3A_252, %convert_element_type3A_170 : vector<680x128xf32>
    %mul3A_254 = arith.mulf %mul3A_253, %sub3A_146 : vector<680x128xf32>
    %mul3A_255 = arith.mulf %mul3A_254, %sub3A_150 : vector<680x128xf32>
    %mul3A_256 = arith.mulf %mul3A_253, %sub3A_143 : vector<680x128xf32>
    %mul3A_257 = arith.mulf %mul3A_256, %sub3A_150 : vector<680x128xf32>
    %convert_element_type3A_258 = arith.truncf %mul3A_255 : vector<680x128xf32> to vector<680x128xbf16>
    %bitcast_convert_type3A = tpu.bitcast %convert_element_type3A_258 : vector<680x128xbf16> -> vector<680x128xi16>
    %convert_element_type3A_259 = arith.truncf %mul3A_257 : vector<680x128xf32> to vector<680x128xbf16>
    %bitcast_convert_type3A_260 = tpu.bitcast %convert_element_type3A_259 : vector<680x128xbf16> -> vector<680x128xi16>
    %convert_element_type3A_261 = arith.extui %bitcast_convert_type3A : vector<680x128xi16> to vector<680x128xi32>
    %convert_element_type3A_262 = arith.extui %bitcast_convert_type3A_260 : vector<680x128xi16> to vector<680x128xi32>
    %shift_left3A = arith.constant 16 : i32
    %shift_left3A_263 = vector.broadcast %shift_left3A : i32 to vector<680x128xi32>
    %shift_left3A_264 = arith.shli %convert_element_type3A_262, %shift_left3A_263 : vector<680x128xi32>
    %or3A = arith.ori %convert_element_type3A_261, %shift_left3A_264 : vector<680x128xi32>
    %bitcast_convert_type3A_265 = tpu.bitcast %or3A : vector<680x128xi32> -> vector<680x128xi32>
    %swap3A_266 = arith.constant 0 : index
    %swap3A_267 = arith.constant 0 : index
    %swap3A_268 = vector.load %arg21[%swap3A_266, %swap3A_267] : memref<680x256xi32, #tpu.memory_space<vmem>>, vector<680x128xi32>
    tpu.vector_store %arg21[%swap3A_266, %swap3A_267], %bitcast_convert_type3A_265 {strides = array<i32>} : memref<680x256xi32, #tpu.memory_space<vmem>>, vector<680x128xi32>,
    %mul3A_269 = arith.mulf %mul3A_253, %sub3A_146 : vector<680x128xf32>
    %mul3A_270 = arith.mulf %mul3A_269, %sub3A_147 : vector<680x128xf32>
    %mul3A_271 = arith.mulf %mul3A_253, %sub3A_143 : vector<680x128xf32>
    %mul3A_272 = arith.mulf %mul3A_271, %sub3A_147 : vector<680x128xf32>
    %convert_element_type3A_273 = arith.truncf %mul3A_270 : vector<680x128xf32> to vector<680x128xbf16>
    %bitcast_convert_type3A_274 = tpu.bitcast %convert_element_type3A_273 : vector<680x128xbf16> -> vector<680x128xi16>
    %convert_element_type3A_275 = arith.truncf %mul3A_272 : vector<680x128xf32> to vector<680x128xbf16>
    %bitcast_convert_type3A_276 = tpu.bitcast %convert_element_type3A_275 : vector<680x128xbf16> -> vector<680x128xi16>
    %convert_element_type3A_277 = arith.extui %bitcast_convert_type3A_274 : vector<680x128xi16> to vector<680x128xi32>
    %convert_element_type3A_278 = arith.extui %bitcast_convert_type3A_276 : vector<680x128xi16> to vector<680x128xi32>
    %shift_left3A_279 = arith.constant 16 : i32
    %shift_left3A_280 = vector.broadcast %shift_left3A_279 : i32 to vector<680x128xi32>
    %shift_left3A_281 = arith.shli %convert_element_type3A_278, %shift_left3A_280 : vector<680x128xi32>
    %or3A_282 = arith.ori %convert_element_type3A_277, %shift_left3A_281 : vector<680x128xi32>
    %bitcast_convert_type3A_283 = tpu.bitcast %or3A_282 : vector<680x128xi32> -> vector<680x128xi32>
    %swap3A_284 = arith.constant 0 : index
    %swap3A_285 = arith.constant 128 : index
    %swap3A_286 = vector.load %arg21[%swap3A_284, %swap3A_285] : memref<680x256xi32, #tpu.memory_space<vmem>>, vector<680x128xi32>
    tpu.vector_store %arg21[%swap3A_284, %swap3A_285], %bitcast_convert_type3A_283 {strides = array<i32>} : memref<680x256xi32, #tpu.memory_space<vmem>>, vector<680x128xi32>,
    return
  }
  func.func @transform_0(%arg0: i32) -> (i32, i32) {
    %c0_i32 = arith.constant 0 : i32
    %c0_i32_0 = arith.constant 0 : i32
    return %arg0, %c0_i32 : i32, i32
  }
  func.func @transform_1(%arg0: i32) -> (i32, i32) {
    %c0_i32 = arith.constant 0 : i32
    %c0_i32_0 = arith.constant 0 : i32
    return %arg0, %c0_i32 : i32, i32
  }
  func.func @transform_2(%arg0: i32) -> (i32, i32) {
    %c0_i32 = arith.constant 0 : i32
    %c0_i32_0 = arith.constant 0 : i32
    %c0_i32_1 = arith.constant 0 : i32
    return %c0_i32, %c0_i32_0 : i32, i32
  }
  func.func @transform_3(%arg0: i32) -> (i32, i32) {
    %c0_i32 = arith.constant 0 : i32
    %c0_i32_0 = arith.constant 0 : i32
    %c0_i32_1 = arith.constant 0 : i32
    return %c0_i32, %c0_i32_0 : i32, i32
  }
  func.func @transform_4(%arg0: i32) -> (i32, i32) {
    %c0_i32 = arith.constant 0 : i32
    %c0_i32_0 = arith.constant 0 : i32
    %c0_i32_1 = arith.constant 0 : i32
    return %c0_i32, %c0_i32_0 : i32, i32
  }
  func.func @transform_5(%arg0: i32) -> (i32, i32) {
    %c0_i32 = arith.constant 0 : i32
    %c0_i32_0 = arith.constant 0 : i32
    %c0_i32_1 = arith.constant 0 : i32
    return %c0_i32, %c0_i32_0 : i32, i32
  }
  func.func @transform_6(%arg0: i32) -> (i32, i32) {
    %c0_i32 = arith.constant 0 : i32
    %c0_i32_0 = arith.constant 0 : i32
    %c0_i32_1 = arith.constant 0 : i32
    return %c0_i32, %c0_i32_0 : i32, i32
  }
  func.func @transform_7(%arg0: i32) -> (i32, i32) {
    %c0_i32 = arith.constant 0 : i32
    %c0_i32_0 = arith.constant 0 : i32
    %c0_i32_1 = arith.constant 0 : i32
    return %c0_i32, %c0_i32_0 : i32, i32
  }
  func.func @transform_8(%arg0: i32) -> (i32, i32) {
    %c0_i32 = arith.constant 0 : i32
    %c0_i32_0 = arith.constant 0 : i32
    %c0_i32_1 = arith.constant 0 : i32
    return %c0_i32, %c0_i32_0 : i32, i32
  }
  func.func @transform_9(%arg0: i32) -> (i32, i32) {
    %c0_i32 = arith.constant 0 : i32
    %c0_i32_0 = arith.constant 0 : i32
    %c0_i32_1 = arith.constant 0 : i32
    return %c0_i32, %c0_i32_0 : i32, i32
  }
  func.func @transform_10(%arg0: i32) -> (i32, i32) {
    %c0_i32 = arith.constant 0 : i32
    %c0_i32_0 = arith.constant 0 : i32
    return %arg0, %c0_i32 : i32, i32
  }
  func.func @transform_11(%arg0: i32) -> (i32, i32) {
    %c0_i32 = arith.constant 0 : i32
    %c0_i32_0 = arith.constant 0 : i32
    return %arg0, %c0_i32 : i32, i32
  }
  func.func @transform_12(%arg0: i32) -> (i32, i32) {
    %c0_i32 = arith.constant 0 : i32
    %c0_i32_0 = arith.constant 0 : i32
    %c0_i32_1 = arith.constant 0 : i32
    return %c0_i32, %c0_i32_0 : i32, i32
  }
  func.func @transform_13(%arg0: i32) -> (i32, i32) {
    %c0_i32 = arith.constant 0 : i32
    %c0_i32_0 = arith.constant 0 : i32
    %c0_i32_1 = arith.constant 0 : i32
    return %c0_i32, %c0_i32_0 : i32, i32
  }
  func.func @transform_14(%arg0: i32) -> (i32, i32) {
    %c0_i32 = arith.constant 0 : i32
    %c0_i32_0 = arith.constant 0 : i32
    %c0_i32_1 = arith.constant 0 : i32
    return %c0_i32, %c0_i32_0 : i32, i32
  }
  func.func @transform_15(%arg0: i32) -> (i32, i32) {
    %c0_i32 = arith.constant 0 : i32
    %c0_i32_0 = arith.constant 0 : i32
    %c0_i32_1 = arith.constant 0 : i32
    return %c0_i32, %c0_i32_0 : i32, i32
  }
  func.func @transform_16(%arg0: i32) -> (i32, i32) {
    %c0_i32 = arith.constant 0 : i32
    %c0_i32_0 = arith.constant 0 : i32
    %c0_i32_1 = arith.constant 0 : i32
    return %c0_i32, %c0_i32_0 : i32, i32
  }
  func.func @transform_17(%arg0: i32) -> (i32, i32) {
    %c0_i32 = arith.constant 0 : i32
    %c0_i32_0 = arith.constant 0 : i32
    %c0_i32_1 = arith.constant 0 : i32
    return %c0_i32, %c0_i32_0 : i32, i32
  }
  func.func @transform_18(%arg0: i32) -> (i32, i32) {
    %c0_i32 = arith.constant 0 : i32
    %c0_i32_0 = arith.constant 0 : i32
    return %arg0, %c0_i32 : i32, i32
  }
  func.func @transform_19(%arg0: i32) -> (i32, i32) {
    %c0_i32 = arith.constant 0 : i32
    %c0_i32_0 = arith.constant 0 : i32
    return %arg0, %c0_i32 : i32, i32
  }
  func.func @transform_20(%arg0: i32) -> (i32, i32) {
    %c0_i32 = arith.constant 0 : i32
    %c0_i32_0 = arith.constant 0 : i32
    return %arg0, %c0_i32 : i32, i32
  }
}

module attributes {stable_mosaic.version = 14 : i64} {
  func.func @_interleave_body(%arg0: i32, %arg1: memref<2968x32xf32, #tpu.memory_space<vmem>>, %arg2: memref<2968x32xf32, #tpu.memory_space<vmem>>, %arg3: memref<2968x32xf32, #tpu.memory_space<vmem>>, %arg4: memref<2968x32xf32, #tpu.memory_space<vmem>>, %arg5: memref<2968x128xf32, #tpu.memory_space<vmem>>) attributes {dimension_semantics = [#tpu.dimension_semantics<arbitrary>], iteration_bounds = array<i64: 32>, scalar_prefetch = 0 : i64, scratch_operands = 0 : i64, tpu.core_type = #tpu.core_type<tc>, window_params = [{transform_indices = @transform_0, window_bounds = array<i64: 2968, 32>}, {transform_indices = @transform_1, window_bounds = array<i64: 2968, 32>}, {transform_indices = @transform_2, window_bounds = array<i64: 2968, 32>}, {transform_indices = @transform_3, window_bounds = array<i64: 2968, 32>}, {transform_indices = @transform_4, window_bounds = array<i64: 2968, 128>}]} {
    %get3A = arith.constant 0 : index
    %get3A_0 = arith.constant 0 : index
    %get3A_1 = vector.load %arg1[%get3A, %get3A_0] : memref<2968x32xf32, #tpu.memory_space<vmem>>, vector<2968x32xf32>
    %get3A_2 = arith.constant 0 : index
    %get3A_3 = arith.constant 0 : index
    %get3A_4 = vector.load %arg2[%get3A_2, %get3A_3] : memref<2968x32xf32, #tpu.memory_space<vmem>>, vector<2968x32xf32>
    %get3A_5 = arith.constant 0 : index
    %get3A_6 = arith.constant 0 : index
    %get3A_7 = vector.load %arg3[%get3A_5, %get3A_6] : memref<2968x32xf32, #tpu.memory_space<vmem>>, vector<2968x32xf32>
    %get3A_8 = arith.constant 0 : index
    %get3A_9 = arith.constant 0 : index
    %get3A_10 = vector.load %arg4[%get3A_8, %get3A_9] : memref<2968x32xf32, #tpu.memory_space<vmem>>, vector<2968x32xf32>
    %concatenate3A = tpu.concatenate %get3A_1, %get3A_4, %get3A_7, %get3A_10 in 1 : vector<2968x32xf32>, vector<2968x32xf32>, vector<2968x32xf32>, vector<2968x32xf32> -> vector<2968x128xf32>
    %swap3A = arith.constant 0 : index
    %swap3A_11 = arith.constant 0 : index
    %swap3A_12 = vector.load %arg5[%swap3A, %swap3A_11] : memref<2968x128xf32, #tpu.memory_space<vmem>>, vector<2968x128xf32>
    tpu.vector_store %arg5[%swap3A, %swap3A_11], %concatenate3A {strides = array<i32>} : memref<2968x128xf32, #tpu.memory_space<vmem>>, vector<2968x128xf32>,
    return
  }
  func.func @transform_0(%arg0: i32) -> (i32, i32) {
    %c0_i32 = arith.constant 0 : i32
    %c0_i32_0 = arith.constant 0 : i32
    return %arg0, %c0_i32 : i32, i32
  }
  func.func @transform_1(%arg0: i32) -> (i32, i32) {
    %c0_i32 = arith.constant 0 : i32
    %c0_i32_0 = arith.constant 0 : i32
    return %arg0, %c0_i32 : i32, i32
  }
  func.func @transform_2(%arg0: i32) -> (i32, i32) {
    %c0_i32 = arith.constant 0 : i32
    %c0_i32_0 = arith.constant 0 : i32
    return %arg0, %c0_i32 : i32, i32
  }
  func.func @transform_3(%arg0: i32) -> (i32, i32) {
    %c0_i32 = arith.constant 0 : i32
    %c0_i32_0 = arith.constant 0 : i32
    return %arg0, %c0_i32 : i32, i32
  }
  func.func @transform_4(%arg0: i32) -> (i32, i32) {
    %c0_i32 = arith.constant 0 : i32
    %c0_i32_0 = arith.constant 0 : i32
    return %arg0, %c0_i32 : i32, i32
  }
}

module attributes {stable_mosaic.version = 14 : i64} {
  func.func @_matmul_body(%arg0: i32, %arg1: memref<680x256xf32, #tpu.memory_space<vmem>>, %arg2: memref<256x256xbf16, #tpu.memory_space<vmem>>, %arg3: memref<1x256xf32, #tpu.memory_space<vmem>>, %arg4: memref<680x256xf32, #tpu.memory_space<vmem>>) attributes {dimension_semantics = [#tpu.dimension_semantics<arbitrary>], iteration_bounds = array<i64: 16>, scalar_prefetch = 0 : i64, scratch_operands = 0 : i64, tpu.core_type = #tpu.core_type<tc>, window_params = [{transform_indices = @transform_0, window_bounds = array<i64: 680, 256>}, {pipeline_mode = #tpu.pipeline_mode<synchronous>, transform_indices = @transform_1, window_bounds = array<i64: 256, 256>}, {pipeline_mode = #tpu.pipeline_mode<synchronous>, transform_indices = @transform_2, window_bounds = array<i64: 1, 256>}, {transform_indices = @transform_3, window_bounds = array<i64: 680, 256>}]} {
    %get3A = arith.constant 0 : index
    %get3A_0 = arith.constant 0 : index
    %get3A_1 = vector.load %arg1[%get3A, %get3A_0] : memref<680x256xf32, #tpu.memory_space<vmem>>, vector<680x256xf32>
    %convert_element_type3A = arith.truncf %get3A_1 : vector<680x256xf32> to vector<680x256xbf16>
    %get3A_2 = arith.constant 0 : index
    %get3A_3 = arith.constant 0 : index
    %get3A_4 = vector.load %arg2[%get3A_2, %get3A_3] : memref<256x256xbf16, #tpu.memory_space<vmem>>, vector<256x256xbf16>
    %dot_general3A = arith.constant dense<0.000000e+00> : vector<680x256xf32>
    %dot_general3A_5 = tpu.matmul %convert_element_type3A, %get3A_4, %dot_general3A {dimension_numbers = #tpu.dot_dimension_numbers<[1], [0], [0], [1], [0, 0, 1, 1], [], []>, transpose_lhs_hint = false} : vector<680x256xbf16>, vector<256x256xbf16>, vector<680x256xf32> -> vector<680x256xf32>
    %get3A_6 = arith.constant 0 : index
    %get3A_7 = arith.constant 0 : index
    %get3A_8 = vector.load %arg3[%get3A_6, %get3A_7] : memref<1x256xf32, #tpu.memory_space<vmem>>, vector<1x256xf32>
    %add3A = vector.broadcast %get3A_8 : vector<1x256xf32> to vector<680x256xf32>
    %add3A_9 = arith.addf %dot_general3A_5, %add3A : vector<680x256xf32>
    %swap3A = arith.constant 0 : index
    %swap3A_10 = arith.constant 0 : index
    %swap3A_11 = vector.load %arg4[%swap3A, %swap3A_10] : memref<680x256xf32, #tpu.memory_space<vmem>>, vector<680x256xf32>
    tpu.vector_store %arg4[%swap3A, %swap3A_10], %add3A_9 {strides = array<i32>} : memref<680x256xf32, #tpu.memory_space<vmem>>, vector<680x256xf32>,
    return
  }
  func.func @transform_0(%arg0: i32) -> (i32, i32) {
    %c0_i32 = arith.constant 0 : i32
    %c0_i32_0 = arith.constant 0 : i32
    return %arg0, %c0_i32 : i32, i32
  }
  func.func @transform_1(%arg0: i32) -> (i32, i32) {
    %c0_i32 = arith.constant 0 : i32
    %c0_i32_0 = arith.constant 0 : i32
    %c0_i32_1 = arith.constant 0 : i32
    return %c0_i32, %c0_i32_0 : i32, i32
  }
  func.func @transform_2(%arg0: i32) -> (i32, i32) {
    %c0_i32 = arith.constant 0 : i32
    %c0_i32_0 = arith.constant 0 : i32
    %c0_i32_1 = arith.constant 0 : i32
    return %c0_i32, %c0_i32_0 : i32, i32
  }
  func.func @transform_3(%arg0: i32) -> (i32, i32) {
    %c0_i32 = arith.constant 0 : i32
    %c0_i32_0 = arith.constant 0 : i32
    return %arg0, %c0_i32 : i32, i32
  }
}

</mosaic_0001>

<sc_bundles>
// kernel: kernel.6.cloned.1.call-start
scs
__scs_entry_jumppad:
0x0: {  	(pc) =	sbr.rel $0x88, $3  }
0x1: {  	(tag) =	ssettag $0x0;
	lr =	simm.s32 $0x1  }
0x2: {  	[smem:$0x3F96] =	sst lr;
	_ =	strace $0xD0000000  }
0x3: {  	_ = 	snop  }
0x4: {  	_ = 	snop  }
0x5: {  	_ = 	snop  }
0x6: {  	_ = 	snop  }
0x7: {  	_ = 	snop  }
__scs_overlays_trampoline_lowered:
0x8: {  	[smem:$0x3FA5] =	sst s0  }
0x9: {  	[smem:$0x3FA6] =	sst s1  }
0xa: {  	[smem:$0x3FA7] =	sst s2  }
0xb: {  	[smem:$0x3FA8] =	sst s3  }
0xc: {  	[smem:$0x3FA9] =	sst s4  }
0xd: {  	[smem:$0x3FAA] =	sst s5  }
0xe: {  	[smem:$0x3FAB] =	sst s6  }
0xf: {  	[smem:$0x3FAC] =	sst s7  }
0x10: {  	[smem:$0x3FAD] =	sst s8  }
0x11: {  	[smem:$0x3FAE] =	sst s9;
	s0 =	simm.s32 @!p0 $0x0  }
0x12: {  	s1 =	sld [smem:$0x3F94];
	s0 =	simm.s32 @p0 $0x1  }
0x13: {  	[smem:$0x3FAF] =	sst s0;
	s0 =	simm.s32 @!p1 $0x0  }
0x14: {  	s2 =	sld [smem:$0x3F93];
	s0 =	simm.s32 @p1 $0x1  }
0x15: {  	[smem:$0x3FB0] =	sst s0;
	s0 =	simm.s32 @!p2 $0x0  }
0x16: {  	s3 =	sld [smem:$0x3FDB];
	s0 =	simm.s32 @p2 $0x1  }
0x17: {  	s4 =	simm.s32 $0x1BF5;
	[smem:$0x3FB2] =	sst s0  }
0x18: {  	s0 =	sld [smem:$0x3F95];
	_ =	swait.ge [sflag:s4], $0x0  }
0x19: {  	s7 =	sld [smem:$0x3F96]  }
0x1a: {  	s8 =	sadd.s32 $0xFFFFE003, lr  }
0x1b: {  	s9 =	sadd.s32 $0xFFFFFEF7, lr;
	s5 =	simm.s32 $0xFFFFFFFF;
	p2 =	slt.u32 s8, $0xFFFFF086  }
0x1c: {  	p1 =	slt.u32 s9, $0xF7A;
	s5 =	simm.s32 @!p2 $0x0  }
0x1d: {  	s5 =	simm.s32 @p1 $0x1;
	p0 =	seq.s32 s7, s2  }
0x1e: {  	s7 =	smul.u32 @!p0 $0xF7A, s2;
	p2 =	seq.s32 @!p0 s5, $0x0  }
0x1f: {  	s9 =	smul.u32 $0xF7A, s1;
	s8 =	simm.s32 @!p0 $0x1BF5;
	p2 =	por !p2, p0  }
0x20: {  	[sflag:s8] =	ssyncset.s32 @!p0 $0xFFFFF086;
	s6 =	sadd.s32 @!p0 s3, s7;
	s7 =	simm.s32 @!p0 $0x108  }
0x21: {  	s3 =	sadd.s32 s3, s9;
	s6 =	sadd.s32 @!p0 $0x88, s6;
	s7 =	simm.s32 @p2 $0x1082  }
0x22: {  	[simem:s7], [sflag:s8] =	dma.local @!p0 [hbm:s6], $0xF7A  }
0x23: {  	s9 =	sor.u32 $0xD0000000, s2;
	s6 =	simm.s32 $0x108;
	_ =	swait.ge @!p0 [sflag:s8], $0x0  }
0x24: {  	s3 =	sadd.s32 $0x88, s3;
	s6 =	simm.s32 @!p1 $0x1082;
	[sflag:s4] =	ssyncset.s32 $0xFFFFF086  }
0x25: {  	[simem:s6], [sflag:s4] =	dma.local [hbm:s3], $0xF7A  }
0x26: {  	[smem:$0x3F96] =	sst s1;
	(tag) =	ssettag s2;
	_ =	strace s9  }
0x27: {  	s1 =	sld [smem:$0x3FA6]  }
0x28: {  	s2 =	sld [smem:$0x3FA7]  }
0x29: {  	s4 =	sld [smem:$0x3FA9]  }
0x2a: {  	p0 =	seq.s32 s5, $0x0;
	s5 =	sld [smem:$0x3FAA]  }
0x2b: {  	s6 =	sld [smem:$0x3FAB]  }
0x2c: {  	s7 =	sld [smem:$0x3FAC]  }
0x2d: {  	s3 =	simm.s32 $0x108;
	s8 =	sld [smem:$0x3FAD]  }
0x2e: {  	s3 =	simm.s32 @!p0 $0x1082;
	s9 =	sld [smem:$0x3FAE]  }
0x2f: {  	lr =	sadd.s32 s0, s3;
	s0 =	sld [smem:$0x3FA5]  }
0x30: {  	s3 =	sld [smem:$0x3FA8]  }
0x31: {  	[smem:$0x3FB1] =	sst s10  }
0x32: {  	s10 =	sld [smem:$0x3FAF];
	_ =	sdelay $0x3  }
0x33: {  	p0 =	seq.s32 s10, $0x1;
	s10 =	sld [smem:$0x3FB1];
	_ =	sdelay $0x3  }
0x34: {  	[smem:$0x3FB1] =	sst s10  }
0x35: {  	s10 =	sld [smem:$0x3FB0];
	_ =	sdelay $0x3  }
0x36: {  	p1 =	seq.s32 s10, $0x1;
	s10 =	sld [smem:$0x3FB1];
	_ =	sdelay $0x3  }
0x37: {  	[smem:$0x3FB1] =	sst s10  }
0x38: {  	s10 =	sld [smem:$0x3FB2]  }
0x39: {  	_ = 	snop;
	(pc) =	sbr.ind lr, $3  }
0x3a: {  	_ = 	snop  }
0x3b: {  	_ = 	snop  }
0x3c: {  	p2 =	seq.s32 s10, $0x1;
	s10 =	sld [smem:$0x3FB1]  }
0x3d: {  	_ =	shalt  }
0x3e: {  	_ =	shalt  }
0x3f: {  	_ =	shalt  }
0x40: {  	_ =	shalt  }
0x41: {  	_ =	shalt  }
0x42: {  	_ =	shalt  }
0x43: {  	_ =	shalt  }
0x44: {  	_ =	shalt  }
0x45: {  	_ =	shalt  }
0x46: {  	_ =	shalt  }
0x47: {  	_ =	shalt  }
0x48: {  	_ =	shalt  }
0x49: {  	_ =	shalt  }
0x4a: {  	_ =	shalt  }
0x4b: {  	_ =	shalt  }
0x4c: {  	_ =	shalt  }
0x4d: {  	_ =	shalt  }
0x4e: {  	_ =	shalt  }
0x4f: {  	_ =	shalt  }
0x50: {  	_ =	shalt  }
0x51: {  	_ =	shalt  }
0x52: {  	_ =	shalt  }
0x53: {  	_ =	shalt  }
0x54: {  	_ =	shalt  }
0x55: {  	_ =	shalt  }
0x56: {  	_ =	shalt  }
0x57: {  	_ =	shalt  }
0x58: {  	_ =	shalt  }
0x59: {  	_ =	shalt  }
0x5a: {  	_ =	shalt  }
0x5b: {  	_ =	shalt  }
0x5c: {  	_ =	shalt  }
0x5d: {  	_ =	shalt  }
0x5e: {  	_ =	shalt  }
0x5f: {  	_ =	shalt  }
0x60: {  	_ =	shalt  }
0x61: {  	_ =	shalt  }
0x62: {  	_ =	shalt  }
0x63: {  	_ =	shalt  }
0x64: {  	_ =	shalt  }
0x65: {  	_ =	shalt  }
0x66: {  	_ =	shalt  }
0x67: {  	_ =	shalt  }
0x68: {  	_ =	shalt  }
0x69: {  	_ =	shalt  }
0x6a: {  	_ =	shalt  }
0x6b: {  	_ =	shalt  }
0x6c: {  	_ =	shalt  }
0x6d: {  	_ =	shalt  }
0x6e: {  	_ =	shalt  }
0x6f: {  	_ =	shalt  }
0x70: {  	_ =	shalt  }
0x71: {  	_ =	shalt  }
0x72: {  	_ =	shalt  }
0x73: {  	_ =	shalt  }
0x74: {  	_ =	shalt  }
0x75: {  	_ =	shalt  }
0x76: {  	_ =	shalt  }
0x77: {  	_ =	shalt  }
0x78: {  	_ =	shalt  }
0x79: {  	_ =	shalt  }
0x7a: {  	_ =	shalt  }
0x7b: {  	_ =	shalt  }
0x7c: {  	_ =	shalt  }
0x7d: {  	_ =	shalt  }
0x7e: {  	_ =	shalt  }
0x7f: {  	_ =	shalt  }
0x80: {  	_ =	shalt  }
0x81: {  	_ =	shalt  }
0x82: {  	_ =	shalt  }
0x83: {  	_ =	shalt  }
0x84: {  	_ =	shalt  }
0x85: {  	_ =	shalt  }
0x86: {  	_ =	shalt  }
0x87: {  	_ =	shalt  }
.Lfunc_end0:
.L_simem_size_0:
called_computation_lowered:
.L_overlay_start_0:
0x88: {  	s2 =	sld [smem:$0x3FD9]  }
0x89: {  	s3 =	sld [smem:$0x3FFE];
	_ =	sdelay $0x1  }
0x8a: {  	s1 =	srdreg.scid  }
0x8b: {  	s0 =	sand.u32 $0x1, s1  }
0x8c: {  	s17 =	sshll.u32 s0, $0xA;
	s2 =	sadd.s32 s3, s2  }
0x8d: {  	s2 =	sadd.s32 s2, s17  }
0x8e: {  	[smem:$0x3FBD] =	sst s2  }
0x8f: {  	_ = 	snop  }
0x90: {  	s2 =	sld [smem:$0x3FD0];
	(tm) =	ssettm $0x1  }
0x91: {  	s18 =	sld [smem:$0x3FFB];
	_ =	sdelay $0x3  }
0x92: {  	_ =	strace s18  }
0x93: {  	s3 =	sld [smem:$0x3FFC];
	_ =	sdelay $0x3  }
0x94: {  	_ =	strace s3  }
0x95: {  	s3 =	sld [smem:$0x3FFD];
	_ =	sdelay $0x3  }
0x96: {  	_ =	strace s3  }
0x97: {  	_ =	strace $0x8FFFFFFF  }
0x98: {  	s19 =	sld [smem:$0x3FDB];
	_ =	sdelay $0x1  }
0x99: {  	s4 =	simm.s32 $_scs_section_size  }
0x9a: {  	s5 =	simm.s32 $_size__tile_overlayer_lowered;
	s6 =	simm.s32 $_tile_overlayer_lowered  }
0x9b: {  	s22 =	simm.s32 $0x1BFF;
	s21 =	sshll.u32 s6, $0x1;
	s3 =	sadd.s32 s4, s19  }
0x9c: {  	s7 =	simm.s32 $0x0;
	s20 =	sshll.u32 s5, $0x1;
	s5 =	sadd.s32 s21, s3  }
0x9d: {  	[timem:s7], [sflag:s22] =	dma.local [hbm:s5], s20  }
0x9e: {  	_ =	swait.ge [sflag:s22], s20  }
0x9f: {  	s4 =	ssub.s32 $0x0, s20;
	[sflag:s22] =	ssyncset.done $0x0  }
0xa0: {  	[sflag:s22] =	ssyncadd.s32 s4;
	_ =	sdelay $0x1  }
0xa1: {  	s23 =	simm.s32 $0x1B8B  }
0xa2: {  	_ =	swait.ge [sflag:s23], $0x1  }
0xa3: {  	[sflag:s23] =	ssyncset.done $0x0  }
0xa4: {  	s25 =	simm.s32 $0x1B8E;
	s24 =	sld [smem:$0x3FFE];
	[sflag:s23] =	ssyncadd.s32 $0xFFFFFFFF  }
0xa5: {  	s26 =	simm.s32 $execute0_lowered;
	[smem:$0x3FD2] =	sst s25  }
0xa6: {  	s5 =	sshll.u32 s26, $0x1;
	_ =	strace $0x80000046;
	[dreg:$0x1] =	wrdreg $0xFFFFFFFF  }
0xa7: {  	s28 =	simm.s32 $_size_execute0_lowered;
	s3 =	sadd.s32 s3, s5;
	[dreg:$0x0] =	wrdreg $0x0  }
0xa8: {  	s5 =	sshll.u32 s28, $0x1;
	[dreg:$0x2] =	wrdreg s3  }
0xa9: {  	[dreg:$0x3] =	wrdreg s5  }
0xaa: {  	[dreg:$0x4] =	wrdreg $0xC0  }
0xab: {  	_ =	task [dreg:s7], $0x5FFFF  }
0xac: {  	[dreg:$0x1] =	wrdreg $0xFFFFFFFF  }
0xad: {  	[dreg:$0x0] =	wrdreg $0x60  }
0xae: {  	[dreg:$0x2] =	wrdreg s24  }
0xaf: {  	[dreg:$0x3] =	wrdreg s2  }
0xb0: {  	[dreg:$0x4] =	wrdreg $0x9  }
0xb1: {  	_ =	task.clear_ibuf [dreg:s7], $0x5FFFF;
	_ =	strace $0x90000046  }
0xb2: {  	s29 =	simm.s32 $0x9;
	_ =	strace $0x80000048  }
0xb3: {  	_ =	swait.ge [sflag:s29], $0x1  }
0xb4: {  	[sflag:s29] =	ssyncadd.s32 $0xFFFFFFFF  }
0xb5: {  	_ =	strace $0x90000048  }
0xb6: {  	_ =	sfence  }
0xb7: {  	s30 =	sld [smem:$0x0];
	_ =	sdelay $0x2  }
0xb8: {  	s31 =	sshll.u32 s1, $0xD;
	s1 =	sshrl.u32 s1, $0x2  }
0xb9: {  	s3 =	sand.u32 $0x4000, s31;
	s1 =	sadd.s32 s1, s30  }
0xba: {  	s0 =	sor.u32 s3, s0;
	s1 =	sshll.u32 s1, $0x11  }
0xbb: {  	s0 =	sor.u32 s1, s0  }
0xbc: {  	s0 =	sadd.s32 $0x8F2B, s0  }
0xbd: {  	[sflag:s0] =	ssyncadd.remote.s32 $0x1  }
0xbe: {  	_ =	sfence.sel $0xFFFF  }
0xbf: {  	[dreg:$0x0] =	wrdreg $0xFFFFFFFF;
	(pc) =	sbr.abs _section_cstart, $3  }
0xc0: {  	[dreg:$0x1] =	wrdreg $0xFFFFFFFF  }
0xc1: {  	_ =	task.clear_ibuf [dreg:s7], $0x2FFFF;
	_ =	strace $0x9FFFFFFF  }
0xc2: {  	(tm) =	ssettm $0x7FFFFFFF  }
0xc3: {  	_ =	shalt  }
tec
execute0_lowered:
.L_overlay_start_1:
0x0: {  	(tag) =	ssettag $0x1  }
0x1: {  	s0 =	rddreg [dreg:$0x0]  }
0x2: {  	s2 =	rddreg [dreg:$0x1]  }
0x3: {  	s1 =	srdreg.scid;
	s3 =	stileid.u32  }
0x4: {  	s4 =	simm.s32 $0x0;
	s28 =	simm.s32 $0x500;
	s30 =	simm.s32 $0x3  }
0x5: {  	s11 =	simm.s32 $0x7;
	s1 =	sand.u32 $0x1, s1;
	s3 =	sshll.u32 s3, $0x1  }
0x6: {  	s12 =	simm.s32 $0x8;
	[smem:$0x7FF] =	sst s4;
	s3 =	sor.u32 s1, s3  }
0x7: {  	s4 =	sadd.s32 $0x7A2A00, s0;
	s6 =	sadd.s32 $0x5A200, s0;
	s8 =	smul.u32 $0x154, s3  }
0x8: {  	s7 =	sadd.s32 $0x5200, s0;
	s1 =	ssub.s32 $0x2, s1;
	s5 =	smul.u32 $0x15400, s3  }
0x9: {  	_ =	strace $0x80000047;
	s9 =	sshrl.u32 s1, $0x1;
	s3 =	smul.u32 $0x1540, s3  }
0xa: {  	s15 =	ssub.s32 s1, s9;
	s9 =	simm.s32 $0x4;
	s20 =	sshrl.u32 s5, $0x3  }
0xb: {  	s3 =	sadd.s32 s6, s3;
	s21 =	sor.u32 $0x1, s8;
	s23 =	sor.u32 $0x2, s8  }
0xc: {  	s26 =	sor.u32 $0x3, s8;
	s16 =	sadd.s32 $0x4, s8;
	s17 =	sadd.s32 $0x5, s8  }
0xd: {  	s18 =	sadd.s32 $0x6, s8;
	s19 =	sadd.s32 $0x7, s8;
	s0 =	smax.u32 s15, $0x1  }
0xe: {  	s8 =	simm.s32 $0x6;
	[dreg:$0x3] =	wrdreg s3;
	s1 =	sadd.s32 s2, s20  }
0xf: {  	s22 =	sshll.u32 s21, $0x4;
	s24 =	sshll.u32 s23, $0x4;
	s25 =	sshll.u32 s23, $0x5  }
0x10: {  	s29 =	sshll.u32 s26, $0x4;
	[dreg:$0xb] =	wrdreg s0;
	s23 =	simm.s32 $0x300  }
0x11: {  	[dreg:$0x4] =	wrdreg s1;
	s1 =	sshll.u32 s21, $0x5;
	s3 =	sadd.s32 s6, s22  }
0x12: {  	s21 =	simm.s32 $0x200;
	[dreg:$0x5] =	wrdreg s3;
	s1 =	sadd.s32 s2, s1  }
0x13: {  	s3 =	sshll.u32 s26, $0x5;
	[dreg:$0x6] =	wrdreg s1;
	s1 =	sadd.s32 s6, s24  }
0x14: {  	s22 =	simm.s32 $0x80;
	s31 =	sadd.s32 s2, s3;
	[dreg:$0x7] =	wrdreg s1  }
0x15: {  	s26 =	simm.s32 $0x180;
	s1 =	sadd.s32 s2, s25;
	[dreg:$0xa] =	wrdreg s31  }
0x16: {  	s3 =	simm.s32 $0x0;
	[dreg:$0x8] =	wrdreg s1;
	s1 =	sadd.s32 s6, s29  }
0x17: {  	s25 =	simm.s32 $0x400;
	[dreg:$0x9] =	wrdreg s1;
	s1 =	simm.s32 $0x5  }
.LBB2_1:
0x18: {  	[dreg:$0xc] =	wrdreg s3  }
0x19: {  	s0 =	simm.s32 $0x0;
	s15 =	rddreg [dreg:$0x3]  }
0x1a: {  	[tilespmem:s0], [sflag:$0x1] =	stream.linear.gather [hbm4b:s15+s0], $0x80, $0x38;
	[tilespmem:$0x11A00] =	vst v63  }
0x1b: {  	s20 =	rddreg [dreg:$0x4]  }
0x1c: {  	[tilespmem:s21], [sflag:$0x1] =	stream.linear.gather [hbm4b:s20+s0], $0x100, $0x38;
	[tilespmem:$0x11A00] =	vst v63  }
0x1d: {  	s24 =	rddreg [dreg:$0x5]  }
0x1e: {  	[tilespmem:s22], [sflag:$0x2] =	stream.linear.gather [hbm4b:s24+s0], $0x80, $0x38;
	[tilespmem:$0x11A00] =	vst v63  }
0x1f: {  	s29 =	rddreg [dreg:$0x6]  }
0x20: {  	[tilespmem:s23], [sflag:$0x2] =	stream.linear.gather [hbm4b:s29+s0], $0x100, $0x38;
	[tilespmem:$0x11A00] =	vst v63  }
0x21: {  	s31 =	rddreg [dreg:$0x7];
	s10 =	simm.s32 $0x100  }
0x22: {  	[tilespmem:s10], [sflag:$0x3] =	stream.linear.gather [hbm4b:s31+s0], $0x80, $0x38;
	[tilespmem:$0x11A00] =	vst v63  }
0x23: {  	s13 =	rddreg [dreg:$0x8]  }
0x24: {  	[tilespmem:s25], [sflag:$0x3] =	stream.linear.gather [hbm4b:s13+s0], $0x100, $0x38;
	[tilespmem:$0x11A00] =	vst v63  }
0x25: {  	s14 =	rddreg [dreg:$0x9]  }
0x26: {  	[tilespmem:s26], [sflag:$0x4] =	stream.linear.gather [hbm4b:s14+s0], $0x80, $0x38;
	[tilespmem:$0x11A00] =	vst v63  }
0x27: {  	s15 =	rddreg [dreg:$0xa];
	s20 =	simm.s32 $0x1  }
0x28: {  	[tilespmem:s28], [sflag:$0x4] =	stream.linear.gather [hbm4b:s15+s0], $0x100, $0x38;
	[tilespmem:$0x11A00] =	vst v63  }
0x29: {  	_ =	swait.ge [sflag:s20], $0x80  }
0x2a: {  	[sflag:s20] =	ssyncset.done $0x0  }
0x2b: {  	[sflag:s20] =	ssyncadd.s32 $0xFFFFFF80  }
0x2c: {  	_ =	swait.ge [sflag:s20], $0x100  }
0x2d: {  	[sflag:s20] =	ssyncset.done $0x0  }
0x2e: {  	s24 =	simm.s32 $0x600;
	s29 =	simm.s32 $0x2;
	[sflag:s20] =	ssyncadd.s32 $0xFFFFFF00  }
0x2f: {  	[tilespmem:s24], [sflag:$0x5] =	stream.indirect.gather [hbm4b:s4+s22], $0x80, s0, s22, $0xb8;
	[tilespmem:$0x11A00] =	vst v63  }
0x30: {  	_ =	swait.ge [sflag:s29], $0x80  }
0x31: {  	[sflag:s29] =	ssyncset.done $0x0  }
0x32: {  	[sflag:s29] =	ssyncadd.s32 $0xFFFFFF80  }
0x33: {  	_ =	swait.ge [sflag:s29], $0x100  }
0x34: {  	[sflag:s29] =	ssyncset.done $0x0  }
0x35: {  	s31 =	simm.s32 $0x4600;
	s14 =	simm.s32 $0x0;
	[sflag:s29] =	ssyncadd.s32 $0xFFFFFF00  }
0x36: {  	[tilespmem:s31], [sflag:$0x6] =	stream.indirect.gather [hbm4b:s4+s22], $0x80, s22, s22, $0xb8;
	[tilespmem:$0x11A00] =	vst v63  }
.LBB2_2:
0x37: {  	s0 =	smul.u32 $0xCD, s14;
	_ =	sdelay $0x1  }
0x38: {  	s0 =	sshrl.u32 s0, $0xA  }
0x39: {  	s15 =	sand.u32 $0x3F, s0  }
0x3a: {  	s0 =	smul.u32 $0xFFFFFFFB, s15;
	_ =	sdelay $0x1  }
0x3b: {  	s20 =	sadd.s32 s14, s0  }
0x3c: {  	_ =	swait.ge [sflag:s1], $0x4000;
	s31 =	simm.s32 $0xF;
	s0 =	sshll.u32 s20, $0xC  }
0x3d: {  	s3 =	simm.s32 $0x0;
	[sflag:s1] =	ssyncset.done $0x0;
	s0 =	sshra.s32 s0, $0x2  }
0x3e: {  	s13 =	simm.s32 $0xA00;
	[sflag:s1] =	ssyncadd.s32 $0xFFFFC000;
	s29 =	sadd.s32 $0x10600, s0  }
.LBB2_3:
0x3f: {  	v2 =	vld [tilespmem:s13+$0xFFFFFC00]  }
0x40: {  	v3 =	vld [tilespmem:s13+$0xFFFFFC20]  }
0x41: {  	v4 =	vld [tilespmem:s13+$0xFFFFFC40]  }
0x42: {  	v5 =	vld [tilespmem:s13+$0xFFFFFC60]  }
0x43: {  	v7 =	vld [tilespmem:s13+$0xFFFFFC10]  }
0x44: {  	v9 =	vld [tilespmem:s13+$0xFFFFFC30]  }
0x45: {  	v10 =	vld [tilespmem:s13+$0xFFFFFC50]  }
0x46: {  	v11 =	vld [tilespmem:s13+$0xFFFFFC70]  }
0x47: {  	v12 =	vld [tilespmem:s13+$0xFFFFFC80]  }
0x48: {  	v13 =	vld [tilespmem:s13+$0xFFFFFCA0]  }
0x49: {  	v14 =	vld [tilespmem:s13+$0xFFFFFCC0]  }
0x4a: {  	v15 =	vld [tilespmem:s13+$0xFFFFFCE0]  }
0x4b: {  	v17 =	vld [tilespmem:s13+$0xFFFFFC90]  }
0x4c: {  	v19 =	vld [tilespmem:s13+$0xFFFFFCB0]  }
0x4d: {  	v20 =	vld [tilespmem:s13+$0xFFFFFCD0]  }
0x4e: {  	v21 =	vld [tilespmem:s13+$0xFFFFFCF0]  }
0x4f: {  	v22 =	vld [tilespmem:s13+$0xFFFFFD00]  }
0x50: {  	v23 =	vld [tilespmem:s13+$0xFFFFFD20]  }
0x51: {  	v24 =	vld [tilespmem:s13+$0xFFFFFD40]  }
0x52: {  	v25 =	vld [tilespmem:s13+$0xFFFFFD60]  }
0x53: {  	v27 =	vld [tilespmem:s13+$0xFFFFFD10]  }
0x54: {  	v30 =	vld [tilespmem:s13+$0xFFFFFD30]  }
0x55: {  	v31 =	vld [tilespmem:s13+$0xFFFFFD50]  }
0x56: {  	v53 =	vld [tilespmem:s13+$0xFFFFFD70]  }
0x57: {  	v58 =	vld [tilespmem:s13+$0xFFFFFD90]  }
0x58: {  	s0 =	sadd.s32 $0xFFFFFFF1, s31;
	v34 =	vld [tilespmem:s13+$0xFFFFFE20]  }
0x59: {  	v39 =	vld [tilespmem:s13+$0xFFFFFE10];
	v0 =	vmov s0  }
0x5a: {  	s24 =	sadd.s32 $0xFFFFFFF2, s31;
	v42 =	vld [tilespmem:s13+$0xFFFFFE30]  }
0x5b: {  	s10 =	sadd.s32 $0xFFFFFFF3, s31;
	v44 =	vld [tilespmem:s13+$0xFFFFFE50];
	v6 =	vmov s24  }
0x5c: {  	v46 =	vld [tilespmem:s13+$0xFFFFFE70];
	v16 =	vmov s10  }
0x5d: {  	v50 =	vld [tilespmem:s13+$0xFFFFFE80];
	v1 =	vor.u32 $0x80, v0  }
0x5e: {  	v8 =	vor.u32 $0x80, v6;
	v0 =	vld.idx.msk [tilespmem:v0+s21+$0x0], $0xffff  }
0x5f: {  	v52 =	vld [tilespmem:s13+$0xFFFFFEA0];
	s24 =	sadd.s32 $0xFFFFFFF4, s31;
	v18 =	vor.u32 $0x80, v16  }
0x60: {  	s10 =	sadd.s32 $0xFFFFFFF5, s31;
	v26 =	vmov s24;
	v6 =	vld.idx.msk [tilespmem:v6+s21+$0x0], $0xffff  }
0x61: {  	v56 =	vmov s10;
	v16 =	vld.idx.msk [tilespmem:v16+s21+$0x0], $0xffff  }
0x62: {  	v1 =	vld.idx.msk [tilespmem:v1+s21+$0x0], $0xffff  }
0x63: {  	s24 =	sadd.s32 $0xFFFFFFF6, s31;
	v28 =	vor.u32 $0x80, v26;
	v8 =	vld.idx.msk [tilespmem:v8+s21+$0x0], $0xffff;
	v29 =	vunpack.i.l.bf16.f32 v0  }
0x64: {  	v33 =	vor.u32 $0x80, v56;
	v37 =	vmov s24;
	v18 =	vld.idx.msk [tilespmem:v18+s21+$0x0], $0xffff;
	v2 =	vmul.f32 v2, v29  }
0x65: {  	v26 =	vld.idx.msk [tilespmem:v26+s21+$0x0], $0xffff;
	v0 =	vunpack.i.u.bf16.f32 v0;
	v57 =	vunpack.i.l.bf16.f32 v6;
	v7 =	vmul.f32 v7, v29  }
0x66: {  	v60 =	vunpack.i.u.bf16.f32 v6;
	v6 =	vld.idx.msk [tilespmem:v56+s21+$0x0], $0xffff;
	v3 =	vmul.f32 v3, v0;
	v2 =	vadd.f32 $0.0e+00, v2  }
0x67: {  	v56 =	vld [tilespmem:s13+$0xFFFFFE90];
	v32 =	vunpack.i.l.bf16.f32 v1;
	v0 =	vmul.f32 v9, v0;
	v7 =	vadd.f32 $0.0e+00, v7  }
0x68: {  	v9 =	vld.idx.msk [tilespmem:v28+s21+$0x0], $0xffff;
	v1 =	vunpack.i.u.bf16.f32 v1;
	v54 =	vmul.f32 v4, v32;
	v2 =	vadd.f32 v3, v2  }
0x69: {  	v59 =	vmul.f32 v12, v57;
	v12 =	vld [tilespmem:s13+$0xFFFFFDB0];
	v55 =	vmul.f32 v10, v32;
	v0 =	vadd.f32 v0, v7  }
0x6a: {  	v62 =	vmul.f32 v13, v60;
	v13 =	vld [tilespmem:s13+$0xFFFFFDF0];
	v5 =	vmul.f32 v5, v1;
	v2 =	vadd.f32 v54, v2  }
0x6b: {  	v61 =	vmul.f32 v17, v57;
	v17 =	vld [tilespmem:s13+$0xFFFFFF60];
	v1 =	vmul.f32 v11, v1;
	v0 =	vadd.f32 v55, v0  }
0x6c: {  	v4 =	vld [tilespmem:s13+$0xFFFFFD80];
	v2 =	vadd.f32 v5, v2  }
0x6d: {  	v63 =	vunpack.i.l.bf16.f32 v8;
	v10 =	vld [tilespmem:s13+$0xFFFFFDA0];
	v0 =	vadd.f32 v1, v0  }
0x6e: {  	v8 =	vunpack.i.u.bf16.f32 v8;
	v11 =	vld [tilespmem:s13+$0xFFFFFDD0];
	v14 =	vmul.f32 v14, v63;
	v2 =	vadd.f32 v59, v2  }
0x6f: {  	v28 =	vmul.f32 v20, v63;
	v20 =	vld [tilespmem:s13+$0xFFFFFE60];
	v1 =	vmul.f32 v19, v60;
	v0 =	vadd.f32 v61, v0  }
0x70: {  	v35 =	vmul.f32 v15, v8;
	v8 =	vmul.f32 v21, v8;
	v21 =	vld.idx.msk [tilespmem:v37+s21+$0x0], $0xffff;
	v2 =	vadd.f32 v62, v2  }
0x71: {  	v36 =	vunpack.i.l.bf16.f32 v16;
	v63 =	vld [tilespmem:s13+$0xFFFFFF00];
	v0 =	vadd.f32 v1, v0  }
0x72: {  	v45 =	vunpack.i.l.bf16.f32 v18;
	v18 =	vunpack.i.u.bf16.f32 v18;
	v32 =	vld [tilespmem:s13+$0xFFFFFF40];
	v2 =	vadd.f32 v14, v2  }
0x73: {  	v49 =	vmul.f32 v25, v18;
	v51 =	vmul.f32 v53, v18;
	v18 =	vld [tilespmem:s13+$0x300];
	v0 =	vadd.f32 v28, v0  }
0x74: {  	v38 =	vmul.f32 v22, v36;
	v3 =	vld [tilespmem:s13+$0xFFFFFDC0];
	v2 =	vadd.f32 v35, v2  }
0x75: {  	v41 =	vunpack.i.u.bf16.f32 v16;
	v15 =	vmul.f32 v27, v36;
	v7 =	vld [tilespmem:s13+$0xFFFFFDE0];
	v0 =	vadd.f32 v8, v0  }
0x76: {  	v40 =	vor.u32 $0x80, v37;
	v43 =	vmul.f32 v23, v41;
	v54 =	vld [tilespmem:s13+$0xFFFFFEC0];
	v2 =	vadd.f32 v38, v2  }
0x77: {  	v47 =	vmul.f32 v24, v45;
	v5 =	vld.idx.msk [tilespmem:v33+s21+$0x0], $0xffff;
	v8 =	vmul.f32 v30, v41;
	v0 =	vadd.f32 v15, v0  }
0x78: {  	v48 =	vmul.f32 v31, v45;
	v33 =	vld [tilespmem:s13+$0xFFFFFE00];
	v60 =	vunpack.i.l.bf16.f32 v9;
	v2 =	vadd.f32 v43, v2  }
0x79: {  	v3 =	vmul.f32 v3, v60;
	v11 =	vmul.f32 v11, v60;
	v60 =	vld [tilespmem:s13+$0xFFFFFFD0];
	v0 =	vadd.f32 v8, v0  }
0x7a: {  	v53 =	vunpack.i.l.bf16.f32 v26;
	v26 =	vunpack.i.u.bf16.f32 v26;
	v59 =	vld [tilespmem:s13+$0xFFFFFEB0];
	v2 =	vadd.f32 v47, v2  }
0x7b: {  	v12 =	vmul.f32 v12, v26;
	v9 =	vunpack.i.u.bf16.f32 v9;
	v61 =	vld [tilespmem:s13+$0xFFFFFED0];
	v0 =	vadd.f32 v48, v0  }
0x7c: {  	v4 =	vmul.f32 v4, v53;
	v7 =	vmul.f32 v7, v9;
	v1 =	vld [tilespmem:s13+$0xFFFFFE40];
	v2 =	vadd.f32 v49, v2  }
0x7d: {  	v9 =	vmul.f32 v13, v9;
	v62 =	vld [tilespmem:s13+$0xFFFFFEF0];
	v14 =	vmul.f32 v58, v53;
	v0 =	vadd.f32 v51, v0  }
0x7e: {  	v37 =	vunpack.i.l.bf16.f32 v5;
	v58 =	vmul.f32 v10, v26;
	v28 =	vld [tilespmem:s13+$0x0];
	v2 =	vadd.f32 v4, v2  }
0x7f: {  	v5 =	vunpack.i.u.bf16.f32 v5;
	v30 =	vunpack.i.l.bf16.f32 v6;
	v35 =	vld [tilespmem:s13+$0xFFFFFF10];
	v0 =	vadd.f32 v14, v0  }
0x80: {  	v6 =	vunpack.i.u.bf16.f32 v6;
	v41 =	vld [tilespmem:s13+$0xFFFFFF70];
	v13 =	vmul.f32 v39, v30;
	v2 =	vadd.f32 v58, v2  }
0x81: {  	v34 =	vmul.f32 v34, v6;
	v6 =	vmul.f32 v42, v6;
	v39 =	vld [tilespmem:s13+$0xFFFFFF50];
	v0 =	vadd.f32 v12, v0  }
0x82: {  	s24 =	sadd.s32 $0xFFFFFFF8, s31;
	v42 =	vmul.f32 v20, v5;
	v5 =	vmul.f32 v46, v5;
	v46 =	vld [tilespmem:s13+$0xFFFFFF80];
	v2 =	vadd.f32 v3, v2  }
0x83: {  	v31 =	vmul.f32 v33, v30;
	v33 =	vmov s24;
	v30 =	vld [tilespmem:s13+$0x20];
	v0 =	vadd.f32 v11, v0  }
0x84: {  	v15 =	vld.idx.msk [tilespmem:v40+s21+$0x0], $0xffff;
	v2 =	vadd.f32 v7, v2  }
0x85: {  	v36 =	vor.u32 $0x80, v33;
	v38 =	vld [tilespmem:s13+$0xFFFFFF30];
	v0 =	vadd.f32 v9, v0  }
0x86: {  	s10 =	sadd.s32 $0xFFFFFFF7, s31;
	v1 =	vmul.f32 v1, v37;
	v40 =	vmul.f32 v44, v37;
	v37 =	vld [tilespmem:s13+$0x10];
	v2 =	vadd.f32 v31, v2  }
0x87: {  	v55 =	vmov s10;
	v8 =	vld [tilespmem:s13+$0xFFFFFEE0];
	v0 =	vadd.f32 v13, v0  }
0x88: {  	v43 =	vld.idx.msk [tilespmem:v33+s21+$0x0], $0xffff;
	v2 =	vadd.f32 v34, v2  }
0x89: {  	v57 =	vor.u32 $0x80, v55;
	v44 =	vunpack.i.l.bf16.f32 v21;
	v48 =	vld [tilespmem:s13+$0xFFFFFFA0];
	v0 =	vadd.f32 v6, v0  }
0x8a: {  	s10 =	sadd.s32 $0xFFFFFFF9, s31;
	v45 =	vmul.f32 v50, v44;
	v47 =	vunpack.i.u.bf16.f32 v21;
	v22 =	vld.idx.msk [tilespmem:v36+s21+$0x0], $0xffff;
	v1 =	vadd.f32 v1, v2  }
0x8b: {  	v50 =	vmul.f32 v52, v47;
	v52 =	vmov s10;
	v51 =	vld [tilespmem:s13+$0xFFFFFFC0];
	v0 =	vadd.f32 v40, v0  }
0x8c: {  	v49 =	vunpack.i.l.bf16.f32 v15;
	v12 =	vld.idx.msk [tilespmem:v55+s21+$0x0], $0xffff;
	v1 =	vadd.f32 v42, v1  }
0x8d: {  	v53 =	vmul.f32 v54, v49;
	v54 =	vld [tilespmem:s13+$0xFFFFFF90];
	v6 =	vmul.f32 v56, v44;
	v0 =	vadd.f32 v5, v0  }
0x8e: {  	v55 =	vor.u32 $0x80, v52;
	v3 =	vld.idx.msk [tilespmem:v57+s21+$0x0], $0xffff;
	v1 =	vadd.f32 v45, v1  }
0x8f: {  	v14 =	vld [tilespmem:s13+$0xFFFFFF20];
	v5 =	vmul.f32 v59, v47;
	v0 =	vadd.f32 v6, v0  }
0x90: {  	v10 =	vld.idx.msk [tilespmem:v52+s21+$0x0], $0xffff;
	v52 =	vunpack.i.u.bf16.f32 v22;
	v57 =	vmul.f32 v61, v49;
	v1 =	vadd.f32 v50, v1  }
0x91: {  	v58 =	vld [tilespmem:s13+$0xFFFFFFB0];
	v61 =	vunpack.i.l.bf16.f32 v12;
	v56 =	vunpack.i.u.bf16.f32 v15;
	v0 =	vadd.f32 v5, v0  }
0x92: {  	v49 =	vld [tilespmem:s13+$0x80];
	v26 =	vunpack.i.u.bf16.f32 v12;
	v59 =	vmul.f32 v8, v56;
	v1 =	vadd.f32 v53, v1  }
0x93: {  	v11 =	vld.idx.msk [tilespmem:v55+s21+$0x0], $0xffff;
	v29 =	vunpack.i.l.bf16.f32 v3;
	v4 =	vmul.f32 v62, v56;
	v0 =	vadd.f32 v57, v0  }
0x94: {  	s10 =	sadd.s32 $0xFFFFFFFB, s31;
	v63 =	vmul.f32 v63, v61;
	v31 =	vmul.f32 v32, v29;
	v32 =	vld [tilespmem:s13+$0x40];
	v1 =	vadd.f32 v59, v1  }
0x95: {  	v55 =	vmov s10;
	v34 =	vld [tilespmem:s13+$0x60];
	v5 =	vmul.f32 v35, v61;
	v0 =	vadd.f32 v4, v0  }
0x96: {  	v27 =	vmul.f32 v14, v26;
	v3 =	vunpack.i.u.bf16.f32 v3;
	v44 =	vld [tilespmem:s13+$0x70];
	v1 =	vadd.f32 v63, v1  }
0x97: {  	v33 =	vmul.f32 v39, v29;
	v29 =	vld [tilespmem:s13+$0x120];
	v4 =	vmul.f32 v38, v26;
	v0 =	vadd.f32 v5, v0  }
0x98: {  	v36 =	vmul.f32 v17, v3;
	v3 =	vmul.f32 v41, v3;
	v62 =	vld [tilespmem:s13+$0xFFFFFFF0];
	v1 =	vadd.f32 v27, v1  }
0x99: {  	v39 =	vunpack.i.l.bf16.f32 v43;
	v43 =	vunpack.i.u.bf16.f32 v43;
	v40 =	vld [tilespmem:s13+$0x30];
	v0 =	vadd.f32 v4, v0  }
0x9a: {  	v41 =	vmul.f32 v46, v39;
	v46 =	vunpack.i.l.bf16.f32 v22;
	v24 =	vld.idx.msk [tilespmem:v55+s21+$0x0], $0xffff;
	v1 =	vadd.f32 v31, v1  }
0x9b: {  	v25 =	vunpack.i.l.bf16.f32 v11;
	v11 =	vunpack.i.u.bf16.f32 v11;
	v42 =	vld [tilespmem:s13+$0x50];
	v0 =	vadd.f32 v33, v0  }
0x9c: {  	v56 =	vunpack.i.l.bf16.f32 v10;
	v6 =	vld [tilespmem:s13+$0xFFFFFFE0];
	v45 =	vmul.f32 v48, v43;
	v1 =	vadd.f32 v36, v1  }
0x9d: {  	s24 =	sadd.s32 $0xFFFFFFFA, s31;
	v48 =	vmul.f32 v51, v46;
	v51 =	vld [tilespmem:s13+$0xA0];
	v4 =	vmul.f32 v54, v39;
	v0 =	vadd.f32 v3, v0  }
0x9e: {  	v15 =	vmul.f32 v62, v52;
	v62 =	vld [tilespmem:s13+$0xD0];
	v35 =	vmov s24;
	v1 =	vadd.f32 v41, v1  }
0x9f: {  	v50 =	vmul.f32 v60, v46;
	v60 =	vld [tilespmem:s13+$0xB0];
	s24 =	sadd.s32 $0xFFFFFFFC, s31;
	v3 =	vmul.f32 v58, v43;
	v0 =	vadd.f32 v4, v0  }
0xa0: {  	v7 =	vmul.f32 v34, v11;
	v34 =	vmov s24;
	v53 =	vld [tilespmem:s13+$0xC0];
	v1 =	vadd.f32 v45, v1  }
0xa1: {  	v61 =	vmul.f32 v37, v56;
	v57 =	vld [tilespmem:s13+$0x90];
	v37 =	vor.u32 $0x80, v34;
	v0 =	vadd.f32 v3, v0  }
0xa2: {  	v6 =	vmul.f32 v6, v52;
	v59 =	vmul.f32 v28, v56;
	v28 =	vld [tilespmem:s13+$0x100];
	v1 =	vadd.f32 v48, v1  }
0xa3: {  	v14 =	vld.idx.msk [tilespmem:v35+s21+$0x0], $0xffff;
	v0 =	vadd.f32 v50, v0  }
0xa4: {  	v10 =	vunpack.i.u.bf16.f32 v10;
	v63 =	vld [tilespmem:s13+$0xF0];
	v1 =	vadd.f32 v6, v1  }
0xa5: {  	v38 =	vor.u32 $0x80, v35;
	v5 =	vmul.f32 v30, v10;
	v30 =	vld [tilespmem:s13+$0x140];
	v0 =	vadd.f32 v15, v0  }
0xa6: {  	v46 =	vld.idx.msk [tilespmem:v37+s21+$0x0], $0xffff;
	v1 =	vadd.f32 v59, v1  }
0xa7: {  	v10 =	vmul.f32 v40, v10;
	v37 =	vld [tilespmem:s13+$0x250];
	v0 =	vadd.f32 v61, v0  }
0xa8: {  	v9 =	vmul.f32 v32, v25;
	v54 =	vld [tilespmem:s13+$0xE0];
	v1 =	vadd.f32 v5, v1  }
0xa9: {  	v27 =	vmul.f32 v42, v25;
	v39 =	vld [tilespmem:s13+$0x130];
	v0 =	vadd.f32 v10, v0  }
0xaa: {  	v13 =	vunpack.i.u.bf16.f32 v24;
	v47 =	vld.idx.msk [tilespmem:v38+s21+$0x0], $0xffff;
	v1 =	vadd.f32 v9, v1  }
0xab: {  	v31 =	vmul.f32 v44, v11;
	v32 =	vunpack.i.l.bf16.f32 v14;
	v33 =	vld [tilespmem:s13+$0x160];
	v0 =	vadd.f32 v27, v0  }
0xac: {  	v38 =	vunpack.i.u.bf16.f32 v14;
	v44 =	vld.idx.msk [tilespmem:v34+s21+$0x0], $0xffff;
	v35 =	vmul.f32 v49, v32;
	v1 =	vadd.f32 v7, v1  }
0xad: {  	v11 =	vmul.f32 v57, v32;
	v49 =	vld [tilespmem:s13+$0x1A0];
	v58 =	vor.u32 $0x80, v55;
	v0 =	vadd.f32 v31, v0  }
0xae: {  	v40 =	vmul.f32 v51, v38;
	v51 =	vld [tilespmem:s13+$0x1C0];
	v57 =	vmul.f32 v29, v13;
	v1 =	vadd.f32 v35, v1  }
0xaf: {  	v29 =	vld [tilespmem:s13+$0x260];
	v42 =	vunpack.i.l.bf16.f32 v47;
	v10 =	vmul.f32 v60, v38;
	v0 =	vadd.f32 v11, v0  }
0xb0: {  	v36 =	vld [tilespmem:s13+$0x110];
	v2 =	vmul.f32 v53, v42;
	v1 =	vadd.f32 v40, v1  }
0xb1: {  	v32 =	vld [tilespmem:s13+$0x210];
	v4 =	vunpack.i.u.bf16.f32 v47;
	v45 =	vmul.f32 v62, v42;
	v0 =	vadd.f32 v10, v0  }
0xb2: {  	v47 =	vmul.f32 v54, v4;
	v26 =	vld.idx.msk [tilespmem:v58+s21+$0x0], $0xffff;
	v1 =	vadd.f32 v2, v1  }
0xb3: {  	v43 =	vld [tilespmem:s13+$0x170];
	v4 =	vmul.f32 v63, v4;
	v50 =	vunpack.i.l.bf16.f32 v24;
	v0 =	vadd.f32 v45, v0  }
0xb4: {  	v41 =	vld [tilespmem:s13+$0x150];
	v52 =	vmul.f32 v28, v50;
	v1 =	vadd.f32 v47, v1  }
0xb5: {  	v55 =	vld [tilespmem:s13+$0x190];
	v2 =	vmul.f32 v36, v50;
	v0 =	vadd.f32 v4, v0  }
0xb6: {  	s10 =	sadd.s32 $0xFFFFFFFD, s31;
	v13 =	vmul.f32 v39, v13;
	v39 =	vld [tilespmem:s13+$0x270];
	v1 =	vadd.f32 v52, v1  }
0xb7: {  	v54 =	vmov s10;
	v48 =	vld [tilespmem:s13+$0x180];
	v59 =	vunpack.i.l.bf16.f32 v26;
	v0 =	vadd.f32 v2, v0  }
0xb8: {  	v53 =	vld [tilespmem:s13+$0x1E0];
	v25 =	vunpack.i.l.bf16.f32 v44;
	v61 =	vmul.f32 v30, v59;
	v1 =	vadd.f32 v57, v1  }
0xb9: {  	v62 =	vld [tilespmem:s13+$0x1F0];
	v5 =	vunpack.i.u.bf16.f32 v26;
	v2 =	vmul.f32 v41, v59;
	v0 =	vadd.f32 v13, v0  }
0xba: {  	v56 =	vor.u32 $0x80, v54;
	v58 =	vld [tilespmem:s13+$0x1B0];
	v22 =	vmul.f32 v33, v5;
	v1 =	vadd.f32 v61, v1  }
0xbb: {  	v12 =	vmul.f32 v55, v25;
	v55 =	vld [tilespmem:s13+$0x2B0];
	v23 =	vmul.f32 v43, v5;
	v0 =	vadd.f32 v2, v0  }
0xbc: {  	v60 =	vld [tilespmem:s13+$0x1D0];
	v27 =	vmul.f32 v48, v25;
	v1 =	vadd.f32 v22, v1  }
0xbd: {  	v24 =	vld [tilespmem:s13+$0x200];
	v7 =	vunpack.i.u.bf16.f32 v44;
	v0 =	vadd.f32 v23, v0  }
0xbe: {  	v63 =	vld.idx.msk [tilespmem:v54+s21+$0x0], $0xffff;
	v31 =	vmul.f32 v49, v7;
	v1 =	vadd.f32 v27, v1  }
0xbf: {  	s24 =	sadd.s32 $0xFFFFFFFE, s31;
	v34 =	vunpack.i.l.bf16.f32 v46;
	v28 =	vld [tilespmem:s13+$0x240];
	v7 =	vmul.f32 v58, v7;
	v0 =	vadd.f32 v12, v0  }
0xc0: {  	v21 =	vld.idx.msk [tilespmem:v56+s21+$0x0], $0xffff;
	v30 =	vmov s24;
	v36 =	vmul.f32 v51, v34;
	v1 =	vadd.f32 v31, v1  }
0xc1: {  	v26 =	vld [tilespmem:s13+$0x220];
	v38 =	vmul.f32 v60, v34;
	v11 =	vunpack.i.u.bf16.f32 v46;
	v0 =	vadd.f32 v7, v0  }
0xc2: {  	v35 =	vld [tilespmem:s13+$0x230];
	v41 =	vmul.f32 v53, v11;
	v1 =	vadd.f32 v36, v1  }
0xc3: {  	v48 =	vld [tilespmem:s13+$0x2C0];
	v44 =	vunpack.i.l.bf16.f32 v63;
	v42 =	vmul.f32 v62, v11;
	v0 =	vadd.f32 v38, v0  }
0xc4: {  	v33 =	vor.u32 $0x80, v30;
	v5 =	vmul.f32 v24, v44;
	v24 =	vld [tilespmem:s13+$0x310];
	v1 =	vadd.f32 v41, v1  }
0xc5: {  	v8 =	vunpack.i.u.bf16.f32 v63;
	v6 =	vmul.f32 v32, v44;
	v44 =	vld [tilespmem:s13+$0x390];
	v0 =	vadd.f32 v42, v0  }
0xc6: {  	v49 =	vmul.f32 v26, v8;
	v40 =	vld.idx.msk [tilespmem:v30+s21+$0x0], $0xffff;
	v1 =	vadd.f32 v5, v1  }
0xc7: {  	s10 =	sadd.s32 $0xFFFFFFFF, s31;
	v45 =	vld [tilespmem:s13+$0x280];
	v47 =	vunpack.i.l.bf16.f32 v21;
	v52 =	vmul.f32 v35, v8;
	v0 =	vadd.f32 v6, v0  }
0xc8: {  	v51 =	vmov s10;
	v3 =	vmul.f32 v28, v47;
	v53 =	vld [tilespmem:s13+$0x290];
	v1 =	vadd.f32 v49, v1  }
0xc9: {  	v46 =	vld [tilespmem:s13+$0x2A0];
	v4 =	vunpack.i.u.bf16.f32 v21;
	v56 =	vmul.f32 v37, v47;
	v0 =	vadd.f32 v52, v0  }
0xca: {  	v43 =	vld.idx.msk [tilespmem:v33+s21+$0x0], $0xffff;
	v58 =	vmul.f32 v29, v4;
	v1 =	vadd.f32 v3, v1  }
0xcb: {  	v50 =	vld [tilespmem:s13+$0x2E0];
	v4 =	vmul.f32 v39, v4;
	v60 =	vunpack.i.l.bf16.f32 v40;
	v0 =	vadd.f32 v56, v0  }
0xcc: {  	v54 =	vor.u32 $0x80, v51;
	v62 =	vmul.f32 v45, v60;
	v57 =	vld [tilespmem:s13+$0x2D0];
	v1 =	vadd.f32 v58, v1  }
0xcd: {  	v59 =	vld [tilespmem:s13+$0x2F0];
	v2 =	vunpack.i.u.bf16.f32 v40;
	v17 =	vmul.f32 v53, v60;
	v0 =	vadd.f32 v4, v0  }
0xce: {  	v61 =	vld.idx.msk [tilespmem:v51+s21+$0x0], $0xffff;
	v20 =	vmul.f32 v46, v2;
	v1 =	vadd.f32 v62, v1  }
0xcf: {  	v33 =	vld [tilespmem:s13+$0x350];
	v9 =	vunpack.i.l.bf16.f32 v43;
	v2 =	vmul.f32 v55, v2;
	v0 =	vadd.f32 v17, v0  }
0xd0: {  	v25 =	vmov s31;
	v30 =	vld [tilespmem:s13+$0x330];
	v23 =	vmul.f32 v48, v9;
	v1 =	vadd.f32 v20, v1  }
0xd1: {  	v19 =	vunpack.i.u.bf16.f32 v43;
	v21 =	vld [tilespmem:s13+$0x320];
	v26 =	vmul.f32 v57, v9;
	v0 =	vadd.f32 v2, v0  }
0xd2: {  	v28 =	vor.u32 $0x80, v25;
	v29 =	vmul.f32 v50, v19;
	v63 =	vld.idx.msk [tilespmem:v54+s21+$0x0], $0xffff;
	v1 =	vadd.f32 v23, v1  }
0xd3: {  	v22 =	vld [tilespmem:s13+$0x340];
	v32 =	vunpack.i.l.bf16.f32 v61;
	v31 =	vmul.f32 v59, v19;
	v0 =	vadd.f32 v26, v0  }
0xd4: {  	v35 =	vld [tilespmem:s13+$0x370];
	v34 =	vmul.f32 v18, v32;
	v1 =	vadd.f32 v29, v1  }
0xd5: {  	v27 =	vld [tilespmem:s13+$0x360];
	v37 =	vunpack.i.u.bf16.f32 v61;
	v36 =	vmul.f32 v24, v32;
	v0 =	vadd.f32 v31, v0  }
0xd6: {  	v39 =	vmul.f32 v21, v37;
	v38 =	vld.idx.msk [tilespmem:v25+s21+$0x0], $0xffff;
	v1 =	vadd.f32 v34, v1  }
0xd7: {  	v41 =	vunpack.i.l.bf16.f32 v63;
	v42 =	vld [tilespmem:s13+$0x380];
	v5 =	vmul.f32 v30, v37;
	v0 =	vadd.f32 v36, v0  }
0xd8: {  	v40 =	vld.idx.msk [tilespmem:v28+s21+$0x0], $0xffff;
	v43 =	vmul.f32 v22, v41;
	v1 =	vadd.f32 v39, v1  }
0xd9: {  	v46 =	vld [tilespmem:s13+$0x3A0];
	v45 =	vunpack.i.u.bf16.f32 v63;
	v2 =	vmul.f32 v33, v41;
	v0 =	vadd.f32 v5, v0  }
0xda: {  	v48 =	vld [tilespmem:s13+$0x3B0];
	v47 =	vmul.f32 v27, v45;
	v1 =	vadd.f32 v43, v1  }
0xdb: {  	v51 =	vld [tilespmem:s13+$0x3C0];
	v50 =	vunpack.i.l.bf16.f32 v38;
	v49 =	vmul.f32 v35, v45;
	v0 =	vadd.f32 v2, v0  }
0xdc: {  	v53 =	vld [tilespmem:s13+$0x3D0];
	v52 =	vmul.f32 v42, v50;
	v1 =	vadd.f32 v47, v1  }
0xdd: {  	v55 =	vld [tilespmem:s13+$0x3E0];
	v54 =	vunpack.i.u.bf16.f32 v38;
	v4 =	vmul.f32 v44, v50;
	v0 =	vadd.f32 v49, v0  }
0xde: {  	v57 =	vld [tilespmem:s13+$0x3F0];
	v56 =	vmul.f32 v46, v54;
	v1 =	vadd.f32 v52, v1  }
0xdf: {  	v58 =	vunpack.i.l.bf16.f32 v40;
	v2 =	vmul.f32 v48, v54;
	v0 =	vadd.f32 v4, v0  }
0xe0: {  	v59 =	vmul.f32 v51, v58;
	v1 =	vadd.f32 v56, v1  }
0xe1: {  	v61 =	vunpack.i.u.bf16.f32 v40;
	v60 =	vmul.f32 v53, v58;
	v0 =	vadd.f32 v2, v0  }
0xe2: {  	p0 =	sne.s32 s31, $0x7F;
	v62 =	vmul.f32 v55, v61;
	v1 =	vadd.f32 v59, v1  }
.Ltmp0:
0xe3: {  	s24 =	sand.u32 $0x80, s3;
	v63 =	vmul.f32 v57, v61;
	v0 =	vadd.f32 v60, v0;
	(pc) =	sbr.rel @p0 .LBB2_3-.Ltmp0, $4  }
0xe4: {  	s0 =	sadd.s32 s24, s29;
	s10 =	sand.u32 $0x60, s3;
	v1 =	vadd.f32 v62, v1  }
0xe5: {  	s0 =	sadd.s32 s10, s0;
	v0 =	vadd.f32 v63, v0  }
0xe6: {  	[tilespmem:s0+$0x0] =	vst v1  }
0xe7: {  	s31 =	sadd.s32 $0x10, s31;
	s3 =	sadd.s32 $0x20, s3;
	s13 =	sadd.s32 $0x800, s13;
	[tilespmem:s0+$0x10] =	vst v0  }
0xe8: {  	s31 =	sshll.u32 s14, $0x2;
	p0 =	seq.s32 s14, $0x54  }
0xe9: {  	s0 =	sadd.s32 @!p0 s31, s16  }
0xea: {  	s3 =	sshll.u32 @!p0 s0, $0x4  }
0xeb: {  	s0 =	sshll.u32 @!p0 s0, $0x5;
	s3 =	sand.u32 @!p0 $0x1FFFFFC0, s3  }
0xec: {  	s10 =	simm.s32 @!p0 $0x0;
	s0 =	sand.u32 @!p0 $0x1FFFFF80, s0;
	s3 =	sadd.s32 @!p0 s6, s3  }
0xed: {  	[tilespmem:s10], [sflag:$0x1] =	stream.linear.gather @!p0 [hbm4b:s3+s10], $0x80, $0x38;
	[tilespmem:$0x11A00] =	vst v63  }
0xee: {  	s0 =	sadd.s32 @!p0 s2, s0;
	s3 =	simm.s32 @!p0 $0x200  }
0xef: {  	[tilespmem:s3], [sflag:$0x1] =	stream.linear.gather @!p0 [hbm4b:s0+s10], $0x100, $0x38;
	[tilespmem:$0x11A00] =	vst v63  }
0xf0: {  	_ =	swait.ge [sflag:s30], $0x80  }
0xf1: {  	[sflag:s30] =	ssyncset.done $0x0  }
0xf2: {  	[sflag:s30] =	ssyncadd.s32 $0xFFFFFF80  }
0xf3: {  	_ =	swait.ge [sflag:s30], $0x100  }
0xf4: {  	[sflag:s30] =	ssyncset.done $0x0  }
0xf5: {  	s13 =	simm.s32 $0x100;
	s24 =	simm.s32 $0x8600;
	[sflag:s30] =	ssyncadd.s32 $0xFFFFFF00  }
0xf6: {  	[tilespmem:s24], [sflag:$0x7] =	stream.indirect.gather [hbm4b:s4+s22], $0x80, s13, s22, $0xb8;
	[tilespmem:$0x11A00] =	vst v63  }
0xf7: {  	_ =	swait.ge [sflag:s8], $0x4000  }
0xf8: {  	s3 =	simm.s32 $0xF;
	[sflag:s8] =	ssyncset.done $0x0  }
0xf9: {  	s0 =	simm.s32 $0x4A00;
	s13 =	simm.s32 $0x0;
	[sflag:s8] =	ssyncadd.s32 $0xFFFFC000  }
.LBB2_5:
0xfa: {  	v2 =	vld [tilespmem:s0+$0xFFFFFC00]  }
0xfb: {  	v3 =	vld [tilespmem:s0+$0xFFFFFC20]  }
0xfc: {  	v4 =	vld [tilespmem:s0+$0xFFFFFC40]  }
0xfd: {  	v5 =	vld [tilespmem:s0+$0xFFFFFC60]  }
0xfe: {  	v7 =	vld [tilespmem:s0+$0xFFFFFC10]  }
0xff: {  	v9 =	vld [tilespmem:s0+$0xFFFFFC30]  }
0x100: {  	v10 =	vld [tilespmem:s0+$0xFFFFFC50]  }
0x101: {  	v11 =	vld [tilespmem:s0+$0xFFFFFC70]  }
0x102: {  	v12 =	vld [tilespmem:s0+$0xFFFFFC80]  }
0x103: {  	v13 =	vld [tilespmem:s0+$0xFFFFFCA0]  }
0x104: {  	v14 =	vld [tilespmem:s0+$0xFFFFFCC0]  }
0x105: {  	v15 =	vld [tilespmem:s0+$0xFFFFFCE0]  }
0x106: {  	v17 =	vld [tilespmem:s0+$0xFFFFFC90]  }
0x107: {  	v19 =	vld [tilespmem:s0+$0xFFFFFCB0]  }
0x108: {  	v20 =	vld [tilespmem:s0+$0xFFFFFCD0]  }
0x109: {  	v21 =	vld [tilespmem:s0+$0xFFFFFCF0]  }
0x10a: {  	v22 =	vld [tilespmem:s0+$0xFFFFFD00]  }
0x10b: {  	v23 =	vld [tilespmem:s0+$0xFFFFFD20]  }
0x10c: {  	v24 =	vld [tilespmem:s0+$0xFFFFFD40]  }
0x10d: {  	v25 =	vld [tilespmem:s0+$0xFFFFFD60]  }
0x10e: {  	v27 =	vld [tilespmem:s0+$0xFFFFFD10]  }
0x10f: {  	v30 =	vld [tilespmem:s0+$0xFFFFFD30]  }
0x110: {  	v31 =	vld [tilespmem:s0+$0xFFFFFD50]  }
0x111: {  	v53 =	vld [tilespmem:s0+$0xFFFFFD70]  }
0x112: {  	v58 =	vld [tilespmem:s0+$0xFFFFFD90]  }
0x113: {  	s10 =	sadd.s32 $0xFFFFFFF1, s3;
	v34 =	vld [tilespmem:s0+$0xFFFFFE20]  }
0x114: {  	v39 =	vld [tilespmem:s0+$0xFFFFFE10];
	v0 =	vmov s10  }
0x115: {  	s24 =	sadd.s32 $0xFFFFFFF2, s3;
	v42 =	vld [tilespmem:s0+$0xFFFFFE30]  }
0x116: {  	v44 =	vld [tilespmem:s0+$0xFFFFFE50];
	v6 =	vmov s24  }
0x117: {  	v46 =	vld [tilespmem:s0+$0xFFFFFE70];
	v1 =	vor.u32 $0x80, v0  }
0x118: {  	v50 =	vld [tilespmem:s0+$0xFFFFFE80];
	s24 =	sadd.s32 $0xFFFFFFF3, s3;
	v8 =	vor.u32 $0x80, v6  }
0x119: {  	v16 =	vmov s24;
	v0 =	vld.idx.msk [tilespmem:v0+s23+$0x0], $0xffff  }
0x11a: {  	v52 =	vld [tilespmem:s0+$0xFFFFFEA0];
	s24 =	sadd.s32 $0xFFFFFFF4, s3;
	v18 =	vor.u32 $0x80, v16  }
0x11b: {  	v26 =	vmov s24;
	s24 =	sadd.s32 $0xFFFFFFF5, s3;
	v6 =	vld.idx.msk [tilespmem:v6+s23+$0x0], $0xffff  }
0x11c: {  	v56 =	vmov s24;
	v1 =	vld.idx.msk [tilespmem:v1+s23+$0x0], $0xffff  }
0x11d: {  	v8 =	vld.idx.msk [tilespmem:v8+s23+$0x0], $0xffff  }
0x11e: {  	v28 =	vor.u32 $0x80, v26;
	s24 =	sadd.s32 $0xFFFFFFF6, s3;
	v16 =	vld.idx.msk [tilespmem:v16+s23+$0x0], $0xffff;
	v29 =	vunpack.i.l.bf16.f32 v0  }
0x11f: {  	v33 =	vor.u32 $0x80, v56;
	v37 =	vmov s24;
	v18 =	vld.idx.msk [tilespmem:v18+s23+$0x0], $0xffff;
	v2 =	vmul.f32 v2, v29  }
0x120: {  	v26 =	vld.idx.msk [tilespmem:v26+s23+$0x0], $0xffff;
	v0 =	vunpack.i.u.bf16.f32 v0;
	v57 =	vunpack.i.l.bf16.f32 v6;
	v7 =	vmul.f32 v7, v29  }
0x121: {  	v60 =	vunpack.i.u.bf16.f32 v6;
	v6 =	vld.idx.msk [tilespmem:v56+s23+$0x0], $0xffff;
	v3 =	vmul.f32 v3, v0;
	v2 =	vadd.f32 $0.0e+00, v2  }
0x122: {  	v56 =	vld [tilespmem:s0+$0xFFFFFE90];
	v32 =	vunpack.i.l.bf16.f32 v1;
	v0 =	vmul.f32 v9, v0;
	v7 =	vadd.f32 $0.0e+00, v7  }
0x123: {  	v9 =	vld.idx.msk [tilespmem:v28+s23+$0x0], $0xffff;
	v1 =	vunpack.i.u.bf16.f32 v1;
	v54 =	vmul.f32 v4, v32;
	v2 =	vadd.f32 v3, v2  }
0x124: {  	v59 =	vmul.f32 v12, v57;
	v12 =	vld [tilespmem:s0+$0xFFFFFDB0];
	v55 =	vmul.f32 v10, v32;
	v0 =	vadd.f32 v0, v7  }
0x125: {  	v62 =	vmul.f32 v13, v60;
	v13 =	vld [tilespmem:s0+$0xFFFFFDF0];
	v5 =	vmul.f32 v5, v1;
	v2 =	vadd.f32 v54, v2  }
0x126: {  	v61 =	vmul.f32 v17, v57;
	v17 =	vld [tilespmem:s0+$0xFFFFFF60];
	v1 =	vmul.f32 v11, v1;
	v0 =	vadd.f32 v55, v0  }
0x127: {  	v4 =	vld [tilespmem:s0+$0xFFFFFD80];
	v2 =	vadd.f32 v5, v2  }
0x128: {  	v63 =	vunpack.i.l.bf16.f32 v8;
	v10 =	vld [tilespmem:s0+$0xFFFFFDA0];
	v0 =	vadd.f32 v1, v0  }
0x129: {  	v8 =	vunpack.i.u.bf16.f32 v8;
	v11 =	vld [tilespmem:s0+$0xFFFFFDD0];
	v14 =	vmul.f32 v14, v63;
	v2 =	vadd.f32 v59, v2  }
0x12a: {  	v28 =	vmul.f32 v20, v63;
	v20 =	vld [tilespmem:s0+$0xFFFFFE60];
	v1 =	vmul.f32 v19, v60;
	v0 =	vadd.f32 v61, v0  }
0x12b: {  	v35 =	vmul.f32 v15, v8;
	v8 =	vmul.f32 v21, v8;
	v21 =	vld.idx.msk [tilespmem:v37+s23+$0x0], $0xffff;
	v2 =	vadd.f32 v62, v2  }
0x12c: {  	v36 =	vunpack.i.l.bf16.f32 v16;
	v63 =	vld [tilespmem:s0+$0xFFFFFF00];
	v0 =	vadd.f32 v1, v0  }
0x12d: {  	v45 =	vunpack.i.l.bf16.f32 v18;
	v18 =	vunpack.i.u.bf16.f32 v18;
	v32 =	vld [tilespmem:s0+$0xFFFFFF40];
	v2 =	vadd.f32 v14, v2  }
0x12e: {  	v49 =	vmul.f32 v25, v18;
	v51 =	vmul.f32 v53, v18;
	v18 =	vld [tilespmem:s0+$0x300];
	v0 =	vadd.f32 v28, v0  }
0x12f: {  	v41 =	vunpack.i.u.bf16.f32 v16;
	v38 =	vmul.f32 v22, v36;
	v3 =	vld [tilespmem:s0+$0xFFFFFDC0];
	v2 =	vadd.f32 v35, v2  }
0x130: {  	v15 =	vmul.f32 v27, v36;
	v43 =	vmul.f32 v23, v41;
	v7 =	vld [tilespmem:s0+$0xFFFFFDE0];
	v0 =	vadd.f32 v8, v0  }
0x131: {  	v47 =	vmul.f32 v24, v45;
	v48 =	vmul.f32 v31, v45;
	v54 =	vld [tilespmem:s0+$0xFFFFFEC0];
	v2 =	vadd.f32 v38, v2  }
0x132: {  	v53 =	vunpack.i.l.bf16.f32 v26;
	v5 =	vld.idx.msk [tilespmem:v33+s23+$0x0], $0xffff;
	v8 =	vmul.f32 v30, v41;
	v0 =	vadd.f32 v15, v0  }
0x133: {  	v26 =	vunpack.i.u.bf16.f32 v26;
	v33 =	vld [tilespmem:s0+$0xFFFFFE00];
	v60 =	vunpack.i.l.bf16.f32 v9;
	v2 =	vadd.f32 v43, v2  }
0x134: {  	v3 =	vmul.f32 v3, v60;
	v11 =	vmul.f32 v11, v60;
	v60 =	vld [tilespmem:s0+$0xFFFFFFD0];
	v0 =	vadd.f32 v8, v0  }
0x135: {  	v40 =	vor.u32 $0x80, v37;
	v12 =	vmul.f32 v12, v26;
	v59 =	vld [tilespmem:s0+$0xFFFFFEB0];
	v2 =	vadd.f32 v47, v2  }
0x136: {  	s24 =	sadd.s32 $0xFFFFFFF7, s3;
	v4 =	vmul.f32 v4, v53;
	v9 =	vunpack.i.u.bf16.f32 v9;
	v61 =	vld [tilespmem:s0+$0xFFFFFED0];
	v0 =	vadd.f32 v48, v0  }
0x137: {  	v55 =	vmov s24;
	v7 =	vmul.f32 v7, v9;
	v1 =	vld [tilespmem:s0+$0xFFFFFE40];
	v2 =	vadd.f32 v49, v2  }
0x138: {  	v9 =	vmul.f32 v13, v9;
	v62 =	vld [tilespmem:s0+$0xFFFFFEF0];
	v14 =	vmul.f32 v58, v53;
	v0 =	vadd.f32 v51, v0  }
0x139: {  	v37 =	vunpack.i.l.bf16.f32 v5;
	v58 =	vmul.f32 v10, v26;
	v28 =	vld [tilespmem:s0+$0x0];
	v2 =	vadd.f32 v4, v2  }
0x13a: {  	v5 =	vunpack.i.u.bf16.f32 v5;
	v30 =	vunpack.i.l.bf16.f32 v6;
	v35 =	vld [tilespmem:s0+$0xFFFFFF10];
	v0 =	vadd.f32 v14, v0  }
0x13b: {  	v6 =	vunpack.i.u.bf16.f32 v6;
	v41 =	vld [tilespmem:s0+$0xFFFFFF70];
	v13 =	vmul.f32 v39, v30;
	v2 =	vadd.f32 v58, v2  }
0x13c: {  	v34 =	vmul.f32 v34, v6;
	v6 =	vmul.f32 v42, v6;
	v39 =	vld [tilespmem:s0+$0xFFFFFF50];
	v0 =	vadd.f32 v12, v0  }
0x13d: {  	s24 =	sadd.s32 $0xFFFFFFF8, s3;
	v42 =	vmul.f32 v20, v5;
	v5 =	vmul.f32 v46, v5;
	v46 =	vld [tilespmem:s0+$0xFFFFFF80];
	v2 =	vadd.f32 v3, v2  }
0x13e: {  	v31 =	vmul.f32 v33, v30;
	v33 =	vmov s24;
	v30 =	vld [tilespmem:s0+$0x20];
	v0 =	vadd.f32 v11, v0  }
0x13f: {  	v15 =	vld.idx.msk [tilespmem:v40+s23+$0x0], $0xffff;
	v2 =	vadd.f32 v7, v2  }
0x140: {  	v36 =	vor.u32 $0x80, v33;
	v38 =	vld [tilespmem:s0+$0xFFFFFF30];
	v0 =	vadd.f32 v9, v0  }
0x141: {  	v1 =	vmul.f32 v1, v37;
	v40 =	vmul.f32 v44, v37;
	v37 =	vld [tilespmem:s0+$0x10];
	v2 =	vadd.f32 v31, v2  }
0x142: {  	v8 =	vld [tilespmem:s0+$0xFFFFFEE0];
	v0 =	vadd.f32 v13, v0  }
0x143: {  	v43 =	vld.idx.msk [tilespmem:v33+s23+$0x0], $0xffff;
	v2 =	vadd.f32 v34, v2  }
0x144: {  	v57 =	vor.u32 $0x80, v55;
	v44 =	vunpack.i.l.bf16.f32 v21;
	v48 =	vld [tilespmem:s0+$0xFFFFFFA0];
	v0 =	vadd.f32 v6, v0  }
0x145: {  	v45 =	vmul.f32 v50, v44;
	v47 =	vunpack.i.u.bf16.f32 v21;
	v22 =	vld.idx.msk [tilespmem:v36+s23+$0x0], $0xffff;
	v1 =	vadd.f32 v1, v2  }
0x146: {  	s24 =	sadd.s32 $0xFFFFFFF9, s3;
	v50 =	vmul.f32 v52, v47;
	v49 =	vunpack.i.l.bf16.f32 v15;
	v51 =	vld [tilespmem:s0+$0xFFFFFFC0];
	v0 =	vadd.f32 v40, v0  }
0x147: {  	v52 =	vmov s24;
	v53 =	vmul.f32 v54, v49;
	v54 =	vld [tilespmem:s0+$0xFFFFFF90];
	v1 =	vadd.f32 v42, v1  }
0x148: {  	v12 =	vld.idx.msk [tilespmem:v55+s23+$0x0], $0xffff;
	v6 =	vmul.f32 v56, v44;
	v0 =	vadd.f32 v5, v0  }
0x149: {  	v55 =	vor.u32 $0x80, v52;
	v3 =	vld.idx.msk [tilespmem:v57+s23+$0x0], $0xffff;
	v1 =	vadd.f32 v45, v1  }
0x14a: {  	v14 =	vld [tilespmem:s0+$0xFFFFFF20];
	v5 =	vmul.f32 v59, v47;
	v0 =	vadd.f32 v6, v0  }
0x14b: {  	v58 =	vld [tilespmem:s0+$0xFFFFFFB0];
	v1 =	vadd.f32 v50, v1  }
0x14c: {  	v10 =	vld.idx.msk [tilespmem:v52+s23+$0x0], $0xffff;
	v57 =	vmul.f32 v61, v49;
	v56 =	vunpack.i.u.bf16.f32 v15;
	v0 =	vadd.f32 v5, v0  }
0x14d: {  	v49 =	vld [tilespmem:s0+$0x80];
	v61 =	vunpack.i.l.bf16.f32 v12;
	v59 =	vmul.f32 v8, v56;
	v1 =	vadd.f32 v53, v1  }
0x14e: {  	v11 =	vld.idx.msk [tilespmem:v55+s23+$0x0], $0xffff;
	v29 =	vunpack.i.l.bf16.f32 v3;
	v4 =	vmul.f32 v62, v56;
	v0 =	vadd.f32 v57, v0  }
0x14f: {  	v63 =	vmul.f32 v63, v61;
	v31 =	vmul.f32 v32, v29;
	v32 =	vld [tilespmem:s0+$0x40];
	v1 =	vadd.f32 v59, v1  }
0x150: {  	v26 =	vunpack.i.u.bf16.f32 v12;
	v34 =	vld [tilespmem:s0+$0x60];
	v5 =	vmul.f32 v35, v61;
	v0 =	vadd.f32 v4, v0  }
0x151: {  	v52 =	vunpack.i.u.bf16.f32 v22;
	v27 =	vmul.f32 v14, v26;
	v44 =	vld [tilespmem:s0+$0x70];
	v1 =	vadd.f32 v63, v1  }
0x152: {  	v3 =	vunpack.i.u.bf16.f32 v3;
	v62 =	vld [tilespmem:s0+$0xFFFFFFF0];
	v4 =	vmul.f32 v38, v26;
	v0 =	vadd.f32 v5, v0  }
0x153: {  	v33 =	vmul.f32 v39, v29;
	v36 =	vmul.f32 v17, v3;
	v29 =	vld [tilespmem:s0+$0x120];
	v1 =	vadd.f32 v27, v1  }
0x154: {  	v3 =	vmul.f32 v41, v3;
	v39 =	vunpack.i.l.bf16.f32 v43;
	v40 =	vld [tilespmem:s0+$0x30];
	v0 =	vadd.f32 v4, v0  }
0x155: {  	v43 =	vunpack.i.u.bf16.f32 v43;
	v41 =	vmul.f32 v46, v39;
	v42 =	vld [tilespmem:s0+$0x50];
	v1 =	vadd.f32 v31, v1  }
0x156: {  	v46 =	vunpack.i.l.bf16.f32 v22;
	v6 =	vld [tilespmem:s0+$0xFFFFFFE0];
	v45 =	vmul.f32 v48, v43;
	v0 =	vadd.f32 v33, v0  }
0x157: {  	s24 =	sadd.s32 $0xFFFFFFFA, s3;
	v48 =	vmul.f32 v51, v46;
	v51 =	vld [tilespmem:s0+$0xA0];
	v15 =	vmul.f32 v62, v52;
	v1 =	vadd.f32 v36, v1  }
0x158: {  	v62 =	vld [tilespmem:s0+$0xD0];
	v35 =	vmov s24;
	v4 =	vmul.f32 v54, v39;
	v0 =	vadd.f32 v3, v0  }
0x159: {  	v25 =	vunpack.i.l.bf16.f32 v11;
	v50 =	vmul.f32 v60, v46;
	s24 =	sadd.s32 $0xFFFFFFFB, s3;
	v60 =	vld [tilespmem:s0+$0xB0];
	v1 =	vadd.f32 v41, v1  }
0x15a: {  	v55 =	vmov s24;
	v53 =	vld [tilespmem:s0+$0xC0];
	v3 =	vmul.f32 v58, v43;
	v0 =	vadd.f32 v4, v0  }
0x15b: {  	v11 =	vunpack.i.u.bf16.f32 v11;
	v56 =	vunpack.i.l.bf16.f32 v10;
	v57 =	vld [tilespmem:s0+$0x90];
	v1 =	vadd.f32 v45, v1  }
0x15c: {  	v7 =	vmul.f32 v34, v11;
	s24 =	sadd.s32 $0xFFFFFFFC, s3;
	v59 =	vmul.f32 v28, v56;
	v28 =	vld [tilespmem:s0+$0x100];
	v0 =	vadd.f32 v3, v0  }
0x15d: {  	v34 =	vmov s24;
	v6 =	vmul.f32 v6, v52;
	v14 =	vld.idx.msk [tilespmem:v35+s23+$0x0], $0xffff;
	v1 =	vadd.f32 v48, v1  }
0x15e: {  	v61 =	vmul.f32 v37, v56;
	v37 =	vor.u32 $0x80, v34;
	v63 =	vld [tilespmem:s0+$0xF0];
	v0 =	vadd.f32 v50, v0  }
0x15f: {  	v10 =	vunpack.i.u.bf16.f32 v10;
	v24 =	vld.idx.msk [tilespmem:v55+s23+$0x0], $0xffff;
	v1 =	vadd.f32 v6, v1  }
0x160: {  	v38 =	vor.u32 $0x80, v35;
	v5 =	vmul.f32 v30, v10;
	v30 =	vld [tilespmem:s0+$0x140];
	v0 =	vadd.f32 v15, v0  }
0x161: {  	v54 =	vld [tilespmem:s0+$0xE0];
	v1 =	vadd.f32 v59, v1  }
0x162: {  	v10 =	vmul.f32 v40, v10;
	v39 =	vld [tilespmem:s0+$0x130];
	v0 =	vadd.f32 v61, v0  }
0x163: {  	v9 =	vmul.f32 v32, v25;
	v46 =	vld.idx.msk [tilespmem:v37+s23+$0x0], $0xffff;
	v1 =	vadd.f32 v5, v1  }
0x164: {  	v27 =	vmul.f32 v42, v25;
	v37 =	vld [tilespmem:s0+$0x250];
	v0 =	vadd.f32 v10, v0  }
0x165: {  	v47 =	vld.idx.msk [tilespmem:v38+s23+$0x0], $0xffff;
	v1 =	vadd.f32 v9, v1  }
0x166: {  	v31 =	vmul.f32 v44, v11;
	v32 =	vunpack.i.l.bf16.f32 v14;
	v33 =	vld [tilespmem:s0+$0x160];
	v0 =	vadd.f32 v27, v0  }
0x167: {  	v38 =	vunpack.i.u.bf16.f32 v14;
	v44 =	vld.idx.msk [tilespmem:v34+s23+$0x0], $0xffff;
	v35 =	vmul.f32 v49, v32;
	v1 =	vadd.f32 v7, v1  }
0x168: {  	v11 =	vmul.f32 v57, v32;
	v49 =	vld [tilespmem:s0+$0x1A0];
	v58 =	vor.u32 $0x80, v55;
	v0 =	vadd.f32 v31, v0  }
0x169: {  	v40 =	vmul.f32 v51, v38;
	v51 =	vld [tilespmem:s0+$0x1C0];
	v1 =	vadd.f32 v35, v1  }
0x16a: {  	v32 =	vld [tilespmem:s0+$0x210];
	v42 =	vunpack.i.l.bf16.f32 v47;
	v10 =	vmul.f32 v60, v38;
	v0 =	vadd.f32 v11, v0  }
0x16b: {  	v36 =	vld [tilespmem:s0+$0x110];
	v2 =	vmul.f32 v53, v42;
	v1 =	vadd.f32 v40, v1  }
0x16c: {  	v43 =	vld [tilespmem:s0+$0x170];
	v4 =	vunpack.i.u.bf16.f32 v47;
	v45 =	vmul.f32 v62, v42;
	v0 =	vadd.f32 v10, v0  }
0x16d: {  	v47 =	vmul.f32 v54, v4;
	v26 =	vld.idx.msk [tilespmem:v58+s23+$0x0], $0xffff;
	v1 =	vadd.f32 v2, v1  }
0x16e: {  	v55 =	vld [tilespmem:s0+$0x190];
	v4 =	vmul.f32 v63, v4;
	v50 =	vunpack.i.l.bf16.f32 v24;
	v0 =	vadd.f32 v45, v0  }
0x16f: {  	v13 =	vunpack.i.u.bf16.f32 v24;
	v41 =	vld [tilespmem:s0+$0x150];
	v52 =	vmul.f32 v28, v50;
	v1 =	vadd.f32 v47, v1  }
0x170: {  	v57 =	vmul.f32 v29, v13;
	v29 =	vld [tilespmem:s0+$0x260];
	v2 =	vmul.f32 v36, v50;
	v0 =	vadd.f32 v4, v0  }
0x171: {  	s24 =	sadd.s32 $0xFFFFFFFD, s3;
	v13 =	vmul.f32 v39, v13;
	v39 =	vld [tilespmem:s0+$0x270];
	v1 =	vadd.f32 v52, v1  }
0x172: {  	v54 =	vmov s24;
	v48 =	vld [tilespmem:s0+$0x180];
	v59 =	vunpack.i.l.bf16.f32 v26;
	v0 =	vadd.f32 v2, v0  }
0x173: {  	v53 =	vld [tilespmem:s0+$0x1E0];
	v25 =	vunpack.i.l.bf16.f32 v44;
	v61 =	vmul.f32 v30, v59;
	v1 =	vadd.f32 v57, v1  }
0x174: {  	v62 =	vld [tilespmem:s0+$0x1F0];
	v5 =	vunpack.i.u.bf16.f32 v26;
	v2 =	vmul.f32 v41, v59;
	v0 =	vadd.f32 v13, v0  }
0x175: {  	v56 =	vor.u32 $0x80, v54;
	v58 =	vld [tilespmem:s0+$0x1B0];
	v22 =	vmul.f32 v33, v5;
	v1 =	vadd.f32 v61, v1  }
0x176: {  	v12 =	vmul.f32 v55, v25;
	v55 =	vld [tilespmem:s0+$0x2B0];
	v23 =	vmul.f32 v43, v5;
	v0 =	vadd.f32 v2, v0  }
0x177: {  	v60 =	vld [tilespmem:s0+$0x1D0];
	v27 =	vmul.f32 v48, v25;
	v1 =	vadd.f32 v22, v1  }
0x178: {  	v24 =	vld [tilespmem:s0+$0x200];
	v7 =	vunpack.i.u.bf16.f32 v44;
	v0 =	vadd.f32 v23, v0  }
0x179: {  	v63 =	vld.idx.msk [tilespmem:v54+s23+$0x0], $0xffff;
	v31 =	vmul.f32 v49, v7;
	v1 =	vadd.f32 v27, v1  }
0x17a: {  	v34 =	vunpack.i.l.bf16.f32 v46;
	s24 =	sadd.s32 $0xFFFFFFFE, s3;
	v28 =	vld [tilespmem:s0+$0x240];
	v7 =	vmul.f32 v58, v7;
	v0 =	vadd.f32 v12, v0  }
0x17b: {  	v21 =	vld.idx.msk [tilespmem:v56+s23+$0x0], $0xffff;
	v30 =	vmov s24;
	v36 =	vmul.f32 v51, v34;
	v1 =	vadd.f32 v31, v1  }
0x17c: {  	v26 =	vld [tilespmem:s0+$0x220];
	v38 =	vmul.f32 v60, v34;
	v11 =	vunpack.i.u.bf16.f32 v46;
	v0 =	vadd.f32 v7, v0  }
0x17d: {  	v35 =	vld [tilespmem:s0+$0x230];
	v41 =	vmul.f32 v53, v11;
	v1 =	vadd.f32 v36, v1  }
0x17e: {  	v48 =	vld [tilespmem:s0+$0x2C0];
	v44 =	vunpack.i.l.bf16.f32 v63;
	v42 =	vmul.f32 v62, v11;
	v0 =	vadd.f32 v38, v0  }
0x17f: {  	v33 =	vor.u32 $0x80, v30;
	v5 =	vmul.f32 v24, v44;
	v24 =	vld [tilespmem:s0+$0x310];
	v1 =	vadd.f32 v41, v1  }
0x180: {  	v8 =	vunpack.i.u.bf16.f32 v63;
	v6 =	vmul.f32 v32, v44;
	v44 =	vld [tilespmem:s0+$0x390];
	v0 =	vadd.f32 v42, v0  }
0x181: {  	v49 =	vmul.f32 v26, v8;
	v40 =	vld.idx.msk [tilespmem:v30+s23+$0x0], $0xffff;
	v1 =	vadd.f32 v5, v1  }
0x182: {  	s24 =	sadd.s32 $0xFFFFFFFF, s3;
	v45 =	vld [tilespmem:s0+$0x280];
	v47 =	vunpack.i.l.bf16.f32 v21;
	v52 =	vmul.f32 v35, v8;
	v0 =	vadd.f32 v6, v0  }
0x183: {  	v51 =	vmov s24;
	v3 =	vmul.f32 v28, v47;
	v53 =	vld [tilespmem:s0+$0x290];
	v1 =	vadd.f32 v49, v1  }
0x184: {  	v46 =	vld [tilespmem:s0+$0x2A0];
	v4 =	vunpack.i.u.bf16.f32 v21;
	v56 =	vmul.f32 v37, v47;
	v0 =	vadd.f32 v52, v0  }
0x185: {  	v43 =	vld.idx.msk [tilespmem:v33+s23+$0x0], $0xffff;
	v58 =	vmul.f32 v29, v4;
	v1 =	vadd.f32 v3, v1  }
0x186: {  	v50 =	vld [tilespmem:s0+$0x2E0];
	v4 =	vmul.f32 v39, v4;
	v60 =	vunpack.i.l.bf16.f32 v40;
	v0 =	vadd.f32 v56, v0  }
0x187: {  	v54 =	vor.u32 $0x80, v51;
	v62 =	vmul.f32 v45, v60;
	v57 =	vld [tilespmem:s0+$0x2D0];
	v1 =	vadd.f32 v58, v1  }
0x188: {  	v59 =	vld [tilespmem:s0+$0x2F0];
	v2 =	vunpack.i.u.bf16.f32 v40;
	v17 =	vmul.f32 v53, v60;
	v0 =	vadd.f32 v4, v0  }
0x189: {  	v61 =	vld.idx.msk [tilespmem:v51+s23+$0x0], $0xffff;
	v20 =	vmul.f32 v46, v2;
	v1 =	vadd.f32 v62, v1  }
0x18a: {  	v33 =	vld [tilespmem:s0+$0x350];
	v9 =	vunpack.i.l.bf16.f32 v43;
	v2 =	vmul.f32 v55, v2;
	v0 =	vadd.f32 v17, v0  }
0x18b: {  	v25 =	vmov s3;
	v30 =	vld [tilespmem:s0+$0x330];
	v23 =	vmul.f32 v48, v9;
	v1 =	vadd.f32 v20, v1  }
0x18c: {  	v19 =	vunpack.i.u.bf16.f32 v43;
	v21 =	vld [tilespmem:s0+$0x320];
	v26 =	vmul.f32 v57, v9;
	v0 =	vadd.f32 v2, v0  }
0x18d: {  	v28 =	vor.u32 $0x80, v25;
	v29 =	vmul.f32 v50, v19;
	v63 =	vld.idx.msk [tilespmem:v54+s23+$0x0], $0xffff;
	v1 =	vadd.f32 v23, v1  }
0x18e: {  	v22 =	vld [tilespmem:s0+$0x340];
	v32 =	vunpack.i.l.bf16.f32 v61;
	v31 =	vmul.f32 v59, v19;
	v0 =	vadd.f32 v26, v0  }
0x18f: {  	v35 =	vld [tilespmem:s0+$0x370];
	v34 =	vmul.f32 v18, v32;
	v1 =	vadd.f32 v29, v1  }
0x190: {  	v27 =	vld [tilespmem:s0+$0x360];
	v37 =	vunpack.i.u.bf16.f32 v61;
	v36 =	vmul.f32 v24, v32;
	v0 =	vadd.f32 v31, v0  }
0x191: {  	v39 =	vmul.f32 v21, v37;
	v38 =	vld.idx.msk [tilespmem:v25+s23+$0x0], $0xffff;
	v1 =	vadd.f32 v34, v1  }
0x192: {  	v41 =	vunpack.i.l.bf16.f32 v63;
	v42 =	vld [tilespmem:s0+$0x380];
	v5 =	vmul.f32 v30, v37;
	v0 =	vadd.f32 v36, v0  }
0x193: {  	v40 =	vld.idx.msk [tilespmem:v28+s23+$0x0], $0xffff;
	v43 =	vmul.f32 v22, v41;
	v1 =	vadd.f32 v39, v1  }
0x194: {  	v46 =	vld [tilespmem:s0+$0x3A0];
	v45 =	vunpack.i.u.bf16.f32 v63;
	v2 =	vmul.f32 v33, v41;
	v0 =	vadd.f32 v5, v0  }
0x195: {  	v48 =	vld [tilespmem:s0+$0x3B0];
	v47 =	vmul.f32 v27, v45;
	v1 =	vadd.f32 v43, v1  }
0x196: {  	v51 =	vld [tilespmem:s0+$0x3C0];
	v50 =	vunpack.i.l.bf16.f32 v38;
	v49 =	vmul.f32 v35, v45;
	v0 =	vadd.f32 v2, v0  }
0x197: {  	v53 =	vld [tilespmem:s0+$0x3D0];
	v52 =	vmul.f32 v42, v50;
	v1 =	vadd.f32 v47, v1  }
0x198: {  	v55 =	vld [tilespmem:s0+$0x3E0];
	v54 =	vunpack.i.u.bf16.f32 v38;
	v4 =	vmul.f32 v44, v50;
	v0 =	vadd.f32 v49, v0  }
0x199: {  	v57 =	vld [tilespmem:s0+$0x3F0];
	v56 =	vmul.f32 v46, v54;
	v1 =	vadd.f32 v52, v1  }
0x19a: {  	v58 =	vunpack.i.l.bf16.f32 v40;
	v2 =	vmul.f32 v48, v54;
	v0 =	vadd.f32 v4, v0  }
0x19b: {  	v59 =	vmul.f32 v51, v58;
	v1 =	vadd.f32 v56, v1  }
0x19c: {  	v61 =	vunpack.i.u.bf16.f32 v40;
	v60 =	vmul.f32 v53, v58;
	v0 =	vadd.f32 v2, v0  }
0x19d: {  	p1 =	sne.s32 s3, $0x7F;
	v62 =	vmul.f32 v55, v61;
	v1 =	vadd.f32 v59, v1  }
.Ltmp1:
0x19e: {  	s10 =	sand.u32 $0x80, s13;
	v63 =	vmul.f32 v57, v61;
	v0 =	vadd.f32 v60, v0;
	(pc) =	sbr.rel @p1 .LBB2_5-.Ltmp1, $4  }
0x19f: {  	s10 =	sadd.s32 s10, s29;
	s24 =	sand.u32 $0x60, s13;
	v1 =	vadd.f32 v62, v1  }
0x1a0: {  	s10 =	sadd.s32 s24, s10;
	v0 =	vadd.f32 v63, v0  }
0x1a1: {  	[tilespmem:s10+$0x100] =	vst v1  }
0x1a2: {  	s3 =	sadd.s32 $0x10, s3;
	s13 =	sadd.s32 $0x20, s13;
	s0 =	sadd.s32 $0x800, s0;
	[tilespmem:s10+$0x110] =	vst v0  }
0x1a3: {  	s0 =	sadd.s32 @!p0 s31, s17  }
0x1a4: {  	s3 =	sshll.u32 @!p0 s0, $0x4  }
0x1a5: {  	s10 =	simm.s32 @!p0 $0x0;
	s0 =	sshll.u32 @!p0 s0, $0x5;
	s3 =	sand.u32 @!p0 $0x1FFFFFD0, s3  }
0x1a6: {  	s13 =	simm.s32 @!p0 $0x80;
	s0 =	sand.u32 @!p0 $0x1FFFFFA0, s0;
	s3 =	sadd.s32 @!p0 s6, s3  }
0x1a7: {  	[tilespmem:s13], [sflag:$0x2] =	stream.linear.gather @!p0 [hbm4b:s3+s10], $0x80, $0x38;
	[tilespmem:$0x11A00] =	vst v63  }
0x1a8: {  	s0 =	sadd.s32 @!p0 s2, s0;
	s3 =	simm.s32 @!p0 $0x300  }
0x1a9: {  	[tilespmem:s3], [sflag:$0x2] =	stream.linear.gather @!p0 [hbm4b:s0+s10], $0x100, $0x38;
	[tilespmem:$0x11A00] =	vst v63  }
0x1aa: {  	_ =	swait.ge [sflag:s9], $0x80  }
0x1ab: {  	[sflag:s9] =	ssyncset.done $0x0  }
0x1ac: {  	[sflag:s9] =	ssyncadd.s32 $0xFFFFFF80  }
0x1ad: {  	_ =	swait.ge [sflag:s9], $0x100  }
0x1ae: {  	[sflag:s9] =	ssyncset.done $0x0  }
0x1af: {  	s24 =	simm.s32 $0xC600;
	[sflag:s9] =	ssyncadd.s32 $0xFFFFFF00  }
0x1b0: {  	[tilespmem:s24], [sflag:$0x8] =	stream.indirect.gather [hbm4b:s4+s22], $0x80, s26, s22, $0xb8;
	[tilespmem:$0x11A00] =	vst v63  }
0x1b1: {  	_ =	swait.ge [sflag:s11], $0x4000  }
0x1b2: {  	s13 =	simm.s32 $0x0;
	[sflag:s11] =	ssyncset.done $0x0  }
0x1b3: {  	s3 =	simm.s32 $0xF;
	s0 =	simm.s32 $0x8A00;
	[sflag:s11] =	ssyncadd.s32 $0xFFFFC000  }
.LBB2_7:
0x1b4: {  	v2 =	vld [tilespmem:s0+$0xFFFFFC00]  }
0x1b5: {  	v3 =	vld [tilespmem:s0+$0xFFFFFC20]  }
0x1b6: {  	v4 =	vld [tilespmem:s0+$0xFFFFFC40]  }
0x1b7: {  	v5 =	vld [tilespmem:s0+$0xFFFFFC60]  }
0x1b8: {  	v7 =	vld [tilespmem:s0+$0xFFFFFC10]  }
0x1b9: {  	v9 =	vld [tilespmem:s0+$0xFFFFFC30]  }
0x1ba: {  	v10 =	vld [tilespmem:s0+$0xFFFFFC50]  }
0x1bb: {  	v11 =	vld [tilespmem:s0+$0xFFFFFC70]  }
0x1bc: {  	v12 =	vld [tilespmem:s0+$0xFFFFFC80]  }
0x1bd: {  	v13 =	vld [tilespmem:s0+$0xFFFFFCA0]  }
0x1be: {  	v14 =	vld [tilespmem:s0+$0xFFFFFCC0]  }
0x1bf: {  	v15 =	vld [tilespmem:s0+$0xFFFFFCE0]  }
0x1c0: {  	v17 =	vld [tilespmem:s0+$0xFFFFFC90]  }
0x1c1: {  	v19 =	vld [tilespmem:s0+$0xFFFFFCB0]  }
0x1c2: {  	v20 =	vld [tilespmem:s0+$0xFFFFFCD0]  }
0x1c3: {  	v21 =	vld [tilespmem:s0+$0xFFFFFCF0]  }
0x1c4: {  	v22 =	vld [tilespmem:s0+$0xFFFFFD00]  }
0x1c5: {  	v23 =	vld [tilespmem:s0+$0xFFFFFD20]  }
0x1c6: {  	v24 =	vld [tilespmem:s0+$0xFFFFFD40]  }
0x1c7: {  	v25 =	vld [tilespmem:s0+$0xFFFFFD60]  }
0x1c8: {  	v27 =	vld [tilespmem:s0+$0xFFFFFD10]  }
0x1c9: {  	v30 =	vld [tilespmem:s0+$0xFFFFFD30]  }
0x1ca: {  	v31 =	vld [tilespmem:s0+$0xFFFFFD50]  }
0x1cb: {  	v53 =	vld [tilespmem:s0+$0xFFFFFD70]  }
0x1cc: {  	v58 =	vld [tilespmem:s0+$0xFFFFFD90]  }
0x1cd: {  	s10 =	sadd.s32 $0xFFFFFFF1, s3;
	v34 =	vld [tilespmem:s0+$0xFFFFFE20]  }
0x1ce: {  	v39 =	vld [tilespmem:s0+$0xFFFFFE10];
	v0 =	vmov s10  }
0x1cf: {  	s24 =	sadd.s32 $0xFFFFFFF2, s3;
	v42 =	vld [tilespmem:s0+$0xFFFFFE30]  }
0x1d0: {  	v44 =	vld [tilespmem:s0+$0xFFFFFE50];
	v6 =	vmov s24  }
0x1d1: {  	v46 =	vld [tilespmem:s0+$0xFFFFFE70];
	v1 =	vor.u32 $0x80, v0  }
0x1d2: {  	v50 =	vld [tilespmem:s0+$0xFFFFFE80];
	s24 =	sadd.s32 $0xFFFFFFF3, s3;
	v8 =	vor.u32 $0x80, v6  }
0x1d3: {  	v16 =	vmov s24;
	v0 =	vld.idx.msk [tilespmem:v0+s25+$0x0], $0xffff  }
0x1d4: {  	v52 =	vld [tilespmem:s0+$0xFFFFFEA0];
	s24 =	sadd.s32 $0xFFFFFFF4, s3;
	v18 =	vor.u32 $0x80, v16  }
0x1d5: {  	v26 =	vmov s24;
	s24 =	sadd.s32 $0xFFFFFFF5, s3;
	v6 =	vld.idx.msk [tilespmem:v6+s25+$0x0], $0xffff  }
0x1d6: {  	v56 =	vmov s24;
	v1 =	vld.idx.msk [tilespmem:v1+s25+$0x0], $0xffff  }
0x1d7: {  	v8 =	vld.idx.msk [tilespmem:v8+s25+$0x0], $0xffff  }
0x1d8: {  	v28 =	vor.u32 $0x80, v26;
	s24 =	sadd.s32 $0xFFFFFFF6, s3;
	v16 =	vld.idx.msk [tilespmem:v16+s25+$0x0], $0xffff;
	v29 =	vunpack.i.l.bf16.f32 v0  }
0x1d9: {  	v33 =	vor.u32 $0x80, v56;
	v37 =	vmov s24;
	v18 =	vld.idx.msk [tilespmem:v18+s25+$0x0], $0xffff;
	v2 =	vmul.f32 v2, v29  }
0x1da: {  	v26 =	vld.idx.msk [tilespmem:v26+s25+$0x0], $0xffff;
	v0 =	vunpack.i.u.bf16.f32 v0;
	v57 =	vunpack.i.l.bf16.f32 v6;
	v7 =	vmul.f32 v7, v29  }
0x1db: {  	v60 =	vunpack.i.u.bf16.f32 v6;
	v6 =	vld.idx.msk [tilespmem:v56+s25+$0x0], $0xffff;
	v3 =	vmul.f32 v3, v0;
	v2 =	vadd.f32 $0.0e+00, v2  }
0x1dc: {  	v56 =	vld [tilespmem:s0+$0xFFFFFE90];
	v32 =	vunpack.i.l.bf16.f32 v1;
	v0 =	vmul.f32 v9, v0;
	v7 =	vadd.f32 $0.0e+00, v7  }
0x1dd: {  	v9 =	vld.idx.msk [tilespmem:v28+s25+$0x0], $0xffff;
	v1 =	vunpack.i.u.bf16.f32 v1;
	v54 =	vmul.f32 v4, v32;
	v2 =	vadd.f32 v3, v2  }
0x1de: {  	v59 =	vmul.f32 v12, v57;
	v12 =	vld [tilespmem:s0+$0xFFFFFDB0];
	v55 =	vmul.f32 v10, v32;
	v0 =	vadd.f32 v0, v7  }
0x1df: {  	v62 =	vmul.f32 v13, v60;
	v13 =	vld [tilespmem:s0+$0xFFFFFDF0];
	v5 =	vmul.f32 v5, v1;
	v2 =	vadd.f32 v54, v2  }
0x1e0: {  	v61 =	vmul.f32 v17, v57;
	v17 =	vld [tilespmem:s0+$0xFFFFFF60];
	v1 =	vmul.f32 v11, v1;
	v0 =	vadd.f32 v55, v0  }
0x1e1: {  	v4 =	vld [tilespmem:s0+$0xFFFFFD80];
	v2 =	vadd.f32 v5, v2  }
0x1e2: {  	v63 =	vunpack.i.l.bf16.f32 v8;
	v10 =	vld [tilespmem:s0+$0xFFFFFDA0];
	v0 =	vadd.f32 v1, v0  }
0x1e3: {  	v8 =	vunpack.i.u.bf16.f32 v8;
	v11 =	vld [tilespmem:s0+$0xFFFFFDD0];
	v14 =	vmul.f32 v14, v63;
	v2 =	vadd.f32 v59, v2  }
0x1e4: {  	v28 =	vmul.f32 v20, v63;
	v20 =	vld [tilespmem:s0+$0xFFFFFE60];
	v1 =	vmul.f32 v19, v60;
	v0 =	vadd.f32 v61, v0  }
0x1e5: {  	v35 =	vmul.f32 v15, v8;
	v8 =	vmul.f32 v21, v8;
	v21 =	vld.idx.msk [tilespmem:v37+s25+$0x0], $0xffff;
	v2 =	vadd.f32 v62, v2  }
0x1e6: {  	v36 =	vunpack.i.l.bf16.f32 v16;
	v63 =	vld [tilespmem:s0+$0xFFFFFF00];
	v0 =	vadd.f32 v1, v0  }
0x1e7: {  	v45 =	vunpack.i.l.bf16.f32 v18;
	v18 =	vunpack.i.u.bf16.f32 v18;
	v32 =	vld [tilespmem:s0+$0xFFFFFF40];
	v2 =	vadd.f32 v14, v2  }
0x1e8: {  	v49 =	vmul.f32 v25, v18;
	v51 =	vmul.f32 v53, v18;
	v18 =	vld [tilespmem:s0+$0x300];
	v0 =	vadd.f32 v28, v0  }
0x1e9: {  	v41 =	vunpack.i.u.bf16.f32 v16;
	v38 =	vmul.f32 v22, v36;
	v3 =	vld [tilespmem:s0+$0xFFFFFDC0];
	v2 =	vadd.f32 v35, v2  }
0x1ea: {  	v15 =	vmul.f32 v27, v36;
	v43 =	vmul.f32 v23, v41;
	v7 =	vld [tilespmem:s0+$0xFFFFFDE0];
	v0 =	vadd.f32 v8, v0  }
0x1eb: {  	v47 =	vmul.f32 v24, v45;
	v48 =	vmul.f32 v31, v45;
	v54 =	vld [tilespmem:s0+$0xFFFFFEC0];
	v2 =	vadd.f32 v38, v2  }
0x1ec: {  	v53 =	vunpack.i.l.bf16.f32 v26;
	v5 =	vld.idx.msk [tilespmem:v33+s25+$0x0], $0xffff;
	v8 =	vmul.f32 v30, v41;
	v0 =	vadd.f32 v15, v0  }
0x1ed: {  	v26 =	vunpack.i.u.bf16.f32 v26;
	v33 =	vld [tilespmem:s0+$0xFFFFFE00];
	v60 =	vunpack.i.l.bf16.f32 v9;
	v2 =	vadd.f32 v43, v2  }
0x1ee: {  	v3 =	vmul.f32 v3, v60;
	v11 =	vmul.f32 v11, v60;
	v60 =	vld [tilespmem:s0+$0xFFFFFFD0];
	v0 =	vadd.f32 v8, v0  }
0x1ef: {  	v40 =	vor.u32 $0x80, v37;
	v12 =	vmul.f32 v12, v26;
	v59 =	vld [tilespmem:s0+$0xFFFFFEB0];
	v2 =	vadd.f32 v47, v2  }
0x1f0: {  	s24 =	sadd.s32 $0xFFFFFFF7, s3;
	v4 =	vmul.f32 v4, v53;
	v9 =	vunpack.i.u.bf16.f32 v9;
	v61 =	vld [tilespmem:s0+$0xFFFFFED0];
	v0 =	vadd.f32 v48, v0  }
0x1f1: {  	v55 =	vmov s24;
	v7 =	vmul.f32 v7, v9;
	v1 =	vld [tilespmem:s0+$0xFFFFFE40];
	v2 =	vadd.f32 v49, v2  }
0x1f2: {  	v9 =	vmul.f32 v13, v9;
	v62 =	vld [tilespmem:s0+$0xFFFFFEF0];
	v14 =	vmul.f32 v58, v53;
	v0 =	vadd.f32 v51, v0  }
0x1f3: {  	v37 =	vunpack.i.l.bf16.f32 v5;
	v58 =	vmul.f32 v10, v26;
	v28 =	vld [tilespmem:s0+$0x0];
	v2 =	vadd.f32 v4, v2  }
0x1f4: {  	v5 =	vunpack.i.u.bf16.f32 v5;
	v30 =	vunpack.i.l.bf16.f32 v6;
	v35 =	vld [tilespmem:s0+$0xFFFFFF10];
	v0 =	vadd.f32 v14, v0  }
0x1f5: {  	v6 =	vunpack.i.u.bf16.f32 v6;
	v41 =	vld [tilespmem:s0+$0xFFFFFF70];
	v13 =	vmul.f32 v39, v30;
	v2 =	vadd.f32 v58, v2  }
0x1f6: {  	v34 =	vmul.f32 v34, v6;
	v6 =	vmul.f32 v42, v6;
	v39 =	vld [tilespmem:s0+$0xFFFFFF50];
	v0 =	vadd.f32 v12, v0  }
0x1f7: {  	s24 =	sadd.s32 $0xFFFFFFF8, s3;
	v42 =	vmul.f32 v20, v5;
	v5 =	vmul.f32 v46, v5;
	v46 =	vld [tilespmem:s0+$0xFFFFFF80];
	v2 =	vadd.f32 v3, v2  }
0x1f8: {  	v31 =	vmul.f32 v33, v30;
	v33 =	vmov s24;
	v30 =	vld [tilespmem:s0+$0x20];
	v0 =	vadd.f32 v11, v0  }
0x1f9: {  	v15 =	vld.idx.msk [tilespmem:v40+s25+$0x0], $0xffff;
	v2 =	vadd.f32 v7, v2  }
0x1fa: {  	v36 =	vor.u32 $0x80, v33;
	v38 =	vld [tilespmem:s0+$0xFFFFFF30];
	v0 =	vadd.f32 v9, v0  }
0x1fb: {  	v1 =	vmul.f32 v1, v37;
	v40 =	vmul.f32 v44, v37;
	v37 =	vld [tilespmem:s0+$0x10];
	v2 =	vadd.f32 v31, v2  }
0x1fc: {  	v8 =	vld [tilespmem:s0+$0xFFFFFEE0];
	v0 =	vadd.f32 v13, v0  }
0x1fd: {  	v43 =	vld.idx.msk [tilespmem:v33+s25+$0x0], $0xffff;
	v2 =	vadd.f32 v34, v2  }
0x1fe: {  	v57 =	vor.u32 $0x80, v55;
	v44 =	vunpack.i.l.bf16.f32 v21;
	v48 =	vld [tilespmem:s0+$0xFFFFFFA0];
	v0 =	vadd.f32 v6, v0  }
0x1ff: {  	v45 =	vmul.f32 v50, v44;
	v47 =	vunpack.i.u.bf16.f32 v21;
	v22 =	vld.idx.msk [tilespmem:v36+s25+$0x0], $0xffff;
	v1 =	vadd.f32 v1, v2  }
0x200: {  	s24 =	sadd.s32 $0xFFFFFFF9, s3;
	v50 =	vmul.f32 v52, v47;
	v49 =	vunpack.i.l.bf16.f32 v15;
	v51 =	vld [tilespmem:s0+$0xFFFFFFC0];
	v0 =	vadd.f32 v40, v0  }
0x201: {  	v52 =	vmov s24;
	v53 =	vmul.f32 v54, v49;
	v54 =	vld [tilespmem:s0+$0xFFFFFF90];
	v1 =	vadd.f32 v42, v1  }
0x202: {  	v12 =	vld.idx.msk [tilespmem:v55+s25+$0x0], $0xffff;
	v6 =	vmul.f32 v56, v44;
	v0 =	vadd.f32 v5, v0  }
0x203: {  	v55 =	vor.u32 $0x80, v52;
	v3 =	vld.idx.msk [tilespmem:v57+s25+$0x0], $0xffff;
	v1 =	vadd.f32 v45, v1  }
0x204: {  	v14 =	vld [tilespmem:s0+$0xFFFFFF20];
	v5 =	vmul.f32 v59, v47;
	v0 =	vadd.f32 v6, v0  }
0x205: {  	v58 =	vld [tilespmem:s0+$0xFFFFFFB0];
	v1 =	vadd.f32 v50, v1  }
0x206: {  	v10 =	vld.idx.msk [tilespmem:v52+s25+$0x0], $0xffff;
	v57 =	vmul.f32 v61, v49;
	v56 =	vunpack.i.u.bf16.f32 v15;
	v0 =	vadd.f32 v5, v0  }
0x207: {  	v49 =	vld [tilespmem:s0+$0x80];
	v61 =	vunpack.i.l.bf16.f32 v12;
	v59 =	vmul.f32 v8, v56;
	v1 =	vadd.f32 v53, v1  }
0x208: {  	v11 =	vld.idx.msk [tilespmem:v55+s25+$0x0], $0xffff;
	v29 =	vunpack.i.l.bf16.f32 v3;
	v4 =	vmul.f32 v62, v56;
	v0 =	vadd.f32 v57, v0  }
0x209: {  	v63 =	vmul.f32 v63, v61;
	v31 =	vmul.f32 v32, v29;
	v32 =	vld [tilespmem:s0+$0x40];
	v1 =	vadd.f32 v59, v1  }
0x20a: {  	v26 =	vunpack.i.u.bf16.f32 v12;
	v34 =	vld [tilespmem:s0+$0x60];
	v5 =	vmul.f32 v35, v61;
	v0 =	vadd.f32 v4, v0  }
0x20b: {  	v52 =	vunpack.i.u.bf16.f32 v22;
	v27 =	vmul.f32 v14, v26;
	v44 =	vld [tilespmem:s0+$0x70];
	v1 =	vadd.f32 v63, v1  }
0x20c: {  	v3 =	vunpack.i.u.bf16.f32 v3;
	v62 =	vld [tilespmem:s0+$0xFFFFFFF0];
	v4 =	vmul.f32 v38, v26;
	v0 =	vadd.f32 v5, v0  }
0x20d: {  	v33 =	vmul.f32 v39, v29;
	v36 =	vmul.f32 v17, v3;
	v29 =	vld [tilespmem:s0+$0x120];
	v1 =	vadd.f32 v27, v1  }
0x20e: {  	v3 =	vmul.f32 v41, v3;
	v39 =	vunpack.i.l.bf16.f32 v43;
	v40 =	vld [tilespmem:s0+$0x30];
	v0 =	vadd.f32 v4, v0  }
0x20f: {  	v43 =	vunpack.i.u.bf16.f32 v43;
	v41 =	vmul.f32 v46, v39;
	v42 =	vld [tilespmem:s0+$0x50];
	v1 =	vadd.f32 v31, v1  }
0x210: {  	v46 =	vunpack.i.l.bf16.f32 v22;
	v6 =	vld [tilespmem:s0+$0xFFFFFFE0];
	v45 =	vmul.f32 v48, v43;
	v0 =	vadd.f32 v33, v0  }
0x211: {  	s24 =	sadd.s32 $0xFFFFFFFA, s3;
	v48 =	vmul.f32 v51, v46;
	v51 =	vld [tilespmem:s0+$0xA0];
	v15 =	vmul.f32 v62, v52;
	v1 =	vadd.f32 v36, v1  }
0x212: {  	v62 =	vld [tilespmem:s0+$0xD0];
	v35 =	vmov s24;
	v4 =	vmul.f32 v54, v39;
	v0 =	vadd.f32 v3, v0  }
0x213: {  	v25 =	vunpack.i.l.bf16.f32 v11;
	v50 =	vmul.f32 v60, v46;
	s24 =	sadd.s32 $0xFFFFFFFB, s3;
	v60 =	vld [tilespmem:s0+$0xB0];
	v1 =	vadd.f32 v41, v1  }
0x214: {  	v55 =	vmov s24;
	v53 =	vld [tilespmem:s0+$0xC0];
	v3 =	vmul.f32 v58, v43;
	v0 =	vadd.f32 v4, v0  }
0x215: {  	v11 =	vunpack.i.u.bf16.f32 v11;
	v56 =	vunpack.i.l.bf16.f32 v10;
	v57 =	vld [tilespmem:s0+$0x90];
	v1 =	vadd.f32 v45, v1  }
0x216: {  	v7 =	vmul.f32 v34, v11;
	s24 =	sadd.s32 $0xFFFFFFFC, s3;
	v59 =	vmul.f32 v28, v56;
	v28 =	vld [tilespmem:s0+$0x100];
	v0 =	vadd.f32 v3, v0  }
0x217: {  	v34 =	vmov s24;
	v6 =	vmul.f32 v6, v52;
	v14 =	vld.idx.msk [tilespmem:v35+s25+$0x0], $0xffff;
	v1 =	vadd.f32 v48, v1  }
0x218: {  	v61 =	vmul.f32 v37, v56;
	v37 =	vor.u32 $0x80, v34;
	v63 =	vld [tilespmem:s0+$0xF0];
	v0 =	vadd.f32 v50, v0  }
0x219: {  	v10 =	vunpack.i.u.bf16.f32 v10;
	v24 =	vld.idx.msk [tilespmem:v55+s25+$0x0], $0xffff;
	v1 =	vadd.f32 v6, v1  }
0x21a: {  	v38 =	vor.u32 $0x80, v35;
	v5 =	vmul.f32 v30, v10;
	v30 =	vld [tilespmem:s0+$0x140];
	v0 =	vadd.f32 v15, v0  }
0x21b: {  	v54 =	vld [tilespmem:s0+$0xE0];
	v1 =	vadd.f32 v59, v1  }
0x21c: {  	v10 =	vmul.f32 v40, v10;
	v39 =	vld [tilespmem:s0+$0x130];
	v0 =	vadd.f32 v61, v0  }
0x21d: {  	v9 =	vmul.f32 v32, v25;
	v46 =	vld.idx.msk [tilespmem:v37+s25+$0x0], $0xffff;
	v1 =	vadd.f32 v5, v1  }
0x21e: {  	v27 =	vmul.f32 v42, v25;
	v37 =	vld [tilespmem:s0+$0x250];
	v0 =	vadd.f32 v10, v0  }
0x21f: {  	v47 =	vld.idx.msk [tilespmem:v38+s25+$0x0], $0xffff;
	v1 =	vadd.f32 v9, v1  }
0x220: {  	v31 =	vmul.f32 v44, v11;
	v32 =	vunpack.i.l.bf16.f32 v14;
	v33 =	vld [tilespmem:s0+$0x160];
	v0 =	vadd.f32 v27, v0  }
0x221: {  	v38 =	vunpack.i.u.bf16.f32 v14;
	v44 =	vld.idx.msk [tilespmem:v34+s25+$0x0], $0xffff;
	v35 =	vmul.f32 v49, v32;
	v1 =	vadd.f32 v7, v1  }
0x222: {  	v11 =	vmul.f32 v57, v32;
	v49 =	vld [tilespmem:s0+$0x1A0];
	v58 =	vor.u32 $0x80, v55;
	v0 =	vadd.f32 v31, v0  }
0x223: {  	v40 =	vmul.f32 v51, v38;
	v51 =	vld [tilespmem:s0+$0x1C0];
	v1 =	vadd.f32 v35, v1  }
0x224: {  	v32 =	vld [tilespmem:s0+$0x210];
	v42 =	vunpack.i.l.bf16.f32 v47;
	v10 =	vmul.f32 v60, v38;
	v0 =	vadd.f32 v11, v0  }
0x225: {  	v36 =	vld [tilespmem:s0+$0x110];
	v2 =	vmul.f32 v53, v42;
	v1 =	vadd.f32 v40, v1  }
0x226: {  	v43 =	vld [tilespmem:s0+$0x170];
	v4 =	vunpack.i.u.bf16.f32 v47;
	v45 =	vmul.f32 v62, v42;
	v0 =	vadd.f32 v10, v0  }
0x227: {  	v47 =	vmul.f32 v54, v4;
	v26 =	vld.idx.msk [tilespmem:v58+s25+$0x0], $0xffff;
	v1 =	vadd.f32 v2, v1  }
0x228: {  	v55 =	vld [tilespmem:s0+$0x190];
	v4 =	vmul.f32 v63, v4;
	v50 =	vunpack.i.l.bf16.f32 v24;
	v0 =	vadd.f32 v45, v0  }
0x229: {  	v13 =	vunpack.i.u.bf16.f32 v24;
	v41 =	vld [tilespmem:s0+$0x150];
	v52 =	vmul.f32 v28, v50;
	v1 =	vadd.f32 v47, v1  }
0x22a: {  	v57 =	vmul.f32 v29, v13;
	v29 =	vld [tilespmem:s0+$0x260];
	v2 =	vmul.f32 v36, v50;
	v0 =	vadd.f32 v4, v0  }
0x22b: {  	s24 =	sadd.s32 $0xFFFFFFFD, s3;
	v13 =	vmul.f32 v39, v13;
	v39 =	vld [tilespmem:s0+$0x270];
	v1 =	vadd.f32 v52, v1  }
0x22c: {  	v54 =	vmov s24;
	v48 =	vld [tilespmem:s0+$0x180];
	v59 =	vunpack.i.l.bf16.f32 v26;
	v0 =	vadd.f32 v2, v0  }
0x22d: {  	v53 =	vld [tilespmem:s0+$0x1E0];
	v25 =	vunpack.i.l.bf16.f32 v44;
	v61 =	vmul.f32 v30, v59;
	v1 =	vadd.f32 v57, v1  }
0x22e: {  	v62 =	vld [tilespmem:s0+$0x1F0];
	v5 =	vunpack.i.u.bf16.f32 v26;
	v2 =	vmul.f32 v41, v59;
	v0 =	vadd.f32 v13, v0  }
0x22f: {  	v56 =	vor.u32 $0x80, v54;
	v58 =	vld [tilespmem:s0+$0x1B0];
	v22 =	vmul.f32 v33, v5;
	v1 =	vadd.f32 v61, v1  }
0x230: {  	v12 =	vmul.f32 v55, v25;
	v55 =	vld [tilespmem:s0+$0x2B0];
	v23 =	vmul.f32 v43, v5;
	v0 =	vadd.f32 v2, v0  }
0x231: {  	v60 =	vld [tilespmem:s0+$0x1D0];
	v27 =	vmul.f32 v48, v25;
	v1 =	vadd.f32 v22, v1  }
0x232: {  	v24 =	vld [tilespmem:s0+$0x200];
	v7 =	vunpack.i.u.bf16.f32 v44;
	v0 =	vadd.f32 v23, v0  }
0x233: {  	v63 =	vld.idx.msk [tilespmem:v54+s25+$0x0], $0xffff;
	v31 =	vmul.f32 v49, v7;
	v1 =	vadd.f32 v27, v1  }
0x234: {  	v34 =	vunpack.i.l.bf16.f32 v46;
	s24 =	sadd.s32 $0xFFFFFFFE, s3;
	v28 =	vld [tilespmem:s0+$0x240];
	v7 =	vmul.f32 v58, v7;
	v0 =	vadd.f32 v12, v0  }
0x235: {  	v21 =	vld.idx.msk [tilespmem:v56+s25+$0x0], $0xffff;
	v30 =	vmov s24;
	v36 =	vmul.f32 v51, v34;
	v1 =	vadd.f32 v31, v1  }
0x236: {  	v26 =	vld [tilespmem:s0+$0x220];
	v38 =	vmul.f32 v60, v34;
	v11 =	vunpack.i.u.bf16.f32 v46;
	v0 =	vadd.f32 v7, v0  }
0x237: {  	v35 =	vld [tilespmem:s0+$0x230];
	v41 =	vmul.f32 v53, v11;
	v1 =	vadd.f32 v36, v1  }
0x238: {  	v48 =	vld [tilespmem:s0+$0x2C0];
	v44 =	vunpack.i.l.bf16.f32 v63;
	v42 =	vmul.f32 v62, v11;
	v0 =	vadd.f32 v38, v0  }
0x239: {  	v33 =	vor.u32 $0x80, v30;
	v5 =	vmul.f32 v24, v44;
	v24 =	vld [tilespmem:s0+$0x310];
	v1 =	vadd.f32 v41, v1  }
0x23a: {  	v8 =	vunpack.i.u.bf16.f32 v63;
	v6 =	vmul.f32 v32, v44;
	v44 =	vld [tilespmem:s0+$0x390];
	v0 =	vadd.f32 v42, v0  }
0x23b: {  	v49 =	vmul.f32 v26, v8;
	v40 =	vld.idx.msk [tilespmem:v30+s25+$0x0], $0xffff;
	v1 =	vadd.f32 v5, v1  }
0x23c: {  	s24 =	sadd.s32 $0xFFFFFFFF, s3;
	v45 =	vld [tilespmem:s0+$0x280];
	v47 =	vunpack.i.l.bf16.f32 v21;
	v52 =	vmul.f32 v35, v8;
	v0 =	vadd.f32 v6, v0  }
0x23d: {  	v51 =	vmov s24;
	v3 =	vmul.f32 v28, v47;
	v53 =	vld [tilespmem:s0+$0x290];
	v1 =	vadd.f32 v49, v1  }
0x23e: {  	v46 =	vld [tilespmem:s0+$0x2A0];
	v4 =	vunpack.i.u.bf16.f32 v21;
	v56 =	vmul.f32 v37, v47;
	v0 =	vadd.f32 v52, v0  }
0x23f: {  	v43 =	vld.idx.msk [tilespmem:v33+s25+$0x0], $0xffff;
	v58 =	vmul.f32 v29, v4;
	v1 =	vadd.f32 v3, v1  }
0x240: {  	v50 =	vld [tilespmem:s0+$0x2E0];
	v4 =	vmul.f32 v39, v4;
	v60 =	vunpack.i.l.bf16.f32 v40;
	v0 =	vadd.f32 v56, v0  }
0x241: {  	v54 =	vor.u32 $0x80, v51;
	v62 =	vmul.f32 v45, v60;
	v57 =	vld [tilespmem:s0+$0x2D0];
	v1 =	vadd.f32 v58, v1  }
0x242: {  	v59 =	vld [tilespmem:s0+$0x2F0];
	v2 =	vunpack.i.u.bf16.f32 v40;
	v17 =	vmul.f32 v53, v60;
	v0 =	vadd.f32 v4, v0  }
0x243: {  	v61 =	vld.idx.msk [tilespmem:v51+s25+$0x0], $0xffff;
	v20 =	vmul.f32 v46, v2;
	v1 =	vadd.f32 v62, v1  }
0x244: {  	v33 =	vld [tilespmem:s0+$0x350];
	v9 =	vunpack.i.l.bf16.f32 v43;
	v2 =	vmul.f32 v55, v2;
	v0 =	vadd.f32 v17, v0  }
0x245: {  	v25 =	vmov s3;
	v30 =	vld [tilespmem:s0+$0x330];
	v23 =	vmul.f32 v48, v9;
	v1 =	vadd.f32 v20, v1  }
0x246: {  	v19 =	vunpack.i.u.bf16.f32 v43;
	v21 =	vld [tilespmem:s0+$0x320];
	v26 =	vmul.f32 v57, v9;
	v0 =	vadd.f32 v2, v0  }
0x247: {  	v28 =	vor.u32 $0x80, v25;
	v29 =	vmul.f32 v50, v19;
	v63 =	vld.idx.msk [tilespmem:v54+s25+$0x0], $0xffff;
	v1 =	vadd.f32 v23, v1  }
0x248: {  	v22 =	vld [tilespmem:s0+$0x340];
	v32 =	vunpack.i.l.bf16.f32 v61;
	v31 =	vmul.f32 v59, v19;
	v0 =	vadd.f32 v26, v0  }
0x249: {  	v35 =	vld [tilespmem:s0+$0x370];
	v34 =	vmul.f32 v18, v32;
	v1 =	vadd.f32 v29, v1  }
0x24a: {  	v27 =	vld [tilespmem:s0+$0x360];
	v37 =	vunpack.i.u.bf16.f32 v61;
	v36 =	vmul.f32 v24, v32;
	v0 =	vadd.f32 v31, v0  }
0x24b: {  	v39 =	vmul.f32 v21, v37;
	v38 =	vld.idx.msk [tilespmem:v25+s25+$0x0], $0xffff;
	v1 =	vadd.f32 v34, v1  }
0x24c: {  	v41 =	vunpack.i.l.bf16.f32 v63;
	v42 =	vld [tilespmem:s0+$0x380];
	v5 =	vmul.f32 v30, v37;
	v0 =	vadd.f32 v36, v0  }
0x24d: {  	v40 =	vld.idx.msk [tilespmem:v28+s25+$0x0], $0xffff;
	v43 =	vmul.f32 v22, v41;
	v1 =	vadd.f32 v39, v1  }
0x24e: {  	v46 =	vld [tilespmem:s0+$0x3A0];
	v45 =	vunpack.i.u.bf16.f32 v63;
	v2 =	vmul.f32 v33, v41;
	v0 =	vadd.f32 v5, v0  }
0x24f: {  	v48 =	vld [tilespmem:s0+$0x3B0];
	v47 =	vmul.f32 v27, v45;
	v1 =	vadd.f32 v43, v1  }
0x250: {  	v51 =	vld [tilespmem:s0+$0x3C0];
	v50 =	vunpack.i.l.bf16.f32 v38;
	v49 =	vmul.f32 v35, v45;
	v0 =	vadd.f32 v2, v0  }
0x251: {  	v53 =	vld [tilespmem:s0+$0x3D0];
	v52 =	vmul.f32 v42, v50;
	v1 =	vadd.f32 v47, v1  }
0x252: {  	v55 =	vld [tilespmem:s0+$0x3E0];
	v54 =	vunpack.i.u.bf16.f32 v38;
	v4 =	vmul.f32 v44, v50;
	v0 =	vadd.f32 v49, v0  }
0x253: {  	v57 =	vld [tilespmem:s0+$0x3F0];
	v56 =	vmul.f32 v46, v54;
	v1 =	vadd.f32 v52, v1  }
0x254: {  	v58 =	vunpack.i.l.bf16.f32 v40;
	v2 =	vmul.f32 v48, v54;
	v0 =	vadd.f32 v4, v0  }
0x255: {  	v59 =	vmul.f32 v51, v58;
	v1 =	vadd.f32 v56, v1  }
0x256: {  	v61 =	vunpack.i.u.bf16.f32 v40;
	v60 =	vmul.f32 v53, v58;
	v0 =	vadd.f32 v2, v0  }
0x257: {  	p1 =	sne.s32 s3, $0x7F;
	v62 =	vmul.f32 v55, v61;
	v1 =	vadd.f32 v59, v1  }
.Ltmp2:
0x258: {  	s10 =	sand.u32 $0x80, s13;
	v63 =	vmul.f32 v57, v61;
	v0 =	vadd.f32 v60, v0;
	(pc) =	sbr.rel @p1 .LBB2_7-.Ltmp2, $4  }
0x259: {  	s10 =	sadd.s32 s10, s29;
	s24 =	sand.u32 $0x60, s13;
	v1 =	vadd.f32 v62, v1  }
0x25a: {  	s10 =	sadd.s32 s24, s10;
	v0 =	vadd.f32 v63, v0  }
0x25b: {  	[tilespmem:s10+$0x200] =	vst v1  }
0x25c: {  	s3 =	sadd.s32 $0x10, s3;
	s13 =	sadd.s32 $0x20, s13;
	s0 =	sadd.s32 $0x800, s0;
	[tilespmem:s10+$0x210] =	vst v0  }
0x25d: {  	s0 =	sadd.s32 @!p0 s31, s18  }
0x25e: {  	s3 =	sshll.u32 @!p0 s0, $0x4  }
0x25f: {  	s10 =	simm.s32 @!p0 $0x0;
	s0 =	sshll.u32 @!p0 s0, $0x5;
	s3 =	sand.u32 @!p0 $0x1FFFFFE0, s3  }
0x260: {  	s13 =	simm.s32 @!p0 $0x100;
	s0 =	sand.u32 @!p0 $0x1FFFFFC0, s0;
	s3 =	sadd.s32 @!p0 s6, s3  }
0x261: {  	[tilespmem:s13], [sflag:$0x3] =	stream.linear.gather @!p0 [hbm4b:s3+s10], $0x80, $0x38;
	[tilespmem:$0x11A00] =	vst v63  }
0x262: {  	s0 =	sadd.s32 @!p0 s2, s0;
	s3 =	simm.s32 @!p0 $0x400  }
0x263: {  	[tilespmem:s3], [sflag:$0x3] =	stream.linear.gather @!p0 [hbm4b:s0+s10], $0x100, $0x38;
	[tilespmem:$0x11A00] =	vst v63  }
0x264: {  	s0 =	simm.s32 @!p0 $0x1  }
0x265: {  	_ =	swait.ge @!p0 [sflag:s0], $0x80  }
0x266: {  	[sflag:s0] =	ssyncset.done @!p0 $0x0  }
0x267: {  	[sflag:s0] =	ssyncadd.s32 @!p0 $0xFFFFFF80  }
0x268: {  	_ =	swait.ge @!p0 [sflag:s0], $0x100  }
0x269: {  	[sflag:s0] =	ssyncset.done @!p0 $0x0  }
0x26a: {  	s3 =	simm.s32 @!p0 $0x600;
	[sflag:s0] =	ssyncadd.s32 @!p0 $0xFFFFFF00;
	s0 =	simm.s32 @!p0 $0x80  }
0x26b: {  	[tilespmem:s3], [sflag:$0x5] =	stream.indirect.gather @!p0 [hbm4b:s4+s0], $0x80, s10, s0, $0xb8;
	[tilespmem:$0x11A00] =	vst v63  }
0x26c: {  	_ =	swait.ge [sflag:s12], $0x4000  }
0x26d: {  	s13 =	simm.s32 $0x0;
	[sflag:s12] =	ssyncset.done $0x0  }
0x26e: {  	s3 =	simm.s32 $0xF;
	s0 =	simm.s32 $0xCA00;
	[sflag:s12] =	ssyncadd.s32 $0xFFFFC000  }
.LBB2_9:
0x26f: {  	v2 =	vld [tilespmem:s0+$0xFFFFFC00]  }
0x270: {  	v3 =	vld [tilespmem:s0+$0xFFFFFC20]  }
0x271: {  	v4 =	vld [tilespmem:s0+$0xFFFFFC40]  }
0x272: {  	v5 =	vld [tilespmem:s0+$0xFFFFFC60]  }
0x273: {  	v7 =	vld [tilespmem:s0+$0xFFFFFC10]  }
0x274: {  	v9 =	vld [tilespmem:s0+$0xFFFFFC30]  }
0x275: {  	v10 =	vld [tilespmem:s0+$0xFFFFFC50]  }
0x276: {  	v11 =	vld [tilespmem:s0+$0xFFFFFC70]  }
0x277: {  	v12 =	vld [tilespmem:s0+$0xFFFFFC80]  }
0x278: {  	v13 =	vld [tilespmem:s0+$0xFFFFFCA0]  }
0x279: {  	v14 =	vld [tilespmem:s0+$0xFFFFFCC0]  }
0x27a: {  	v15 =	vld [tilespmem:s0+$0xFFFFFCE0]  }
0x27b: {  	v17 =	vld [tilespmem:s0+$0xFFFFFC90]  }
0x27c: {  	v19 =	vld [tilespmem:s0+$0xFFFFFCB0]  }
0x27d: {  	v20 =	vld [tilespmem:s0+$0xFFFFFCD0]  }
0x27e: {  	v21 =	vld [tilespmem:s0+$0xFFFFFCF0]  }
0x27f: {  	v22 =	vld [tilespmem:s0+$0xFFFFFD00]  }
0x280: {  	v23 =	vld [tilespmem:s0+$0xFFFFFD20]  }
0x281: {  	v24 =	vld [tilespmem:s0+$0xFFFFFD40]  }
0x282: {  	v25 =	vld [tilespmem:s0+$0xFFFFFD60]  }
0x283: {  	v27 =	vld [tilespmem:s0+$0xFFFFFD10]  }
0x284: {  	v30 =	vld [tilespmem:s0+$0xFFFFFD30]  }
0x285: {  	v31 =	vld [tilespmem:s0+$0xFFFFFD50]  }
0x286: {  	v53 =	vld [tilespmem:s0+$0xFFFFFD70]  }
0x287: {  	v58 =	vld [tilespmem:s0+$0xFFFFFD90]  }
0x288: {  	s10 =	sadd.s32 $0xFFFFFFF1, s3;
	v34 =	vld [tilespmem:s0+$0xFFFFFE20]  }
0x289: {  	v39 =	vld [tilespmem:s0+$0xFFFFFE10];
	v0 =	vmov s10  }
0x28a: {  	s24 =	sadd.s32 $0xFFFFFFF2, s3;
	v42 =	vld [tilespmem:s0+$0xFFFFFE30]  }
0x28b: {  	v44 =	vld [tilespmem:s0+$0xFFFFFE50];
	v6 =	vmov s24  }
0x28c: {  	v46 =	vld [tilespmem:s0+$0xFFFFFE70];
	v1 =	vor.u32 $0x80, v0  }
0x28d: {  	v50 =	vld [tilespmem:s0+$0xFFFFFE80];
	s24 =	sadd.s32 $0xFFFFFFF3, s3;
	v8 =	vor.u32 $0x80, v6  }
0x28e: {  	v16 =	vmov s24;
	v0 =	vld.idx.msk [tilespmem:v0+s28+$0x0], $0xffff  }
0x28f: {  	v52 =	vld [tilespmem:s0+$0xFFFFFEA0];
	s24 =	sadd.s32 $0xFFFFFFF4, s3;
	v18 =	vor.u32 $0x80, v16  }
0x290: {  	v26 =	vmov s24;
	s24 =	sadd.s32 $0xFFFFFFF5, s3;
	v6 =	vld.idx.msk [tilespmem:v6+s28+$0x0], $0xffff  }
0x291: {  	v56 =	vmov s24;
	v1 =	vld.idx.msk [tilespmem:v1+s28+$0x0], $0xffff  }
0x292: {  	v8 =	vld.idx.msk [tilespmem:v8+s28+$0x0], $0xffff  }
0x293: {  	v28 =	vor.u32 $0x80, v26;
	s24 =	sadd.s32 $0xFFFFFFF6, s3;
	v16 =	vld.idx.msk [tilespmem:v16+s28+$0x0], $0xffff;
	v29 =	vunpack.i.l.bf16.f32 v0  }
0x294: {  	v33 =	vor.u32 $0x80, v56;
	v37 =	vmov s24;
	v18 =	vld.idx.msk [tilespmem:v18+s28+$0x0], $0xffff;
	v2 =	vmul.f32 v2, v29  }
0x295: {  	v26 =	vld.idx.msk [tilespmem:v26+s28+$0x0], $0xffff;
	v0 =	vunpack.i.u.bf16.f32 v0;
	v57 =	vunpack.i.l.bf16.f32 v6;
	v7 =	vmul.f32 v7, v29  }
0x296: {  	v60 =	vunpack.i.u.bf16.f32 v6;
	v6 =	vld.idx.msk [tilespmem:v56+s28+$0x0], $0xffff;
	v3 =	vmul.f32 v3, v0;
	v2 =	vadd.f32 $0.0e+00, v2  }
0x297: {  	v56 =	vld [tilespmem:s0+$0xFFFFFE90];
	v32 =	vunpack.i.l.bf16.f32 v1;
	v0 =	vmul.f32 v9, v0;
	v7 =	vadd.f32 $0.0e+00, v7  }
0x298: {  	v9 =	vld.idx.msk [tilespmem:v28+s28+$0x0], $0xffff;
	v1 =	vunpack.i.u.bf16.f32 v1;
	v54 =	vmul.f32 v4, v32;
	v2 =	vadd.f32 v3, v2  }
0x299: {  	v59 =	vmul.f32 v12, v57;
	v12 =	vld [tilespmem:s0+$0xFFFFFDB0];
	v55 =	vmul.f32 v10, v32;
	v0 =	vadd.f32 v0, v7  }
0x29a: {  	v62 =	vmul.f32 v13, v60;
	v13 =	vld [tilespmem:s0+$0xFFFFFDF0];
	v5 =	vmul.f32 v5, v1;
	v2 =	vadd.f32 v54, v2  }
0x29b: {  	v61 =	vmul.f32 v17, v57;
	v17 =	vld [tilespmem:s0+$0xFFFFFF60];
	v1 =	vmul.f32 v11, v1;
	v0 =	vadd.f32 v55, v0  }
0x29c: {  	v4 =	vld [tilespmem:s0+$0xFFFFFD80];
	v2 =	vadd.f32 v5, v2  }
0x29d: {  	v63 =	vunpack.i.l.bf16.f32 v8;
	v10 =	vld [tilespmem:s0+$0xFFFFFDA0];
	v0 =	vadd.f32 v1, v0  }
0x29e: {  	v8 =	vunpack.i.u.bf16.f32 v8;
	v11 =	vld [tilespmem:s0+$0xFFFFFDD0];
	v14 =	vmul.f32 v14, v63;
	v2 =	vadd.f32 v59, v2  }
0x29f: {  	v28 =	vmul.f32 v20, v63;
	v20 =	vld [tilespmem:s0+$0xFFFFFE60];
	v1 =	vmul.f32 v19, v60;
	v0 =	vadd.f32 v61, v0  }
0x2a0: {  	v35 =	vmul.f32 v15, v8;
	v8 =	vmul.f32 v21, v8;
	v21 =	vld.idx.msk [tilespmem:v37+s28+$0x0], $0xffff;
	v2 =	vadd.f32 v62, v2  }
0x2a1: {  	v36 =	vunpack.i.l.bf16.f32 v16;
	v63 =	vld [tilespmem:s0+$0xFFFFFF00];
	v0 =	vadd.f32 v1, v0  }
0x2a2: {  	v45 =	vunpack.i.l.bf16.f32 v18;
	v18 =	vunpack.i.u.bf16.f32 v18;
	v32 =	vld [tilespmem:s0+$0xFFFFFF40];
	v2 =	vadd.f32 v14, v2  }
0x2a3: {  	v49 =	vmul.f32 v25, v18;
	v51 =	vmul.f32 v53, v18;
	v18 =	vld [tilespmem:s0+$0x300];
	v0 =	vadd.f32 v28, v0  }
0x2a4: {  	v41 =	vunpack.i.u.bf16.f32 v16;
	v38 =	vmul.f32 v22, v36;
	v3 =	vld [tilespmem:s0+$0xFFFFFDC0];
	v2 =	vadd.f32 v35, v2  }
0x2a5: {  	v15 =	vmul.f32 v27, v36;
	v43 =	vmul.f32 v23, v41;
	v7 =	vld [tilespmem:s0+$0xFFFFFDE0];
	v0 =	vadd.f32 v8, v0  }
0x2a6: {  	v47 =	vmul.f32 v24, v45;
	v48 =	vmul.f32 v31, v45;
	v54 =	vld [tilespmem:s0+$0xFFFFFEC0];
	v2 =	vadd.f32 v38, v2  }
0x2a7: {  	v53 =	vunpack.i.l.bf16.f32 v26;
	v5 =	vld.idx.msk [tilespmem:v33+s28+$0x0], $0xffff;
	v8 =	vmul.f32 v30, v41;
	v0 =	vadd.f32 v15, v0  }
0x2a8: {  	v26 =	vunpack.i.u.bf16.f32 v26;
	v33 =	vld [tilespmem:s0+$0xFFFFFE00];
	v60 =	vunpack.i.l.bf16.f32 v9;
	v2 =	vadd.f32 v43, v2  }
0x2a9: {  	v3 =	vmul.f32 v3, v60;
	v11 =	vmul.f32 v11, v60;
	v60 =	vld [tilespmem:s0+$0xFFFFFFD0];
	v0 =	vadd.f32 v8, v0  }
0x2aa: {  	v40 =	vor.u32 $0x80, v37;
	v12 =	vmul.f32 v12, v26;
	v59 =	vld [tilespmem:s0+$0xFFFFFEB0];
	v2 =	vadd.f32 v47, v2  }
0x2ab: {  	s24 =	sadd.s32 $0xFFFFFFF7, s3;
	v4 =	vmul.f32 v4, v53;
	v9 =	vunpack.i.u.bf16.f32 v9;
	v61 =	vld [tilespmem:s0+$0xFFFFFED0];
	v0 =	vadd.f32 v48, v0  }
0x2ac: {  	v55 =	vmov s24;
	v7 =	vmul.f32 v7, v9;
	v1 =	vld [tilespmem:s0+$0xFFFFFE40];
	v2 =	vadd.f32 v49, v2  }
0x2ad: {  	v9 =	vmul.f32 v13, v9;
	v62 =	vld [tilespmem:s0+$0xFFFFFEF0];
	v14 =	vmul.f32 v58, v53;
	v0 =	vadd.f32 v51, v0  }
0x2ae: {  	v37 =	vunpack.i.l.bf16.f32 v5;
	v58 =	vmul.f32 v10, v26;
	v28 =	vld [tilespmem:s0+$0x0];
	v2 =	vadd.f32 v4, v2  }
0x2af: {  	v5 =	vunpack.i.u.bf16.f32 v5;
	v30 =	vunpack.i.l.bf16.f32 v6;
	v35 =	vld [tilespmem:s0+$0xFFFFFF10];
	v0 =	vadd.f32 v14, v0  }
0x2b0: {  	v6 =	vunpack.i.u.bf16.f32 v6;
	v41 =	vld [tilespmem:s0+$0xFFFFFF70];
	v13 =	vmul.f32 v39, v30;
	v2 =	vadd.f32 v58, v2  }
0x2b1: {  	v34 =	vmul.f32 v34, v6;
	v6 =	vmul.f32 v42, v6;
	v39 =	vld [tilespmem:s0+$0xFFFFFF50];
	v0 =	vadd.f32 v12, v0  }
0x2b2: {  	s24 =	sadd.s32 $0xFFFFFFF8, s3;
	v42 =	vmul.f32 v20, v5;
	v5 =	vmul.f32 v46, v5;
	v46 =	vld [tilespmem:s0+$0xFFFFFF80];
	v2 =	vadd.f32 v3, v2  }
0x2b3: {  	v31 =	vmul.f32 v33, v30;
	v33 =	vmov s24;
	v30 =	vld [tilespmem:s0+$0x20];
	v0 =	vadd.f32 v11, v0  }
0x2b4: {  	v15 =	vld.idx.msk [tilespmem:v40+s28+$0x0], $0xffff;
	v2 =	vadd.f32 v7, v2  }
0x2b5: {  	v36 =	vor.u32 $0x80, v33;
	v38 =	vld [tilespmem:s0+$0xFFFFFF30];
	v0 =	vadd.f32 v9, v0  }
0x2b6: {  	v1 =	vmul.f32 v1, v37;
	v40 =	vmul.f32 v44, v37;
	v37 =	vld [tilespmem:s0+$0x10];
	v2 =	vadd.f32 v31, v2  }
0x2b7: {  	v8 =	vld [tilespmem:s0+$0xFFFFFEE0];
	v0 =	vadd.f32 v13, v0  }
0x2b8: {  	v43 =	vld.idx.msk [tilespmem:v33+s28+$0x0], $0xffff;
	v2 =	vadd.f32 v34, v2  }
0x2b9: {  	v57 =	vor.u32 $0x80, v55;
	v44 =	vunpack.i.l.bf16.f32 v21;
	v48 =	vld [tilespmem:s0+$0xFFFFFFA0];
	v0 =	vadd.f32 v6, v0  }
0x2ba: {  	v45 =	vmul.f32 v50, v44;
	v47 =	vunpack.i.u.bf16.f32 v21;
	v22 =	vld.idx.msk [tilespmem:v36+s28+$0x0], $0xffff;
	v1 =	vadd.f32 v1, v2  }
0x2bb: {  	s24 =	sadd.s32 $0xFFFFFFF9, s3;
	v50 =	vmul.f32 v52, v47;
	v49 =	vunpack.i.l.bf16.f32 v15;
	v51 =	vld [tilespmem:s0+$0xFFFFFFC0];
	v0 =	vadd.f32 v40, v0  }
0x2bc: {  	v52 =	vmov s24;
	v53 =	vmul.f32 v54, v49;
	v54 =	vld [tilespmem:s0+$0xFFFFFF90];
	v1 =	vadd.f32 v42, v1  }
0x2bd: {  	v12 =	vld.idx.msk [tilespmem:v55+s28+$0x0], $0xffff;
	v6 =	vmul.f32 v56, v44;
	v0 =	vadd.f32 v5, v0  }
0x2be: {  	v55 =	vor.u32 $0x80, v52;
	v3 =	vld.idx.msk [tilespmem:v57+s28+$0x0], $0xffff;
	v1 =	vadd.f32 v45, v1  }
0x2bf: {  	v14 =	vld [tilespmem:s0+$0xFFFFFF20];
	v5 =	vmul.f32 v59, v47;
	v0 =	vadd.f32 v6, v0  }
0x2c0: {  	v58 =	vld [tilespmem:s0+$0xFFFFFFB0];
	v1 =	vadd.f32 v50, v1  }
0x2c1: {  	v10 =	vld.idx.msk [tilespmem:v52+s28+$0x0], $0xffff;
	v57 =	vmul.f32 v61, v49;
	v56 =	vunpack.i.u.bf16.f32 v15;
	v0 =	vadd.f32 v5, v0  }
0x2c2: {  	v49 =	vld [tilespmem:s0+$0x80];
	v61 =	vunpack.i.l.bf16.f32 v12;
	v59 =	vmul.f32 v8, v56;
	v1 =	vadd.f32 v53, v1  }
0x2c3: {  	v11 =	vld.idx.msk [tilespmem:v55+s28+$0x0], $0xffff;
	v29 =	vunpack.i.l.bf16.f32 v3;
	v4 =	vmul.f32 v62, v56;
	v0 =	vadd.f32 v57, v0  }
0x2c4: {  	v63 =	vmul.f32 v63, v61;
	v31 =	vmul.f32 v32, v29;
	v32 =	vld [tilespmem:s0+$0x40];
	v1 =	vadd.f32 v59, v1  }
0x2c5: {  	v26 =	vunpack.i.u.bf16.f32 v12;
	v34 =	vld [tilespmem:s0+$0x60];
	v5 =	vmul.f32 v35, v61;
	v0 =	vadd.f32 v4, v0  }
0x2c6: {  	v52 =	vunpack.i.u.bf16.f32 v22;
	v27 =	vmul.f32 v14, v26;
	v44 =	vld [tilespmem:s0+$0x70];
	v1 =	vadd.f32 v63, v1  }
0x2c7: {  	v3 =	vunpack.i.u.bf16.f32 v3;
	v62 =	vld [tilespmem:s0+$0xFFFFFFF0];
	v4 =	vmul.f32 v38, v26;
	v0 =	vadd.f32 v5, v0  }
0x2c8: {  	v33 =	vmul.f32 v39, v29;
	v36 =	vmul.f32 v17, v3;
	v29 =	vld [tilespmem:s0+$0x120];
	v1 =	vadd.f32 v27, v1  }
0x2c9: {  	v3 =	vmul.f32 v41, v3;
	v39 =	vunpack.i.l.bf16.f32 v43;
	v40 =	vld [tilespmem:s0+$0x30];
	v0 =	vadd.f32 v4, v0  }
0x2ca: {  	v43 =	vunpack.i.u.bf16.f32 v43;
	v41 =	vmul.f32 v46, v39;
	v42 =	vld [tilespmem:s0+$0x50];
	v1 =	vadd.f32 v31, v1  }
0x2cb: {  	v46 =	vunpack.i.l.bf16.f32 v22;
	v6 =	vld [tilespmem:s0+$0xFFFFFFE0];
	v45 =	vmul.f32 v48, v43;
	v0 =	vadd.f32 v33, v0  }
0x2cc: {  	s24 =	sadd.s32 $0xFFFFFFFA, s3;
	v48 =	vmul.f32 v51, v46;
	v51 =	vld [tilespmem:s0+$0xA0];
	v15 =	vmul.f32 v62, v52;
	v1 =	vadd.f32 v36, v1  }
0x2cd: {  	v62 =	vld [tilespmem:s0+$0xD0];
	v35 =	vmov s24;
	v4 =	vmul.f32 v54, v39;
	v0 =	vadd.f32 v3, v0  }
0x2ce: {  	v25 =	vunpack.i.l.bf16.f32 v11;
	v50 =	vmul.f32 v60, v46;
	s24 =	sadd.s32 $0xFFFFFFFB, s3;
	v60 =	vld [tilespmem:s0+$0xB0];
	v1 =	vadd.f32 v41, v1  }
0x2cf: {  	v55 =	vmov s24;
	v53 =	vld [tilespmem:s0+$0xC0];
	v3 =	vmul.f32 v58, v43;
	v0 =	vadd.f32 v4, v0  }
0x2d0: {  	v11 =	vunpack.i.u.bf16.f32 v11;
	v56 =	vunpack.i.l.bf16.f32 v10;
	v57 =	vld [tilespmem:s0+$0x90];
	v1 =	vadd.f32 v45, v1  }
0x2d1: {  	v7 =	vmul.f32 v34, v11;
	s24 =	sadd.s32 $0xFFFFFFFC, s3;
	v59 =	vmul.f32 v28, v56;
	v28 =	vld [tilespmem:s0+$0x100];
	v0 =	vadd.f32 v3, v0  }
0x2d2: {  	v34 =	vmov s24;
	v6 =	vmul.f32 v6, v52;
	v14 =	vld.idx.msk [tilespmem:v35+s28+$0x0], $0xffff;
	v1 =	vadd.f32 v48, v1  }
0x2d3: {  	v61 =	vmul.f32 v37, v56;
	v37 =	vor.u32 $0x80, v34;
	v63 =	vld [tilespmem:s0+$0xF0];
	v0 =	vadd.f32 v50, v0  }
0x2d4: {  	v10 =	vunpack.i.u.bf16.f32 v10;
	v24 =	vld.idx.msk [tilespmem:v55+s28+$0x0], $0xffff;
	v1 =	vadd.f32 v6, v1  }
0x2d5: {  	v38 =	vor.u32 $0x80, v35;
	v5 =	vmul.f32 v30, v10;
	v30 =	vld [tilespmem:s0+$0x140];
	v0 =	vadd.f32 v15, v0  }
0x2d6: {  	v54 =	vld [tilespmem:s0+$0xE0];
	v1 =	vadd.f32 v59, v1  }
0x2d7: {  	v10 =	vmul.f32 v40, v10;
	v39 =	vld [tilespmem:s0+$0x130];
	v0 =	vadd.f32 v61, v0  }
0x2d8: {  	v9 =	vmul.f32 v32, v25;
	v46 =	vld.idx.msk [tilespmem:v37+s28+$0x0], $0xffff;
	v1 =	vadd.f32 v5, v1  }
0x2d9: {  	v27 =	vmul.f32 v42, v25;
	v37 =	vld [tilespmem:s0+$0x250];
	v0 =	vadd.f32 v10, v0  }
0x2da: {  	v47 =	vld.idx.msk [tilespmem:v38+s28+$0x0], $0xffff;
	v1 =	vadd.f32 v9, v1  }
0x2db: {  	v31 =	vmul.f32 v44, v11;
	v32 =	vunpack.i.l.bf16.f32 v14;
	v33 =	vld [tilespmem:s0+$0x160];
	v0 =	vadd.f32 v27, v0  }
0x2dc: {  	v38 =	vunpack.i.u.bf16.f32 v14;
	v44 =	vld.idx.msk [tilespmem:v34+s28+$0x0], $0xffff;
	v35 =	vmul.f32 v49, v32;
	v1 =	vadd.f32 v7, v1  }
0x2dd: {  	v11 =	vmul.f32 v57, v32;
	v49 =	vld [tilespmem:s0+$0x1A0];
	v58 =	vor.u32 $0x80, v55;
	v0 =	vadd.f32 v31, v0  }
0x2de: {  	v40 =	vmul.f32 v51, v38;
	v51 =	vld [tilespmem:s0+$0x1C0];
	v1 =	vadd.f32 v35, v1  }
0x2df: {  	v32 =	vld [tilespmem:s0+$0x210];
	v42 =	vunpack.i.l.bf16.f32 v47;
	v10 =	vmul.f32 v60, v38;
	v0 =	vadd.f32 v11, v0  }
0x2e0: {  	v36 =	vld [tilespmem:s0+$0x110];
	v2 =	vmul.f32 v53, v42;
	v1 =	vadd.f32 v40, v1  }
0x2e1: {  	v43 =	vld [tilespmem:s0+$0x170];
	v4 =	vunpack.i.u.bf16.f32 v47;
	v45 =	vmul.f32 v62, v42;
	v0 =	vadd.f32 v10, v0  }
0x2e2: {  	v47 =	vmul.f32 v54, v4;
	v26 =	vld.idx.msk [tilespmem:v58+s28+$0x0], $0xffff;
	v1 =	vadd.f32 v2, v1  }
0x2e3: {  	v55 =	vld [tilespmem:s0+$0x190];
	v4 =	vmul.f32 v63, v4;
	v50 =	vunpack.i.l.bf16.f32 v24;
	v0 =	vadd.f32 v45, v0  }
0x2e4: {  	v13 =	vunpack.i.u.bf16.f32 v24;
	v41 =	vld [tilespmem:s0+$0x150];
	v52 =	vmul.f32 v28, v50;
	v1 =	vadd.f32 v47, v1  }
0x2e5: {  	v57 =	vmul.f32 v29, v13;
	v29 =	vld [tilespmem:s0+$0x260];
	v2 =	vmul.f32 v36, v50;
	v0 =	vadd.f32 v4, v0  }
0x2e6: {  	s24 =	sadd.s32 $0xFFFFFFFD, s3;
	v13 =	vmul.f32 v39, v13;
	v39 =	vld [tilespmem:s0+$0x270];
	v1 =	vadd.f32 v52, v1  }
0x2e7: {  	v54 =	vmov s24;
	v48 =	vld [tilespmem:s0+$0x180];
	v59 =	vunpack.i.l.bf16.f32 v26;
	v0 =	vadd.f32 v2, v0  }
0x2e8: {  	v53 =	vld [tilespmem:s0+$0x1E0];
	v25 =	vunpack.i.l.bf16.f32 v44;
	v61 =	vmul.f32 v30, v59;
	v1 =	vadd.f32 v57, v1  }
0x2e9: {  	v62 =	vld [tilespmem:s0+$0x1F0];
	v5 =	vunpack.i.u.bf16.f32 v26;
	v2 =	vmul.f32 v41, v59;
	v0 =	vadd.f32 v13, v0  }
0x2ea: {  	v56 =	vor.u32 $0x80, v54;
	v58 =	vld [tilespmem:s0+$0x1B0];
	v22 =	vmul.f32 v33, v5;
	v1 =	vadd.f32 v61, v1  }
0x2eb: {  	v12 =	vmul.f32 v55, v25;
	v55 =	vld [tilespmem:s0+$0x2B0];
	v23 =	vmul.f32 v43, v5;
	v0 =	vadd.f32 v2, v0  }
0x2ec: {  	v60 =	vld [tilespmem:s0+$0x1D0];
	v27 =	vmul.f32 v48, v25;
	v1 =	vadd.f32 v22, v1  }
0x2ed: {  	v24 =	vld [tilespmem:s0+$0x200];
	v7 =	vunpack.i.u.bf16.f32 v44;
	v0 =	vadd.f32 v23, v0  }
0x2ee: {  	v63 =	vld.idx.msk [tilespmem:v54+s28+$0x0], $0xffff;
	v31 =	vmul.f32 v49, v7;
	v1 =	vadd.f32 v27, v1  }
0x2ef: {  	v34 =	vunpack.i.l.bf16.f32 v46;
	s24 =	sadd.s32 $0xFFFFFFFE, s3;
	v28 =	vld [tilespmem:s0+$0x240];
	v7 =	vmul.f32 v58, v7;
	v0 =	vadd.f32 v12, v0  }
0x2f0: {  	v21 =	vld.idx.msk [tilespmem:v56+s28+$0x0], $0xffff;
	v30 =	vmov s24;
	v36 =	vmul.f32 v51, v34;
	v1 =	vadd.f32 v31, v1  }
0x2f1: {  	v26 =	vld [tilespmem:s0+$0x220];
	v38 =	vmul.f32 v60, v34;
	v11 =	vunpack.i.u.bf16.f32 v46;
	v0 =	vadd.f32 v7, v0  }
0x2f2: {  	v35 =	vld [tilespmem:s0+$0x230];
	v41 =	vmul.f32 v53, v11;
	v1 =	vadd.f32 v36, v1  }
0x2f3: {  	v48 =	vld [tilespmem:s0+$0x2C0];
	v44 =	vunpack.i.l.bf16.f32 v63;
	v42 =	vmul.f32 v62, v11;
	v0 =	vadd.f32 v38, v0  }
0x2f4: {  	v33 =	vor.u32 $0x80, v30;
	v5 =	vmul.f32 v24, v44;
	v24 =	vld [tilespmem:s0+$0x310];
	v1 =	vadd.f32 v41, v1  }
0x2f5: {  	v8 =	vunpack.i.u.bf16.f32 v63;
	v6 =	vmul.f32 v32, v44;
	v44 =	vld [tilespmem:s0+$0x390];
	v0 =	vadd.f32 v42, v0  }
0x2f6: {  	v49 =	vmul.f32 v26, v8;
	v40 =	vld.idx.msk [tilespmem:v30+s28+$0x0], $0xffff;
	v1 =	vadd.f32 v5, v1  }
0x2f7: {  	s24 =	sadd.s32 $0xFFFFFFFF, s3;
	v45 =	vld [tilespmem:s0+$0x280];
	v47 =	vunpack.i.l.bf16.f32 v21;
	v52 =	vmul.f32 v35, v8;
	v0 =	vadd.f32 v6, v0  }
0x2f8: {  	v51 =	vmov s24;
	v3 =	vmul.f32 v28, v47;
	v53 =	vld [tilespmem:s0+$0x290];
	v1 =	vadd.f32 v49, v1  }
0x2f9: {  	v46 =	vld [tilespmem:s0+$0x2A0];
	v4 =	vunpack.i.u.bf16.f32 v21;
	v56 =	vmul.f32 v37, v47;
	v0 =	vadd.f32 v52, v0  }
0x2fa: {  	v43 =	vld.idx.msk [tilespmem:v33+s28+$0x0], $0xffff;
	v58 =	vmul.f32 v29, v4;
	v1 =	vadd.f32 v3, v1  }
0x2fb: {  	v50 =	vld [tilespmem:s0+$0x2E0];
	v4 =	vmul.f32 v39, v4;
	v60 =	vunpack.i.l.bf16.f32 v40;
	v0 =	vadd.f32 v56, v0  }
0x2fc: {  	v54 =	vor.u32 $0x80, v51;
	v62 =	vmul.f32 v45, v60;
	v57 =	vld [tilespmem:s0+$0x2D0];
	v1 =	vadd.f32 v58, v1  }
0x2fd: {  	v59 =	vld [tilespmem:s0+$0x2F0];
	v2 =	vunpack.i.u.bf16.f32 v40;
	v17 =	vmul.f32 v53, v60;
	v0 =	vadd.f32 v4, v0  }
0x2fe: {  	v61 =	vld.idx.msk [tilespmem:v51+s28+$0x0], $0xffff;
	v20 =	vmul.f32 v46, v2;
	v1 =	vadd.f32 v62, v1  }
0x2ff: {  	v33 =	vld [tilespmem:s0+$0x350];
	v9 =	vunpack.i.l.bf16.f32 v43;
	v2 =	vmul.f32 v55, v2;
	v0 =	vadd.f32 v17, v0  }
0x300: {  	v25 =	vmov s3;
	v30 =	vld [tilespmem:s0+$0x330];
	v23 =	vmul.f32 v48, v9;
	v1 =	vadd.f32 v20, v1  }
0x301: {  	v19 =	vunpack.i.u.bf16.f32 v43;
	v21 =	vld [tilespmem:s0+$0x320];
	v26 =	vmul.f32 v57, v9;
	v0 =	vadd.f32 v2, v0  }
0x302: {  	v28 =	vor.u32 $0x80, v25;
	v29 =	vmul.f32 v50, v19;
	v63 =	vld.idx.msk [tilespmem:v54+s28+$0x0], $0xffff;
	v1 =	vadd.f32 v23, v1  }
0x303: {  	v22 =	vld [tilespmem:s0+$0x340];
	v32 =	vunpack.i.l.bf16.f32 v61;
	v31 =	vmul.f32 v59, v19;
	v0 =	vadd.f32 v26, v0  }
0x304: {  	v35 =	vld [tilespmem:s0+$0x370];
	v34 =	vmul.f32 v18, v32;
	v1 =	vadd.f32 v29, v1  }
0x305: {  	v27 =	vld [tilespmem:s0+$0x360];
	v37 =	vunpack.i.u.bf16.f32 v61;
	v36 =	vmul.f32 v24, v32;
	v0 =	vadd.f32 v31, v0  }
0x306: {  	v39 =	vmul.f32 v21, v37;
	v38 =	vld.idx.msk [tilespmem:v25+s28+$0x0], $0xffff;
	v1 =	vadd.f32 v34, v1  }
0x307: {  	v41 =	vunpack.i.l.bf16.f32 v63;
	v42 =	vld [tilespmem:s0+$0x380];
	v5 =	vmul.f32 v30, v37;
	v0 =	vadd.f32 v36, v0  }
0x308: {  	v40 =	vld.idx.msk [tilespmem:v28+s28+$0x0], $0xffff;
	v43 =	vmul.f32 v22, v41;
	v1 =	vadd.f32 v39, v1  }
0x309: {  	v46 =	vld [tilespmem:s0+$0x3A0];
	v45 =	vunpack.i.u.bf16.f32 v63;
	v2 =	vmul.f32 v33, v41;
	v0 =	vadd.f32 v5, v0  }
0x30a: {  	v48 =	vld [tilespmem:s0+$0x3B0];
	v47 =	vmul.f32 v27, v45;
	v1 =	vadd.f32 v43, v1  }
0x30b: {  	v51 =	vld [tilespmem:s0+$0x3C0];
	v50 =	vunpack.i.l.bf16.f32 v38;
	v49 =	vmul.f32 v35, v45;
	v0 =	vadd.f32 v2, v0  }
0x30c: {  	v53 =	vld [tilespmem:s0+$0x3D0];
	v52 =	vmul.f32 v42, v50;
	v1 =	vadd.f32 v47, v1  }
0x30d: {  	v55 =	vld [tilespmem:s0+$0x3E0];
	v54 =	vunpack.i.u.bf16.f32 v38;
	v4 =	vmul.f32 v44, v50;
	v0 =	vadd.f32 v49, v0  }
0x30e: {  	v57 =	vld [tilespmem:s0+$0x3F0];
	v56 =	vmul.f32 v46, v54;
	v1 =	vadd.f32 v52, v1  }
0x30f: {  	v58 =	vunpack.i.l.bf16.f32 v40;
	v2 =	vmul.f32 v48, v54;
	v0 =	vadd.f32 v4, v0  }
0x310: {  	v59 =	vmul.f32 v51, v58;
	v1 =	vadd.f32 v56, v1  }
0x311: {  	v61 =	vunpack.i.u.bf16.f32 v40;
	v60 =	vmul.f32 v53, v58;
	v0 =	vadd.f32 v2, v0  }
0x312: {  	p1 =	sne.s32 s3, $0x7F;
	v62 =	vmul.f32 v55, v61;
	v1 =	vadd.f32 v59, v1  }
.Ltmp3:
0x313: {  	s10 =	sand.u32 $0x80, s13;
	v63 =	vmul.f32 v57, v61;
	v0 =	vadd.f32 v60, v0;
	(pc) =	sbr.rel @p1 .LBB2_9-.Ltmp3, $4  }
0x314: {  	s10 =	sadd.s32 s10, s29;
	s24 =	sand.u32 $0x60, s13;
	v1 =	vadd.f32 v62, v1  }
0x315: {  	s10 =	sadd.s32 s24, s10;
	v0 =	vadd.f32 v63, v0  }
0x316: {  	[tilespmem:s10+$0x300] =	vst v1  }
0x317: {  	s3 =	sadd.s32 $0x10, s3;
	s13 =	sadd.s32 $0x20, s13;
	s0 =	sadd.s32 $0x800, s0;
	[tilespmem:s10+$0x310] =	vst v0  }
0x318: {  	s0 =	sadd.s32 @!p0 s31, s19  }
0x319: {  	s3 =	sshll.u32 @!p0 s0, $0x4  }
0x31a: {  	s10 =	simm.s32 @!p0 $0x0;
	s0 =	sshll.u32 @!p0 s0, $0x5;
	s3 =	sand.u32 @!p0 $0x1FFFFFF0, s3  }
0x31b: {  	s13 =	simm.s32 @!p0 $0x180;
	s0 =	sand.u32 @!p0 $0x1FFFFFE0, s0;
	s3 =	sadd.s32 @!p0 s6, s3  }
0x31c: {  	[tilespmem:s13], [sflag:$0x4] =	stream.linear.gather @!p0 [hbm4b:s3+s10], $0x80, $0x38;
	[tilespmem:$0x11A00] =	vst v63  }
0x31d: {  	s0 =	sadd.s32 @!p0 s2, s0;
	s3 =	simm.s32 @!p0 $0x500  }
0x31e: {  	[tilespmem:s3], [sflag:$0x4] =	stream.linear.gather @!p0 [hbm4b:s0+s10], $0x100, $0x38;
	[tilespmem:$0x11A00] =	vst v63  }
0x31f: {  	s0 =	simm.s32 @!p0 $0x2  }
0x320: {  	_ =	swait.ge @!p0 [sflag:s0], $0x80  }
0x321: {  	[sflag:s0] =	ssyncset.done @!p0 $0x0  }
0x322: {  	[sflag:s0] =	ssyncadd.s32 @!p0 $0xFFFFFF80  }
0x323: {  	_ =	swait.ge @!p0 [sflag:s0], $0x100  }
0x324: {  	p1 =	sne.s32 s20, $0x4;
	s3 =	simm.s32 @!p0 $0x4600;
	[sflag:s0] =	ssyncset.done @!p0 $0x0  }
0x325: {  	s10 =	smul.u32 @!p1 $0x1400, s15;
	[sflag:s0] =	ssyncadd.s32 @!p0 $0xFFFFFF00;
	s0 =	simm.s32 @!p0 $0x80  }
0x326: {  	[tilespmem:s3], [sflag:$0x6] =	stream.indirect.gather @!p0 [hbm4b:s4+s0], $0x80, s0, s0, $0xb8;
	[tilespmem:$0x11A00] =	vst v63  }
0x327: {  	s0 =	sadd.s32 @!p1 s5, s10  }
0x328: {  	s14 =	sadd.s32 $0x1, s14;
	s3 =	simm.s32 @!p1 $0x0;
	s0 =	sshrl.u32 @!p1 s0, $0x3  }
0x329: {  	s10 =	simm.s32 @!p1 $0x10600;
	p0 =	sne.s32 s14, $0x55;
	s0 =	sadd.s32 @!p1 s7, s0  }
0x32a: {  	[hbm4b:s0+s3] =	stream.linear.scatter @!p1 [tilespmem:s10], [sflag:$0x9], $0x1400, $0x38;
	[tilespmem:$0x11A00] =	vst v63  }
.Ltmp4:
0x32b: {  	_ = 	snop;
	(pc) =	sbr.rel @p0 .LBB2_2-.Ltmp4, $4  }
0x32c: {  	s0 =	simm.s32 @!p1 $0x9  }
0x32d: {  	_ =	swait.ge @!p1 [sflag:s0], $0x1400  }
0x32e: {  	[sflag:s0] =	ssyncset.done @!p1 $0x0  }
0x32f: {  	[sflag:s0] =	ssyncadd.s32 @!p1 $0xFFFFEC00  }
0x330: {  	s3 =	rddreg [dreg:$0xc]  }
0x331: {  	s0 =	rddreg [dreg:$0xb];
	s3 =	sadd.s32 $0x1, s3  }
0x332: {  	p0 =	sne.s32 s3, s0  }
.Ltmp5:
0x333: {  	_ = 	snop;
	(pc) =	sbr.rel @p0 .LBB2_1-.Ltmp5, $1  }
0x334: {  	_ =	sdelay $0x3  }
0x335: {  	_ =	sfence.sel $0x180000  }
0x336: {  	[bflag:$0x0] =	sbarrier.arrive $0xFFFF  }
0x337: {  	_ =	strace $0x90000047  }
0x338: {  	s0 =	stileid.u32;
	[bflag:$0x2] =	sbarrier.arrive $0xFFFF  }
0x339: {  	p0 =	sne.s32 s0, $0x0;
	s0 =	rddreg [dreg:$0x2]  }
0x33a: {  	s0 =	sadd.s32 @!p0 $0x100000, s0  }
0x33b: {  	[sflag:s0] =	ssyncadd.tile.s32 @!p0 $0x1;
	_ =	shalt  }
.Lfunc_end2:
_tile_overlayer_lowered:
.L_overlay_start_2:
0x33c: {  	(tag) =	ssettag $0x2  }
0x33d: {  	s0 =	rddreg [dreg:$0x0];
	s2 =	stileid.u32  }
0x33e: {  	s1 =	rddreg [dreg:$0x1];
	p0 =	sne.s32 s2, $0x0  }
0x33f: {  	s3 =	rddreg [dreg:$0x2];
	[bflag:$0x3] =	sbarrier.arrive $0xFFFF;
	s2 =	simm.s32 @!p0 $0x1C09  }
0x340: {  	[timem:s3], [sflag:s2] =	dma.local @!p0 [hbm:s0], s1  }
0x341: {  	s0 =	simm.s32 @!p0 $0x9  }
0x342: {  	_ =	swait.ge @!p0 [sflag:s0], s1  }
0x343: {  	s1 =	ssub.s32 @!p0 $0x0, s1;
	[sflag:s0] =	ssyncset.done @!p0 $0x0  }
0x344: {  	[sflag:s0] =	ssyncadd.s32 @!p0 s1  }
0x345: {  	[bflag:$0x3] =	sbarrier.arrive $0xFFFF  }
0x346: {  	_ =	shalt  }

</sc_bundles>
